<compile_context>
chip_gen: v7x
topology: tpu7x:2x2x1
jax: 0.10.2.dev20260603
libtpu: 0.0.44.dev20260713+nightly
codegen_flags: <defaults>
</compile_context>

<pallas_src>
import functools
import jax
import jax.numpy as jnp
import numpy as np
from jax import lax
from jax.experimental import pallas as pl
from jax.experimental.pallas import tpu as pltpu
from jax.experimental.pallas import tpu_sc as plsc


_NC, _NS = 2, 16
_NW = _NC * _NS
_LANES = 16


def _lane_iota():
    return lax.iota(jnp.int32, _LANES)


def _splat_i32(v):
    return jnp.full((_LANES,), v, jnp.int32)


def _make_sc_fps_kernel(N, S, interpret=False):
    mesh = plsc.VectorSubcoreMesh(core_axis_name="c", subcore_axis_name="s",
                                  num_cores=_NC, num_subcores=_NS)
    out_type = [jax.ShapeDtypeStruct((_NW, S), jnp.float32)] * 3
    scratch = [
        pltpu.VMEM((N,), jnp.float32),
        pltpu.VMEM((N,), jnp.float32),
        pltpu.VMEM((N,), jnp.float32),
        pltpu.VMEM((N,), jnp.float32),
        pltpu.VMEM((S,), jnp.float32),
        pltpu.VMEM((S,), jnp.float32),
        pltpu.VMEM((S,), jnp.float32),
    ]

    def body(px_h, py_h, pz_h, nx_h, ny_h, nz_h,
             pxv, pyv, pzv, dist, nxv, nyv, nzv):
        b = lax.axis_index("s") * _NC + lax.axis_index("c")
        pltpu.sync_copy(px_h.at[b], pxv)
        pltpu.sync_copy(py_h.at[b], pyv)
        pltpu.sync_copy(pz_h.at[b], pzv)

        lanes = _lane_iota()
        lane0 = lanes == 0

        def initc(c, _):
            dist[pl.ds(c * 16, 16)] = jnp.full((16,), 1e10, jnp.float32)
            return 0
        lax.fori_loop(0, N // 16, initc, 0)

        def fps_step(i, far):
            cx = plsc.load_gather(pxv, [far])
            cy = plsc.load_gather(pyv, [far])
            cz = plsc.load_gather(pzv, [far])
            isp = _splat_i32(i)
            plsc.store_scatter(nxv, [isp], cx, mask=lane0)
            plsc.store_scatter(nyv, [isp], cy, mask=lane0)
            plsc.store_scatter(nzv, [isp], cz, mask=lane0)

            def chunk(c, carry):
                maxv, argv = carry
                base = c * 16
                dx = pxv[pl.ds(base, 16)] - cx
                dy = pyv[pl.ds(base, 16)] - cy
                dz = pzv[pl.ds(base, 16)] - cz
                d = dx * dx + dy * dy + dz * dz
                nd = jnp.minimum(dist[pl.ds(base, 16)], d)
                dist[pl.ds(base, 16)] = nd
                idxs = base + lanes
                better = nd > maxv
                return (jnp.where(better, nd, maxv),
                        jnp.where(better, idxs, argv))

            def chunk4(c4, carry):
                for j in range(4):
                    carry = chunk(c4 * 4 + j, carry)
                return carry

            maxv, argv = lax.fori_loop(
                0, N // 64, chunk4,
                (jnp.full((16,), -1.0, jnp.float32), _splat_i32(0)))
            m = jnp.max(maxv, axis=0)
            cand = maxv == jnp.full((16,), m, jnp.float32)
            argm = jnp.where(cand, argv, _splat_i32(N))
            return _splat_i32(jnp.min(argm, axis=0))

        lax.fori_loop(0, S, fps_step, _splat_i32(0))

        pltpu.sync_copy(nxv, nx_h.at[b])
        pltpu.sync_copy(nyv, ny_h.at[b])
        pltpu.sync_copy(nzv, nz_h.at[b])

    return functools.partial(
        pl.kernel, body, out_type=tuple(out_type), mesh=mesh,
        scratch_types=tuple(scratch), interpret=interpret,
        compiler_params=pltpu.CompilerParams(needs_layout_passes=False))()


def _make_sc_group_kernel(N, S, K, radius, C, interpret=False):
    r2 = jnp.float32(radius * radius)
    mesh = plsc.VectorSubcoreMesh(core_axis_name="c", subcore_axis_name="s",
                                  num_cores=_NC, num_subcores=_NS)
    out_type = [jax.ShapeDtypeStruct((_NW, S * K), jnp.float32)] * 3
    scratch = [
        pltpu.VMEM((N,), jnp.float32),
        pltpu.VMEM((N,), jnp.float32),
        pltpu.VMEM((N,), jnp.float32),
        pltpu.VMEM((S,), jnp.float32),
        pltpu.VMEM((S,), jnp.float32),
        pltpu.VMEM((S,), jnp.float32),
        pltpu.VMEM((16, N), jnp.float32),
        pltpu.VMEM((S * K,), jnp.float32),
        pltpu.VMEM((S * K,), jnp.float32),
        pltpu.VMEM((S * K,), jnp.float32),
    ]
    if C > 0:
        out_type.append(jax.ShapeDtypeStruct((_NW * S * K, C), jnp.float32))
        scratch += [
            pltpu.VMEM((S * K,), jnp.int32),
            pltpu.VMEM((2 * K, C), jnp.float32),
            pltpu.VMEM((2 * K, C), jnp.float32),
            pltpu.SemaphoreType.DMA,
            pltpu.SemaphoreType.DMA,
        ]

    def body(*refs):
        if C > 0:
            (px_h, py_h, pz_h, nx_h, ny_h, nz_h, sq_h, feats_h,
             gx_h, gy_h, gz_h, gf_h,
             pxv, pyv, pzv, nxv, nyv, nzv, dslab, gxv, gyv, gzv,
             idxv, growv0, growv1, gsem0, gsem1) = refs
        else:
            (px_h, py_h, pz_h, nx_h, ny_h, nz_h, sq_h,
             gx_h, gy_h, gz_h,
             pxv, pyv, pzv, nxv, nyv, nzv, dslab, gxv, gyv, gzv) = refs

        b = lax.axis_index("s") * _NC + lax.axis_index("c")
        pltpu.sync_copy(px_h.at[b], pxv)
        pltpu.sync_copy(py_h.at[b], pyv)
        pltpu.sync_copy(pz_h.at[b], pzv)
        pltpu.sync_copy(nx_h.at[b], nxv)
        pltpu.sync_copy(ny_h.at[b], nyv)
        pltpu.sync_copy(nz_h.at[b], nzv)

        lanes = _lane_iota()

        def row_group(g, _):
            pltpu.sync_copy(sq_h.at[b, pl.ds(g * 16, 16)], dslab)

            def row(r, _):
                srow = g * 16 + r
                ssp = _splat_i32(srow)
                rsp = _splat_i32(r)
                cx = plsc.load_gather(nxv, [ssp])
                cy = plsc.load_gather(nyv, [ssp])
                cz = plsc.load_gather(nzv, [ssp])
                rowK = _splat_i32(srow * K)

                def chunk(c, count):
                    base = c * 16
                    d = plsc.load_gather(dslab, [rsp, base + lanes])
                    mask = d <= r2
                    inc = plsc.cumsum(mask.astype(jnp.int32))
                    pos = count + inc - 1
                    sel = jnp.logical_and(mask, pos < K)
                    posk = rowK + pos
                    plsc.store_scatter(gxv, [posk],
                                       pxv[pl.ds(base, 16)] - cx, mask=sel)
                    plsc.store_scatter(gyv, [posk],
                                       pyv[pl.ds(base, 16)] - cy, mask=sel)
                    plsc.store_scatter(gzv, [posk],
                                       pzv[pl.ds(base, 16)] - cz, mask=sel)
                    if C > 0:
                        plsc.store_scatter(idxv, [posk],
                                           _splat_i32(b * N + base) + lanes,
                                           mask=sel)
                    return count + plsc.all_reduce_population_count(mask)

                def chunk4(c4, count):
                    for j in range(4):
                        count = chunk(c4 * 4 + j, count)
                    return count

                counts = lax.fori_loop(0, N // 64, chunk4, _splat_i32(0))

                countc = jnp.minimum(counts, _splat_i32(K))
                empty = counts == 0
                lastsp = _splat_i32(N - 1)
                fx = jnp.where(empty, plsc.load_gather(pxv, [lastsp]) - cx,
                               plsc.load_gather(gxv, [rowK]))
                fy = jnp.where(empty, plsc.load_gather(pyv, [lastsp]) - cy,
                               plsc.load_gather(gyv, [rowK]))
                fz = jnp.where(empty, plsc.load_gather(pzv, [lastsp]) - cz,
                               plsc.load_gather(gzv, [rowK]))
                if C > 0:
                    fi = jnp.where(empty, _splat_i32(b * N + N - 1),
                                   plsc.load_gather(idxv, [rowK]))
                for kc in range(K // 16):
                    slots = _splat_i32(kc * 16) + lanes
                    need = slots >= countc
                    posf = rowK + slots
                    plsc.store_scatter(gxv, [posf], fx, mask=need)
                    plsc.store_scatter(gyv, [posf], fy, mask=need)
                    plsc.store_scatter(gzv, [posf], fz, mask=need)
                    if C > 0:
                        plsc.store_scatter(idxv, [posf], fi, mask=need)
                return 0

            lax.fori_loop(0, 16, row, 0)
            return 0

        lax.fori_loop(0, S // 16, row_group, 0)

        pltpu.sync_copy(gxv, gx_h.at[b])
        pltpu.sync_copy(gyv, gy_h.at[b])
        pltpu.sync_copy(gzv, gz_h.at[b])

        if C > 0:
            SP = S // 2

            def gsrc(p):
                return feats_h.at[idxv.at[pl.ds(p * 2 * K, 2 * K)]]

            def gdst(p):
                return gf_h.at[pl.ds((b * S + p * 2) * K, 2 * K)]

            pltpu.async_copy(gsrc(0), growv0, gsem0)

            def fpair(p, _):
                even = (p % 2) == 0
                nxt = p + 1

                @pl.when(jnp.logical_and(nxt < SP, even))
                def _():
                    pltpu.async_copy(gsrc(nxt), growv1, gsem1)

                @pl.when(jnp.logical_and(nxt < SP, jnp.logical_not(even)))
                def _():
                    pltpu.async_copy(gsrc(nxt), growv0, gsem0)

                @pl.when(even)
                def _():
                    pltpu.make_async_copy(
                        feats_h.at[pl.ds(0, 2 * K)], growv0, gsem0).wait()
                    pltpu.sync_copy(growv0, gdst(p))

                @pl.when(jnp.logical_not(even))
                def _():
                    pltpu.make_async_copy(
                        feats_h.at[pl.ds(0, 2 * K)], growv1, gsem1).wait()
                    pltpu.sync_copy(growv1, gdst(p))
                return 0

            lax.fori_loop(0, SP, fpair, 0)

    return functools.partial(
        pl.kernel, body, out_type=tuple(out_type), mesh=mesh,
        scratch_types=tuple(scratch), interpret=interpret,
        compiler_params=pltpu.CompilerParams(needs_layout_passes=False))()


def _sqdist(src, dst):
    return (jnp.sum(src ** 2, -1)[:, :, None]
            + jnp.sum(dst ** 2, -1)[:, None, :]
            - 2.0 * jnp.einsum('bsc,bnc->bsn', src, dst))


def _gather_rows(points, idx):
    return jax.vmap(lambda p, i: p[i])(points, idx)


def _fps(xyz, npoint):
    B, N, _ = xyz.shape

    def step(carry, _):
        distance, farthest = carry
        centroid = jax.vmap(lambda p, f: p[f])(xyz, farthest)[:, None, :]
        dist = jnp.sum((xyz - centroid) ** 2, -1)
        distance = jnp.minimum(distance, dist)
        new_farthest = jnp.argmax(distance, axis=-1).astype(jnp.int32)
        return (distance, new_farthest), farthest

    init = (jnp.full((B, N), 1e10, jnp.float32), jnp.zeros((B,), jnp.int32))
    _, centroids = jax.lax.scan(step, init, None, length=npoint)
    return jnp.transpose(centroids)


def _ball_query(radius, nsample, xyz, new_xyz):
    B, S, _ = new_xyz.shape
    N = xyz.shape[1]
    sqrdists = _sqdist(new_xyz, xyz)
    group_idx = jnp.broadcast_to(jnp.arange(N, dtype=jnp.int32), (B, S, N))
    group_idx = jnp.where(sqrdists > radius ** 2, N, group_idx)
    group_idx = jnp.sort(group_idx, axis=-1)[:, :, :nsample]
    group_first = jnp.broadcast_to(group_idx[:, :, 0:1], group_idx.shape)
    group_idx = jnp.where(group_idx == N, group_first, group_idx)
    return group_idx


def _conv_bn_relu(x, layer):
    W, b, gamma, beta = layer
    x = jnp.einsum('bskc,cd->bskd', x, W) + b
    mean = jnp.mean(x, axis=(0, 1, 2), keepdims=True)
    var = jnp.var(x, axis=(0, 1, 2), keepdims=True)
    x = (x - mean) / jnp.sqrt(var + 1e-5) * gamma + beta
    return jax.nn.relu(x)


def _sa(xyz, points, npoint, radius, nsample, layers, group_all):
    B = xyz.shape[0]
    if group_all:
        new_xyz = jnp.zeros((B, 1, 3), xyz.dtype)
        new_points = xyz[:, None, :, :]
        if points is not None:
            new_points = jnp.concatenate([new_points, points[:, None, :, :]], -1)
    else:
        fps_idx = _fps(xyz, npoint)
        new_xyz = _gather_rows(xyz, fps_idx)
        idx = _ball_query(radius, nsample, xyz, new_xyz)
        grouped_xyz = _gather_rows(xyz, idx) - new_xyz[:, :, None, :]
        if points is not None:
            new_points = jnp.concatenate([grouped_xyz, _gather_rows(points, idx)], -1)
        else:
            new_points = grouped_xyz
    for layer in layers:
        new_points = _conv_bn_relu(new_points, layer)
    new_points = jnp.max(new_points, axis=2)
    return new_xyz, new_points


def _mlp_pool(new_points, layers):
    for layer in layers:
        new_points = _conv_bn_relu(new_points, layer)
    return jnp.max(new_points, axis=2)


_R = 4096


def _dotT(w_ref, x_ref, contract_x):
    return lax.dot_general(
        w_ref[...], x_ref[...], (((0,), (contract_x,)), ((), ())),
        preferred_element_type=jnp.float32)


def _bn_scale_shift(acc, P, gamma, beta):
    C = acc.shape[0] // 2
    mean = jnp.sum(acc[:C], axis=1) / P
    var = jnp.sum(acc[C:], axis=1) / P - mean * mean
    s = gamma / jnp.sqrt(var + 1e-5)
    sh = beta - mean * s
    return s[:, None], sh[:, None]


def _tc_two_layer_stage(xt, gf, layers, K, P):
    (W1, b1, ga1, be1), (W2, b2, ga2, be2) = layers
    Cf = 0 if gf is None else gf.shape[1]
    C1, C2 = W1.shape[1], W2.shape[1]
    _Rl = min(_R, P)
    G = _Rl // K
    grid = P // _Rl
    W1x = jnp.zeros((8, C1), jnp.float32).at[:3].set(W1[:3])
    W1f = W1[3:] if Cf else None

    wspec = lambda shape: pl.BlockSpec(shape, lambda i: (0, 0))
    xt_spec = pl.BlockSpec((8, _Rl), lambda i: (0, i))
    gf_spec = pl.BlockSpec((_Rl, Cf), lambda i: (i, 0))
    cparams = pltpu.CompilerParams(dimension_semantics=("arbitrary",))

    def y1_of(xt_ref, gf_ref, w1x_ref, w1f_ref, b1_ref):
        y = _dotT(w1x_ref, xt_ref, 0)
        if Cf:
            y = y + _dotT(w1f_ref, gf_ref, 1)
        return y + b1_ref[...]

    gf_args = ((gf,) if Cf else ())
    gf_specs = ((gf_spec,) if Cf else ())
    w1f_specs = ((wspec((Cf, C1)),) if Cf else ())
    w1f_args = ((W1f,) if Cf else ())

    def ka(*refs):
        if Cf:
            xt_ref, gf_ref, w1x_ref, w1f_ref, b1_ref, acc_ref = refs
        else:
            xt_ref, w1x_ref, b1_ref, acc_ref = refs
            gf_ref = w1f_ref = None
        y = y1_of(xt_ref, gf_ref, w1x_ref, w1f_ref, b1_ref)

        @pl.when(pl.program_id(0) == 0)
        def _():
            acc_ref[...] = jnp.zeros_like(acc_ref)
        acc_ref[0:C1, :] += y
        acc_ref[C1:, :] += y * y

    acc1 = pl.pallas_call(
        ka, grid=(grid,),
        in_specs=[xt_spec, *gf_specs, wspec((8, C1)), *w1f_specs,
                  wspec((C1, 1))],
        out_specs=pl.BlockSpec((2 * C1, _Rl), lambda i: (0, 0)),
        out_shape=jax.ShapeDtypeStruct((2 * C1, _Rl), jnp.float32),
        compiler_params=cparams, interpret=_INTERPRET,
    )(xt, *gf_args, W1x, *w1f_args, b1[:, None])
    s1, sh1 = _bn_scale_shift(acc1, P, ga1, be1)

    def kb(*refs):
        if Cf:
            (xt_ref, gf_ref, w1x_ref, w1f_ref, b1_ref, s1_ref, sh1_ref,
             w2_ref, b2_ref, acc_ref) = refs
        else:
            (xt_ref, w1x_ref, b1_ref, s1_ref, sh1_ref,
             w2_ref, b2_ref, acc_ref) = refs
            gf_ref = w1f_ref = None
        y = y1_of(xt_ref, gf_ref, w1x_ref, w1f_ref, b1_ref)
        h1 = jnp.maximum(y * s1_ref[...] + sh1_ref[...], 0.0)
        y2 = _dotT(w2_ref, h1, 0) + b2_ref[...]

        @pl.when(pl.program_id(0) == 0)
        def _():
            acc_ref[...] = jnp.zeros_like(acc_ref)
        acc_ref[0:C2, :] += y2
        acc_ref[C2:, :] += y2 * y2

    acc2 = pl.pallas_call(
        kb, grid=(grid,),
        in_specs=[xt_spec, *gf_specs, wspec((8, C1)), *w1f_specs,
                  wspec((C1, 1)), wspec((C1, 1)), wspec((C1, 1)),
                  wspec((C1, C2)), wspec((C2, 1))],
        out_specs=pl.BlockSpec((2 * C2, _Rl), lambda i: (0, 0)),
        out_shape=jax.ShapeDtypeStruct((2 * C2, _Rl), jnp.float32),
        compiler_params=cparams, interpret=_INTERPRET,
    )(xt, *gf_args, W1x, *w1f_args, b1[:, None], s1, sh1, W2, b2[:, None])
    s2, sh2 = _bn_scale_shift(acc2, P, ga2, be2)

    def kc(*refs):
        if Cf:
            (xt_ref, gf_ref, w1x_ref, w1f_ref, b1_ref, s1_ref, sh1_ref,
             w2_ref, b2_ref, s2_ref, sh2_ref, out_ref) = refs
        else:
            (xt_ref, w1x_ref, b1_ref, s1_ref, sh1_ref,
             w2_ref, b2_ref, s2_ref, sh2_ref, out_ref) = refs
            gf_ref = w1f_ref = None
        y = y1_of(xt_ref, gf_ref, w1x_ref, w1f_ref, b1_ref)
        h1 = jnp.maximum(y * s1_ref[...] + sh1_ref[...], 0.0)
        y2 = _dotT(w2_ref, h1, 0) + b2_ref[...]
        h2 = jnp.maximum(y2 * s2_ref[...] + sh2_ref[...], 0.0)
        out_ref[...] = jnp.concatenate(
            [jnp.max(h2[:, g * K:(g + 1) * K], axis=1, keepdims=True)
             for g in range(G)], axis=1)[None]

    pooled = pl.pallas_call(
        kc, grid=(grid,),
        in_specs=[xt_spec, *gf_specs, wspec((8, C1)), *w1f_specs,
                  wspec((C1, 1)), wspec((C1, 1)), wspec((C1, 1)),
                  wspec((C1, C2)), wspec((C2, 1)),
                  wspec((C2, 1)), wspec((C2, 1))],
        out_specs=pl.BlockSpec((1, C2, G), lambda i: (i, 0, 0)),
        out_shape=jax.ShapeDtypeStruct((grid, C2, G), jnp.float32),
        compiler_params=cparams, interpret=_INTERPRET,
    )(xt, *gf_args, W1x, *w1f_args, b1[:, None], s1, sh1, W2, b2[:, None],
      s2, sh2)
    return jnp.transpose(pooled, (0, 2, 1)).reshape(P // K, C2)


def _tc_sa3_stage(xt, feats, layer, K):
    W, b, ga, be = layer
    P = xt.shape[1]
    C2 = W.shape[1]
    G = P // K
    Wx = jnp.zeros((8, C2), jnp.float32).at[:3].set(W[:3])
    Wf = W[3:]
    Cf = Wf.shape[0]

    def body(xt_ref, f_ref, wx_ref, wf_ref, b_ref, ga_ref, be_ref, out_ref):
        y = _dotT(wx_ref, xt_ref, 0) + _dotT(wf_ref, f_ref, 1) + b_ref[...]
        mean = jnp.sum(y, axis=1, keepdims=True) / P
        var = jnp.sum(y * y, axis=1, keepdims=True) / P - mean * mean
        s = ga_ref[...] / jnp.sqrt(var + 1e-5)
        sh = be_ref[...] - mean * s
        h = jnp.maximum(y * s + sh, 0.0)
        out_ref[...] = jnp.concatenate(
            [jnp.max(h[:, g * K:(g + 1) * K], axis=1, keepdims=True)
             for g in range(G)], axis=1)

    return pl.pallas_call(
        body,
        out_shape=jax.ShapeDtypeStruct((C2, G), jnp.float32),
        interpret=_INTERPRET,
    )(xt, feats, Wx, Wf, b[:, None], ga[:, None], be[:, None])


def _pad8_planes(planes, P):
    xt = jnp.zeros((8, P), jnp.float32)
    for i, p in enumerate(planes):
        xt = xt.at[i].set(p.reshape(P))
    return xt


_INTERPRET = False


def kernel(xyz, params):
    B = xyz.shape[0]
    px, py, pz = xyz[:, 0, :], xyz[:, 1, :], xyz[:, 2, :]

    fps1 = _make_sc_fps_kernel(1024, 512, interpret=_INTERPRET)
    nx1, ny1, nz1 = fps1(px, py, pz)
    new_xyz1 = jnp.stack([nx1, ny1, nz1], axis=-1)
    xyz_t = jnp.transpose(xyz, (0, 2, 1))
    sq1 = _sqdist(new_xyz1, xyz_t)
    sc1 = _make_sc_group_kernel(1024, 512, 32, 0.2, 0, interpret=_INTERPRET)
    g1x, g1y, g1z = sc1(px, py, pz, nx1, ny1, nz1, sq1)
    P1 = B * 512 * 32
    xt1 = _pad8_planes([g1x, g1y, g1z], P1)
    l1_points = _tc_two_layer_stage(xt1, None, params['sa1'], 32, P1)

    fps2 = _make_sc_fps_kernel(512, 128, interpret=_INTERPRET)
    nx2, ny2, nz2 = fps2(nx1, ny1, nz1)
    new_xyz2 = jnp.stack([nx2, ny2, nz2], axis=-1)
    sq2 = _sqdist(new_xyz2, new_xyz1)
    sc2 = _make_sc_group_kernel(512, 128, 64, 0.4, 128, interpret=_INTERPRET)
    g2x, g2y, g2z, g2f = sc2(nx1, ny1, nz1, nx2, ny2, nz2, sq2, l1_points)
    P2 = B * 128 * 64
    xt2 = _pad8_planes([g2x, g2y, g2z], P2)
    l2_points = _tc_two_layer_stage(xt2, g2f, params['sa2'], 64, P2)

    xt3 = _pad8_planes([nx2, ny2, nz2], B * 128)
    pooled3 = _tc_sa3_stage(xt3, l2_points, params['sa3'][0], 128)

    x = pooled3.T
    l3 = x[:, :, None]
    return x, l3

# --- scband reference (transcript-rebuilt; emitter-appended) ---
"""Pipeline reference for scband-point-net2-11519102288168 (READ-ONLY COPY).

The authoritative reference and input builder live on the scoring server;
editing this copy changes nothing except your own understanding.
"""

import jax, jax.numpy as jnp
import numpy as np


def square_distance(src, dst):
    return (jnp.sum(src ** 2, -1)[:, :, None]
            + jnp.sum(dst ** 2, -1)[:, None, :]
            - 2.0 * jnp.einsum('bsc,bnc->bsn', src, dst))


def index_points(points, idx):
    return jax.vmap(lambda p, i: p[i])(points, idx)


def farthest_point_sample(xyz, npoint):
    B, N, _ = xyz.shape

    def step(carry, _):
        distance, farthest = carry
        centroid = jax.vmap(lambda p, f: p[f])(xyz, farthest)[:, None, :]
        dist = jnp.sum((xyz - centroid) ** 2, -1)
        distance = jnp.minimum(distance, dist)
        new_farthest = jnp.argmax(distance, axis=-1).astype(jnp.int32)
        return (distance, new_farthest), farthest

    init = (jnp.full((B, N), 1e10, jnp.float32), jnp.zeros((B,), jnp.int32))
    _, centroids = jax.lax.scan(step, init, None, length=npoint)
    return jnp.transpose(centroids)


def query_ball_point(radius, nsample, xyz, new_xyz):
    B, S, _ = new_xyz.shape
    N = xyz.shape[1]
    sqrdists = square_distance(new_xyz, xyz)
    group_idx = jnp.broadcast_to(jnp.arange(N, dtype=jnp.int32), (B, S, N))
    group_idx = jnp.where(sqrdists > radius ** 2, N, group_idx)
    group_idx = jnp.sort(group_idx, axis=-1)[:, :, :nsample]
    group_first = jnp.broadcast_to(group_idx[:, :, 0:1], group_idx.shape)
    group_idx = jnp.where(group_idx == N, group_first, group_idx)
    return group_idx


def conv_bn_relu(x, layer):
    W, b, gamma, beta = layer
    x = jnp.einsum('bskc,cd->bskd', x, W) + b
    mean = jnp.mean(x, axis=(0, 1, 2), keepdims=True)
    var = jnp.var(x, axis=(0, 1, 2), keepdims=True)
    x = (x - mean) / jnp.sqrt(var + 1e-5) * gamma + beta
    return jax.nn.relu(x)


def set_abstraction(xyz, points, npoint, radius, nsample, layers, group_all):
    B = xyz.shape[0]
    if group_all:
        new_xyz = jnp.zeros((B, 1, 3), xyz.dtype)
        new_points = xyz[:, None, :, :]
        if points is not None:
            new_points = jnp.concatenate([new_points, points[:, None, :, :]], -1)
    else:
        fps_idx = farthest_point_sample(xyz, npoint)
        new_xyz = index_points(xyz, fps_idx)
        idx = query_ball_point(radius, nsample, xyz, new_xyz)
        grouped_xyz = index_points(xyz, idx) - new_xyz[:, :, None, :]
        if points is not None:
            new_points = jnp.concatenate([grouped_xyz, index_points(points, idx)], -1)
        else:
            new_points = grouped_xyz
    for layer in layers:
        new_points = conv_bn_relu(new_points, layer)
    new_points = jnp.max(new_points, axis=2)
    return new_xyz, new_points


def pointnet2_forward(xyz, params):
    B = xyz.shape[0]
    xyz_t = jnp.transpose(xyz, (0, 2, 1))
    l1_xyz, l1_points = set_abstraction(xyz_t, None, 512, 0.2, 32, params['sa1'], False)
    l2_xyz, l2_points = set_abstraction(l1_xyz, l1_points, 128, 0.4, 64, params['sa2'], False)
    _, l3_points = set_abstraction(l2_xyz, l2_points, None, None, None, params['sa3'], True)
    x = l3_points.reshape(B, 256)
    l3 = jnp.transpose(l3_points, (0, 2, 1))
    return x, l3


def setup_inputs(seed: int = 0):
    key = jax.random.key(seed)
    ks = jax.random.split(key, 8)
    xyz = jax.random.normal(ks[0], (32, 3, 1024), jnp.float32) * 0.5

    def make_layer(k, cin, cout):
        W = jax.random.normal(k, (cin, cout), jnp.float32) * (1.0 / np.sqrt(cin))
        return (W, jnp.zeros((cout,), jnp.float32), jnp.ones((cout,), jnp.float32), jnp.zeros((cout,), jnp.float32))

    params = {
        'sa1': [make_layer(ks[1], 3, 64), make_layer(ks[2], 64, 128)],
        'sa2': [make_layer(ks[3], 131, 128), make_layer(ks[4], 128, 256)],
        'sa3': [make_layer(ks[5], 259, 256)],
    }
    return {'xyz': xyz, 'params': params}


def reference(xyz, params):
    return pointnet2_forward(xyz, params)

if __name__ == "__main__":
    import jax
    _d = setup_inputs()
    print(jax.jit(kernel)(*tuple(_d.values())))

</pallas_src>

<mosaic_0001>
#map = affine_map<(d0, d1) -> (0, 0)>
module attributes {stable_mosaic.version = 14 : i64} {
  func.func @body(%arg0: i32, %arg1: i32, %arg2: memref<32x1024xf32, #tpu.memory_space<hbm>>, %arg3: memref<32x1024xf32, #tpu.memory_space<hbm>>, %arg4: memref<32x1024xf32, #tpu.memory_space<hbm>>, %arg5: memref<32x512xf32, #tpu.memory_space<hbm>>, %arg6: memref<32x512xf32, #tpu.memory_space<hbm>>, %arg7: memref<32x512xf32, #tpu.memory_space<hbm>>, %arg8: memref<1024xf32, #tpu.memory_space<vmem>>, %arg9: memref<1024xf32, #tpu.memory_space<vmem>>, %arg10: memref<1024xf32, #tpu.memory_space<vmem>>, %arg11: memref<1024xf32, #tpu.memory_space<vmem>>, %arg12: memref<512xf32, #tpu.memory_space<vmem>>, %arg13: memref<512xf32, #tpu.memory_space<vmem>>, %arg14: memref<512xf32, #tpu.memory_space<vmem>>) attributes {dimension_semantics = [#tpu.dimension_semantics<core_parallel>, #tpu.dimension_semantics<subcore_parallel>], iteration_bounds = array<i64: 2, 16>, scalar_prefetch = 0 : i64, scratch_operands = 7 : i64, tpu.core_type = #tpu.core_type<sc_vector_subcore>, window_params = [{transform_indices = #map}, {transform_indices = #map}, {transform_indices = #map}, {transform_indices = #map}, {transform_indices = #map}, {transform_indices = #map}]} {
    %mul3A = arith.constant 2 : i32
    %mul3A_0 = arith.muli %arg1, %mul3A : i32
    %add3A = arith.addi %mul3A_0, %arg0 : i32
    "tpu.region"() ({
      %run_scoped3A = tpu.sem_alloc : memref<!tpu.dma_semaphore, #tpu.memory_space<semaphore_mem>>
      %dma_start3A = arith.constant 0 : i32
      %dma_start3A_16 = tpu.memref_slice %arg2[%add3A, %dma_start3A] : memref<32x1024xf32, #tpu.memory_space<hbm>> -> memref<1x1024xf32, #tpu.memory_space<hbm>>
      %dma_start3A_17 = tpu.memref_squeeze %dma_start3A_16 : memref<1x1024xf32, #tpu.memory_space<hbm>> -> memref<1024xf32, #tpu.memory_space<hbm>>
      %dma_start3A_18 = arith.constant 0 : i32
      %dma_start3A_19 = tpu.memref_slice %arg2[%add3A, %dma_start3A_18] : memref<32x1024xf32, #tpu.memory_space<hbm>> -> memref<1x1024xf32, #tpu.memory_space<hbm>>
      %dma_start3A_20 = tpu.memref_squeeze %dma_start3A_19 : memref<1x1024xf32, #tpu.memory_space<hbm>> -> memref<1024xf32, #tpu.memory_space<hbm>>
      tpu.enqueue_dma source(%dma_start3A_20 : memref<1024xf32, #tpu.memory_space<hbm>>) target(%arg8 : memref<1024xf32, #tpu.memory_space<vmem>>) target_semaphore(%run_scoped3A : memref<!tpu.dma_semaphore, #tpu.memory_space<semaphore_mem>>)
      %dma_wait3A = arith.constant 0 : i32
      %dma_wait3A_21 = tpu.memref_slice %arg2[%add3A, %dma_wait3A] : memref<32x1024xf32, #tpu.memory_space<hbm>> -> memref<1x1024xf32, #tpu.memory_space<hbm>>
      %dma_wait3A_22 = tpu.memref_squeeze %dma_wait3A_21 : memref<1x1024xf32, #tpu.memory_space<hbm>> -> memref<1024xf32, #tpu.memory_space<hbm>>
      %dma_wait3A_23 = arith.constant 0 : i32
      %dma_wait3A_24 = tpu.memref_slice %arg2[%add3A, %dma_wait3A_23] : memref<32x1024xf32, #tpu.memory_space<hbm>> -> memref<1x1024xf32, #tpu.memory_space<hbm>>
      %dma_wait3A_25 = tpu.memref_squeeze %dma_wait3A_24 : memref<1x1024xf32, #tpu.memory_space<hbm>> -> memref<1024xf32, #tpu.memory_space<hbm>>
      tpu.wait_dma2 semaphore(%run_scoped3A : memref<!tpu.dma_semaphore, #tpu.memory_space<semaphore_mem>>) src(%dma_wait3A_25 : memref<1024xf32, #tpu.memory_space<hbm>>) dst(%arg8 : memref<1024xf32, #tpu.memory_space<vmem>>)
      tpu.yield
    }) : () -> ()
    "tpu.region"() ({
      %run_scoped3A = tpu.sem_alloc : memref<!tpu.dma_semaphore, #tpu.memory_space<semaphore_mem>>
      %dma_start3A = arith.constant 0 : i32
      %dma_start3A_16 = tpu.memref_slice %arg3[%add3A, %dma_start3A] : memref<32x1024xf32, #tpu.memory_space<hbm>> -> memref<1x1024xf32, #tpu.memory_space<hbm>>
      %dma_start3A_17 = tpu.memref_squeeze %dma_start3A_16 : memref<1x1024xf32, #tpu.memory_space<hbm>> -> memref<1024xf32, #tpu.memory_space<hbm>>
      %dma_start3A_18 = arith.constant 0 : i32
      %dma_start3A_19 = tpu.memref_slice %arg3[%add3A, %dma_start3A_18] : memref<32x1024xf32, #tpu.memory_space<hbm>> -> memref<1x1024xf32, #tpu.memory_space<hbm>>
      %dma_start3A_20 = tpu.memref_squeeze %dma_start3A_19 : memref<1x1024xf32, #tpu.memory_space<hbm>> -> memref<1024xf32, #tpu.memory_space<hbm>>
      tpu.enqueue_dma source(%dma_start3A_20 : memref<1024xf32, #tpu.memory_space<hbm>>) target(%arg9 : memref<1024xf32, #tpu.memory_space<vmem>>) target_semaphore(%run_scoped3A : memref<!tpu.dma_semaphore, #tpu.memory_space<semaphore_mem>>)
      %dma_wait3A = arith.constant 0 : i32
      %dma_wait3A_21 = tpu.memref_slice %arg3[%add3A, %dma_wait3A] : memref<32x1024xf32, #tpu.memory_space<hbm>> -> memref<1x1024xf32, #tpu.memory_space<hbm>>
      %dma_wait3A_22 = tpu.memref_squeeze %dma_wait3A_21 : memref<1x1024xf32, #tpu.memory_space<hbm>> -> memref<1024xf32, #tpu.memory_space<hbm>>
      %dma_wait3A_23 = arith.constant 0 : i32
      %dma_wait3A_24 = tpu.memref_slice %arg3[%add3A, %dma_wait3A_23] : memref<32x1024xf32, #tpu.memory_space<hbm>> -> memref<1x1024xf32, #tpu.memory_space<hbm>>
      %dma_wait3A_25 = tpu.memref_squeeze %dma_wait3A_24 : memref<1x1024xf32, #tpu.memory_space<hbm>> -> memref<1024xf32, #tpu.memory_space<hbm>>
      tpu.wait_dma2 semaphore(%run_scoped3A : memref<!tpu.dma_semaphore, #tpu.memory_space<semaphore_mem>>) src(%dma_wait3A_25 : memref<1024xf32, #tpu.memory_space<hbm>>) dst(%arg9 : memref<1024xf32, #tpu.memory_space<vmem>>)
      tpu.yield
    }) : () -> ()
    "tpu.region"() ({
      %run_scoped3A = tpu.sem_alloc : memref<!tpu.dma_semaphore, #tpu.memory_space<semaphore_mem>>
      %dma_start3A = arith.constant 0 : i32
      %dma_start3A_16 = tpu.memref_slice %arg4[%add3A, %dma_start3A] : memref<32x1024xf32, #tpu.memory_space<hbm>> -> memref<1x1024xf32, #tpu.memory_space<hbm>>
      %dma_start3A_17 = tpu.memref_squeeze %dma_start3A_16 : memref<1x1024xf32, #tpu.memory_space<hbm>> -> memref<1024xf32, #tpu.memory_space<hbm>>
      %dma_start3A_18 = arith.constant 0 : i32
      %dma_start3A_19 = tpu.memref_slice %arg4[%add3A, %dma_start3A_18] : memref<32x1024xf32, #tpu.memory_space<hbm>> -> memref<1x1024xf32, #tpu.memory_space<hbm>>
      %dma_start3A_20 = tpu.memref_squeeze %dma_start3A_19 : memref<1x1024xf32, #tpu.memory_space<hbm>> -> memref<1024xf32, #tpu.memory_space<hbm>>
      tpu.enqueue_dma source(%dma_start3A_20 : memref<1024xf32, #tpu.memory_space<hbm>>) target(%arg10 : memref<1024xf32, #tpu.memory_space<vmem>>) target_semaphore(%run_scoped3A : memref<!tpu.dma_semaphore, #tpu.memory_space<semaphore_mem>>)
      %dma_wait3A = arith.constant 0 : i32
      %dma_wait3A_21 = tpu.memref_slice %arg4[%add3A, %dma_wait3A] : memref<32x1024xf32, #tpu.memory_space<hbm>> -> memref<1x1024xf32, #tpu.memory_space<hbm>>
      %dma_wait3A_22 = tpu.memref_squeeze %dma_wait3A_21 : memref<1x1024xf32, #tpu.memory_space<hbm>> -> memref<1024xf32, #tpu.memory_space<hbm>>
      %dma_wait3A_23 = arith.constant 0 : i32
      %dma_wait3A_24 = tpu.memref_slice %arg4[%add3A, %dma_wait3A_23] : memref<32x1024xf32, #tpu.memory_space<hbm>> -> memref<1x1024xf32, #tpu.memory_space<hbm>>
      %dma_wait3A_25 = tpu.memref_squeeze %dma_wait3A_24 : memref<1x1024xf32, #tpu.memory_space<hbm>> -> memref<1024xf32, #tpu.memory_space<hbm>>
      tpu.wait_dma2 semaphore(%run_scoped3A : memref<!tpu.dma_semaphore, #tpu.memory_space<semaphore_mem>>) src(%dma_wait3A_25 : memref<1024xf32, #tpu.memory_space<hbm>>) dst(%arg10 : memref<1024xf32, #tpu.memory_space<vmem>>)
      tpu.yield
    }) : () -> ()
    %iota3A = tpu.iota {dimensions = array<i32: 0>} : vector<16xi32>
    %eq3A = arith.constant 0 : i32
    %eq3A_1 = vector.broadcast %eq3A : i32 to vector<16xi32>
    %eq3A_2 = arith.cmpi eq, %iota3A, %eq3A_1 : vector<16xi32>
    %scan3A = arith.constant 0 : i32
    %scan3A_3 = arith.constant 0 : i32
    %scan3A_4 = arith.constant 64 : i32
    %scan3A_5 = arith.addi %scan3A_3, %scan3A_4 : i32
    %scan3A_6 = arith.constant 1 : i32
    %scan3A_7 = scf.for %scan3A_16 = %scan3A_3 to %scan3A_5 step %scan3A_6 iter_args(%scan3A_17 = %scan3A) -> (i32)  : i32 {
      %broadcast_in_dim3A_18 = arith.constant 1.000000e+10 : f32
      %broadcast_in_dim3A_19 = vector.broadcast %broadcast_in_dim3A_18 : f32 to vector<16xf32>
      %mul3A_20 = arith.constant 16 : i32
      %mul3A_21 = arith.muli %scan3A_16, %mul3A_20 : i32
      %swap3A = arith.index_cast %mul3A_21 : i32 to index
      %swap3A_22 = tpu.vector_load %arg11[%swap3A] {strides = array<i32>} : memref<1024xf32, #tpu.memory_space<vmem>>, vector<16xf32>,
      tpu.vector_store %arg11[%swap3A], %broadcast_in_dim3A_19 {strides = array<i32>} : memref<1024xf32, #tpu.memory_space<vmem>>, vector<16xf32>,
      %scan3A_23 = arith.constant 0 : i32
      scf.yield %scan3A_23 : i32
    }
    %scan3A_8 = arith.constant 64 : i32
    %broadcast_in_dim3A = arith.constant 0 : i32
    %broadcast_in_dim3A_9 = vector.broadcast %broadcast_in_dim3A : i32 to vector<16xi32>
    %scan3A_10 = arith.constant 0 : i32
    %scan3A_11 = arith.constant 512 : i32
    %scan3A_12 = arith.addi %scan3A_10, %scan3A_11 : i32
    %scan3A_13 = arith.constant 1 : i32
    %scan3A_14 = scf.for %scan3A_16 = %scan3A_10 to %scan3A_12 step %scan3A_13 iter_args(%scan3A_17 = %broadcast_in_dim3A_9) -> (vector<16xi32>)  : i32 {
      %gather3A = tpu.vector_load_idx %arg8[%scan3A_17] : memref<1024xf32, #tpu.memory_space<vmem>>[vector<16xi32>], vector<16xf32>,
      %gather3A_18 = tpu.vector_load_idx %arg9[%scan3A_17] : memref<1024xf32, #tpu.memory_space<vmem>>[vector<16xi32>], vector<16xf32>,
      %gather3A_19 = tpu.vector_load_idx %arg10[%scan3A_17] : memref<1024xf32, #tpu.memory_space<vmem>>[vector<16xi32>], vector<16xf32>,
      %broadcast_in_dim3A_20 = vector.broadcast %scan3A_16 : i32 to vector<16xi32>
      tpu.vector_store_idx %arg12[%broadcast_in_dim3A_20], %gather3A masked %eq3A_2 : memref<512xf32, #tpu.memory_space<vmem>>[vector<16xi32>], vector<16xf32>, vector<16xi1>
      tpu.vector_store_idx %arg13[%broadcast_in_dim3A_20], %gather3A_18 masked %eq3A_2 : memref<512xf32, #tpu.memory_space<vmem>>[vector<16xi32>], vector<16xf32>, vector<16xi1>
      tpu.vector_store_idx %arg14[%broadcast_in_dim3A_20], %gather3A_19 masked %eq3A_2 : memref<512xf32, #tpu.memory_space<vmem>>[vector<16xi32>], vector<16xf32>, vector<16xi1>
      %broadcast_in_dim3A_21 = arith.constant -1.000000e+00 : f32
      %broadcast_in_dim3A_22 = vector.broadcast %broadcast_in_dim3A_21 : f32 to vector<16xf32>
      %broadcast_in_dim3A_23 = arith.constant 0 : i32
      %broadcast_in_dim3A_24 = vector.broadcast %broadcast_in_dim3A_23 : i32 to vector<16xi32>
      %scan3A_25 = arith.constant 0 : i32
      %scan3A_26 = arith.constant 16 : i32
      %scan3A_27 = arith.addi %scan3A_25, %scan3A_26 : i32
      %scan3A_28 = arith.constant 1 : i32
      %scan3A_29:2 = scf.for %scan3A_46 = %scan3A_25 to %scan3A_27 step %scan3A_28 iter_args(%scan3A_47 = %broadcast_in_dim3A_22, %scan3A_48 = %broadcast_in_dim3A_24) -> (vector<16xf32>, vector<16xi32>)  : i32 {
        %mul3A_49 = arith.constant 4 : i32
        %mul3A_50 = arith.muli %scan3A_46, %mul3A_49 : i32
        %add3A_51 = arith.constant 0 : i32
        %add3A_52 = arith.addi %mul3A_50, %add3A_51 : i32
        %mul3A_53 = arith.constant 16 : i32
        %mul3A_54 = arith.muli %add3A_52, %mul3A_53 : i32
        %get3A = arith.index_cast %mul3A_54 : i32 to index
        %get3A_55 = tpu.vector_load %arg8[%get3A] {strides = array<i32>} : memref<1024xf32, #tpu.memory_space<vmem>>, vector<16xf32>,
        %sub3A = arith.subf %get3A_55, %gather3A : vector<16xf32>
        %get3A_56 = arith.index_cast %mul3A_54 : i32 to index
        %get3A_57 = tpu.vector_load %arg9[%get3A_56] {strides = array<i32>} : memref<1024xf32, #tpu.memory_space<vmem>>, vector<16xf32>,
        %sub3A_58 = arith.subf %get3A_57, %gather3A_18 : vector<16xf32>
        %get3A_59 = arith.index_cast %mul3A_54 : i32 to index
        %get3A_60 = tpu.vector_load %arg10[%get3A_59] {strides = array<i32>} : memref<1024xf32, #tpu.memory_space<vmem>>, vector<16xf32>,
        %sub3A_61 = arith.subf %get3A_60, %gather3A_19 : vector<16xf32>
        %mul3A_62 = arith.mulf %sub3A, %sub3A : vector<16xf32>
        %mul3A_63 = arith.mulf %sub3A_58, %sub3A_58 : vector<16xf32>
        %add3A_64 = arith.addf %mul3A_62, %mul3A_63 : vector<16xf32>
        %mul3A_65 = arith.mulf %sub3A_61, %sub3A_61 : vector<16xf32>
        %add3A_66 = arith.addf %add3A_64, %mul3A_65 : vector<16xf32>
        %get3A_67 = arith.index_cast %mul3A_54 : i32 to index
        %get3A_68 = tpu.vector_load %arg11[%get3A_67] {strides = array<i32>} : memref<1024xf32, #tpu.memory_space<vmem>>, vector<16xf32>,
        %min3A = arith.minimumf %get3A_68, %add3A_66 : vector<16xf32>
        %swap3A = arith.index_cast %mul3A_54 : i32 to index
        %swap3A_69 = tpu.vector_load %arg11[%swap3A] {strides = array<i32>} : memref<1024xf32, #tpu.memory_space<vmem>>, vector<16xf32>,
        tpu.vector_store %arg11[%swap3A], %min3A {strides = array<i32>} : memref<1024xf32, #tpu.memory_space<vmem>>, vector<16xf32>,
        %add3A_70 = vector.broadcast %mul3A_54 : i32 to vector<16xi32>
        %add3A_71 = arith.addi %add3A_70, %iota3A : vector<16xi32>
        %gt3A = arith.cmpf ogt, %min3A, %scan3A_47 : vector<16xf32>
        %select_n3A_72 = arith.select %gt3A, %min3A, %scan3A_47 : vector<16xi1>, vector<16xf32>
        %select_n3A_73 = arith.select %gt3A, %add3A_71, %scan3A_48 : vector<16xi1>, vector<16xi32>
        %mul3A_74 = arith.constant 4 : i32
        %mul3A_75 = arith.muli %scan3A_46, %mul3A_74 : i32
        %add3A_76 = arith.constant 1 : i32
        %add3A_77 = arith.addi %mul3A_75, %add3A_76 : i32
        %mul3A_78 = arith.constant 16 : i32
        %mul3A_79 = arith.muli %add3A_77, %mul3A_78 : i32
        %get3A_80 = arith.index_cast %mul3A_79 : i32 to index
        %get3A_81 = tpu.vector_load %arg8[%get3A_80] {strides = array<i32>} : memref<1024xf32, #tpu.memory_space<vmem>>, vector<16xf32>,
        %sub3A_82 = arith.subf %get3A_81, %gather3A : vector<16xf32>
        %get3A_83 = arith.index_cast %mul3A_79 : i32 to index
        %get3A_84 = tpu.vector_load %arg9[%get3A_83] {strides = array<i32>} : memref<1024xf32, #tpu.memory_space<vmem>>, vector<16xf32>,
        %sub3A_85 = arith.subf %get3A_84, %gather3A_18 : vector<16xf32>
        %get3A_86 = arith.index_cast %mul3A_79 : i32 to index
        %get3A_87 = tpu.vector_load %arg10[%get3A_86] {strides = array<i32>} : memref<1024xf32, #tpu.memory_space<vmem>>, vector<16xf32>,
        %sub3A_88 = arith.subf %get3A_87, %gather3A_19 : vector<16xf32>
        %mul3A_89 = arith.mulf %sub3A_82, %sub3A_82 : vector<16xf32>
        %mul3A_90 = arith.mulf %sub3A_85, %sub3A_85 : vector<16xf32>
        %add3A_91 = arith.addf %mul3A_89, %mul3A_90 : vector<16xf32>
        %mul3A_92 = arith.mulf %sub3A_88, %sub3A_88 : vector<16xf32>
        %add3A_93 = arith.addf %add3A_91, %mul3A_92 : vector<16xf32>
        %get3A_94 = arith.index_cast %mul3A_79 : i32 to index
        %get3A_95 = tpu.vector_load %arg11[%get3A_94] {strides = array<i32>} : memref<1024xf32, #tpu.memory_space<vmem>>, vector<16xf32>,
        %min3A_96 = arith.minimumf %get3A_95, %add3A_93 : vector<16xf32>
        %swap3A_97 = arith.index_cast %mul3A_79 : i32 to index
        %swap3A_98 = tpu.vector_load %arg11[%swap3A_97] {strides = array<i32>} : memref<1024xf32, #tpu.memory_space<vmem>>, vector<16xf32>,
        tpu.vector_store %arg11[%swap3A_97], %min3A_96 {strides = array<i32>} : memref<1024xf32, #tpu.memory_space<vmem>>, vector<16xf32>,
        %add3A_99 = vector.broadcast %mul3A_79 : i32 to vector<16xi32>
        %add3A_100 = arith.addi %add3A_99, %iota3A : vector<16xi32>
        %gt3A_101 = arith.cmpf ogt, %min3A_96, %select_n3A_72 : vector<16xf32>
        %select_n3A_102 = arith.select %gt3A_101, %min3A_96, %select_n3A_72 : vector<16xi1>, vector<16xf32>
        %select_n3A_103 = arith.select %gt3A_101, %add3A_100, %select_n3A_73 : vector<16xi1>, vector<16xi32>
        %mul3A_104 = arith.constant 4 : i32
        %mul3A_105 = arith.muli %scan3A_46, %mul3A_104 : i32
        %add3A_106 = arith.constant 2 : i32
        %add3A_107 = arith.addi %mul3A_105, %add3A_106 : i32
        %mul3A_108 = arith.constant 16 : i32
        %mul3A_109 = arith.muli %add3A_107, %mul3A_108 : i32
        %get3A_110 = arith.index_cast %mul3A_109 : i32 to index
        %get3A_111 = tpu.vector_load %arg8[%get3A_110] {strides = array<i32>} : memref<1024xf32, #tpu.memory_space<vmem>>, vector<16xf32>,
        %sub3A_112 = arith.subf %get3A_111, %gather3A : vector<16xf32>
        %get3A_113 = arith.index_cast %mul3A_109 : i32 to index
        %get3A_114 = tpu.vector_load %arg9[%get3A_113] {strides = array<i32>} : memref<1024xf32, #tpu.memory_space<vmem>>, vector<16xf32>,
        %sub3A_115 = arith.subf %get3A_114, %gather3A_18 : vector<16xf32>
        %get3A_116 = arith.index_cast %mul3A_109 : i32 to index
        %get3A_117 = tpu.vector_load %arg10[%get3A_116] {strides = array<i32>} : memref<1024xf32, #tpu.memory_space<vmem>>, vector<16xf32>,
        %sub3A_118 = arith.subf %get3A_117, %gather3A_19 : vector<16xf32>
        %mul3A_119 = arith.mulf %sub3A_112, %sub3A_112 : vector<16xf32>
        %mul3A_120 = arith.mulf %sub3A_115, %sub3A_115 : vector<16xf32>
        %add3A_121 = arith.addf %mul3A_119, %mul3A_120 : vector<16xf32>
        %mul3A_122 = arith.mulf %sub3A_118, %sub3A_118 : vector<16xf32>
        %add3A_123 = arith.addf %add3A_121, %mul3A_122 : vector<16xf32>
        %get3A_124 = arith.index_cast %mul3A_109 : i32 to index
        %get3A_125 = tpu.vector_load %arg11[%get3A_124] {strides = array<i32>} : memref<1024xf32, #tpu.memory_space<vmem>>, vector<16xf32>,
        %min3A_126 = arith.minimumf %get3A_125, %add3A_123 : vector<16xf32>
        %swap3A_127 = arith.index_cast %mul3A_109 : i32 to index
        %swap3A_128 = tpu.vector_load %arg11[%swap3A_127] {strides = array<i32>} : memref<1024xf32, #tpu.memory_space<vmem>>, vector<16xf32>,
        tpu.vector_store %arg11[%swap3A_127], %min3A_126 {strides = array<i32>} : memref<1024xf32, #tpu.memory_space<vmem>>, vector<16xf32>,
        %add3A_129 = vector.broadcast %mul3A_109 : i32 to vector<16xi32>
        %add3A_130 = arith.addi %add3A_129, %iota3A : vector<16xi32>
        %gt3A_131 = arith.cmpf ogt, %min3A_126, %select_n3A_102 : vector<16xf32>
        %select_n3A_132 = arith.select %gt3A_131, %min3A_126, %select_n3A_102 : vector<16xi1>, vector<16xf32>
        %select_n3A_133 = arith.select %gt3A_131, %add3A_130, %select_n3A_103 : vector<16xi1>, vector<16xi32>
        %mul3A_134 = arith.constant 4 : i32
        %mul3A_135 = arith.muli %scan3A_46, %mul3A_134 : i32
        %add3A_136 = arith.constant 3 : i32
        %add3A_137 = arith.addi %mul3A_135, %add3A_136 : i32
        %mul3A_138 = arith.constant 16 : i32
        %mul3A_139 = arith.muli %add3A_137, %mul3A_138 : i32
        %get3A_140 = arith.index_cast %mul3A_139 : i32 to index
        %get3A_141 = tpu.vector_load %arg8[%get3A_140] {strides = array<i32>} : memref<1024xf32, #tpu.memory_space<vmem>>, vector<16xf32>,
        %sub3A_142 = arith.subf %get3A_141, %gather3A : vector<16xf32>
        %get3A_143 = arith.index_cast %mul3A_139 : i32 to index
        %get3A_144 = tpu.vector_load %arg9[%get3A_143] {strides = array<i32>} : memref<1024xf32, #tpu.memory_space<vmem>>, vector<16xf32>,
        %sub3A_145 = arith.subf %get3A_144, %gather3A_18 : vector<16xf32>
        %get3A_146 = arith.index_cast %mul3A_139 : i32 to index
        %get3A_147 = tpu.vector_load %arg10[%get3A_146] {strides = array<i32>} : memref<1024xf32, #tpu.memory_space<vmem>>, vector<16xf32>,
        %sub3A_148 = arith.subf %get3A_147, %gather3A_19 : vector<16xf32>
        %mul3A_149 = arith.mulf %sub3A_142, %sub3A_142 : vector<16xf32>
        %mul3A_150 = arith.mulf %sub3A_145, %sub3A_145 : vector<16xf32>
        %add3A_151 = arith.addf %mul3A_149, %mul3A_150 : vector<16xf32>
        %mul3A_152 = arith.mulf %sub3A_148, %sub3A_148 : vector<16xf32>
        %add3A_153 = arith.addf %add3A_151, %mul3A_152 : vector<16xf32>
        %get3A_154 = arith.index_cast %mul3A_139 : i32 to index
        %get3A_155 = tpu.vector_load %arg11[%get3A_154] {strides = array<i32>} : memref<1024xf32, #tpu.memory_space<vmem>>, vector<16xf32>,
        %min3A_156 = arith.minimumf %get3A_155, %add3A_153 : vector<16xf32>
        %swap3A_157 = arith.index_cast %mul3A_139 : i32 to index
        %swap3A_158 = tpu.vector_load %arg11[%swap3A_157] {strides = array<i32>} : memref<1024xf32, #tpu.memory_space<vmem>>, vector<16xf32>,
        tpu.vector_store %arg11[%swap3A_157], %min3A_156 {strides = array<i32>} : memref<1024xf32, #tpu.memory_space<vmem>>, vector<16xf32>,
        %add3A_159 = vector.broadcast %mul3A_139 : i32 to vector<16xi32>
        %add3A_160 = arith.addi %add3A_159, %iota3A : vector<16xi32>
        %gt3A_161 = arith.cmpf ogt, %min3A_156, %select_n3A_132 : vector<16xf32>
        %select_n3A_162 = arith.select %gt3A_161, %min3A_156, %select_n3A_132 : vector<16xi1>, vector<16xf32>
        %select_n3A_163 = arith.select %gt3A_161, %add3A_160, %select_n3A_133 : vector<16xi1>, vector<16xi32>
        scf.yield %select_n3A_162, %select_n3A_163 : vector<16xf32>, vector<16xi32>
      }
      %scan3A_30 = arith.constant 16 : i32
      %reduce_max3A = arith.constant true
      %reduce_max3A_31 = vector.broadcast %reduce_max3A : i1 to vector<16xi1>
      %reduce_max3A_32 = tpu.scan <max>, %scan3A_29#0 masked %reduce_max3A_31 : vector<16xf32>, vector<16xi1> -> vector<16xf32>
      %reduce_max3A_33 = vector.extract %reduce_max3A_32[15] : f32 from vector<16xf32>
      %broadcast_in_dim3A_34 = vector.broadcast %reduce_max3A_33 : f32 to vector<16xf32>
      %eq3A_35 = arith.cmpf oeq, %scan3A_29#0, %broadcast_in_dim3A_34 : vector<16xf32>
      %broadcast_in_dim3A_36 = arith.constant 1024 : i32
      %broadcast_in_dim3A_37 = vector.broadcast %broadcast_in_dim3A_36 : i32 to vector<16xi32>
      %select_n3A = arith.select %eq3A_35, %scan3A_29#1, %broadcast_in_dim3A_37 : vector<16xi1>, vector<16xi32>
      %reduce_min3A = arith.constant true
      %reduce_min3A_38 = vector.broadcast %reduce_min3A : i1 to vector<16xi1>
      %reduce_min3A_39 = arith.constant -2147483648 : i32
      %reduce_min3A_40 = vector.broadcast %reduce_min3A_39 : i32 to vector<16xi32>
      %reduce_min3A_41 = arith.xori %select_n3A, %reduce_min3A_40 : vector<16xi32>
      %reduce_min3A_42 = tpu.scan <min>, %reduce_min3A_41 masked %reduce_min3A_38 : vector<16xi32>, vector<16xi1> -> vector<16xi32>
      %reduce_min3A_43 = arith.xori %reduce_min3A_42, %reduce_min3A_40 : vector<16xi32>
      %reduce_min3A_44 = vector.extract %reduce_min3A_43[15] : i32 from vector<16xi32>
      %broadcast_in_dim3A_45 = vector.broadcast %reduce_min3A_44 : i32 to vector<16xi32>
      scf.yield %broadcast_in_dim3A_45 : vector<16xi32>
    }
    %scan3A_15 = arith.constant 512 : i32
    "tpu.region"() ({
      %run_scoped3A = tpu.sem_alloc : memref<!tpu.dma_semaphore, #tpu.memory_space<semaphore_mem>>
      %dma_start3A = arith.constant 0 : i32
      %dma_start3A_16 = tpu.memref_slice %arg5[%add3A, %dma_start3A] : memref<32x512xf32, #tpu.memory_space<hbm>> -> memref<1x512xf32, #tpu.memory_space<hbm>>
      %dma_start3A_17 = tpu.memref_squeeze %dma_start3A_16 : memref<1x512xf32, #tpu.memory_space<hbm>> -> memref<512xf32, #tpu.memory_space<hbm>>
      %dma_start3A_18 = arith.constant 0 : i32
      %dma_start3A_19 = tpu.memref_slice %arg5[%add3A, %dma_start3A_18] : memref<32x512xf32, #tpu.memory_space<hbm>> -> memref<1x512xf32, #tpu.memory_space<hbm>>
      %dma_start3A_20 = tpu.memref_squeeze %dma_start3A_19 : memref<1x512xf32, #tpu.memory_space<hbm>> -> memref<512xf32, #tpu.memory_space<hbm>>
      tpu.enqueue_dma source(%arg12 : memref<512xf32, #tpu.memory_space<vmem>>) target(%dma_start3A_20 : memref<512xf32, #tpu.memory_space<hbm>>) target_semaphore(%run_scoped3A : memref<!tpu.dma_semaphore, #tpu.memory_space<semaphore_mem>>)
      %dma_wait3A = arith.constant 0 : i32
      %dma_wait3A_21 = tpu.memref_slice %arg5[%add3A, %dma_wait3A] : memref<32x512xf32, #tpu.memory_space<hbm>> -> memref<1x512xf32, #tpu.memory_space<hbm>>
      %dma_wait3A_22 = tpu.memref_squeeze %dma_wait3A_21 : memref<1x512xf32, #tpu.memory_space<hbm>> -> memref<512xf32, #tpu.memory_space<hbm>>
      %dma_wait3A_23 = arith.constant 0 : i32
      %dma_wait3A_24 = tpu.memref_slice %arg5[%add3A, %dma_wait3A_23] : memref<32x512xf32, #tpu.memory_space<hbm>> -> memref<1x512xf32, #tpu.memory_space<hbm>>
      %dma_wait3A_25 = tpu.memref_squeeze %dma_wait3A_24 : memref<1x512xf32, #tpu.memory_space<hbm>> -> memref<512xf32, #tpu.memory_space<hbm>>
      tpu.wait_dma2 semaphore(%run_scoped3A : memref<!tpu.dma_semaphore, #tpu.memory_space<semaphore_mem>>) src(%arg12 : memref<512xf32, #tpu.memory_space<vmem>>) dst(%dma_wait3A_25 : memref<512xf32, #tpu.memory_space<hbm>>)
      tpu.yield
    }) : () -> ()
    "tpu.region"() ({
      %run_scoped3A = tpu.sem_alloc : memref<!tpu.dma_semaphore, #tpu.memory_space<semaphore_mem>>
      %dma_start3A = arith.constant 0 : i32
      %dma_start3A_16 = tpu.memref_slice %arg6[%add3A, %dma_start3A] : memref<32x512xf32, #tpu.memory_space<hbm>> -> memref<1x512xf32, #tpu.memory_space<hbm>>
      %dma_start3A_17 = tpu.memref_squeeze %dma_start3A_16 : memref<1x512xf32, #tpu.memory_space<hbm>> -> memref<512xf32, #tpu.memory_space<hbm>>
      %dma_start3A_18 = arith.constant 0 : i32
      %dma_start3A_19 = tpu.memref_slice %arg6[%add3A, %dma_start3A_18] : memref<32x512xf32, #tpu.memory_space<hbm>> -> memref<1x512xf32, #tpu.memory_space<hbm>>
      %dma_start3A_20 = tpu.memref_squeeze %dma_start3A_19 : memref<1x512xf32, #tpu.memory_space<hbm>> -> memref<512xf32, #tpu.memory_space<hbm>>
      tpu.enqueue_dma source(%arg13 : memref<512xf32, #tpu.memory_space<vmem>>) target(%dma_start3A_20 : memref<512xf32, #tpu.memory_space<hbm>>) target_semaphore(%run_scoped3A : memref<!tpu.dma_semaphore, #tpu.memory_space<semaphore_mem>>)
      %dma_wait3A = arith.constant 0 : i32
      %dma_wait3A_21 = tpu.memref_slice %arg6[%add3A, %dma_wait3A] : memref<32x512xf32, #tpu.memory_space<hbm>> -> memref<1x512xf32, #tpu.memory_space<hbm>>
      %dma_wait3A_22 = tpu.memref_squeeze %dma_wait3A_21 : memref<1x512xf32, #tpu.memory_space<hbm>> -> memref<512xf32, #tpu.memory_space<hbm>>
      %dma_wait3A_23 = arith.constant 0 : i32
      %dma_wait3A_24 = tpu.memref_slice %arg6[%add3A, %dma_wait3A_23] : memref<32x512xf32, #tpu.memory_space<hbm>> -> memref<1x512xf32, #tpu.memory_space<hbm>>
      %dma_wait3A_25 = tpu.memref_squeeze %dma_wait3A_24 : memref<1x512xf32, #tpu.memory_space<hbm>> -> memref<512xf32, #tpu.memory_space<hbm>>
      tpu.wait_dma2 semaphore(%run_scoped3A : memref<!tpu.dma_semaphore, #tpu.memory_space<semaphore_mem>>) src(%arg13 : memref<512xf32, #tpu.memory_space<vmem>>) dst(%dma_wait3A_25 : memref<512xf32, #tpu.memory_space<hbm>>)
      tpu.yield
    }) : () -> ()
    "tpu.region"() ({
      %run_scoped3A = tpu.sem_alloc : memref<!tpu.dma_semaphore, #tpu.memory_space<semaphore_mem>>
      %dma_start3A = arith.constant 0 : i32
      %dma_start3A_16 = tpu.memref_slice %arg7[%add3A, %dma_start3A] : memref<32x512xf32, #tpu.memory_space<hbm>> -> memref<1x512xf32, #tpu.memory_space<hbm>>
      %dma_start3A_17 = tpu.memref_squeeze %dma_start3A_16 : memref<1x512xf32, #tpu.memory_space<hbm>> -> memref<512xf32, #tpu.memory_space<hbm>>
      %dma_start3A_18 = arith.constant 0 : i32
      %dma_start3A_19 = tpu.memref_slice %arg7[%add3A, %dma_start3A_18] : memref<32x512xf32, #tpu.memory_space<hbm>> -> memref<1x512xf32, #tpu.memory_space<hbm>>
      %dma_start3A_20 = tpu.memref_squeeze %dma_start3A_19 : memref<1x512xf32, #tpu.memory_space<hbm>> -> memref<512xf32, #tpu.memory_space<hbm>>
      tpu.enqueue_dma source(%arg14 : memref<512xf32, #tpu.memory_space<vmem>>) target(%dma_start3A_20 : memref<512xf32, #tpu.memory_space<hbm>>) target_semaphore(%run_scoped3A : memref<!tpu.dma_semaphore, #tpu.memory_space<semaphore_mem>>)
      %dma_wait3A = arith.constant 0 : i32
      %dma_wait3A_21 = tpu.memref_slice %arg7[%add3A, %dma_wait3A] : memref<32x512xf32, #tpu.memory_space<hbm>> -> memref<1x512xf32, #tpu.memory_space<hbm>>
      %dma_wait3A_22 = tpu.memref_squeeze %dma_wait3A_21 : memref<1x512xf32, #tpu.memory_space<hbm>> -> memref<512xf32, #tpu.memory_space<hbm>>
      %dma_wait3A_23 = arith.constant 0 : i32
      %dma_wait3A_24 = tpu.memref_slice %arg7[%add3A, %dma_wait3A_23] : memref<32x512xf32, #tpu.memory_space<hbm>> -> memref<1x512xf32, #tpu.memory_space<hbm>>
      %dma_wait3A_25 = tpu.memref_squeeze %dma_wait3A_24 : memref<1x512xf32, #tpu.memory_space<hbm>> -> memref<512xf32, #tpu.memory_space<hbm>>
      tpu.wait_dma2 semaphore(%run_scoped3A : memref<!tpu.dma_semaphore, #tpu.memory_space<semaphore_mem>>) src(%arg14 : memref<512xf32, #tpu.memory_space<vmem>>) dst(%dma_wait3A_25 : memref<512xf32, #tpu.memory_space<hbm>>)
      tpu.yield
    }) : () -> ()
    return
  }
}

#map = affine_map<(d0, d1) -> (0, 0)>
#map1 = affine_map<(d0, d1) -> (0, 0, 0)>
#map2 = affine_map<(d0, d1) -> (0)>
module attributes {stable_mosaic.version = 14 : i64} {
  func.func @_rewritten_body(%arg0: i32, %arg1: i32, %arg2: memref<32x1024xf32, #tpu.memory_space<hbm>>, %arg3: memref<32x1024xf32, #tpu.memory_space<hbm>>, %arg4: memref<32x1024xf32, #tpu.memory_space<hbm>>, %arg5: memref<32x512xf32, #tpu.memory_space<hbm>>, %arg6: memref<32x512xf32, #tpu.memory_space<hbm>>, %arg7: memref<32x512xf32, #tpu.memory_space<hbm>>, %arg8: memref<32x512x1024xf32, #tpu.memory_space<hbm>>, %arg9: memref<1xf32, #tpu.memory_space<hbm>>, %arg10: memref<32x16384xf32, #tpu.memory_space<hbm>>, %arg11: memref<32x16384xf32, #tpu.memory_space<hbm>>, %arg12: memref<32x16384xf32, #tpu.memory_space<hbm>>, %arg13: memref<1024xf32, #tpu.memory_space<vmem>>, %arg14: memref<1024xf32, #tpu.memory_space<vmem>>, %arg15: memref<1024xf32, #tpu.memory_space<vmem>>, %arg16: memref<512xf32, #tpu.memory_space<vmem>>, %arg17: memref<512xf32, #tpu.memory_space<vmem>>, %arg18: memref<512xf32, #tpu.memory_space<vmem>>, %arg19: memref<16x1024xf32, #tpu.memory_space<vmem>>, %arg20: memref<16384xf32, #tpu.memory_space<vmem>>, %arg21: memref<16384xf32, #tpu.memory_space<vmem>>, %arg22: memref<16384xf32, #tpu.memory_space<vmem>>) attributes {dimension_semantics = [#tpu.dimension_semantics<core_parallel>, #tpu.dimension_semantics<subcore_parallel>], iteration_bounds = array<i64: 2, 16>, scalar_prefetch = 0 : i64, scratch_operands = 10 : i64, tpu.core_type = #tpu.core_type<sc_vector_subcore>, window_params = [{transform_indices = #map}, {transform_indices = #map}, {transform_indices = #map}, {transform_indices = #map}, {transform_indices = #map}, {transform_indices = #map}, {transform_indices = #map1}, {transform_indices = #map2}, {transform_indices = #map}, {transform_indices = #map}, {transform_indices = #map}]} {
    %empty_ref3A = memref.alloca() : memref<16xf32, #tpu.memory_space<vmem>>
    "tpu.region"() ({
      %run_scoped3A = tpu.sem_alloc : memref<!tpu.dma_semaphore, #tpu.memory_space<semaphore_mem>>
      %dma_start3A = arith.constant 0 : i32
      %dma_start3A_8 = tpu.memref_slice %empty_ref3A[%dma_start3A] : memref<16xf32, #tpu.memory_space<vmem>> -> memref<1xf32, #tpu.memory_space<vmem>>
      %dma_start3A_9 = arith.constant 0 : i32
      %dma_start3A_10 = tpu.memref_slice %empty_ref3A[%dma_start3A_9] : memref<16xf32, #tpu.memory_space<vmem>> -> memref<1xf32, #tpu.memory_space<vmem>>
      tpu.enqueue_dma source(%arg9 : memref<1xf32, #tpu.memory_space<hbm>>) target(%dma_start3A_10 : memref<1xf32, #tpu.memory_space<vmem>>) target_semaphore(%run_scoped3A : memref<!tpu.dma_semaphore, #tpu.memory_space<semaphore_mem>>)
      %dma_wait3A = arith.constant 0 : i32
      %dma_wait3A_11 = tpu.memref_slice %empty_ref3A[%dma_wait3A] : memref<16xf32, #tpu.memory_space<vmem>> -> memref<1xf32, #tpu.memory_space<vmem>>
      %dma_wait3A_12 = arith.constant 0 : i32
      %dma_wait3A_13 = tpu.memref_slice %empty_ref3A[%dma_wait3A_12] : memref<16xf32, #tpu.memory_space<vmem>> -> memref<1xf32, #tpu.memory_space<vmem>>
      tpu.wait_dma2 semaphore(%run_scoped3A : memref<!tpu.dma_semaphore, #tpu.memory_space<semaphore_mem>>) src(%arg9 : memref<1xf32, #tpu.memory_space<hbm>>) dst(%dma_wait3A_13 : memref<1xf32, #tpu.memory_space<vmem>>)
      tpu.yield
    }) : () -> ()
    %get3A = arith.constant 0 : index
    %get3A_0 = tpu.vector_load %empty_ref3A[%get3A] {strides = array<i32>} : memref<16xf32, #tpu.memory_space<vmem>>, vector<16xf32>,
    %slice3A = vector.extract_strided_slice %get3A_0 {offsets = [0], sizes = [1], strides = [1]} : vector<16xf32> to vector<1xf32>
    %squeeze3A = vector.extract %slice3A[0] : f32 from vector<1xf32>
    %mul3A = arith.constant 2 : i32
    %mul3A_1 = arith.muli %arg1, %mul3A : i32
    %add3A = arith.addi %mul3A_1, %arg0 : i32
    "tpu.region"() ({
      %run_scoped3A = tpu.sem_alloc : memref<!tpu.dma_semaphore, #tpu.memory_space<semaphore_mem>>
      %dma_start3A = arith.constant 0 : i32
      %dma_start3A_8 = tpu.memref_slice %arg2[%add3A, %dma_start3A] : memref<32x1024xf32, #tpu.memory_space<hbm>> -> memref<1x1024xf32, #tpu.memory_space<hbm>>
      %dma_start3A_9 = tpu.memref_squeeze %dma_start3A_8 : memref<1x1024xf32, #tpu.memory_space<hbm>> -> memref<1024xf32, #tpu.memory_space<hbm>>
      %dma_start3A_10 = arith.constant 0 : i32
      %dma_start3A_11 = tpu.memref_slice %arg2[%add3A, %dma_start3A_10] : memref<32x1024xf32, #tpu.memory_space<hbm>> -> memref<1x1024xf32, #tpu.memory_space<hbm>>
      %dma_start3A_12 = tpu.memref_squeeze %dma_start3A_11 : memref<1x1024xf32, #tpu.memory_space<hbm>> -> memref<1024xf32, #tpu.memory_space<hbm>>
      tpu.enqueue_dma source(%dma_start3A_12 : memref<1024xf32, #tpu.memory_space<hbm>>) target(%arg13 : memref<1024xf32, #tpu.memory_space<vmem>>) target_semaphore(%run_scoped3A : memref<!tpu.dma_semaphore, #tpu.memory_space<semaphore_mem>>)
      %dma_wait3A = arith.constant 0 : i32
      %dma_wait3A_13 = tpu.memref_slice %arg2[%add3A, %dma_wait3A] : memref<32x1024xf32, #tpu.memory_space<hbm>> -> memref<1x1024xf32, #tpu.memory_space<hbm>>
      %dma_wait3A_14 = tpu.memref_squeeze %dma_wait3A_13 : memref<1x1024xf32, #tpu.memory_space<hbm>> -> memref<1024xf32, #tpu.memory_space<hbm>>
      %dma_wait3A_15 = arith.constant 0 : i32
      %dma_wait3A_16 = tpu.memref_slice %arg2[%add3A, %dma_wait3A_15] : memref<32x1024xf32, #tpu.memory_space<hbm>> -> memref<1x1024xf32, #tpu.memory_space<hbm>>
      %dma_wait3A_17 = tpu.memref_squeeze %dma_wait3A_16 : memref<1x1024xf32, #tpu.memory_space<hbm>> -> memref<1024xf32, #tpu.memory_space<hbm>>
      tpu.wait_dma2 semaphore(%run_scoped3A : memref<!tpu.dma_semaphore, #tpu.memory_space<semaphore_mem>>) src(%dma_wait3A_17 : memref<1024xf32, #tpu.memory_space<hbm>>) dst(%arg13 : memref<1024xf32, #tpu.memory_space<vmem>>)
      tpu.yield
    }) : () -> ()
    "tpu.region"() ({
      %run_scoped3A = tpu.sem_alloc : memref<!tpu.dma_semaphore, #tpu.memory_space<semaphore_mem>>
      %dma_start3A = arith.constant 0 : i32
      %dma_start3A_8 = tpu.memref_slice %arg3[%add3A, %dma_start3A] : memref<32x1024xf32, #tpu.memory_space<hbm>> -> memref<1x1024xf32, #tpu.memory_space<hbm>>
      %dma_start3A_9 = tpu.memref_squeeze %dma_start3A_8 : memref<1x1024xf32, #tpu.memory_space<hbm>> -> memref<1024xf32, #tpu.memory_space<hbm>>
      %dma_start3A_10 = arith.constant 0 : i32
      %dma_start3A_11 = tpu.memref_slice %arg3[%add3A, %dma_start3A_10] : memref<32x1024xf32, #tpu.memory_space<hbm>> -> memref<1x1024xf32, #tpu.memory_space<hbm>>
      %dma_start3A_12 = tpu.memref_squeeze %dma_start3A_11 : memref<1x1024xf32, #tpu.memory_space<hbm>> -> memref<1024xf32, #tpu.memory_space<hbm>>
      tpu.enqueue_dma source(%dma_start3A_12 : memref<1024xf32, #tpu.memory_space<hbm>>) target(%arg14 : memref<1024xf32, #tpu.memory_space<vmem>>) target_semaphore(%run_scoped3A : memref<!tpu.dma_semaphore, #tpu.memory_space<semaphore_mem>>)
      %dma_wait3A = arith.constant 0 : i32
      %dma_wait3A_13 = tpu.memref_slice %arg3[%add3A, %dma_wait3A] : memref<32x1024xf32, #tpu.memory_space<hbm>> -> memref<1x1024xf32, #tpu.memory_space<hbm>>
      %dma_wait3A_14 = tpu.memref_squeeze %dma_wait3A_13 : memref<1x1024xf32, #tpu.memory_space<hbm>> -> memref<1024xf32, #tpu.memory_space<hbm>>
      %dma_wait3A_15 = arith.constant 0 : i32
      %dma_wait3A_16 = tpu.memref_slice %arg3[%add3A, %dma_wait3A_15] : memref<32x1024xf32, #tpu.memory_space<hbm>> -> memref<1x1024xf32, #tpu.memory_space<hbm>>
      %dma_wait3A_17 = tpu.memref_squeeze %dma_wait3A_16 : memref<1x1024xf32, #tpu.memory_space<hbm>> -> memref<1024xf32, #tpu.memory_space<hbm>>
      tpu.wait_dma2 semaphore(%run_scoped3A : memref<!tpu.dma_semaphore, #tpu.memory_space<semaphore_mem>>) src(%dma_wait3A_17 : memref<1024xf32, #tpu.memory_space<hbm>>) dst(%arg14 : memref<1024xf32, #tpu.memory_space<vmem>>)
      tpu.yield
    }) : () -> ()
    "tpu.region"() ({
      %run_scoped3A = tpu.sem_alloc : memref<!tpu.dma_semaphore, #tpu.memory_space<semaphore_mem>>
      %dma_start3A = arith.constant 0 : i32
      %dma_start3A_8 = tpu.memref_slice %arg4[%add3A, %dma_start3A] : memref<32x1024xf32, #tpu.memory_space<hbm>> -> memref<1x1024xf32, #tpu.memory_space<hbm>>
      %dma_start3A_9 = tpu.memref_squeeze %dma_start3A_8 : memref<1x1024xf32, #tpu.memory_space<hbm>> -> memref<1024xf32, #tpu.memory_space<hbm>>
      %dma_start3A_10 = arith.constant 0 : i32
      %dma_start3A_11 = tpu.memref_slice %arg4[%add3A, %dma_start3A_10] : memref<32x1024xf32, #tpu.memory_space<hbm>> -> memref<1x1024xf32, #tpu.memory_space<hbm>>
      %dma_start3A_12 = tpu.memref_squeeze %dma_start3A_11 : memref<1x1024xf32, #tpu.memory_space<hbm>> -> memref<1024xf32, #tpu.memory_space<hbm>>
      tpu.enqueue_dma source(%dma_start3A_12 : memref<1024xf32, #tpu.memory_space<hbm>>) target(%arg15 : memref<1024xf32, #tpu.memory_space<vmem>>) target_semaphore(%run_scoped3A : memref<!tpu.dma_semaphore, #tpu.memory_space<semaphore_mem>>)
      %dma_wait3A = arith.constant 0 : i32
      %dma_wait3A_13 = tpu.memref_slice %arg4[%add3A, %dma_wait3A] : memref<32x1024xf32, #tpu.memory_space<hbm>> -> memref<1x1024xf32, #tpu.memory_space<hbm>>
      %dma_wait3A_14 = tpu.memref_squeeze %dma_wait3A_13 : memref<1x1024xf32, #tpu.memory_space<hbm>> -> memref<1024xf32, #tpu.memory_space<hbm>>
      %dma_wait3A_15 = arith.constant 0 : i32
      %dma_wait3A_16 = tpu.memref_slice %arg4[%add3A, %dma_wait3A_15] : memref<32x1024xf32, #tpu.memory_space<hbm>> -> memref<1x1024xf32, #tpu.memory_space<hbm>>
      %dma_wait3A_17 = tpu.memref_squeeze %dma_wait3A_16 : memref<1x1024xf32, #tpu.memory_space<hbm>> -> memref<1024xf32, #tpu.memory_space<hbm>>
      tpu.wait_dma2 semaphore(%run_scoped3A : memref<!tpu.dma_semaphore, #tpu.memory_space<semaphore_mem>>) src(%dma_wait3A_17 : memref<1024xf32, #tpu.memory_space<hbm>>) dst(%arg15 : memref<1024xf32, #tpu.memory_space<vmem>>)
      tpu.yield
    }) : () -> ()
    "tpu.region"() ({
      %run_scoped3A = tpu.sem_alloc : memref<!tpu.dma_semaphore, #tpu.memory_space<semaphore_mem>>
      %dma_start3A = arith.constant 0 : i32
      %dma_start3A_8 = tpu.memref_slice %arg5[%add3A, %dma_start3A] : memref<32x512xf32, #tpu.memory_space<hbm>> -> memref<1x512xf32, #tpu.memory_space<hbm>>
      %dma_start3A_9 = tpu.memref_squeeze %dma_start3A_8 : memref<1x512xf32, #tpu.memory_space<hbm>> -> memref<512xf32, #tpu.memory_space<hbm>>
      %dma_start3A_10 = arith.constant 0 : i32
      %dma_start3A_11 = tpu.memref_slice %arg5[%add3A, %dma_start3A_10] : memref<32x512xf32, #tpu.memory_space<hbm>> -> memref<1x512xf32, #tpu.memory_space<hbm>>
      %dma_start3A_12 = tpu.memref_squeeze %dma_start3A_11 : memref<1x512xf32, #tpu.memory_space<hbm>> -> memref<512xf32, #tpu.memory_space<hbm>>
      tpu.enqueue_dma source(%dma_start3A_12 : memref<512xf32, #tpu.memory_space<hbm>>) target(%arg16 : memref<512xf32, #tpu.memory_space<vmem>>) target_semaphore(%run_scoped3A : memref<!tpu.dma_semaphore, #tpu.memory_space<semaphore_mem>>)
      %dma_wait3A = arith.constant 0 : i32
      %dma_wait3A_13 = tpu.memref_slice %arg5[%add3A, %dma_wait3A] : memref<32x512xf32, #tpu.memory_space<hbm>> -> memref<1x512xf32, #tpu.memory_space<hbm>>
      %dma_wait3A_14 = tpu.memref_squeeze %dma_wait3A_13 : memref<1x512xf32, #tpu.memory_space<hbm>> -> memref<512xf32, #tpu.memory_space<hbm>>
      %dma_wait3A_15 = arith.constant 0 : i32
      %dma_wait3A_16 = tpu.memref_slice %arg5[%add3A, %dma_wait3A_15] : memref<32x512xf32, #tpu.memory_space<hbm>> -> memref<1x512xf32, #tpu.memory_space<hbm>>
      %dma_wait3A_17 = tpu.memref_squeeze %dma_wait3A_16 : memref<1x512xf32, #tpu.memory_space<hbm>> -> memref<512xf32, #tpu.memory_space<hbm>>
      tpu.wait_dma2 semaphore(%run_scoped3A : memref<!tpu.dma_semaphore, #tpu.memory_space<semaphore_mem>>) src(%dma_wait3A_17 : memref<512xf32, #tpu.memory_space<hbm>>) dst(%arg16 : memref<512xf32, #tpu.memory_space<vmem>>)
      tpu.yield
    }) : () -> ()
    "tpu.region"() ({
      %run_scoped3A = tpu.sem_alloc : memref<!tpu.dma_semaphore, #tpu.memory_space<semaphore_mem>>
      %dma_start3A = arith.constant 0 : i32
      %dma_start3A_8 = tpu.memref_slice %arg6[%add3A, %dma_start3A] : memref<32x512xf32, #tpu.memory_space<hbm>> -> memref<1x512xf32, #tpu.memory_space<hbm>>
      %dma_start3A_9 = tpu.memref_squeeze %dma_start3A_8 : memref<1x512xf32, #tpu.memory_space<hbm>> -> memref<512xf32, #tpu.memory_space<hbm>>
      %dma_start3A_10 = arith.constant 0 : i32
      %dma_start3A_11 = tpu.memref_slice %arg6[%add3A, %dma_start3A_10] : memref<32x512xf32, #tpu.memory_space<hbm>> -> memref<1x512xf32, #tpu.memory_space<hbm>>
      %dma_start3A_12 = tpu.memref_squeeze %dma_start3A_11 : memref<1x512xf32, #tpu.memory_space<hbm>> -> memref<512xf32, #tpu.memory_space<hbm>>
      tpu.enqueue_dma source(%dma_start3A_12 : memref<512xf32, #tpu.memory_space<hbm>>) target(%arg17 : memref<512xf32, #tpu.memory_space<vmem>>) target_semaphore(%run_scoped3A : memref<!tpu.dma_semaphore, #tpu.memory_space<semaphore_mem>>)
      %dma_wait3A = arith.constant 0 : i32
      %dma_wait3A_13 = tpu.memref_slice %arg6[%add3A, %dma_wait3A] : memref<32x512xf32, #tpu.memory_space<hbm>> -> memref<1x512xf32, #tpu.memory_space<hbm>>
      %dma_wait3A_14 = tpu.memref_squeeze %dma_wait3A_13 : memref<1x512xf32, #tpu.memory_space<hbm>> -> memref<512xf32, #tpu.memory_space<hbm>>
      %dma_wait3A_15 = arith.constant 0 : i32
      %dma_wait3A_16 = tpu.memref_slice %arg6[%add3A, %dma_wait3A_15] : memref<32x512xf32, #tpu.memory_space<hbm>> -> memref<1x512xf32, #tpu.memory_space<hbm>>
      %dma_wait3A_17 = tpu.memref_squeeze %dma_wait3A_16 : memref<1x512xf32, #tpu.memory_space<hbm>> -> memref<512xf32, #tpu.memory_space<hbm>>
      tpu.wait_dma2 semaphore(%run_scoped3A : memref<!tpu.dma_semaphore, #tpu.memory_space<semaphore_mem>>) src(%dma_wait3A_17 : memref<512xf32, #tpu.memory_space<hbm>>) dst(%arg17 : memref<512xf32, #tpu.memory_space<vmem>>)
      tpu.yield
    }) : () -> ()
    "tpu.region"() ({
      %run_scoped3A = tpu.sem_alloc : memref<!tpu.dma_semaphore, #tpu.memory_space<semaphore_mem>>
      %dma_start3A = arith.constant 0 : i32
      %dma_start3A_8 = tpu.memref_slice %arg7[%add3A, %dma_start3A] : memref<32x512xf32, #tpu.memory_space<hbm>> -> memref<1x512xf32, #tpu.memory_space<hbm>>
      %dma_start3A_9 = tpu.memref_squeeze %dma_start3A_8 : memref<1x512xf32, #tpu.memory_space<hbm>> -> memref<512xf32, #tpu.memory_space<hbm>>
      %dma_start3A_10 = arith.constant 0 : i32
      %dma_start3A_11 = tpu.memref_slice %arg7[%add3A, %dma_start3A_10] : memref<32x512xf32, #tpu.memory_space<hbm>> -> memref<1x512xf32, #tpu.memory_space<hbm>>
      %dma_start3A_12 = tpu.memref_squeeze %dma_start3A_11 : memref<1x512xf32, #tpu.memory_space<hbm>> -> memref<512xf32, #tpu.memory_space<hbm>>
      tpu.enqueue_dma source(%dma_start3A_12 : memref<512xf32, #tpu.memory_space<hbm>>) target(%arg18 : memref<512xf32, #tpu.memory_space<vmem>>) target_semaphore(%run_scoped3A : memref<!tpu.dma_semaphore, #tpu.memory_space<semaphore_mem>>)
      %dma_wait3A = arith.constant 0 : i32
      %dma_wait3A_13 = tpu.memref_slice %arg7[%add3A, %dma_wait3A] : memref<32x512xf32, #tpu.memory_space<hbm>> -> memref<1x512xf32, #tpu.memory_space<hbm>>
      %dma_wait3A_14 = tpu.memref_squeeze %dma_wait3A_13 : memref<1x512xf32, #tpu.memory_space<hbm>> -> memref<512xf32, #tpu.memory_space<hbm>>
      %dma_wait3A_15 = arith.constant 0 : i32
      %dma_wait3A_16 = tpu.memref_slice %arg7[%add3A, %dma_wait3A_15] : memref<32x512xf32, #tpu.memory_space<hbm>> -> memref<1x512xf32, #tpu.memory_space<hbm>>
      %dma_wait3A_17 = tpu.memref_squeeze %dma_wait3A_16 : memref<1x512xf32, #tpu.memory_space<hbm>> -> memref<512xf32, #tpu.memory_space<hbm>>
      tpu.wait_dma2 semaphore(%run_scoped3A : memref<!tpu.dma_semaphore, #tpu.memory_space<semaphore_mem>>) src(%dma_wait3A_17 : memref<512xf32, #tpu.memory_space<hbm>>) dst(%arg18 : memref<512xf32, #tpu.memory_space<vmem>>)
      tpu.yield
    }) : () -> ()
    %iota3A = tpu.iota {dimensions = array<i32: 0>} : vector<16xi32>
    %scan3A = arith.constant 0 : i32
    %scan3A_2 = arith.constant 0 : i32
    %scan3A_3 = arith.constant 32 : i32
    %scan3A_4 = arith.addi %scan3A_2, %scan3A_3 : i32
    %scan3A_5 = arith.constant 1 : i32
    %scan3A_6 = scf.for %scan3A_8 = %scan3A_2 to %scan3A_4 step %scan3A_5 iter_args(%scan3A_9 = %scan3A) -> (i32)  : i32 {
      %mul3A_10 = arith.constant 16 : i32
      %mul3A_11 = arith.muli %scan3A_8, %mul3A_10 : i32
      "tpu.region"() ({
        %run_scoped3A = tpu.sem_alloc : memref<!tpu.dma_semaphore, #tpu.memory_space<semaphore_mem>>
        %dma_start3A = arith.constant 0 : i32
        %dma_start3A_20 = tpu.memref_slice %arg8[%add3A, %mul3A_11, %dma_start3A] : memref<32x512x1024xf32, #tpu.memory_space<hbm>> -> memref<1x16x1024xf32, #tpu.memory_space<hbm>>
        %dma_start3A_21 = tpu.memref_squeeze %dma_start3A_20 : memref<1x16x1024xf32, #tpu.memory_space<hbm>> -> memref<16x1024xf32, #tpu.memory_space<hbm>>
        %dma_start3A_22 = arith.constant 0 : i32
        %dma_start3A_23 = tpu.memref_slice %arg8[%add3A, %mul3A_11, %dma_start3A_22] : memref<32x512x1024xf32, #tpu.memory_space<hbm>> -> memref<1x16x1024xf32, #tpu.memory_space<hbm>>
        %dma_start3A_24 = tpu.memref_squeeze %dma_start3A_23 : memref<1x16x1024xf32, #tpu.memory_space<hbm>> -> memref<16x1024xf32, #tpu.memory_space<hbm>>
        tpu.enqueue_dma source(%dma_start3A_24 : memref<16x1024xf32, #tpu.memory_space<hbm>>) target(%arg19 : memref<16x1024xf32, #tpu.memory_space<vmem>>) target_semaphore(%run_scoped3A : memref<!tpu.dma_semaphore, #tpu.memory_space<semaphore_mem>>)
        %dma_wait3A = arith.constant 0 : i32
        %dma_wait3A_25 = tpu.memref_slice %arg8[%add3A, %mul3A_11, %dma_wait3A] : memref<32x512x1024xf32, #tpu.memory_space<hbm>> -> memref<1x16x1024xf32, #tpu.memory_space<hbm>>
        %dma_wait3A_26 = tpu.memref_squeeze %dma_wait3A_25 : memref<1x16x1024xf32, #tpu.memory_space<hbm>> -> memref<16x1024xf32, #tpu.memory_space<hbm>>
        %dma_wait3A_27 = arith.constant 0 : i32
        %dma_wait3A_28 = tpu.memref_slice %arg8[%add3A, %mul3A_11, %dma_wait3A_27] : memref<32x512x1024xf32, #tpu.memory_space<hbm>> -> memref<1x16x1024xf32, #tpu.memory_space<hbm>>
        %dma_wait3A_29 = tpu.memref_squeeze %dma_wait3A_28 : memref<1x16x1024xf32, #tpu.memory_space<hbm>> -> memref<16x1024xf32, #tpu.memory_space<hbm>>
        tpu.wait_dma2 semaphore(%run_scoped3A : memref<!tpu.dma_semaphore, #tpu.memory_space<semaphore_mem>>) src(%dma_wait3A_29 : memref<16x1024xf32, #tpu.memory_space<hbm>>) dst(%arg19 : memref<16x1024xf32, #tpu.memory_space<vmem>>)
        tpu.yield
      }) : () -> ()
      %scan3A_12 = arith.constant 0 : i32
      %scan3A_13 = arith.constant 0 : i32
      %scan3A_14 = arith.constant 16 : i32
      %scan3A_15 = arith.addi %scan3A_13, %scan3A_14 : i32
      %scan3A_16 = arith.constant 1 : i32
      %scan3A_17 = scf.for %scan3A_20 = %scan3A_13 to %scan3A_15 step %scan3A_16 iter_args(%scan3A_21 = %scan3A_12) -> (i32)  : i32 {
        %mul3A_22 = arith.constant 16 : i32
        %mul3A_23 = arith.muli %scan3A_8, %mul3A_22 : i32
        %add3A_24 = arith.addi %mul3A_23, %scan3A_20 : i32
        %broadcast_in_dim3A = vector.broadcast %add3A_24 : i32 to vector<16xi32>
        %broadcast_in_dim3A_25 = vector.broadcast %scan3A_20 : i32 to vector<16xi32>
        %gather3A = tpu.vector_load_idx %arg16[%broadcast_in_dim3A] : memref<512xf32, #tpu.memory_space<vmem>>[vector<16xi32>], vector<16xf32>,
        %gather3A_26 = tpu.vector_load_idx %arg17[%broadcast_in_dim3A] : memref<512xf32, #tpu.memory_space<vmem>>[vector<16xi32>], vector<16xf32>,
        %gather3A_27 = tpu.vector_load_idx %arg18[%broadcast_in_dim3A] : memref<512xf32, #tpu.memory_space<vmem>>[vector<16xi32>], vector<16xf32>,
        %mul3A_28 = arith.constant 32 : i32
        %mul3A_29 = arith.muli %add3A_24, %mul3A_28 : i32
        %broadcast_in_dim3A_30 = vector.broadcast %mul3A_29 : i32 to vector<16xi32>
        %broadcast_in_dim3A_31 = arith.constant 0 : i32
        %broadcast_in_dim3A_32 = vector.broadcast %broadcast_in_dim3A_31 : i32 to vector<16xi32>
        %scan3A_33 = arith.constant 0 : i32
        %scan3A_34 = arith.constant 16 : i32
        %scan3A_35 = arith.addi %scan3A_33, %scan3A_34 : i32
        %scan3A_36 = arith.constant 1 : i32
        %scan3A_37 = scf.for %scan3A_65 = %scan3A_33 to %scan3A_35 step %scan3A_36 iter_args(%scan3A_66 = %broadcast_in_dim3A_32) -> (vector<16xi32>)  : i32 {
          %mul3A_67 = arith.constant 4 : i32
          %mul3A_68 = arith.muli %scan3A_65, %mul3A_67 : i32
          %add3A_69 = arith.constant 0 : i32
          %add3A_70 = arith.addi %mul3A_68, %add3A_69 : i32
          %mul3A_71 = arith.constant 16 : i32
          %mul3A_72 = arith.muli %add3A_70, %mul3A_71 : i32
          %add3A_73 = vector.broadcast %mul3A_72 : i32 to vector<16xi32>
          %add3A_74 = arith.addi %add3A_73, %iota3A : vector<16xi32>
          %gather3A_75 = tpu.vector_load_idx %arg19[%broadcast_in_dim3A_25, %add3A_74] : memref<16x1024xf32, #tpu.memory_space<vmem>>[vector<16xi32>, vector<16xi32>], vector<16xf32>,
          %le3A = vector.broadcast %squeeze3A : f32 to vector<16xf32>
          %le3A_76 = arith.cmpf ole, %gather3A_75, %le3A : vector<16xf32>
          %convert_element_type3A = arith.extui %le3A_76 : vector<16xi1> to vector<16xi32>
          %broadcast_in_dim3A_77 = arith.constant true
          %broadcast_in_dim3A_78 = vector.broadcast %broadcast_in_dim3A_77 : i1 to vector<16xi1>
          %masked_cumsum3A = tpu.scan <sum>, %convert_element_type3A masked %broadcast_in_dim3A_78 : vector<16xi32>, vector<16xi1> -> vector<16xi32>
          %add3A_79 = arith.addi %scan3A_66, %masked_cumsum3A : vector<16xi32>
          %sub3A_80 = arith.constant 1 : i32
          %sub3A_81 = vector.broadcast %sub3A_80 : i32 to vector<16xi32>
          %sub3A_82 = arith.subi %add3A_79, %sub3A_81 : vector<16xi32>
          %lt3A = arith.constant 32 : i32
          %lt3A_83 = vector.broadcast %lt3A : i32 to vector<16xi32>
          %lt3A_84 = arith.cmpi slt, %sub3A_82, %lt3A_83 : vector<16xi32>
          %and3A = arith.andi %le3A_76, %lt3A_84 : vector<16xi1>
          %add3A_85 = arith.addi %broadcast_in_dim3A_30, %sub3A_82 : vector<16xi32>
          %get3A_86 = arith.index_cast %mul3A_72 : i32 to index
          %get3A_87 = tpu.vector_load %arg13[%get3A_86] {strides = array<i32>} : memref<1024xf32, #tpu.memory_space<vmem>>, vector<16xf32>,
          %sub3A_88 = arith.subf %get3A_87, %gather3A : vector<16xf32>
          tpu.vector_store_idx %arg20[%add3A_85], %sub3A_88 masked %and3A : memref<16384xf32, #tpu.memory_space<vmem>>[vector<16xi32>], vector<16xf32>, vector<16xi1>
          %get3A_89 = arith.index_cast %mul3A_72 : i32 to index
          %get3A_90 = tpu.vector_load %arg14[%get3A_89] {strides = array<i32>} : memref<1024xf32, #tpu.memory_space<vmem>>, vector<16xf32>,
          %sub3A_91 = arith.subf %get3A_90, %gather3A_26 : vector<16xf32>
          tpu.vector_store_idx %arg21[%add3A_85], %sub3A_91 masked %and3A : memref<16384xf32, #tpu.memory_space<vmem>>[vector<16xi32>], vector<16xf32>, vector<16xi1>
          %get3A_92 = arith.index_cast %mul3A_72 : i32 to index
          %get3A_93 = tpu.vector_load %arg15[%get3A_92] {strides = array<i32>} : memref<1024xf32, #tpu.memory_space<vmem>>, vector<16xf32>,
          %sub3A_94 = arith.subf %get3A_93, %gather3A_27 : vector<16xf32>
          tpu.vector_store_idx %arg22[%add3A_85], %sub3A_94 masked %and3A : memref<16384xf32, #tpu.memory_space<vmem>>[vector<16xi32>], vector<16xf32>, vector<16xi1>
          %all_reduce_population_count3A = tpu.all_reduce %le3A_76 {dim = 0 : i64, kind = #tpu.reduction_kind<sum>} : vector<16xi1> -> vector<16xi32>
          %add3A_95 = arith.addi %scan3A_66, %all_reduce_population_count3A : vector<16xi32>
          %mul3A_96 = arith.constant 4 : i32
          %mul3A_97 = arith.muli %scan3A_65, %mul3A_96 : i32
          %add3A_98 = arith.constant 1 : i32
          %add3A_99 = arith.addi %mul3A_97, %add3A_98 : i32
          %mul3A_100 = arith.constant 16 : i32
          %mul3A_101 = arith.muli %add3A_99, %mul3A_100 : i32
          %add3A_102 = vector.broadcast %mul3A_101 : i32 to vector<16xi32>
          %add3A_103 = arith.addi %add3A_102, %iota3A : vector<16xi32>
          %gather3A_104 = tpu.vector_load_idx %arg19[%broadcast_in_dim3A_25, %add3A_103] : memref<16x1024xf32, #tpu.memory_space<vmem>>[vector<16xi32>, vector<16xi32>], vector<16xf32>,
          %le3A_105 = vector.broadcast %squeeze3A : f32 to vector<16xf32>
          %le3A_106 = arith.cmpf ole, %gather3A_104, %le3A_105 : vector<16xf32>
          %convert_element_type3A_107 = arith.extui %le3A_106 : vector<16xi1> to vector<16xi32>
          %broadcast_in_dim3A_108 = arith.constant true
          %broadcast_in_dim3A_109 = vector.broadcast %broadcast_in_dim3A_108 : i1 to vector<16xi1>
          %masked_cumsum3A_110 = tpu.scan <sum>, %convert_element_type3A_107 masked %broadcast_in_dim3A_109 : vector<16xi32>, vector<16xi1> -> vector<16xi32>
          %add3A_111 = arith.addi %add3A_95, %masked_cumsum3A_110 : vector<16xi32>
          %sub3A_112 = arith.constant 1 : i32
          %sub3A_113 = vector.broadcast %sub3A_112 : i32 to vector<16xi32>
          %sub3A_114 = arith.subi %add3A_111, %sub3A_113 : vector<16xi32>
          %lt3A_115 = arith.constant 32 : i32
          %lt3A_116 = vector.broadcast %lt3A_115 : i32 to vector<16xi32>
          %lt3A_117 = arith.cmpi slt, %sub3A_114, %lt3A_116 : vector<16xi32>
          %and3A_118 = arith.andi %le3A_106, %lt3A_117 : vector<16xi1>
          %add3A_119 = arith.addi %broadcast_in_dim3A_30, %sub3A_114 : vector<16xi32>
          %get3A_120 = arith.index_cast %mul3A_101 : i32 to index
          %get3A_121 = tpu.vector_load %arg13[%get3A_120] {strides = array<i32>} : memref<1024xf32, #tpu.memory_space<vmem>>, vector<16xf32>,
          %sub3A_122 = arith.subf %get3A_121, %gather3A : vector<16xf32>
          tpu.vector_store_idx %arg20[%add3A_119], %sub3A_122 masked %and3A_118 : memref<16384xf32, #tpu.memory_space<vmem>>[vector<16xi32>], vector<16xf32>, vector<16xi1>
          %get3A_123 = arith.index_cast %mul3A_101 : i32 to index
          %get3A_124 = tpu.vector_load %arg14[%get3A_123] {strides = array<i32>} : memref<1024xf32, #tpu.memory_space<vmem>>, vector<16xf32>,
          %sub3A_125 = arith.subf %get3A_124, %gather3A_26 : vector<16xf32>
          tpu.vector_store_idx %arg21[%add3A_119], %sub3A_125 masked %and3A_118 : memref<16384xf32, #tpu.memory_space<vmem>>[vector<16xi32>], vector<16xf32>, vector<16xi1>
          %get3A_126 = arith.index_cast %mul3A_101 : i32 to index
          %get3A_127 = tpu.vector_load %arg15[%get3A_126] {strides = array<i32>} : memref<1024xf32, #tpu.memory_space<vmem>>, vector<16xf32>,
          %sub3A_128 = arith.subf %get3A_127, %gather3A_27 : vector<16xf32>
          tpu.vector_store_idx %arg22[%add3A_119], %sub3A_128 masked %and3A_118 : memref<16384xf32, #tpu.memory_space<vmem>>[vector<16xi32>], vector<16xf32>, vector<16xi1>
          %all_reduce_population_count3A_129 = tpu.all_reduce %le3A_106 {dim = 0 : i64, kind = #tpu.reduction_kind<sum>} : vector<16xi1> -> vector<16xi32>
          %add3A_130 = arith.addi %add3A_95, %all_reduce_population_count3A_129 : vector<16xi32>
          %mul3A_131 = arith.constant 4 : i32
          %mul3A_132 = arith.muli %scan3A_65, %mul3A_131 : i32
          %add3A_133 = arith.constant 2 : i32
          %add3A_134 = arith.addi %mul3A_132, %add3A_133 : i32
          %mul3A_135 = arith.constant 16 : i32
          %mul3A_136 = arith.muli %add3A_134, %mul3A_135 : i32
          %add3A_137 = vector.broadcast %mul3A_136 : i32 to vector<16xi32>
          %add3A_138 = arith.addi %add3A_137, %iota3A : vector<16xi32>
          %gather3A_139 = tpu.vector_load_idx %arg19[%broadcast_in_dim3A_25, %add3A_138] : memref<16x1024xf32, #tpu.memory_space<vmem>>[vector<16xi32>, vector<16xi32>], vector<16xf32>,
          %le3A_140 = vector.broadcast %squeeze3A : f32 to vector<16xf32>
          %le3A_141 = arith.cmpf ole, %gather3A_139, %le3A_140 : vector<16xf32>
          %convert_element_type3A_142 = arith.extui %le3A_141 : vector<16xi1> to vector<16xi32>
          %broadcast_in_dim3A_143 = arith.constant true
          %broadcast_in_dim3A_144 = vector.broadcast %broadcast_in_dim3A_143 : i1 to vector<16xi1>
          %masked_cumsum3A_145 = tpu.scan <sum>, %convert_element_type3A_142 masked %broadcast_in_dim3A_144 : vector<16xi32>, vector<16xi1> -> vector<16xi32>
          %add3A_146 = arith.addi %add3A_130, %masked_cumsum3A_145 : vector<16xi32>
          %sub3A_147 = arith.constant 1 : i32
          %sub3A_148 = vector.broadcast %sub3A_147 : i32 to vector<16xi32>
          %sub3A_149 = arith.subi %add3A_146, %sub3A_148 : vector<16xi32>
          %lt3A_150 = arith.constant 32 : i32
          %lt3A_151 = vector.broadcast %lt3A_150 : i32 to vector<16xi32>
          %lt3A_152 = arith.cmpi slt, %sub3A_149, %lt3A_151 : vector<16xi32>
          %and3A_153 = arith.andi %le3A_141, %lt3A_152 : vector<16xi1>
          %add3A_154 = arith.addi %broadcast_in_dim3A_30, %sub3A_149 : vector<16xi32>
          %get3A_155 = arith.index_cast %mul3A_136 : i32 to index
          %get3A_156 = tpu.vector_load %arg13[%get3A_155] {strides = array<i32>} : memref<1024xf32, #tpu.memory_space<vmem>>, vector<16xf32>,
          %sub3A_157 = arith.subf %get3A_156, %gather3A : vector<16xf32>
          tpu.vector_store_idx %arg20[%add3A_154], %sub3A_157 masked %and3A_153 : memref<16384xf32, #tpu.memory_space<vmem>>[vector<16xi32>], vector<16xf32>, vector<16xi1>
          %get3A_158 = arith.index_cast %mul3A_136 : i32 to index
          %get3A_159 = tpu.vector_load %arg14[%get3A_158] {strides = array<i32>} : memref<1024xf32, #tpu.memory_space<vmem>>, vector<16xf32>,
          %sub3A_160 = arith.subf %get3A_159, %gather3A_26 : vector<16xf32>
          tpu.vector_store_idx %arg21[%add3A_154], %sub3A_160 masked %and3A_153 : memref<16384xf32, #tpu.memory_space<vmem>>[vector<16xi32>], vector<16xf32>, vector<16xi1>
          %get3A_161 = arith.index_cast %mul3A_136 : i32 to index
          %get3A_162 = tpu.vector_load %arg15[%get3A_161] {strides = array<i32>} : memref<1024xf32, #tpu.memory_space<vmem>>, vector<16xf32>,
          %sub3A_163 = arith.subf %get3A_162, %gather3A_27 : vector<16xf32>
          tpu.vector_store_idx %arg22[%add3A_154], %sub3A_163 masked %and3A_153 : memref<16384xf32, #tpu.memory_space<vmem>>[vector<16xi32>], vector<16xf32>, vector<16xi1>
          %all_reduce_population_count3A_164 = tpu.all_reduce %le3A_141 {dim = 0 : i64, kind = #tpu.reduction_kind<sum>} : vector<16xi1> -> vector<16xi32>
          %add3A_165 = arith.addi %add3A_130, %all_reduce_population_count3A_164 : vector<16xi32>
          %mul3A_166 = arith.constant 4 : i32
          %mul3A_167 = arith.muli %scan3A_65, %mul3A_166 : i32
          %add3A_168 = arith.constant 3 : i32
          %add3A_169 = arith.addi %mul3A_167, %add3A_168 : i32
          %mul3A_170 = arith.constant 16 : i32
          %mul3A_171 = arith.muli %add3A_169, %mul3A_170 : i32
          %add3A_172 = vector.broadcast %mul3A_171 : i32 to vector<16xi32>
          %add3A_173 = arith.addi %add3A_172, %iota3A : vector<16xi32>
          %gather3A_174 = tpu.vector_load_idx %arg19[%broadcast_in_dim3A_25, %add3A_173] : memref<16x1024xf32, #tpu.memory_space<vmem>>[vector<16xi32>, vector<16xi32>], vector<16xf32>,
          %le3A_175 = vector.broadcast %squeeze3A : f32 to vector<16xf32>
          %le3A_176 = arith.cmpf ole, %gather3A_174, %le3A_175 : vector<16xf32>
          %convert_element_type3A_177 = arith.extui %le3A_176 : vector<16xi1> to vector<16xi32>
          %broadcast_in_dim3A_178 = arith.constant true
          %broadcast_in_dim3A_179 = vector.broadcast %broadcast_in_dim3A_178 : i1 to vector<16xi1>
          %masked_cumsum3A_180 = tpu.scan <sum>, %convert_element_type3A_177 masked %broadcast_in_dim3A_179 : vector<16xi32>, vector<16xi1> -> vector<16xi32>
          %add3A_181 = arith.addi %add3A_165, %masked_cumsum3A_180 : vector<16xi32>
          %sub3A_182 = arith.constant 1 : i32
          %sub3A_183 = vector.broadcast %sub3A_182 : i32 to vector<16xi32>
          %sub3A_184 = arith.subi %add3A_181, %sub3A_183 : vector<16xi32>
          %lt3A_185 = arith.constant 32 : i32
          %lt3A_186 = vector.broadcast %lt3A_185 : i32 to vector<16xi32>
          %lt3A_187 = arith.cmpi slt, %sub3A_184, %lt3A_186 : vector<16xi32>
          %and3A_188 = arith.andi %le3A_176, %lt3A_187 : vector<16xi1>
          %add3A_189 = arith.addi %broadcast_in_dim3A_30, %sub3A_184 : vector<16xi32>
          %get3A_190 = arith.index_cast %mul3A_171 : i32 to index
          %get3A_191 = tpu.vector_load %arg13[%get3A_190] {strides = array<i32>} : memref<1024xf32, #tpu.memory_space<vmem>>, vector<16xf32>,
          %sub3A_192 = arith.subf %get3A_191, %gather3A : vector<16xf32>
          tpu.vector_store_idx %arg20[%add3A_189], %sub3A_192 masked %and3A_188 : memref<16384xf32, #tpu.memory_space<vmem>>[vector<16xi32>], vector<16xf32>, vector<16xi1>
          %get3A_193 = arith.index_cast %mul3A_171 : i32 to index
          %get3A_194 = tpu.vector_load %arg14[%get3A_193] {strides = array<i32>} : memref<1024xf32, #tpu.memory_space<vmem>>, vector<16xf32>,
          %sub3A_195 = arith.subf %get3A_194, %gather3A_26 : vector<16xf32>
          tpu.vector_store_idx %arg21[%add3A_189], %sub3A_195 masked %and3A_188 : memref<16384xf32, #tpu.memory_space<vmem>>[vector<16xi32>], vector<16xf32>, vector<16xi1>
          %get3A_196 = arith.index_cast %mul3A_171 : i32 to index
          %get3A_197 = tpu.vector_load %arg15[%get3A_196] {strides = array<i32>} : memref<1024xf32, #tpu.memory_space<vmem>>, vector<16xf32>,
          %sub3A_198 = arith.subf %get3A_197, %gather3A_27 : vector<16xf32>
          tpu.vector_store_idx %arg22[%add3A_189], %sub3A_198 masked %and3A_188 : memref<16384xf32, #tpu.memory_space<vmem>>[vector<16xi32>], vector<16xf32>, vector<16xi1>
          %all_reduce_population_count3A_199 = tpu.all_reduce %le3A_176 {dim = 0 : i64, kind = #tpu.reduction_kind<sum>} : vector<16xi1> -> vector<16xi32>
          %add3A_200 = arith.addi %add3A_165, %all_reduce_population_count3A_199 : vector<16xi32>
          scf.yield %add3A_200 : vector<16xi32>
        }
        %scan3A_38 = arith.constant 16 : i32
        %broadcast_in_dim3A_39 = arith.constant 32 : i32
        %broadcast_in_dim3A_40 = vector.broadcast %broadcast_in_dim3A_39 : i32 to vector<16xi32>
        %min3A = arith.minsi %scan3A_37, %broadcast_in_dim3A_40 : vector<16xi32>
        %eq3A = arith.constant 0 : i32
        %eq3A_41 = vector.broadcast %eq3A : i32 to vector<16xi32>
        %eq3A_42 = arith.cmpi eq, %scan3A_37, %eq3A_41 : vector<16xi32>
        %broadcast_in_dim3A_43 = arith.constant 1023 : i32
        %broadcast_in_dim3A_44 = vector.broadcast %broadcast_in_dim3A_43 : i32 to vector<16xi32>
        %gather3A_45 = tpu.vector_load_idx %arg13[%broadcast_in_dim3A_44] : memref<1024xf32, #tpu.memory_space<vmem>>[vector<16xi32>], vector<16xf32>,
        %sub3A = arith.subf %gather3A_45, %gather3A : vector<16xf32>
        %gather3A_46 = tpu.vector_load_idx %arg20[%broadcast_in_dim3A_30] : memref<16384xf32, #tpu.memory_space<vmem>>[vector<16xi32>], vector<16xf32>,
        %select_n3A = arith.select %eq3A_42, %sub3A, %gather3A_46 : vector<16xi1>, vector<16xf32>
        %gather3A_47 = tpu.vector_load_idx %arg14[%broadcast_in_dim3A_44] : memref<1024xf32, #tpu.memory_space<vmem>>[vector<16xi32>], vector<16xf32>,
        %sub3A_48 = arith.subf %gather3A_47, %gather3A_26 : vector<16xf32>
        %gather3A_49 = tpu.vector_load_idx %arg21[%broadcast_in_dim3A_30] : memref<16384xf32, #tpu.memory_space<vmem>>[vector<16xi32>], vector<16xf32>,
        %select_n3A_50 = arith.select %eq3A_42, %sub3A_48, %gather3A_49 : vector<16xi1>, vector<16xf32>
        %gather3A_51 = tpu.vector_load_idx %arg15[%broadcast_in_dim3A_44] : memref<1024xf32, #tpu.memory_space<vmem>>[vector<16xi32>], vector<16xf32>,
        %sub3A_52 = arith.subf %gather3A_51, %gather3A_27 : vector<16xf32>
        %gather3A_53 = tpu.vector_load_idx %arg22[%broadcast_in_dim3A_30] : memref<16384xf32, #tpu.memory_space<vmem>>[vector<16xi32>], vector<16xf32>,
        %select_n3A_54 = arith.select %eq3A_42, %sub3A_52, %gather3A_53 : vector<16xi1>, vector<16xf32>
        %broadcast_in_dim3A_55 = arith.constant 0 : i32
        %broadcast_in_dim3A_56 = vector.broadcast %broadcast_in_dim3A_55 : i32 to vector<16xi32>
        %add3A_57 = arith.addi %broadcast_in_dim3A_56, %iota3A : vector<16xi32>
        %ge3A = arith.cmpi sge, %add3A_57, %min3A : vector<16xi32>
        %add3A_58 = arith.addi %broadcast_in_dim3A_30, %add3A_57 : vector<16xi32>
        tpu.vector_store_idx %arg20[%add3A_58], %select_n3A masked %ge3A : memref<16384xf32, #tpu.memory_space<vmem>>[vector<16xi32>], vector<16xf32>, vector<16xi1>
        tpu.vector_store_idx %arg21[%add3A_58], %select_n3A_50 masked %ge3A : memref<16384xf32, #tpu.memory_space<vmem>>[vector<16xi32>], vector<16xf32>, vector<16xi1>
        tpu.vector_store_idx %arg22[%add3A_58], %select_n3A_54 masked %ge3A : memref<16384xf32, #tpu.memory_space<vmem>>[vector<16xi32>], vector<16xf32>, vector<16xi1>
        %broadcast_in_dim3A_59 = arith.constant 16 : i32
        %broadcast_in_dim3A_60 = vector.broadcast %broadcast_in_dim3A_59 : i32 to vector<16xi32>
        %add3A_61 = arith.addi %broadcast_in_dim3A_60, %iota3A : vector<16xi32>
        %ge3A_62 = arith.cmpi sge, %add3A_61, %min3A : vector<16xi32>
        %add3A_63 = arith.addi %broadcast_in_dim3A_30, %add3A_61 : vector<16xi32>
        tpu.vector_store_idx %arg20[%add3A_63], %select_n3A masked %ge3A_62 : memref<16384xf32, #tpu.memory_space<vmem>>[vector<16xi32>], vector<16xf32>, vector<16xi1>
        tpu.vector_store_idx %arg21[%add3A_63], %select_n3A_50 masked %ge3A_62 : memref<16384xf32, #tpu.memory_space<vmem>>[vector<16xi32>], vector<16xf32>, vector<16xi1>
        tpu.vector_store_idx %arg22[%add3A_63], %select_n3A_54 masked %ge3A_62 : memref<16384xf32, #tpu.memory_space<vmem>>[vector<16xi32>], vector<16xf32>, vector<16xi1>
        %scan3A_64 = arith.constant 0 : i32
        scf.yield %scan3A_64 : i32
      }
      %scan3A_18 = arith.constant 16 : i32
      %scan3A_19 = arith.constant 0 : i32
      scf.yield %scan3A_19 : i32
    }
    %scan3A_7 = arith.constant 32 : i32
    "tpu.region"() ({
      %run_scoped3A = tpu.sem_alloc : memref<!tpu.dma_semaphore, #tpu.memory_space<semaphore_mem>>
      %dma_start3A = arith.constant 0 : i32
      %dma_start3A_8 = tpu.memref_slice %arg10[%add3A, %dma_start3A] : memref<32x16384xf32, #tpu.memory_space<hbm>> -> memref<1x16384xf32, #tpu.memory_space<hbm>>
      %dma_start3A_9 = tpu.memref_squeeze %dma_start3A_8 : memref<1x16384xf32, #tpu.memory_space<hbm>> -> memref<16384xf32, #tpu.memory_space<hbm>>
      %dma_start3A_10 = arith.constant 0 : i32
      %dma_start3A_11 = tpu.memref_slice %arg10[%add3A, %dma_start3A_10] : memref<32x16384xf32, #tpu.memory_space<hbm>> -> memref<1x16384xf32, #tpu.memory_space<hbm>>
      %dma_start3A_12 = tpu.memref_squeeze %dma_start3A_11 : memref<1x16384xf32, #tpu.memory_space<hbm>> -> memref<16384xf32, #tpu.memory_space<hbm>>
      tpu.enqueue_dma source(%arg20 : memref<16384xf32, #tpu.memory_space<vmem>>) target(%dma_start3A_12 : memref<16384xf32, #tpu.memory_space<hbm>>) target_semaphore(%run_scoped3A : memref<!tpu.dma_semaphore, #tpu.memory_space<semaphore_mem>>)
      %dma_wait3A = arith.constant 0 : i32
      %dma_wait3A_13 = tpu.memref_slice %arg10[%add3A, %dma_wait3A] : memref<32x16384xf32, #tpu.memory_space<hbm>> -> memref<1x16384xf32, #tpu.memory_space<hbm>>
      %dma_wait3A_14 = tpu.memref_squeeze %dma_wait3A_13 : memref<1x16384xf32, #tpu.memory_space<hbm>> -> memref<16384xf32, #tpu.memory_space<hbm>>
      %dma_wait3A_15 = arith.constant 0 : i32
      %dma_wait3A_16 = tpu.memref_slice %arg10[%add3A, %dma_wait3A_15] : memref<32x16384xf32, #tpu.memory_space<hbm>> -> memref<1x16384xf32, #tpu.memory_space<hbm>>
      %dma_wait3A_17 = tpu.memref_squeeze %dma_wait3A_16 : memref<1x16384xf32, #tpu.memory_space<hbm>> -> memref<16384xf32, #tpu.memory_space<hbm>>
      tpu.wait_dma2 semaphore(%run_scoped3A : memref<!tpu.dma_semaphore, #tpu.memory_space<semaphore_mem>>) src(%arg20 : memref<16384xf32, #tpu.memory_space<vmem>>) dst(%dma_wait3A_17 : memref<16384xf32, #tpu.memory_space<hbm>>)
      tpu.yield
    }) : () -> ()
    "tpu.region"() ({
      %run_scoped3A = tpu.sem_alloc : memref<!tpu.dma_semaphore, #tpu.memory_space<semaphore_mem>>
      %dma_start3A = arith.constant 0 : i32
      %dma_start3A_8 = tpu.memref_slice %arg11[%add3A, %dma_start3A] : memref<32x16384xf32, #tpu.memory_space<hbm>> -> memref<1x16384xf32, #tpu.memory_space<hbm>>
      %dma_start3A_9 = tpu.memref_squeeze %dma_start3A_8 : memref<1x16384xf32, #tpu.memory_space<hbm>> -> memref<16384xf32, #tpu.memory_space<hbm>>
      %dma_start3A_10 = arith.constant 0 : i32
      %dma_start3A_11 = tpu.memref_slice %arg11[%add3A, %dma_start3A_10] : memref<32x16384xf32, #tpu.memory_space<hbm>> -> memref<1x16384xf32, #tpu.memory_space<hbm>>
      %dma_start3A_12 = tpu.memref_squeeze %dma_start3A_11 : memref<1x16384xf32, #tpu.memory_space<hbm>> -> memref<16384xf32, #tpu.memory_space<hbm>>
      tpu.enqueue_dma source(%arg21 : memref<16384xf32, #tpu.memory_space<vmem>>) target(%dma_start3A_12 : memref<16384xf32, #tpu.memory_space<hbm>>) target_semaphore(%run_scoped3A : memref<!tpu.dma_semaphore, #tpu.memory_space<semaphore_mem>>)
      %dma_wait3A = arith.constant 0 : i32
      %dma_wait3A_13 = tpu.memref_slice %arg11[%add3A, %dma_wait3A] : memref<32x16384xf32, #tpu.memory_space<hbm>> -> memref<1x16384xf32, #tpu.memory_space<hbm>>
      %dma_wait3A_14 = tpu.memref_squeeze %dma_wait3A_13 : memref<1x16384xf32, #tpu.memory_space<hbm>> -> memref<16384xf32, #tpu.memory_space<hbm>>
      %dma_wait3A_15 = arith.constant 0 : i32
      %dma_wait3A_16 = tpu.memref_slice %arg11[%add3A, %dma_wait3A_15] : memref<32x16384xf32, #tpu.memory_space<hbm>> -> memref<1x16384xf32, #tpu.memory_space<hbm>>
      %dma_wait3A_17 = tpu.memref_squeeze %dma_wait3A_16 : memref<1x16384xf32, #tpu.memory_space<hbm>> -> memref<16384xf32, #tpu.memory_space<hbm>>
      tpu.wait_dma2 semaphore(%run_scoped3A : memref<!tpu.dma_semaphore, #tpu.memory_space<semaphore_mem>>) src(%arg21 : memref<16384xf32, #tpu.memory_space<vmem>>) dst(%dma_wait3A_17 : memref<16384xf32, #tpu.memory_space<hbm>>)
      tpu.yield
    }) : () -> ()
    "tpu.region"() ({
      %run_scoped3A = tpu.sem_alloc : memref<!tpu.dma_semaphore, #tpu.memory_space<semaphore_mem>>
      %dma_start3A = arith.constant 0 : i32
      %dma_start3A_8 = tpu.memref_slice %arg12[%add3A, %dma_start3A] : memref<32x16384xf32, #tpu.memory_space<hbm>> -> memref<1x16384xf32, #tpu.memory_space<hbm>>
      %dma_start3A_9 = tpu.memref_squeeze %dma_start3A_8 : memref<1x16384xf32, #tpu.memory_space<hbm>> -> memref<16384xf32, #tpu.memory_space<hbm>>
      %dma_start3A_10 = arith.constant 0 : i32
      %dma_start3A_11 = tpu.memref_slice %arg12[%add3A, %dma_start3A_10] : memref<32x16384xf32, #tpu.memory_space<hbm>> -> memref<1x16384xf32, #tpu.memory_space<hbm>>
      %dma_start3A_12 = tpu.memref_squeeze %dma_start3A_11 : memref<1x16384xf32, #tpu.memory_space<hbm>> -> memref<16384xf32, #tpu.memory_space<hbm>>
      tpu.enqueue_dma source(%arg22 : memref<16384xf32, #tpu.memory_space<vmem>>) target(%dma_start3A_12 : memref<16384xf32, #tpu.memory_space<hbm>>) target_semaphore(%run_scoped3A : memref<!tpu.dma_semaphore, #tpu.memory_space<semaphore_mem>>)
      %dma_wait3A = arith.constant 0 : i32
      %dma_wait3A_13 = tpu.memref_slice %arg12[%add3A, %dma_wait3A] : memref<32x16384xf32, #tpu.memory_space<hbm>> -> memref<1x16384xf32, #tpu.memory_space<hbm>>
      %dma_wait3A_14 = tpu.memref_squeeze %dma_wait3A_13 : memref<1x16384xf32, #tpu.memory_space<hbm>> -> memref<16384xf32, #tpu.memory_space<hbm>>
      %dma_wait3A_15 = arith.constant 0 : i32
      %dma_wait3A_16 = tpu.memref_slice %arg12[%add3A, %dma_wait3A_15] : memref<32x16384xf32, #tpu.memory_space<hbm>> -> memref<1x16384xf32, #tpu.memory_space<hbm>>
      %dma_wait3A_17 = tpu.memref_squeeze %dma_wait3A_16 : memref<1x16384xf32, #tpu.memory_space<hbm>> -> memref<16384xf32, #tpu.memory_space<hbm>>
      tpu.wait_dma2 semaphore(%run_scoped3A : memref<!tpu.dma_semaphore, #tpu.memory_space<semaphore_mem>>) src(%arg22 : memref<16384xf32, #tpu.memory_space<vmem>>) dst(%dma_wait3A_17 : memref<16384xf32, #tpu.memory_space<hbm>>)
      tpu.yield
    }) : () -> ()
    return
  }
}

#map = affine_map<(d0, d1) -> (0, 0)>
module attributes {stable_mosaic.version = 14 : i64} {
  func.func @body(%arg0: i32, %arg1: i32, %arg2: memref<32x512xf32, #tpu.memory_space<hbm>>, %arg3: memref<32x512xf32, #tpu.memory_space<hbm>>, %arg4: memref<32x512xf32, #tpu.memory_space<hbm>>, %arg5: memref<32x128xf32, #tpu.memory_space<hbm>>, %arg6: memref<32x128xf32, #tpu.memory_space<hbm>>, %arg7: memref<32x128xf32, #tpu.memory_space<hbm>>, %arg8: memref<512xf32, #tpu.memory_space<vmem>>, %arg9: memref<512xf32, #tpu.memory_space<vmem>>, %arg10: memref<512xf32, #tpu.memory_space<vmem>>, %arg11: memref<512xf32, #tpu.memory_space<vmem>>, %arg12: memref<128xf32, #tpu.memory_space<vmem>>, %arg13: memref<128xf32, #tpu.memory_space<vmem>>, %arg14: memref<128xf32, #tpu.memory_space<vmem>>) attributes {dimension_semantics = [#tpu.dimension_semantics<core_parallel>, #tpu.dimension_semantics<subcore_parallel>], iteration_bounds = array<i64: 2, 16>, scalar_prefetch = 0 : i64, scratch_operands = 7 : i64, tpu.core_type = #tpu.core_type<sc_vector_subcore>, window_params = [{transform_indices = #map}, {transform_indices = #map}, {transform_indices = #map}, {transform_indices = #map}, {transform_indices = #map}, {transform_indices = #map}]} {
    %mul3A = arith.constant 2 : i32
    %mul3A_0 = arith.muli %arg1, %mul3A : i32
    %add3A = arith.addi %mul3A_0, %arg0 : i32
    "tpu.region"() ({
      %run_scoped3A = tpu.sem_alloc : memref<!tpu.dma_semaphore, #tpu.memory_space<semaphore_mem>>
      %dma_start3A = arith.constant 0 : i32
      %dma_start3A_16 = tpu.memref_slice %arg2[%add3A, %dma_start3A] : memref<32x512xf32, #tpu.memory_space<hbm>> -> memref<1x512xf32, #tpu.memory_space<hbm>>
      %dma_start3A_17 = tpu.memref_squeeze %dma_start3A_16 : memref<1x512xf32, #tpu.memory_space<hbm>> -> memref<512xf32, #tpu.memory_space<hbm>>
      %dma_start3A_18 = arith.constant 0 : i32
      %dma_start3A_19 = tpu.memref_slice %arg2[%add3A, %dma_start3A_18] : memref<32x512xf32, #tpu.memory_space<hbm>> -> memref<1x512xf32, #tpu.memory_space<hbm>>
      %dma_start3A_20 = tpu.memref_squeeze %dma_start3A_19 : memref<1x512xf32, #tpu.memory_space<hbm>> -> memref<512xf32, #tpu.memory_space<hbm>>
      tpu.enqueue_dma source(%dma_start3A_20 : memref<512xf32, #tpu.memory_space<hbm>>) target(%arg8 : memref<512xf32, #tpu.memory_space<vmem>>) target_semaphore(%run_scoped3A : memref<!tpu.dma_semaphore, #tpu.memory_space<semaphore_mem>>)
      %dma_wait3A = arith.constant 0 : i32
      %dma_wait3A_21 = tpu.memref_slice %arg2[%add3A, %dma_wait3A] : memref<32x512xf32, #tpu.memory_space<hbm>> -> memref<1x512xf32, #tpu.memory_space<hbm>>
      %dma_wait3A_22 = tpu.memref_squeeze %dma_wait3A_21 : memref<1x512xf32, #tpu.memory_space<hbm>> -> memref<512xf32, #tpu.memory_space<hbm>>
      %dma_wait3A_23 = arith.constant 0 : i32
      %dma_wait3A_24 = tpu.memref_slice %arg2[%add3A, %dma_wait3A_23] : memref<32x512xf32, #tpu.memory_space<hbm>> -> memref<1x512xf32, #tpu.memory_space<hbm>>
      %dma_wait3A_25 = tpu.memref_squeeze %dma_wait3A_24 : memref<1x512xf32, #tpu.memory_space<hbm>> -> memref<512xf32, #tpu.memory_space<hbm>>
      tpu.wait_dma2 semaphore(%run_scoped3A : memref<!tpu.dma_semaphore, #tpu.memory_space<semaphore_mem>>) src(%dma_wait3A_25 : memref<512xf32, #tpu.memory_space<hbm>>) dst(%arg8 : memref<512xf32, #tpu.memory_space<vmem>>)
      tpu.yield
    }) : () -> ()
    "tpu.region"() ({
      %run_scoped3A = tpu.sem_alloc : memref<!tpu.dma_semaphore, #tpu.memory_space<semaphore_mem>>
      %dma_start3A = arith.constant 0 : i32
      %dma_start3A_16 = tpu.memref_slice %arg3[%add3A, %dma_start3A] : memref<32x512xf32, #tpu.memory_space<hbm>> -> memref<1x512xf32, #tpu.memory_space<hbm>>
      %dma_start3A_17 = tpu.memref_squeeze %dma_start3A_16 : memref<1x512xf32, #tpu.memory_space<hbm>> -> memref<512xf32, #tpu.memory_space<hbm>>
      %dma_start3A_18 = arith.constant 0 : i32
      %dma_start3A_19 = tpu.memref_slice %arg3[%add3A, %dma_start3A_18] : memref<32x512xf32, #tpu.memory_space<hbm>> -> memref<1x512xf32, #tpu.memory_space<hbm>>
      %dma_start3A_20 = tpu.memref_squeeze %dma_start3A_19 : memref<1x512xf32, #tpu.memory_space<hbm>> -> memref<512xf32, #tpu.memory_space<hbm>>
      tpu.enqueue_dma source(%dma_start3A_20 : memref<512xf32, #tpu.memory_space<hbm>>) target(%arg9 : memref<512xf32, #tpu.memory_space<vmem>>) target_semaphore(%run_scoped3A : memref<!tpu.dma_semaphore, #tpu.memory_space<semaphore_mem>>)
      %dma_wait3A = arith.constant 0 : i32
      %dma_wait3A_21 = tpu.memref_slice %arg3[%add3A, %dma_wait3A] : memref<32x512xf32, #tpu.memory_space<hbm>> -> memref<1x512xf32, #tpu.memory_space<hbm>>
      %dma_wait3A_22 = tpu.memref_squeeze %dma_wait3A_21 : memref<1x512xf32, #tpu.memory_space<hbm>> -> memref<512xf32, #tpu.memory_space<hbm>>
      %dma_wait3A_23 = arith.constant 0 : i32
      %dma_wait3A_24 = tpu.memref_slice %arg3[%add3A, %dma_wait3A_23] : memref<32x512xf32, #tpu.memory_space<hbm>> -> memref<1x512xf32, #tpu.memory_space<hbm>>
      %dma_wait3A_25 = tpu.memref_squeeze %dma_wait3A_24 : memref<1x512xf32, #tpu.memory_space<hbm>> -> memref<512xf32, #tpu.memory_space<hbm>>
      tpu.wait_dma2 semaphore(%run_scoped3A : memref<!tpu.dma_semaphore, #tpu.memory_space<semaphore_mem>>) src(%dma_wait3A_25 : memref<512xf32, #tpu.memory_space<hbm>>) dst(%arg9 : memref<512xf32, #tpu.memory_space<vmem>>)
      tpu.yield
    }) : () -> ()
    "tpu.region"() ({
      %run_scoped3A = tpu.sem_alloc : memref<!tpu.dma_semaphore, #tpu.memory_space<semaphore_mem>>
      %dma_start3A = arith.constant 0 : i32
      %dma_start3A_16 = tpu.memref_slice %arg4[%add3A, %dma_start3A] : memref<32x512xf32, #tpu.memory_space<hbm>> -> memref<1x512xf32, #tpu.memory_space<hbm>>
      %dma_start3A_17 = tpu.memref_squeeze %dma_start3A_16 : memref<1x512xf32, #tpu.memory_space<hbm>> -> memref<512xf32, #tpu.memory_space<hbm>>
      %dma_start3A_18 = arith.constant 0 : i32
      %dma_start3A_19 = tpu.memref_slice %arg4[%add3A, %dma_start3A_18] : memref<32x512xf32, #tpu.memory_space<hbm>> -> memref<1x512xf32, #tpu.memory_space<hbm>>
      %dma_start3A_20 = tpu.memref_squeeze %dma_start3A_19 : memref<1x512xf32, #tpu.memory_space<hbm>> -> memref<512xf32, #tpu.memory_space<hbm>>
      tpu.enqueue_dma source(%dma_start3A_20 : memref<512xf32, #tpu.memory_space<hbm>>) target(%arg10 : memref<512xf32, #tpu.memory_space<vmem>>) target_semaphore(%run_scoped3A : memref<!tpu.dma_semaphore, #tpu.memory_space<semaphore_mem>>)
      %dma_wait3A = arith.constant 0 : i32
      %dma_wait3A_21 = tpu.memref_slice %arg4[%add3A, %dma_wait3A] : memref<32x512xf32, #tpu.memory_space<hbm>> -> memref<1x512xf32, #tpu.memory_space<hbm>>
      %dma_wait3A_22 = tpu.memref_squeeze %dma_wait3A_21 : memref<1x512xf32, #tpu.memory_space<hbm>> -> memref<512xf32, #tpu.memory_space<hbm>>
      %dma_wait3A_23 = arith.constant 0 : i32
      %dma_wait3A_24 = tpu.memref_slice %arg4[%add3A, %dma_wait3A_23] : memref<32x512xf32, #tpu.memory_space<hbm>> -> memref<1x512xf32, #tpu.memory_space<hbm>>
      %dma_wait3A_25 = tpu.memref_squeeze %dma_wait3A_24 : memref<1x512xf32, #tpu.memory_space<hbm>> -> memref<512xf32, #tpu.memory_space<hbm>>
      tpu.wait_dma2 semaphore(%run_scoped3A : memref<!tpu.dma_semaphore, #tpu.memory_space<semaphore_mem>>) src(%dma_wait3A_25 : memref<512xf32, #tpu.memory_space<hbm>>) dst(%arg10 : memref<512xf32, #tpu.memory_space<vmem>>)
      tpu.yield
    }) : () -> ()
    %iota3A = tpu.iota {dimensions = array<i32: 0>} : vector<16xi32>
    %eq3A = arith.constant 0 : i32
    %eq3A_1 = vector.broadcast %eq3A : i32 to vector<16xi32>
    %eq3A_2 = arith.cmpi eq, %iota3A, %eq3A_1 : vector<16xi32>
    %scan3A = arith.constant 0 : i32
    %scan3A_3 = arith.constant 0 : i32
    %scan3A_4 = arith.constant 32 : i32
    %scan3A_5 = arith.addi %scan3A_3, %scan3A_4 : i32
    %scan3A_6 = arith.constant 1 : i32
    %scan3A_7 = scf.for %scan3A_16 = %scan3A_3 to %scan3A_5 step %scan3A_6 iter_args(%scan3A_17 = %scan3A) -> (i32)  : i32 {
      %broadcast_in_dim3A_18 = arith.constant 1.000000e+10 : f32
      %broadcast_in_dim3A_19 = vector.broadcast %broadcast_in_dim3A_18 : f32 to vector<16xf32>
      %mul3A_20 = arith.constant 16 : i32
      %mul3A_21 = arith.muli %scan3A_16, %mul3A_20 : i32
      %swap3A = arith.index_cast %mul3A_21 : i32 to index
      %swap3A_22 = tpu.vector_load %arg11[%swap3A] {strides = array<i32>} : memref<512xf32, #tpu.memory_space<vmem>>, vector<16xf32>,
      tpu.vector_store %arg11[%swap3A], %broadcast_in_dim3A_19 {strides = array<i32>} : memref<512xf32, #tpu.memory_space<vmem>>, vector<16xf32>,
      %scan3A_23 = arith.constant 0 : i32
      scf.yield %scan3A_23 : i32
    }
    %scan3A_8 = arith.constant 32 : i32
    %broadcast_in_dim3A = arith.constant 0 : i32
    %broadcast_in_dim3A_9 = vector.broadcast %broadcast_in_dim3A : i32 to vector<16xi32>
    %scan3A_10 = arith.constant 0 : i32
    %scan3A_11 = arith.constant 128 : i32
    %scan3A_12 = arith.addi %scan3A_10, %scan3A_11 : i32
    %scan3A_13 = arith.constant 1 : i32
    %scan3A_14 = scf.for %scan3A_16 = %scan3A_10 to %scan3A_12 step %scan3A_13 iter_args(%scan3A_17 = %broadcast_in_dim3A_9) -> (vector<16xi32>)  : i32 {
      %gather3A = tpu.vector_load_idx %arg8[%scan3A_17] : memref<512xf32, #tpu.memory_space<vmem>>[vector<16xi32>], vector<16xf32>,
      %gather3A_18 = tpu.vector_load_idx %arg9[%scan3A_17] : memref<512xf32, #tpu.memory_space<vmem>>[vector<16xi32>], vector<16xf32>,
      %gather3A_19 = tpu.vector_load_idx %arg10[%scan3A_17] : memref<512xf32, #tpu.memory_space<vmem>>[vector<16xi32>], vector<16xf32>,
      %broadcast_in_dim3A_20 = vector.broadcast %scan3A_16 : i32 to vector<16xi32>
      tpu.vector_store_idx %arg12[%broadcast_in_dim3A_20], %gather3A masked %eq3A_2 : memref<128xf32, #tpu.memory_space<vmem>>[vector<16xi32>], vector<16xf32>, vector<16xi1>
      tpu.vector_store_idx %arg13[%broadcast_in_dim3A_20], %gather3A_18 masked %eq3A_2 : memref<128xf32, #tpu.memory_space<vmem>>[vector<16xi32>], vector<16xf32>, vector<16xi1>
      tpu.vector_store_idx %arg14[%broadcast_in_dim3A_20], %gather3A_19 masked %eq3A_2 : memref<128xf32, #tpu.memory_space<vmem>>[vector<16xi32>], vector<16xf32>, vector<16xi1>
      %broadcast_in_dim3A_21 = arith.constant -1.000000e+00 : f32
      %broadcast_in_dim3A_22 = vector.broadcast %broadcast_in_dim3A_21 : f32 to vector<16xf32>
      %broadcast_in_dim3A_23 = arith.constant 0 : i32
      %broadcast_in_dim3A_24 = vector.broadcast %broadcast_in_dim3A_23 : i32 to vector<16xi32>
      %scan3A_25 = arith.constant 0 : i32
      %scan3A_26 = arith.constant 8 : i32
      %scan3A_27 = arith.addi %scan3A_25, %scan3A_26 : i32
      %scan3A_28 = arith.constant 1 : i32
      %scan3A_29:2 = scf.for %scan3A_46 = %scan3A_25 to %scan3A_27 step %scan3A_28 iter_args(%scan3A_47 = %broadcast_in_dim3A_22, %scan3A_48 = %broadcast_in_dim3A_24) -> (vector<16xf32>, vector<16xi32>)  : i32 {
        %mul3A_49 = arith.constant 4 : i32
        %mul3A_50 = arith.muli %scan3A_46, %mul3A_49 : i32
        %add3A_51 = arith.constant 0 : i32
        %add3A_52 = arith.addi %mul3A_50, %add3A_51 : i32
        %mul3A_53 = arith.constant 16 : i32
        %mul3A_54 = arith.muli %add3A_52, %mul3A_53 : i32
        %get3A = arith.index_cast %mul3A_54 : i32 to index
        %get3A_55 = tpu.vector_load %arg8[%get3A] {strides = array<i32>} : memref<512xf32, #tpu.memory_space<vmem>>, vector<16xf32>,
        %sub3A = arith.subf %get3A_55, %gather3A : vector<16xf32>
        %get3A_56 = arith.index_cast %mul3A_54 : i32 to index
        %get3A_57 = tpu.vector_load %arg9[%get3A_56] {strides = array<i32>} : memref<512xf32, #tpu.memory_space<vmem>>, vector<16xf32>,
        %sub3A_58 = arith.subf %get3A_57, %gather3A_18 : vector<16xf32>
        %get3A_59 = arith.index_cast %mul3A_54 : i32 to index
        %get3A_60 = tpu.vector_load %arg10[%get3A_59] {strides = array<i32>} : memref<512xf32, #tpu.memory_space<vmem>>, vector<16xf32>,
        %sub3A_61 = arith.subf %get3A_60, %gather3A_19 : vector<16xf32>
        %mul3A_62 = arith.mulf %sub3A, %sub3A : vector<16xf32>
        %mul3A_63 = arith.mulf %sub3A_58, %sub3A_58 : vector<16xf32>
        %add3A_64 = arith.addf %mul3A_62, %mul3A_63 : vector<16xf32>
        %mul3A_65 = arith.mulf %sub3A_61, %sub3A_61 : vector<16xf32>
        %add3A_66 = arith.addf %add3A_64, %mul3A_65 : vector<16xf32>
        %get3A_67 = arith.index_cast %mul3A_54 : i32 to index
        %get3A_68 = tpu.vector_load %arg11[%get3A_67] {strides = array<i32>} : memref<512xf32, #tpu.memory_space<vmem>>, vector<16xf32>,
        %min3A = arith.minimumf %get3A_68, %add3A_66 : vector<16xf32>
        %swap3A = arith.index_cast %mul3A_54 : i32 to index
        %swap3A_69 = tpu.vector_load %arg11[%swap3A] {strides = array<i32>} : memref<512xf32, #tpu.memory_space<vmem>>, vector<16xf32>,
        tpu.vector_store %arg11[%swap3A], %min3A {strides = array<i32>} : memref<512xf32, #tpu.memory_space<vmem>>, vector<16xf32>,
        %add3A_70 = vector.broadcast %mul3A_54 : i32 to vector<16xi32>
        %add3A_71 = arith.addi %add3A_70, %iota3A : vector<16xi32>
        %gt3A = arith.cmpf ogt, %min3A, %scan3A_47 : vector<16xf32>
        %select_n3A_72 = arith.select %gt3A, %min3A, %scan3A_47 : vector<16xi1>, vector<16xf32>
        %select_n3A_73 = arith.select %gt3A, %add3A_71, %scan3A_48 : vector<16xi1>, vector<16xi32>
        %mul3A_74 = arith.constant 4 : i32
        %mul3A_75 = arith.muli %scan3A_46, %mul3A_74 : i32
        %add3A_76 = arith.constant 1 : i32
        %add3A_77 = arith.addi %mul3A_75, %add3A_76 : i32
        %mul3A_78 = arith.constant 16 : i32
        %mul3A_79 = arith.muli %add3A_77, %mul3A_78 : i32
        %get3A_80 = arith.index_cast %mul3A_79 : i32 to index
        %get3A_81 = tpu.vector_load %arg8[%get3A_80] {strides = array<i32>} : memref<512xf32, #tpu.memory_space<vmem>>, vector<16xf32>,
        %sub3A_82 = arith.subf %get3A_81, %gather3A : vector<16xf32>
        %get3A_83 = arith.index_cast %mul3A_79 : i32 to index
        %get3A_84 = tpu.vector_load %arg9[%get3A_83] {strides = array<i32>} : memref<512xf32, #tpu.memory_space<vmem>>, vector<16xf32>,
        %sub3A_85 = arith.subf %get3A_84, %gather3A_18 : vector<16xf32>
        %get3A_86 = arith.index_cast %mul3A_79 : i32 to index
        %get3A_87 = tpu.vector_load %arg10[%get3A_86] {strides = array<i32>} : memref<512xf32, #tpu.memory_space<vmem>>, vector<16xf32>,
        %sub3A_88 = arith.subf %get3A_87, %gather3A_19 : vector<16xf32>
        %mul3A_89 = arith.mulf %sub3A_82, %sub3A_82 : vector<16xf32>
        %mul3A_90 = arith.mulf %sub3A_85, %sub3A_85 : vector<16xf32>
        %add3A_91 = arith.addf %mul3A_89, %mul3A_90 : vector<16xf32>
        %mul3A_92 = arith.mulf %sub3A_88, %sub3A_88 : vector<16xf32>
        %add3A_93 = arith.addf %add3A_91, %mul3A_92 : vector<16xf32>
        %get3A_94 = arith.index_cast %mul3A_79 : i32 to index
        %get3A_95 = tpu.vector_load %arg11[%get3A_94] {strides = array<i32>} : memref<512xf32, #tpu.memory_space<vmem>>, vector<16xf32>,
        %min3A_96 = arith.minimumf %get3A_95, %add3A_93 : vector<16xf32>
        %swap3A_97 = arith.index_cast %mul3A_79 : i32 to index
        %swap3A_98 = tpu.vector_load %arg11[%swap3A_97] {strides = array<i32>} : memref<512xf32, #tpu.memory_space<vmem>>, vector<16xf32>,
        tpu.vector_store %arg11[%swap3A_97], %min3A_96 {strides = array<i32>} : memref<512xf32, #tpu.memory_space<vmem>>, vector<16xf32>,
        %add3A_99 = vector.broadcast %mul3A_79 : i32 to vector<16xi32>
        %add3A_100 = arith.addi %add3A_99, %iota3A : vector<16xi32>
        %gt3A_101 = arith.cmpf ogt, %min3A_96, %select_n3A_72 : vector<16xf32>
        %select_n3A_102 = arith.select %gt3A_101, %min3A_96, %select_n3A_72 : vector<16xi1>, vector<16xf32>
        %select_n3A_103 = arith.select %gt3A_101, %add3A_100, %select_n3A_73 : vector<16xi1>, vector<16xi32>
        %mul3A_104 = arith.constant 4 : i32
        %mul3A_105 = arith.muli %scan3A_46, %mul3A_104 : i32
        %add3A_106 = arith.constant 2 : i32
        %add3A_107 = arith.addi %mul3A_105, %add3A_106 : i32
        %mul3A_108 = arith.constant 16 : i32
        %mul3A_109 = arith.muli %add3A_107, %mul3A_108 : i32
        %get3A_110 = arith.index_cast %mul3A_109 : i32 to index
        %get3A_111 = tpu.vector_load %arg8[%get3A_110] {strides = array<i32>} : memref<512xf32, #tpu.memory_space<vmem>>, vector<16xf32>,
        %sub3A_112 = arith.subf %get3A_111, %gather3A : vector<16xf32>
        %get3A_113 = arith.index_cast %mul3A_109 : i32 to index
        %get3A_114 = tpu.vector_load %arg9[%get3A_113] {strides = array<i32>} : memref<512xf32, #tpu.memory_space<vmem>>, vector<16xf32>,
        %sub3A_115 = arith.subf %get3A_114, %gather3A_18 : vector<16xf32>
        %get3A_116 = arith.index_cast %mul3A_109 : i32 to index
        %get3A_117 = tpu.vector_load %arg10[%get3A_116] {strides = array<i32>} : memref<512xf32, #tpu.memory_space<vmem>>, vector<16xf32>,
        %sub3A_118 = arith.subf %get3A_117, %gather3A_19 : vector<16xf32>
        %mul3A_119 = arith.mulf %sub3A_112, %sub3A_112 : vector<16xf32>
        %mul3A_120 = arith.mulf %sub3A_115, %sub3A_115 : vector<16xf32>
        %add3A_121 = arith.addf %mul3A_119, %mul3A_120 : vector<16xf32>
        %mul3A_122 = arith.mulf %sub3A_118, %sub3A_118 : vector<16xf32>
        %add3A_123 = arith.addf %add3A_121, %mul3A_122 : vector<16xf32>
        %get3A_124 = arith.index_cast %mul3A_109 : i32 to index
        %get3A_125 = tpu.vector_load %arg11[%get3A_124] {strides = array<i32>} : memref<512xf32, #tpu.memory_space<vmem>>, vector<16xf32>,
        %min3A_126 = arith.minimumf %get3A_125, %add3A_123 : vector<16xf32>
        %swap3A_127 = arith.index_cast %mul3A_109 : i32 to index
        %swap3A_128 = tpu.vector_load %arg11[%swap3A_127] {strides = array<i32>} : memref<512xf32, #tpu.memory_space<vmem>>, vector<16xf32>,
        tpu.vector_store %arg11[%swap3A_127], %min3A_126 {strides = array<i32>} : memref<512xf32, #tpu.memory_space<vmem>>, vector<16xf32>,
        %add3A_129 = vector.broadcast %mul3A_109 : i32 to vector<16xi32>
        %add3A_130 = arith.addi %add3A_129, %iota3A : vector<16xi32>
        %gt3A_131 = arith.cmpf ogt, %min3A_126, %select_n3A_102 : vector<16xf32>
        %select_n3A_132 = arith.select %gt3A_131, %min3A_126, %select_n3A_102 : vector<16xi1>, vector<16xf32>
        %select_n3A_133 = arith.select %gt3A_131, %add3A_130, %select_n3A_103 : vector<16xi1>, vector<16xi32>
        %mul3A_134 = arith.constant 4 : i32
        %mul3A_135 = arith.muli %scan3A_46, %mul3A_134 : i32
        %add3A_136 = arith.constant 3 : i32
        %add3A_137 = arith.addi %mul3A_135, %add3A_136 : i32
        %mul3A_138 = arith.constant 16 : i32
        %mul3A_139 = arith.muli %add3A_137, %mul3A_138 : i32
        %get3A_140 = arith.index_cast %mul3A_139 : i32 to index
        %get3A_141 = tpu.vector_load %arg8[%get3A_140] {strides = array<i32>} : memref<512xf32, #tpu.memory_space<vmem>>, vector<16xf32>,
        %sub3A_142 = arith.subf %get3A_141, %gather3A : vector<16xf32>
        %get3A_143 = arith.index_cast %mul3A_139 : i32 to index
        %get3A_144 = tpu.vector_load %arg9[%get3A_143] {strides = array<i32>} : memref<512xf32, #tpu.memory_space<vmem>>, vector<16xf32>,
        %sub3A_145 = arith.subf %get3A_144, %gather3A_18 : vector<16xf32>
        %get3A_146 = arith.index_cast %mul3A_139 : i32 to index
        %get3A_147 = tpu.vector_load %arg10[%get3A_146] {strides = array<i32>} : memref<512xf32, #tpu.memory_space<vmem>>, vector<16xf32>,
        %sub3A_148 = arith.subf %get3A_147, %gather3A_19 : vector<16xf32>
        %mul3A_149 = arith.mulf %sub3A_142, %sub3A_142 : vector<16xf32>
        %mul3A_150 = arith.mulf %sub3A_145, %sub3A_145 : vector<16xf32>
        %add3A_151 = arith.addf %mul3A_149, %mul3A_150 : vector<16xf32>
        %mul3A_152 = arith.mulf %sub3A_148, %sub3A_148 : vector<16xf32>
        %add3A_153 = arith.addf %add3A_151, %mul3A_152 : vector<16xf32>
        %get3A_154 = arith.index_cast %mul3A_139 : i32 to index
        %get3A_155 = tpu.vector_load %arg11[%get3A_154] {strides = array<i32>} : memref<512xf32, #tpu.memory_space<vmem>>, vector<16xf32>,
        %min3A_156 = arith.minimumf %get3A_155, %add3A_153 : vector<16xf32>
        %swap3A_157 = arith.index_cast %mul3A_139 : i32 to index
        %swap3A_158 = tpu.vector_load %arg11[%swap3A_157] {strides = array<i32>} : memref<512xf32, #tpu.memory_space<vmem>>, vector<16xf32>,
        tpu.vector_store %arg11[%swap3A_157], %min3A_156 {strides = array<i32>} : memref<512xf32, #tpu.memory_space<vmem>>, vector<16xf32>,
        %add3A_159 = vector.broadcast %mul3A_139 : i32 to vector<16xi32>
        %add3A_160 = arith.addi %add3A_159, %iota3A : vector<16xi32>
        %gt3A_161 = arith.cmpf ogt, %min3A_156, %select_n3A_132 : vector<16xf32>
        %select_n3A_162 = arith.select %gt3A_161, %min3A_156, %select_n3A_132 : vector<16xi1>, vector<16xf32>
        %select_n3A_163 = arith.select %gt3A_161, %add3A_160, %select_n3A_133 : vector<16xi1>, vector<16xi32>
        scf.yield %select_n3A_162, %select_n3A_163 : vector<16xf32>, vector<16xi32>
      }
      %scan3A_30 = arith.constant 8 : i32
      %reduce_max3A = arith.constant true
      %reduce_max3A_31 = vector.broadcast %reduce_max3A : i1 to vector<16xi1>
      %reduce_max3A_32 = tpu.scan <max>, %scan3A_29#0 masked %reduce_max3A_31 : vector<16xf32>, vector<16xi1> -> vector<16xf32>
      %reduce_max3A_33 = vector.extract %reduce_max3A_32[15] : f32 from vector<16xf32>
      %broadcast_in_dim3A_34 = vector.broadcast %reduce_max3A_33 : f32 to vector<16xf32>
      %eq3A_35 = arith.cmpf oeq, %scan3A_29#0, %broadcast_in_dim3A_34 : vector<16xf32>
      %broadcast_in_dim3A_36 = arith.constant 512 : i32
      %broadcast_in_dim3A_37 = vector.broadcast %broadcast_in_dim3A_36 : i32 to vector<16xi32>
      %select_n3A = arith.select %eq3A_35, %scan3A_29#1, %broadcast_in_dim3A_37 : vector<16xi1>, vector<16xi32>
      %reduce_min3A = arith.constant true
      %reduce_min3A_38 = vector.broadcast %reduce_min3A : i1 to vector<16xi1>
      %reduce_min3A_39 = arith.constant -2147483648 : i32
      %reduce_min3A_40 = vector.broadcast %reduce_min3A_39 : i32 to vector<16xi32>
      %reduce_min3A_41 = arith.xori %select_n3A, %reduce_min3A_40 : vector<16xi32>
      %reduce_min3A_42 = tpu.scan <min>, %reduce_min3A_41 masked %reduce_min3A_38 : vector<16xi32>, vector<16xi1> -> vector<16xi32>
      %reduce_min3A_43 = arith.xori %reduce_min3A_42, %reduce_min3A_40 : vector<16xi32>
      %reduce_min3A_44 = vector.extract %reduce_min3A_43[15] : i32 from vector<16xi32>
      %broadcast_in_dim3A_45 = vector.broadcast %reduce_min3A_44 : i32 to vector<16xi32>
      scf.yield %broadcast_in_dim3A_45 : vector<16xi32>
    }
    %scan3A_15 = arith.constant 128 : i32
    "tpu.region"() ({
      %run_scoped3A = tpu.sem_alloc : memref<!tpu.dma_semaphore, #tpu.memory_space<semaphore_mem>>
      %dma_start3A = arith.constant 0 : i32
      %dma_start3A_16 = tpu.memref_slice %arg5[%add3A, %dma_start3A] : memref<32x128xf32, #tpu.memory_space<hbm>> -> memref<1x128xf32, #tpu.memory_space<hbm>>
      %dma_start3A_17 = tpu.memref_squeeze %dma_start3A_16 : memref<1x128xf32, #tpu.memory_space<hbm>> -> memref<128xf32, #tpu.memory_space<hbm>>
      %dma_start3A_18 = arith.constant 0 : i32
      %dma_start3A_19 = tpu.memref_slice %arg5[%add3A, %dma_start3A_18] : memref<32x128xf32, #tpu.memory_space<hbm>> -> memref<1x128xf32, #tpu.memory_space<hbm>>
      %dma_start3A_20 = tpu.memref_squeeze %dma_start3A_19 : memref<1x128xf32, #tpu.memory_space<hbm>> -> memref<128xf32, #tpu.memory_space<hbm>>
      tpu.enqueue_dma source(%arg12 : memref<128xf32, #tpu.memory_space<vmem>>) target(%dma_start3A_20 : memref<128xf32, #tpu.memory_space<hbm>>) target_semaphore(%run_scoped3A : memref<!tpu.dma_semaphore, #tpu.memory_space<semaphore_mem>>)
      %dma_wait3A = arith.constant 0 : i32
      %dma_wait3A_21 = tpu.memref_slice %arg5[%add3A, %dma_wait3A] : memref<32x128xf32, #tpu.memory_space<hbm>> -> memref<1x128xf32, #tpu.memory_space<hbm>>
      %dma_wait3A_22 = tpu.memref_squeeze %dma_wait3A_21 : memref<1x128xf32, #tpu.memory_space<hbm>> -> memref<128xf32, #tpu.memory_space<hbm>>
      %dma_wait3A_23 = arith.constant 0 : i32
      %dma_wait3A_24 = tpu.memref_slice %arg5[%add3A, %dma_wait3A_23] : memref<32x128xf32, #tpu.memory_space<hbm>> -> memref<1x128xf32, #tpu.memory_space<hbm>>
      %dma_wait3A_25 = tpu.memref_squeeze %dma_wait3A_24 : memref<1x128xf32, #tpu.memory_space<hbm>> -> memref<128xf32, #tpu.memory_space<hbm>>
      tpu.wait_dma2 semaphore(%run_scoped3A : memref<!tpu.dma_semaphore, #tpu.memory_space<semaphore_mem>>) src(%arg12 : memref<128xf32, #tpu.memory_space<vmem>>) dst(%dma_wait3A_25 : memref<128xf32, #tpu.memory_space<hbm>>)
      tpu.yield
    }) : () -> ()
    "tpu.region"() ({
      %run_scoped3A = tpu.sem_alloc : memref<!tpu.dma_semaphore, #tpu.memory_space<semaphore_mem>>
      %dma_start3A = arith.constant 0 : i32
      %dma_start3A_16 = tpu.memref_slice %arg6[%add3A, %dma_start3A] : memref<32x128xf32, #tpu.memory_space<hbm>> -> memref<1x128xf32, #tpu.memory_space<hbm>>
      %dma_start3A_17 = tpu.memref_squeeze %dma_start3A_16 : memref<1x128xf32, #tpu.memory_space<hbm>> -> memref<128xf32, #tpu.memory_space<hbm>>
      %dma_start3A_18 = arith.constant 0 : i32
      %dma_start3A_19 = tpu.memref_slice %arg6[%add3A, %dma_start3A_18] : memref<32x128xf32, #tpu.memory_space<hbm>> -> memref<1x128xf32, #tpu.memory_space<hbm>>
      %dma_start3A_20 = tpu.memref_squeeze %dma_start3A_19 : memref<1x128xf32, #tpu.memory_space<hbm>> -> memref<128xf32, #tpu.memory_space<hbm>>
      tpu.enqueue_dma source(%arg13 : memref<128xf32, #tpu.memory_space<vmem>>) target(%dma_start3A_20 : memref<128xf32, #tpu.memory_space<hbm>>) target_semaphore(%run_scoped3A : memref<!tpu.dma_semaphore, #tpu.memory_space<semaphore_mem>>)
      %dma_wait3A = arith.constant 0 : i32
      %dma_wait3A_21 = tpu.memref_slice %arg6[%add3A, %dma_wait3A] : memref<32x128xf32, #tpu.memory_space<hbm>> -> memref<1x128xf32, #tpu.memory_space<hbm>>
      %dma_wait3A_22 = tpu.memref_squeeze %dma_wait3A_21 : memref<1x128xf32, #tpu.memory_space<hbm>> -> memref<128xf32, #tpu.memory_space<hbm>>
      %dma_wait3A_23 = arith.constant 0 : i32
      %dma_wait3A_24 = tpu.memref_slice %arg6[%add3A, %dma_wait3A_23] : memref<32x128xf32, #tpu.memory_space<hbm>> -> memref<1x128xf32, #tpu.memory_space<hbm>>
      %dma_wait3A_25 = tpu.memref_squeeze %dma_wait3A_24 : memref<1x128xf32, #tpu.memory_space<hbm>> -> memref<128xf32, #tpu.memory_space<hbm>>
      tpu.wait_dma2 semaphore(%run_scoped3A : memref<!tpu.dma_semaphore, #tpu.memory_space<semaphore_mem>>) src(%arg13 : memref<128xf32, #tpu.memory_space<vmem>>) dst(%dma_wait3A_25 : memref<128xf32, #tpu.memory_space<hbm>>)
      tpu.yield
    }) : () -> ()
    "tpu.region"() ({
      %run_scoped3A = tpu.sem_alloc : memref<!tpu.dma_semaphore, #tpu.memory_space<semaphore_mem>>
      %dma_start3A = arith.constant 0 : i32
      %dma_start3A_16 = tpu.memref_slice %arg7[%add3A, %dma_start3A] : memref<32x128xf32, #tpu.memory_space<hbm>> -> memref<1x128xf32, #tpu.memory_space<hbm>>
      %dma_start3A_17 = tpu.memref_squeeze %dma_start3A_16 : memref<1x128xf32, #tpu.memory_space<hbm>> -> memref<128xf32, #tpu.memory_space<hbm>>
      %dma_start3A_18 = arith.constant 0 : i32
      %dma_start3A_19 = tpu.memref_slice %arg7[%add3A, %dma_start3A_18] : memref<32x128xf32, #tpu.memory_space<hbm>> -> memref<1x128xf32, #tpu.memory_space<hbm>>
      %dma_start3A_20 = tpu.memref_squeeze %dma_start3A_19 : memref<1x128xf32, #tpu.memory_space<hbm>> -> memref<128xf32, #tpu.memory_space<hbm>>
      tpu.enqueue_dma source(%arg14 : memref<128xf32, #tpu.memory_space<vmem>>) target(%dma_start3A_20 : memref<128xf32, #tpu.memory_space<hbm>>) target_semaphore(%run_scoped3A : memref<!tpu.dma_semaphore, #tpu.memory_space<semaphore_mem>>)
      %dma_wait3A = arith.constant 0 : i32
      %dma_wait3A_21 = tpu.memref_slice %arg7[%add3A, %dma_wait3A] : memref<32x128xf32, #tpu.memory_space<hbm>> -> memref<1x128xf32, #tpu.memory_space<hbm>>
      %dma_wait3A_22 = tpu.memref_squeeze %dma_wait3A_21 : memref<1x128xf32, #tpu.memory_space<hbm>> -> memref<128xf32, #tpu.memory_space<hbm>>
      %dma_wait3A_23 = arith.constant 0 : i32
      %dma_wait3A_24 = tpu.memref_slice %arg7[%add3A, %dma_wait3A_23] : memref<32x128xf32, #tpu.memory_space<hbm>> -> memref<1x128xf32, #tpu.memory_space<hbm>>
      %dma_wait3A_25 = tpu.memref_squeeze %dma_wait3A_24 : memref<1x128xf32, #tpu.memory_space<hbm>> -> memref<128xf32, #tpu.memory_space<hbm>>
      tpu.wait_dma2 semaphore(%run_scoped3A : memref<!tpu.dma_semaphore, #tpu.memory_space<semaphore_mem>>) src(%arg14 : memref<128xf32, #tpu.memory_space<vmem>>) dst(%dma_wait3A_25 : memref<128xf32, #tpu.memory_space<hbm>>)
      tpu.yield
    }) : () -> ()
    return
  }
}

#map = affine_map<(d0, d1) -> (0, 0)>
#map1 = affine_map<(d0, d1) -> (0, 0, 0)>
#map2 = affine_map<(d0, d1) -> (0)>
module attributes {stable_mosaic.version = 14 : i64} {
  func.func @_rewritten_body(%arg0: i32, %arg1: i32, %arg2: memref<32x512xf32, #tpu.memory_space<hbm>>, %arg3: memref<32x512xf32, #tpu.memory_space<hbm>>, %arg4: memref<32x512xf32, #tpu.memory_space<hbm>>, %arg5: memref<32x128xf32, #tpu.memory_space<hbm>>, %arg6: memref<32x128xf32, #tpu.memory_space<hbm>>, %arg7: memref<32x128xf32, #tpu.memory_space<hbm>>, %arg8: memref<32x128x512xf32, #tpu.memory_space<hbm>>, %arg9: memref<16384x128xf32, #tpu.memory_space<hbm>>, %arg10: memref<1xf32, #tpu.memory_space<hbm>>, %arg11: memref<32x8192xf32, #tpu.memory_space<hbm>>, %arg12: memref<32x8192xf32, #tpu.memory_space<hbm>>, %arg13: memref<32x8192xf32, #tpu.memory_space<hbm>>, %arg14: memref<262144x128xf32, #tpu.memory_space<hbm>>, %arg15: memref<512xf32, #tpu.memory_space<vmem>>, %arg16: memref<512xf32, #tpu.memory_space<vmem>>, %arg17: memref<512xf32, #tpu.memory_space<vmem>>, %arg18: memref<128xf32, #tpu.memory_space<vmem>>, %arg19: memref<128xf32, #tpu.memory_space<vmem>>, %arg20: memref<128xf32, #tpu.memory_space<vmem>>, %arg21: memref<16x512xf32, #tpu.memory_space<vmem>>, %arg22: memref<8192xf32, #tpu.memory_space<vmem>>, %arg23: memref<8192xf32, #tpu.memory_space<vmem>>, %arg24: memref<8192xf32, #tpu.memory_space<vmem>>, %arg25: memref<8192xi32, #tpu.memory_space<vmem>>, %arg26: memref<128x128xf32, #tpu.memory_space<vmem>>, %arg27: memref<128x128xf32, #tpu.memory_space<vmem>>, %arg28: memref<!tpu.dma_semaphore, #tpu.memory_space<semaphore_mem>>, %arg29: memref<!tpu.dma_semaphore, #tpu.memory_space<semaphore_mem>>) attributes {dimension_semantics = [#tpu.dimension_semantics<core_parallel>, #tpu.dimension_semantics<subcore_parallel>], iteration_bounds = array<i64: 2, 16>, scalar_prefetch = 0 : i64, scratch_operands = 15 : i64, tpu.core_type = #tpu.core_type<sc_vector_subcore>, window_params = [{transform_indices = #map}, {transform_indices = #map}, {transform_indices = #map}, {transform_indices = #map}, {transform_indices = #map}, {transform_indices = #map}, {transform_indices = #map1}, {transform_indices = #map}, {transform_indices = #map2}, {transform_indices = #map}, {transform_indices = #map}, {transform_indices = #map}, {transform_indices = #map}]} {
    %empty_ref3A = memref.alloca() : memref<16xf32, #tpu.memory_space<vmem>>
    "tpu.region"() ({
      %run_scoped3A = tpu.sem_alloc : memref<!tpu.dma_semaphore, #tpu.memory_space<semaphore_mem>>
      %dma_start3A_19 = arith.constant 0 : i32
      %dma_start3A_20 = tpu.memref_slice %empty_ref3A[%dma_start3A_19] : memref<16xf32, #tpu.memory_space<vmem>> -> memref<1xf32, #tpu.memory_space<vmem>>
      %dma_start3A_21 = arith.constant 0 : i32
      %dma_start3A_22 = tpu.memref_slice %empty_ref3A[%dma_start3A_21] : memref<16xf32, #tpu.memory_space<vmem>> -> memref<1xf32, #tpu.memory_space<vmem>>
      tpu.enqueue_dma source(%arg10 : memref<1xf32, #tpu.memory_space<hbm>>) target(%dma_start3A_22 : memref<1xf32, #tpu.memory_space<vmem>>) target_semaphore(%run_scoped3A : memref<!tpu.dma_semaphore, #tpu.memory_space<semaphore_mem>>)
      %dma_wait3A = arith.constant 0 : i32
      %dma_wait3A_23 = tpu.memref_slice %empty_ref3A[%dma_wait3A] : memref<16xf32, #tpu.memory_space<vmem>> -> memref<1xf32, #tpu.memory_space<vmem>>
      %dma_wait3A_24 = arith.constant 0 : i32
      %dma_wait3A_25 = tpu.memref_slice %empty_ref3A[%dma_wait3A_24] : memref<16xf32, #tpu.memory_space<vmem>> -> memref<1xf32, #tpu.memory_space<vmem>>
      tpu.wait_dma2 semaphore(%run_scoped3A : memref<!tpu.dma_semaphore, #tpu.memory_space<semaphore_mem>>) src(%arg10 : memref<1xf32, #tpu.memory_space<hbm>>) dst(%dma_wait3A_25 : memref<1xf32, #tpu.memory_space<vmem>>)
      tpu.yield
    }) : () -> ()
    %get3A = arith.constant 0 : index
    %get3A_0 = tpu.vector_load %empty_ref3A[%get3A] {strides = array<i32>} : memref<16xf32, #tpu.memory_space<vmem>>, vector<16xf32>,
    %slice3A = vector.extract_strided_slice %get3A_0 {offsets = [0], sizes = [1], strides = [1]} : vector<16xf32> to vector<1xf32>
    %squeeze3A = vector.extract %slice3A[0] : f32 from vector<1xf32>
    %mul3A = arith.constant 2 : i32
    %mul3A_1 = arith.muli %arg1, %mul3A : i32
    %add3A = arith.addi %mul3A_1, %arg0 : i32
    "tpu.region"() ({
      %run_scoped3A = tpu.sem_alloc : memref<!tpu.dma_semaphore, #tpu.memory_space<semaphore_mem>>
      %dma_start3A_19 = arith.constant 0 : i32
      %dma_start3A_20 = tpu.memref_slice %arg2[%add3A, %dma_start3A_19] : memref<32x512xf32, #tpu.memory_space<hbm>> -> memref<1x512xf32, #tpu.memory_space<hbm>>
      %dma_start3A_21 = tpu.memref_squeeze %dma_start3A_20 : memref<1x512xf32, #tpu.memory_space<hbm>> -> memref<512xf32, #tpu.memory_space<hbm>>
      %dma_start3A_22 = arith.constant 0 : i32
      %dma_start3A_23 = tpu.memref_slice %arg2[%add3A, %dma_start3A_22] : memref<32x512xf32, #tpu.memory_space<hbm>> -> memref<1x512xf32, #tpu.memory_space<hbm>>
      %dma_start3A_24 = tpu.memref_squeeze %dma_start3A_23 : memref<1x512xf32, #tpu.memory_space<hbm>> -> memref<512xf32, #tpu.memory_space<hbm>>
      tpu.enqueue_dma source(%dma_start3A_24 : memref<512xf32, #tpu.memory_space<hbm>>) target(%arg15 : memref<512xf32, #tpu.memory_space<vmem>>) target_semaphore(%run_scoped3A : memref<!tpu.dma_semaphore, #tpu.memory_space<semaphore_mem>>)
      %dma_wait3A = arith.constant 0 : i32
      %dma_wait3A_25 = tpu.memref_slice %arg2[%add3A, %dma_wait3A] : memref<32x512xf32, #tpu.memory_space<hbm>> -> memref<1x512xf32, #tpu.memory_space<hbm>>
      %dma_wait3A_26 = tpu.memref_squeeze %dma_wait3A_25 : memref<1x512xf32, #tpu.memory_space<hbm>> -> memref<512xf32, #tpu.memory_space<hbm>>
      %dma_wait3A_27 = arith.constant 0 : i32
      %dma_wait3A_28 = tpu.memref_slice %arg2[%add3A, %dma_wait3A_27] : memref<32x512xf32, #tpu.memory_space<hbm>> -> memref<1x512xf32, #tpu.memory_space<hbm>>
      %dma_wait3A_29 = tpu.memref_squeeze %dma_wait3A_28 : memref<1x512xf32, #tpu.memory_space<hbm>> -> memref<512xf32, #tpu.memory_space<hbm>>
      tpu.wait_dma2 semaphore(%run_scoped3A : memref<!tpu.dma_semaphore, #tpu.memory_space<semaphore_mem>>) src(%dma_wait3A_29 : memref<512xf32, #tpu.memory_space<hbm>>) dst(%arg15 : memref<512xf32, #tpu.memory_space<vmem>>)
      tpu.yield
    }) : () -> ()
    "tpu.region"() ({
      %run_scoped3A = tpu.sem_alloc : memref<!tpu.dma_semaphore, #tpu.memory_space<semaphore_mem>>
      %dma_start3A_19 = arith.constant 0 : i32
      %dma_start3A_20 = tpu.memref_slice %arg3[%add3A, %dma_start3A_19] : memref<32x512xf32, #tpu.memory_space<hbm>> -> memref<1x512xf32, #tpu.memory_space<hbm>>
      %dma_start3A_21 = tpu.memref_squeeze %dma_start3A_20 : memref<1x512xf32, #tpu.memory_space<hbm>> -> memref<512xf32, #tpu.memory_space<hbm>>
      %dma_start3A_22 = arith.constant 0 : i32
      %dma_start3A_23 = tpu.memref_slice %arg3[%add3A, %dma_start3A_22] : memref<32x512xf32, #tpu.memory_space<hbm>> -> memref<1x512xf32, #tpu.memory_space<hbm>>
      %dma_start3A_24 = tpu.memref_squeeze %dma_start3A_23 : memref<1x512xf32, #tpu.memory_space<hbm>> -> memref<512xf32, #tpu.memory_space<hbm>>
      tpu.enqueue_dma source(%dma_start3A_24 : memref<512xf32, #tpu.memory_space<hbm>>) target(%arg16 : memref<512xf32, #tpu.memory_space<vmem>>) target_semaphore(%run_scoped3A : memref<!tpu.dma_semaphore, #tpu.memory_space<semaphore_mem>>)
      %dma_wait3A = arith.constant 0 : i32
      %dma_wait3A_25 = tpu.memref_slice %arg3[%add3A, %dma_wait3A] : memref<32x512xf32, #tpu.memory_space<hbm>> -> memref<1x512xf32, #tpu.memory_space<hbm>>
      %dma_wait3A_26 = tpu.memref_squeeze %dma_wait3A_25 : memref<1x512xf32, #tpu.memory_space<hbm>> -> memref<512xf32, #tpu.memory_space<hbm>>
      %dma_wait3A_27 = arith.constant 0 : i32
      %dma_wait3A_28 = tpu.memref_slice %arg3[%add3A, %dma_wait3A_27] : memref<32x512xf32, #tpu.memory_space<hbm>> -> memref<1x512xf32, #tpu.memory_space<hbm>>
      %dma_wait3A_29 = tpu.memref_squeeze %dma_wait3A_28 : memref<1x512xf32, #tpu.memory_space<hbm>> -> memref<512xf32, #tpu.memory_space<hbm>>
      tpu.wait_dma2 semaphore(%run_scoped3A : memref<!tpu.dma_semaphore, #tpu.memory_space<semaphore_mem>>) src(%dma_wait3A_29 : memref<512xf32, #tpu.memory_space<hbm>>) dst(%arg16 : memref<512xf32, #tpu.memory_space<vmem>>)
      tpu.yield
    }) : () -> ()
    "tpu.region"() ({
      %run_scoped3A = tpu.sem_alloc : memref<!tpu.dma_semaphore, #tpu.memory_space<semaphore_mem>>
      %dma_start3A_19 = arith.constant 0 : i32
      %dma_start3A_20 = tpu.memref_slice %arg4[%add3A, %dma_start3A_19] : memref<32x512xf32, #tpu.memory_space<hbm>> -> memref<1x512xf32, #tpu.memory_space<hbm>>
      %dma_start3A_21 = tpu.memref_squeeze %dma_start3A_20 : memref<1x512xf32, #tpu.memory_space<hbm>> -> memref<512xf32, #tpu.memory_space<hbm>>
      %dma_start3A_22 = arith.constant 0 : i32
      %dma_start3A_23 = tpu.memref_slice %arg4[%add3A, %dma_start3A_22] : memref<32x512xf32, #tpu.memory_space<hbm>> -> memref<1x512xf32, #tpu.memory_space<hbm>>
      %dma_start3A_24 = tpu.memref_squeeze %dma_start3A_23 : memref<1x512xf32, #tpu.memory_space<hbm>> -> memref<512xf32, #tpu.memory_space<hbm>>
      tpu.enqueue_dma source(%dma_start3A_24 : memref<512xf32, #tpu.memory_space<hbm>>) target(%arg17 : memref<512xf32, #tpu.memory_space<vmem>>) target_semaphore(%run_scoped3A : memref<!tpu.dma_semaphore, #tpu.memory_space<semaphore_mem>>)
      %dma_wait3A = arith.constant 0 : i32
      %dma_wait3A_25 = tpu.memref_slice %arg4[%add3A, %dma_wait3A] : memref<32x512xf32, #tpu.memory_space<hbm>> -> memref<1x512xf32, #tpu.memory_space<hbm>>
      %dma_wait3A_26 = tpu.memref_squeeze %dma_wait3A_25 : memref<1x512xf32, #tpu.memory_space<hbm>> -> memref<512xf32, #tpu.memory_space<hbm>>
      %dma_wait3A_27 = arith.constant 0 : i32
      %dma_wait3A_28 = tpu.memref_slice %arg4[%add3A, %dma_wait3A_27] : memref<32x512xf32, #tpu.memory_space<hbm>> -> memref<1x512xf32, #tpu.memory_space<hbm>>
      %dma_wait3A_29 = tpu.memref_squeeze %dma_wait3A_28 : memref<1x512xf32, #tpu.memory_space<hbm>> -> memref<512xf32, #tpu.memory_space<hbm>>
      tpu.wait_dma2 semaphore(%run_scoped3A : memref<!tpu.dma_semaphore, #tpu.memory_space<semaphore_mem>>) src(%dma_wait3A_29 : memref<512xf32, #tpu.memory_space<hbm>>) dst(%arg17 : memref<512xf32, #tpu.memory_space<vmem>>)
      tpu.yield
    }) : () -> ()
    "tpu.region"() ({
      %run_scoped3A = tpu.sem_alloc : memref<!tpu.dma_semaphore, #tpu.memory_space<semaphore_mem>>
      %dma_start3A_19 = arith.constant 0 : i32
      %dma_start3A_20 = tpu.memref_slice %arg5[%add3A, %dma_start3A_19] : memref<32x128xf32, #tpu.memory_space<hbm>> -> memref<1x128xf32, #tpu.memory_space<hbm>>
      %dma_start3A_21 = tpu.memref_squeeze %dma_start3A_20 : memref<1x128xf32, #tpu.memory_space<hbm>> -> memref<128xf32, #tpu.memory_space<hbm>>
      %dma_start3A_22 = arith.constant 0 : i32
      %dma_start3A_23 = tpu.memref_slice %arg5[%add3A, %dma_start3A_22] : memref<32x128xf32, #tpu.memory_space<hbm>> -> memref<1x128xf32, #tpu.memory_space<hbm>>
      %dma_start3A_24 = tpu.memref_squeeze %dma_start3A_23 : memref<1x128xf32, #tpu.memory_space<hbm>> -> memref<128xf32, #tpu.memory_space<hbm>>
      tpu.enqueue_dma source(%dma_start3A_24 : memref<128xf32, #tpu.memory_space<hbm>>) target(%arg18 : memref<128xf32, #tpu.memory_space<vmem>>) target_semaphore(%run_scoped3A : memref<!tpu.dma_semaphore, #tpu.memory_space<semaphore_mem>>)
      %dma_wait3A = arith.constant 0 : i32
      %dma_wait3A_25 = tpu.memref_slice %arg5[%add3A, %dma_wait3A] : memref<32x128xf32, #tpu.memory_space<hbm>> -> memref<1x128xf32, #tpu.memory_space<hbm>>
      %dma_wait3A_26 = tpu.memref_squeeze %dma_wait3A_25 : memref<1x128xf32, #tpu.memory_space<hbm>> -> memref<128xf32, #tpu.memory_space<hbm>>
      %dma_wait3A_27 = arith.constant 0 : i32
      %dma_wait3A_28 = tpu.memref_slice %arg5[%add3A, %dma_wait3A_27] : memref<32x128xf32, #tpu.memory_space<hbm>> -> memref<1x128xf32, #tpu.memory_space<hbm>>
      %dma_wait3A_29 = tpu.memref_squeeze %dma_wait3A_28 : memref<1x128xf32, #tpu.memory_space<hbm>> -> memref<128xf32, #tpu.memory_space<hbm>>
      tpu.wait_dma2 semaphore(%run_scoped3A : memref<!tpu.dma_semaphore, #tpu.memory_space<semaphore_mem>>) src(%dma_wait3A_29 : memref<128xf32, #tpu.memory_space<hbm>>) dst(%arg18 : memref<128xf32, #tpu.memory_space<vmem>>)
      tpu.yield
    }) : () -> ()
    "tpu.region"() ({
      %run_scoped3A = tpu.sem_alloc : memref<!tpu.dma_semaphore, #tpu.memory_space<semaphore_mem>>
      %dma_start3A_19 = arith.constant 0 : i32
      %dma_start3A_20 = tpu.memref_slice %arg6[%add3A, %dma_start3A_19] : memref<32x128xf32, #tpu.memory_space<hbm>> -> memref<1x128xf32, #tpu.memory_space<hbm>>
      %dma_start3A_21 = tpu.memref_squeeze %dma_start3A_20 : memref<1x128xf32, #tpu.memory_space<hbm>> -> memref<128xf32, #tpu.memory_space<hbm>>
      %dma_start3A_22 = arith.constant 0 : i32
      %dma_start3A_23 = tpu.memref_slice %arg6[%add3A, %dma_start3A_22] : memref<32x128xf32, #tpu.memory_space<hbm>> -> memref<1x128xf32, #tpu.memory_space<hbm>>
      %dma_start3A_24 = tpu.memref_squeeze %dma_start3A_23 : memref<1x128xf32, #tpu.memory_space<hbm>> -> memref<128xf32, #tpu.memory_space<hbm>>
      tpu.enqueue_dma source(%dma_start3A_24 : memref<128xf32, #tpu.memory_space<hbm>>) target(%arg19 : memref<128xf32, #tpu.memory_space<vmem>>) target_semaphore(%run_scoped3A : memref<!tpu.dma_semaphore, #tpu.memory_space<semaphore_mem>>)
      %dma_wait3A = arith.constant 0 : i32
      %dma_wait3A_25 = tpu.memref_slice %arg6[%add3A, %dma_wait3A] : memref<32x128xf32, #tpu.memory_space<hbm>> -> memref<1x128xf32, #tpu.memory_space<hbm>>
      %dma_wait3A_26 = tpu.memref_squeeze %dma_wait3A_25 : memref<1x128xf32, #tpu.memory_space<hbm>> -> memref<128xf32, #tpu.memory_space<hbm>>
      %dma_wait3A_27 = arith.constant 0 : i32
      %dma_wait3A_28 = tpu.memref_slice %arg6[%add3A, %dma_wait3A_27] : memref<32x128xf32, #tpu.memory_space<hbm>> -> memref<1x128xf32, #tpu.memory_space<hbm>>
      %dma_wait3A_29 = tpu.memref_squeeze %dma_wait3A_28 : memref<1x128xf32, #tpu.memory_space<hbm>> -> memref<128xf32, #tpu.memory_space<hbm>>
      tpu.wait_dma2 semaphore(%run_scoped3A : memref<!tpu.dma_semaphore, #tpu.memory_space<semaphore_mem>>) src(%dma_wait3A_29 : memref<128xf32, #tpu.memory_space<hbm>>) dst(%arg19 : memref<128xf32, #tpu.memory_space<vmem>>)
      tpu.yield
    }) : () -> ()
    "tpu.region"() ({
      %run_scoped3A = tpu.sem_alloc : memref<!tpu.dma_semaphore, #tpu.memory_space<semaphore_mem>>
      %dma_start3A_19 = arith.constant 0 : i32
      %dma_start3A_20 = tpu.memref_slice %arg7[%add3A, %dma_start3A_19] : memref<32x128xf32, #tpu.memory_space<hbm>> -> memref<1x128xf32, #tpu.memory_space<hbm>>
      %dma_start3A_21 = tpu.memref_squeeze %dma_start3A_20 : memref<1x128xf32, #tpu.memory_space<hbm>> -> memref<128xf32, #tpu.memory_space<hbm>>
      %dma_start3A_22 = arith.constant 0 : i32
      %dma_start3A_23 = tpu.memref_slice %arg7[%add3A, %dma_start3A_22] : memref<32x128xf32, #tpu.memory_space<hbm>> -> memref<1x128xf32, #tpu.memory_space<hbm>>
      %dma_start3A_24 = tpu.memref_squeeze %dma_start3A_23 : memref<1x128xf32, #tpu.memory_space<hbm>> -> memref<128xf32, #tpu.memory_space<hbm>>
      tpu.enqueue_dma source(%dma_start3A_24 : memref<128xf32, #tpu.memory_space<hbm>>) target(%arg20 : memref<128xf32, #tpu.memory_space<vmem>>) target_semaphore(%run_scoped3A : memref<!tpu.dma_semaphore, #tpu.memory_space<semaphore_mem>>)
      %dma_wait3A = arith.constant 0 : i32
      %dma_wait3A_25 = tpu.memref_slice %arg7[%add3A, %dma_wait3A] : memref<32x128xf32, #tpu.memory_space<hbm>> -> memref<1x128xf32, #tpu.memory_space<hbm>>
      %dma_wait3A_26 = tpu.memref_squeeze %dma_wait3A_25 : memref<1x128xf32, #tpu.memory_space<hbm>> -> memref<128xf32, #tpu.memory_space<hbm>>
      %dma_wait3A_27 = arith.constant 0 : i32
      %dma_wait3A_28 = tpu.memref_slice %arg7[%add3A, %dma_wait3A_27] : memref<32x128xf32, #tpu.memory_space<hbm>> -> memref<1x128xf32, #tpu.memory_space<hbm>>
      %dma_wait3A_29 = tpu.memref_squeeze %dma_wait3A_28 : memref<1x128xf32, #tpu.memory_space<hbm>> -> memref<128xf32, #tpu.memory_space<hbm>>
      tpu.wait_dma2 semaphore(%run_scoped3A : memref<!tpu.dma_semaphore, #tpu.memory_space<semaphore_mem>>) src(%dma_wait3A_29 : memref<128xf32, #tpu.memory_space<hbm>>) dst(%arg20 : memref<128xf32, #tpu.memory_space<vmem>>)
      tpu.yield
    }) : () -> ()
    %iota3A = tpu.iota {dimensions = array<i32: 0>} : vector<16xi32>
    %scan3A = arith.constant 0 : i32
    %scan3A_2 = arith.constant 0 : i32
    %scan3A_3 = arith.constant 8 : i32
    %scan3A_4 = arith.addi %scan3A_2, %scan3A_3 : i32
    %scan3A_5 = arith.constant 1 : i32
    %scan3A_6 = scf.for %scan3A_19 = %scan3A_2 to %scan3A_4 step %scan3A_5 iter_args(%scan3A_20 = %scan3A) -> (i32)  : i32 {
      %mul3A_21 = arith.constant 16 : i32
      %mul3A_22 = arith.muli %scan3A_19, %mul3A_21 : i32
      "tpu.region"() ({
        %run_scoped3A = tpu.sem_alloc : memref<!tpu.dma_semaphore, #tpu.memory_space<semaphore_mem>>
        %dma_start3A_31 = arith.constant 0 : i32
        %dma_start3A_32 = tpu.memref_slice %arg8[%add3A, %mul3A_22, %dma_start3A_31] : memref<32x128x512xf32, #tpu.memory_space<hbm>> -> memref<1x16x512xf32, #tpu.memory_space<hbm>>
        %dma_start3A_33 = tpu.memref_squeeze %dma_start3A_32 : memref<1x16x512xf32, #tpu.memory_space<hbm>> -> memref<16x512xf32, #tpu.memory_space<hbm>>
        %dma_start3A_34 = arith.constant 0 : i32
        %dma_start3A_35 = tpu.memref_slice %arg8[%add3A, %mul3A_22, %dma_start3A_34] : memref<32x128x512xf32, #tpu.memory_space<hbm>> -> memref<1x16x512xf32, #tpu.memory_space<hbm>>
        %dma_start3A_36 = tpu.memref_squeeze %dma_start3A_35 : memref<1x16x512xf32, #tpu.memory_space<hbm>> -> memref<16x512xf32, #tpu.memory_space<hbm>>
        tpu.enqueue_dma source(%dma_start3A_36 : memref<16x512xf32, #tpu.memory_space<hbm>>) target(%arg21 : memref<16x512xf32, #tpu.memory_space<vmem>>) target_semaphore(%run_scoped3A : memref<!tpu.dma_semaphore, #tpu.memory_space<semaphore_mem>>)
        %dma_wait3A = arith.constant 0 : i32
        %dma_wait3A_37 = tpu.memref_slice %arg8[%add3A, %mul3A_22, %dma_wait3A] : memref<32x128x512xf32, #tpu.memory_space<hbm>> -> memref<1x16x512xf32, #tpu.memory_space<hbm>>
        %dma_wait3A_38 = tpu.memref_squeeze %dma_wait3A_37 : memref<1x16x512xf32, #tpu.memory_space<hbm>> -> memref<16x512xf32, #tpu.memory_space<hbm>>
        %dma_wait3A_39 = arith.constant 0 : i32
        %dma_wait3A_40 = tpu.memref_slice %arg8[%add3A, %mul3A_22, %dma_wait3A_39] : memref<32x128x512xf32, #tpu.memory_space<hbm>> -> memref<1x16x512xf32, #tpu.memory_space<hbm>>
        %dma_wait3A_41 = tpu.memref_squeeze %dma_wait3A_40 : memref<1x16x512xf32, #tpu.memory_space<hbm>> -> memref<16x512xf32, #tpu.memory_space<hbm>>
        tpu.wait_dma2 semaphore(%run_scoped3A : memref<!tpu.dma_semaphore, #tpu.memory_space<semaphore_mem>>) src(%dma_wait3A_41 : memref<16x512xf32, #tpu.memory_space<hbm>>) dst(%arg21 : memref<16x512xf32, #tpu.memory_space<vmem>>)
        tpu.yield
      }) : () -> ()
      %scan3A_23 = arith.constant 0 : i32
      %scan3A_24 = arith.constant 0 : i32
      %scan3A_25 = arith.constant 16 : i32
      %scan3A_26 = arith.addi %scan3A_24, %scan3A_25 : i32
      %scan3A_27 = arith.constant 1 : i32
      %scan3A_28 = scf.for %scan3A_31 = %scan3A_24 to %scan3A_26 step %scan3A_27 iter_args(%scan3A_32 = %scan3A_23) -> (i32)  : i32 {
        %mul3A_33 = arith.constant 16 : i32
        %mul3A_34 = arith.muli %scan3A_19, %mul3A_33 : i32
        %add3A_35 = arith.addi %mul3A_34, %scan3A_31 : i32
        %broadcast_in_dim3A = vector.broadcast %add3A_35 : i32 to vector<16xi32>
        %broadcast_in_dim3A_36 = vector.broadcast %scan3A_31 : i32 to vector<16xi32>
        %gather3A = tpu.vector_load_idx %arg18[%broadcast_in_dim3A] : memref<128xf32, #tpu.memory_space<vmem>>[vector<16xi32>], vector<16xf32>,
        %gather3A_37 = tpu.vector_load_idx %arg19[%broadcast_in_dim3A] : memref<128xf32, #tpu.memory_space<vmem>>[vector<16xi32>], vector<16xf32>,
        %gather3A_38 = tpu.vector_load_idx %arg20[%broadcast_in_dim3A] : memref<128xf32, #tpu.memory_space<vmem>>[vector<16xi32>], vector<16xf32>,
        %mul3A_39 = arith.constant 64 : i32
        %mul3A_40 = arith.muli %add3A_35, %mul3A_39 : i32
        %broadcast_in_dim3A_41 = vector.broadcast %mul3A_40 : i32 to vector<16xi32>
        %broadcast_in_dim3A_42 = arith.constant 0 : i32
        %broadcast_in_dim3A_43 = vector.broadcast %broadcast_in_dim3A_42 : i32 to vector<16xi32>
        %scan3A_44 = arith.constant 0 : i32
        %scan3A_45 = arith.constant 8 : i32
        %scan3A_46 = arith.addi %scan3A_44, %scan3A_45 : i32
        %scan3A_47 = arith.constant 1 : i32
        %scan3A_48 = scf.for %scan3A_95 = %scan3A_44 to %scan3A_46 step %scan3A_47 iter_args(%scan3A_96 = %broadcast_in_dim3A_43) -> (vector<16xi32>)  : i32 {
          %mul3A_97 = arith.constant 4 : i32
          %mul3A_98 = arith.muli %scan3A_95, %mul3A_97 : i32
          %add3A_99 = arith.constant 0 : i32
          %add3A_100 = arith.addi %mul3A_98, %add3A_99 : i32
          %mul3A_101 = arith.constant 16 : i32
          %mul3A_102 = arith.muli %add3A_100, %mul3A_101 : i32
          %add3A_103 = vector.broadcast %mul3A_102 : i32 to vector<16xi32>
          %add3A_104 = arith.addi %add3A_103, %iota3A : vector<16xi32>
          %gather3A_105 = tpu.vector_load_idx %arg21[%broadcast_in_dim3A_36, %add3A_104] : memref<16x512xf32, #tpu.memory_space<vmem>>[vector<16xi32>, vector<16xi32>], vector<16xf32>,
          %le3A = vector.broadcast %squeeze3A : f32 to vector<16xf32>
          %le3A_106 = arith.cmpf ole, %gather3A_105, %le3A : vector<16xf32>
          %convert_element_type3A = arith.extui %le3A_106 : vector<16xi1> to vector<16xi32>
          %broadcast_in_dim3A_107 = arith.constant true
          %broadcast_in_dim3A_108 = vector.broadcast %broadcast_in_dim3A_107 : i1 to vector<16xi1>
          %masked_cumsum3A = tpu.scan <sum>, %convert_element_type3A masked %broadcast_in_dim3A_108 : vector<16xi32>, vector<16xi1> -> vector<16xi32>
          %add3A_109 = arith.addi %scan3A_96, %masked_cumsum3A : vector<16xi32>
          %sub3A_110 = arith.constant 1 : i32
          %sub3A_111 = vector.broadcast %sub3A_110 : i32 to vector<16xi32>
          %sub3A_112 = arith.subi %add3A_109, %sub3A_111 : vector<16xi32>
          %lt3A = arith.constant 64 : i32
          %lt3A_113 = vector.broadcast %lt3A : i32 to vector<16xi32>
          %lt3A_114 = arith.cmpi slt, %sub3A_112, %lt3A_113 : vector<16xi32>
          %and3A = arith.andi %le3A_106, %lt3A_114 : vector<16xi1>
          %add3A_115 = arith.addi %broadcast_in_dim3A_41, %sub3A_112 : vector<16xi32>
          %get3A_116 = arith.index_cast %mul3A_102 : i32 to index
          %get3A_117 = tpu.vector_load %arg15[%get3A_116] {strides = array<i32>} : memref<512xf32, #tpu.memory_space<vmem>>, vector<16xf32>,
          %sub3A_118 = arith.subf %get3A_117, %gather3A : vector<16xf32>
          tpu.vector_store_idx %arg22[%add3A_115], %sub3A_118 masked %and3A : memref<8192xf32, #tpu.memory_space<vmem>>[vector<16xi32>], vector<16xf32>, vector<16xi1>
          %get3A_119 = arith.index_cast %mul3A_102 : i32 to index
          %get3A_120 = tpu.vector_load %arg16[%get3A_119] {strides = array<i32>} : memref<512xf32, #tpu.memory_space<vmem>>, vector<16xf32>,
          %sub3A_121 = arith.subf %get3A_120, %gather3A_37 : vector<16xf32>
          tpu.vector_store_idx %arg23[%add3A_115], %sub3A_121 masked %and3A : memref<8192xf32, #tpu.memory_space<vmem>>[vector<16xi32>], vector<16xf32>, vector<16xi1>
          %get3A_122 = arith.index_cast %mul3A_102 : i32 to index
          %get3A_123 = tpu.vector_load %arg17[%get3A_122] {strides = array<i32>} : memref<512xf32, #tpu.memory_space<vmem>>, vector<16xf32>,
          %sub3A_124 = arith.subf %get3A_123, %gather3A_38 : vector<16xf32>
          tpu.vector_store_idx %arg24[%add3A_115], %sub3A_124 masked %and3A : memref<8192xf32, #tpu.memory_space<vmem>>[vector<16xi32>], vector<16xf32>, vector<16xi1>
          %mul3A_125 = arith.constant 512 : i32
          %mul3A_126 = arith.muli %add3A, %mul3A_125 : i32
          %add3A_127 = arith.addi %mul3A_126, %mul3A_102 : i32
          %broadcast_in_dim3A_128 = vector.broadcast %add3A_127 : i32 to vector<16xi32>
          %add3A_129 = arith.addi %broadcast_in_dim3A_128, %iota3A : vector<16xi32>
          tpu.vector_store_idx %arg25[%add3A_115], %add3A_129 masked %and3A : memref<8192xi32, #tpu.memory_space<vmem>>[vector<16xi32>], vector<16xi32>, vector<16xi1>
          %all_reduce_population_count3A = tpu.all_reduce %le3A_106 {dim = 0 : i64, kind = #tpu.reduction_kind<sum>} : vector<16xi1> -> vector<16xi32>
          %add3A_130 = arith.addi %scan3A_96, %all_reduce_population_count3A : vector<16xi32>
          %mul3A_131 = arith.constant 4 : i32
          %mul3A_132 = arith.muli %scan3A_95, %mul3A_131 : i32
          %add3A_133 = arith.constant 1 : i32
          %add3A_134 = arith.addi %mul3A_132, %add3A_133 : i32
          %mul3A_135 = arith.constant 16 : i32
          %mul3A_136 = arith.muli %add3A_134, %mul3A_135 : i32
          %add3A_137 = vector.broadcast %mul3A_136 : i32 to vector<16xi32>
          %add3A_138 = arith.addi %add3A_137, %iota3A : vector<16xi32>
          %gather3A_139 = tpu.vector_load_idx %arg21[%broadcast_in_dim3A_36, %add3A_138] : memref<16x512xf32, #tpu.memory_space<vmem>>[vector<16xi32>, vector<16xi32>], vector<16xf32>,
          %le3A_140 = vector.broadcast %squeeze3A : f32 to vector<16xf32>
          %le3A_141 = arith.cmpf ole, %gather3A_139, %le3A_140 : vector<16xf32>
          %convert_element_type3A_142 = arith.extui %le3A_141 : vector<16xi1> to vector<16xi32>
          %broadcast_in_dim3A_143 = arith.constant true
          %broadcast_in_dim3A_144 = vector.broadcast %broadcast_in_dim3A_143 : i1 to vector<16xi1>
          %masked_cumsum3A_145 = tpu.scan <sum>, %convert_element_type3A_142 masked %broadcast_in_dim3A_144 : vector<16xi32>, vector<16xi1> -> vector<16xi32>
          %add3A_146 = arith.addi %add3A_130, %masked_cumsum3A_145 : vector<16xi32>
          %sub3A_147 = arith.constant 1 : i32
          %sub3A_148 = vector.broadcast %sub3A_147 : i32 to vector<16xi32>
          %sub3A_149 = arith.subi %add3A_146, %sub3A_148 : vector<16xi32>
          %lt3A_150 = arith.constant 64 : i32
          %lt3A_151 = vector.broadcast %lt3A_150 : i32 to vector<16xi32>
          %lt3A_152 = arith.cmpi slt, %sub3A_149, %lt3A_151 : vector<16xi32>
          %and3A_153 = arith.andi %le3A_141, %lt3A_152 : vector<16xi1>
          %add3A_154 = arith.addi %broadcast_in_dim3A_41, %sub3A_149 : vector<16xi32>
          %get3A_155 = arith.index_cast %mul3A_136 : i32 to index
          %get3A_156 = tpu.vector_load %arg15[%get3A_155] {strides = array<i32>} : memref<512xf32, #tpu.memory_space<vmem>>, vector<16xf32>,
          %sub3A_157 = arith.subf %get3A_156, %gather3A : vector<16xf32>
          tpu.vector_store_idx %arg22[%add3A_154], %sub3A_157 masked %and3A_153 : memref<8192xf32, #tpu.memory_space<vmem>>[vector<16xi32>], vector<16xf32>, vector<16xi1>
          %get3A_158 = arith.index_cast %mul3A_136 : i32 to index
          %get3A_159 = tpu.vector_load %arg16[%get3A_158] {strides = array<i32>} : memref<512xf32, #tpu.memory_space<vmem>>, vector<16xf32>,
          %sub3A_160 = arith.subf %get3A_159, %gather3A_37 : vector<16xf32>
          tpu.vector_store_idx %arg23[%add3A_154], %sub3A_160 masked %and3A_153 : memref<8192xf32, #tpu.memory_space<vmem>>[vector<16xi32>], vector<16xf32>, vector<16xi1>
          %get3A_161 = arith.index_cast %mul3A_136 : i32 to index
          %get3A_162 = tpu.vector_load %arg17[%get3A_161] {strides = array<i32>} : memref<512xf32, #tpu.memory_space<vmem>>, vector<16xf32>,
          %sub3A_163 = arith.subf %get3A_162, %gather3A_38 : vector<16xf32>
          tpu.vector_store_idx %arg24[%add3A_154], %sub3A_163 masked %and3A_153 : memref<8192xf32, #tpu.memory_space<vmem>>[vector<16xi32>], vector<16xf32>, vector<16xi1>
          %mul3A_164 = arith.constant 512 : i32
          %mul3A_165 = arith.muli %add3A, %mul3A_164 : i32
          %add3A_166 = arith.addi %mul3A_165, %mul3A_136 : i32
          %broadcast_in_dim3A_167 = vector.broadcast %add3A_166 : i32 to vector<16xi32>
          %add3A_168 = arith.addi %broadcast_in_dim3A_167, %iota3A : vector<16xi32>
          tpu.vector_store_idx %arg25[%add3A_154], %add3A_168 masked %and3A_153 : memref<8192xi32, #tpu.memory_space<vmem>>[vector<16xi32>], vector<16xi32>, vector<16xi1>
          %all_reduce_population_count3A_169 = tpu.all_reduce %le3A_141 {dim = 0 : i64, kind = #tpu.reduction_kind<sum>} : vector<16xi1> -> vector<16xi32>
          %add3A_170 = arith.addi %add3A_130, %all_reduce_population_count3A_169 : vector<16xi32>
          %mul3A_171 = arith.constant 4 : i32
          %mul3A_172 = arith.muli %scan3A_95, %mul3A_171 : i32
          %add3A_173 = arith.constant 2 : i32
          %add3A_174 = arith.addi %mul3A_172, %add3A_173 : i32
          %mul3A_175 = arith.constant 16 : i32
          %mul3A_176 = arith.muli %add3A_174, %mul3A_175 : i32
          %add3A_177 = vector.broadcast %mul3A_176 : i32 to vector<16xi32>
          %add3A_178 = arith.addi %add3A_177, %iota3A : vector<16xi32>
          %gather3A_179 = tpu.vector_load_idx %arg21[%broadcast_in_dim3A_36, %add3A_178] : memref<16x512xf32, #tpu.memory_space<vmem>>[vector<16xi32>, vector<16xi32>], vector<16xf32>,
          %le3A_180 = vector.broadcast %squeeze3A : f32 to vector<16xf32>
          %le3A_181 = arith.cmpf ole, %gather3A_179, %le3A_180 : vector<16xf32>
          %convert_element_type3A_182 = arith.extui %le3A_181 : vector<16xi1> to vector<16xi32>
          %broadcast_in_dim3A_183 = arith.constant true
          %broadcast_in_dim3A_184 = vector.broadcast %broadcast_in_dim3A_183 : i1 to vector<16xi1>
          %masked_cumsum3A_185 = tpu.scan <sum>, %convert_element_type3A_182 masked %broadcast_in_dim3A_184 : vector<16xi32>, vector<16xi1> -> vector<16xi32>
          %add3A_186 = arith.addi %add3A_170, %masked_cumsum3A_185 : vector<16xi32>
          %sub3A_187 = arith.constant 1 : i32
          %sub3A_188 = vector.broadcast %sub3A_187 : i32 to vector<16xi32>
          %sub3A_189 = arith.subi %add3A_186, %sub3A_188 : vector<16xi32>
          %lt3A_190 = arith.constant 64 : i32
          %lt3A_191 = vector.broadcast %lt3A_190 : i32 to vector<16xi32>
          %lt3A_192 = arith.cmpi slt, %sub3A_189, %lt3A_191 : vector<16xi32>
          %and3A_193 = arith.andi %le3A_181, %lt3A_192 : vector<16xi1>
          %add3A_194 = arith.addi %broadcast_in_dim3A_41, %sub3A_189 : vector<16xi32>
          %get3A_195 = arith.index_cast %mul3A_176 : i32 to index
          %get3A_196 = tpu.vector_load %arg15[%get3A_195] {strides = array<i32>} : memref<512xf32, #tpu.memory_space<vmem>>, vector<16xf32>,
          %sub3A_197 = arith.subf %get3A_196, %gather3A : vector<16xf32>
          tpu.vector_store_idx %arg22[%add3A_194], %sub3A_197 masked %and3A_193 : memref<8192xf32, #tpu.memory_space<vmem>>[vector<16xi32>], vector<16xf32>, vector<16xi1>
          %get3A_198 = arith.index_cast %mul3A_176 : i32 to index
          %get3A_199 = tpu.vector_load %arg16[%get3A_198] {strides = array<i32>} : memref<512xf32, #tpu.memory_space<vmem>>, vector<16xf32>,
          %sub3A_200 = arith.subf %get3A_199, %gather3A_37 : vector<16xf32>
          tpu.vector_store_idx %arg23[%add3A_194], %sub3A_200 masked %and3A_193 : memref<8192xf32, #tpu.memory_space<vmem>>[vector<16xi32>], vector<16xf32>, vector<16xi1>
          %get3A_201 = arith.index_cast %mul3A_176 : i32 to index
          %get3A_202 = tpu.vector_load %arg17[%get3A_201] {strides = array<i32>} : memref<512xf32, #tpu.memory_space<vmem>>, vector<16xf32>,
          %sub3A_203 = arith.subf %get3A_202, %gather3A_38 : vector<16xf32>
          tpu.vector_store_idx %arg24[%add3A_194], %sub3A_203 masked %and3A_193 : memref<8192xf32, #tpu.memory_space<vmem>>[vector<16xi32>], vector<16xf32>, vector<16xi1>
          %mul3A_204 = arith.constant 512 : i32
          %mul3A_205 = arith.muli %add3A, %mul3A_204 : i32
          %add3A_206 = arith.addi %mul3A_205, %mul3A_176 : i32
          %broadcast_in_dim3A_207 = vector.broadcast %add3A_206 : i32 to vector<16xi32>
          %add3A_208 = arith.addi %broadcast_in_dim3A_207, %iota3A : vector<16xi32>
          tpu.vector_store_idx %arg25[%add3A_194], %add3A_208 masked %and3A_193 : memref<8192xi32, #tpu.memory_space<vmem>>[vector<16xi32>], vector<16xi32>, vector<16xi1>
          %all_reduce_population_count3A_209 = tpu.all_reduce %le3A_181 {dim = 0 : i64, kind = #tpu.reduction_kind<sum>} : vector<16xi1> -> vector<16xi32>
          %add3A_210 = arith.addi %add3A_170, %all_reduce_population_count3A_209 : vector<16xi32>
          %mul3A_211 = arith.constant 4 : i32
          %mul3A_212 = arith.muli %scan3A_95, %mul3A_211 : i32
          %add3A_213 = arith.constant 3 : i32
          %add3A_214 = arith.addi %mul3A_212, %add3A_213 : i32
          %mul3A_215 = arith.constant 16 : i32
          %mul3A_216 = arith.muli %add3A_214, %mul3A_215 : i32
          %add3A_217 = vector.broadcast %mul3A_216 : i32 to vector<16xi32>
          %add3A_218 = arith.addi %add3A_217, %iota3A : vector<16xi32>
          %gather3A_219 = tpu.vector_load_idx %arg21[%broadcast_in_dim3A_36, %add3A_218] : memref<16x512xf32, #tpu.memory_space<vmem>>[vector<16xi32>, vector<16xi32>], vector<16xf32>,
          %le3A_220 = vector.broadcast %squeeze3A : f32 to vector<16xf32>
          %le3A_221 = arith.cmpf ole, %gather3A_219, %le3A_220 : vector<16xf32>
          %convert_element_type3A_222 = arith.extui %le3A_221 : vector<16xi1> to vector<16xi32>
          %broadcast_in_dim3A_223 = arith.constant true
          %broadcast_in_dim3A_224 = vector.broadcast %broadcast_in_dim3A_223 : i1 to vector<16xi1>
          %masked_cumsum3A_225 = tpu.scan <sum>, %convert_element_type3A_222 masked %broadcast_in_dim3A_224 : vector<16xi32>, vector<16xi1> -> vector<16xi32>
          %add3A_226 = arith.addi %add3A_210, %masked_cumsum3A_225 : vector<16xi32>
          %sub3A_227 = arith.constant 1 : i32
          %sub3A_228 = vector.broadcast %sub3A_227 : i32 to vector<16xi32>
          %sub3A_229 = arith.subi %add3A_226, %sub3A_228 : vector<16xi32>
          %lt3A_230 = arith.constant 64 : i32
          %lt3A_231 = vector.broadcast %lt3A_230 : i32 to vector<16xi32>
          %lt3A_232 = arith.cmpi slt, %sub3A_229, %lt3A_231 : vector<16xi32>
          %and3A_233 = arith.andi %le3A_221, %lt3A_232 : vector<16xi1>
          %add3A_234 = arith.addi %broadcast_in_dim3A_41, %sub3A_229 : vector<16xi32>
          %get3A_235 = arith.index_cast %mul3A_216 : i32 to index
          %get3A_236 = tpu.vector_load %arg15[%get3A_235] {strides = array<i32>} : memref<512xf32, #tpu.memory_space<vmem>>, vector<16xf32>,
          %sub3A_237 = arith.subf %get3A_236, %gather3A : vector<16xf32>
          tpu.vector_store_idx %arg22[%add3A_234], %sub3A_237 masked %and3A_233 : memref<8192xf32, #tpu.memory_space<vmem>>[vector<16xi32>], vector<16xf32>, vector<16xi1>
          %get3A_238 = arith.index_cast %mul3A_216 : i32 to index
          %get3A_239 = tpu.vector_load %arg16[%get3A_238] {strides = array<i32>} : memref<512xf32, #tpu.memory_space<vmem>>, vector<16xf32>,
          %sub3A_240 = arith.subf %get3A_239, %gather3A_37 : vector<16xf32>
          tpu.vector_store_idx %arg23[%add3A_234], %sub3A_240 masked %and3A_233 : memref<8192xf32, #tpu.memory_space<vmem>>[vector<16xi32>], vector<16xf32>, vector<16xi1>
          %get3A_241 = arith.index_cast %mul3A_216 : i32 to index
          %get3A_242 = tpu.vector_load %arg17[%get3A_241] {strides = array<i32>} : memref<512xf32, #tpu.memory_space<vmem>>, vector<16xf32>,
          %sub3A_243 = arith.subf %get3A_242, %gather3A_38 : vector<16xf32>
          tpu.vector_store_idx %arg24[%add3A_234], %sub3A_243 masked %and3A_233 : memref<8192xf32, #tpu.memory_space<vmem>>[vector<16xi32>], vector<16xf32>, vector<16xi1>
          %mul3A_244 = arith.constant 512 : i32
          %mul3A_245 = arith.muli %add3A, %mul3A_244 : i32
          %add3A_246 = arith.addi %mul3A_245, %mul3A_216 : i32
          %broadcast_in_dim3A_247 = vector.broadcast %add3A_246 : i32 to vector<16xi32>
          %add3A_248 = arith.addi %broadcast_in_dim3A_247, %iota3A : vector<16xi32>
          tpu.vector_store_idx %arg25[%add3A_234], %add3A_248 masked %and3A_233 : memref<8192xi32, #tpu.memory_space<vmem>>[vector<16xi32>], vector<16xi32>, vector<16xi1>
          %all_reduce_population_count3A_249 = tpu.all_reduce %le3A_221 {dim = 0 : i64, kind = #tpu.reduction_kind<sum>} : vector<16xi1> -> vector<16xi32>
          %add3A_250 = arith.addi %add3A_210, %all_reduce_population_count3A_249 : vector<16xi32>
          scf.yield %add3A_250 : vector<16xi32>
        }
        %scan3A_49 = arith.constant 8 : i32
        %broadcast_in_dim3A_50 = arith.constant 64 : i32
        %broadcast_in_dim3A_51 = vector.broadcast %broadcast_in_dim3A_50 : i32 to vector<16xi32>
        %min3A = arith.minsi %scan3A_48, %broadcast_in_dim3A_51 : vector<16xi32>
        %eq3A = arith.constant 0 : i32
        %eq3A_52 = vector.broadcast %eq3A : i32 to vector<16xi32>
        %eq3A_53 = arith.cmpi eq, %scan3A_48, %eq3A_52 : vector<16xi32>
        %broadcast_in_dim3A_54 = arith.constant 511 : i32
        %broadcast_in_dim3A_55 = vector.broadcast %broadcast_in_dim3A_54 : i32 to vector<16xi32>
        %gather3A_56 = tpu.vector_load_idx %arg15[%broadcast_in_dim3A_55] : memref<512xf32, #tpu.memory_space<vmem>>[vector<16xi32>], vector<16xf32>,
        %sub3A = arith.subf %gather3A_56, %gather3A : vector<16xf32>
        %gather3A_57 = tpu.vector_load_idx %arg22[%broadcast_in_dim3A_41] : memref<8192xf32, #tpu.memory_space<vmem>>[vector<16xi32>], vector<16xf32>,
        %select_n3A = arith.select %eq3A_53, %sub3A, %gather3A_57 : vector<16xi1>, vector<16xf32>
        %gather3A_58 = tpu.vector_load_idx %arg16[%broadcast_in_dim3A_55] : memref<512xf32, #tpu.memory_space<vmem>>[vector<16xi32>], vector<16xf32>,
        %sub3A_59 = arith.subf %gather3A_58, %gather3A_37 : vector<16xf32>
        %gather3A_60 = tpu.vector_load_idx %arg23[%broadcast_in_dim3A_41] : memref<8192xf32, #tpu.memory_space<vmem>>[vector<16xi32>], vector<16xf32>,
        %select_n3A_61 = arith.select %eq3A_53, %sub3A_59, %gather3A_60 : vector<16xi1>, vector<16xf32>
        %gather3A_62 = tpu.vector_load_idx %arg17[%broadcast_in_dim3A_55] : memref<512xf32, #tpu.memory_space<vmem>>[vector<16xi32>], vector<16xf32>,
        %sub3A_63 = arith.subf %gather3A_62, %gather3A_38 : vector<16xf32>
        %gather3A_64 = tpu.vector_load_idx %arg24[%broadcast_in_dim3A_41] : memref<8192xf32, #tpu.memory_space<vmem>>[vector<16xi32>], vector<16xf32>,
        %select_n3A_65 = arith.select %eq3A_53, %sub3A_63, %gather3A_64 : vector<16xi1>, vector<16xf32>
        %mul3A_66 = arith.constant 512 : i32
        %mul3A_67 = arith.muli %add3A, %mul3A_66 : i32
        %add3A_68 = arith.constant 512 : i32
        %add3A_69 = arith.addi %mul3A_67, %add3A_68 : i32
        %sub3A_70 = arith.constant 1 : i32
        %sub3A_71 = arith.subi %add3A_69, %sub3A_70 : i32
        %broadcast_in_dim3A_72 = vector.broadcast %sub3A_71 : i32 to vector<16xi32>
        %gather3A_73 = tpu.vector_load_idx %arg25[%broadcast_in_dim3A_41] : memref<8192xi32, #tpu.memory_space<vmem>>[vector<16xi32>], vector<16xi32>,
        %select_n3A_74 = arith.select %eq3A_53, %broadcast_in_dim3A_72, %gather3A_73 : vector<16xi1>, vector<16xi32>
        %broadcast_in_dim3A_75 = arith.constant 0 : i32
        %broadcast_in_dim3A_76 = vector.broadcast %broadcast_in_dim3A_75 : i32 to vector<16xi32>
        %add3A_77 = arith.addi %broadcast_in_dim3A_76, %iota3A : vector<16xi32>
        %ge3A = arith.cmpi sge, %add3A_77, %min3A : vector<16xi32>
        %add3A_78 = arith.addi %broadcast_in_dim3A_41, %add3A_77 : vector<16xi32>
        tpu.vector_store_idx %arg22[%add3A_78], %select_n3A masked %ge3A : memref<8192xf32, #tpu.memory_space<vmem>>[vector<16xi32>], vector<16xf32>, vector<16xi1>
        tpu.vector_store_idx %arg23[%add3A_78], %select_n3A_61 masked %ge3A : memref<8192xf32, #tpu.memory_space<vmem>>[vector<16xi32>], vector<16xf32>, vector<16xi1>
        tpu.vector_store_idx %arg24[%add3A_78], %select_n3A_65 masked %ge3A : memref<8192xf32, #tpu.memory_space<vmem>>[vector<16xi32>], vector<16xf32>, vector<16xi1>
        tpu.vector_store_idx %arg25[%add3A_78], %select_n3A_74 masked %ge3A : memref<8192xi32, #tpu.memory_space<vmem>>[vector<16xi32>], vector<16xi32>, vector<16xi1>
        %broadcast_in_dim3A_79 = arith.constant 16 : i32
        %broadcast_in_dim3A_80 = vector.broadcast %broadcast_in_dim3A_79 : i32 to vector<16xi32>
        %add3A_81 = arith.addi %broadcast_in_dim3A_80, %iota3A : vector<16xi32>
        %ge3A_82 = arith.cmpi sge, %add3A_81, %min3A : vector<16xi32>
        %add3A_83 = arith.addi %broadcast_in_dim3A_41, %add3A_81 : vector<16xi32>
        tpu.vector_store_idx %arg22[%add3A_83], %select_n3A masked %ge3A_82 : memref<8192xf32, #tpu.memory_space<vmem>>[vector<16xi32>], vector<16xf32>, vector<16xi1>
        tpu.vector_store_idx %arg23[%add3A_83], %select_n3A_61 masked %ge3A_82 : memref<8192xf32, #tpu.memory_space<vmem>>[vector<16xi32>], vector<16xf32>, vector<16xi1>
        tpu.vector_store_idx %arg24[%add3A_83], %select_n3A_65 masked %ge3A_82 : memref<8192xf32, #tpu.memory_space<vmem>>[vector<16xi32>], vector<16xf32>, vector<16xi1>
        tpu.vector_store_idx %arg25[%add3A_83], %select_n3A_74 masked %ge3A_82 : memref<8192xi32, #tpu.memory_space<vmem>>[vector<16xi32>], vector<16xi32>, vector<16xi1>
        %broadcast_in_dim3A_84 = arith.constant 32 : i32
        %broadcast_in_dim3A_85 = vector.broadcast %broadcast_in_dim3A_84 : i32 to vector<16xi32>
        %add3A_86 = arith.addi %broadcast_in_dim3A_85, %iota3A : vector<16xi32>
        %ge3A_87 = arith.cmpi sge, %add3A_86, %min3A : vector<16xi32>
        %add3A_88 = arith.addi %broadcast_in_dim3A_41, %add3A_86 : vector<16xi32>
        tpu.vector_store_idx %arg22[%add3A_88], %select_n3A masked %ge3A_87 : memref<8192xf32, #tpu.memory_space<vmem>>[vector<16xi32>], vector<16xf32>, vector<16xi1>
        tpu.vector_store_idx %arg23[%add3A_88], %select_n3A_61 masked %ge3A_87 : memref<8192xf32, #tpu.memory_space<vmem>>[vector<16xi32>], vector<16xf32>, vector<16xi1>
        tpu.vector_store_idx %arg24[%add3A_88], %select_n3A_65 masked %ge3A_87 : memref<8192xf32, #tpu.memory_space<vmem>>[vector<16xi32>], vector<16xf32>, vector<16xi1>
        tpu.vector_store_idx %arg25[%add3A_88], %select_n3A_74 masked %ge3A_87 : memref<8192xi32, #tpu.memory_space<vmem>>[vector<16xi32>], vector<16xi32>, vector<16xi1>
        %broadcast_in_dim3A_89 = arith.constant 48 : i32
        %broadcast_in_dim3A_90 = vector.broadcast %broadcast_in_dim3A_89 : i32 to vector<16xi32>
        %add3A_91 = arith.addi %broadcast_in_dim3A_90, %iota3A : vector<16xi32>
        %ge3A_92 = arith.cmpi sge, %add3A_91, %min3A : vector<16xi32>
        %add3A_93 = arith.addi %broadcast_in_dim3A_41, %add3A_91 : vector<16xi32>
        tpu.vector_store_idx %arg22[%add3A_93], %select_n3A masked %ge3A_92 : memref<8192xf32, #tpu.memory_space<vmem>>[vector<16xi32>], vector<16xf32>, vector<16xi1>
        tpu.vector_store_idx %arg23[%add3A_93], %select_n3A_61 masked %ge3A_92 : memref<8192xf32, #tpu.memory_space<vmem>>[vector<16xi32>], vector<16xf32>, vector<16xi1>
        tpu.vector_store_idx %arg24[%add3A_93], %select_n3A_65 masked %ge3A_92 : memref<8192xf32, #tpu.memory_space<vmem>>[vector<16xi32>], vector<16xf32>, vector<16xi1>
        tpu.vector_store_idx %arg25[%add3A_93], %select_n3A_74 masked %ge3A_92 : memref<8192xi32, #tpu.memory_space<vmem>>[vector<16xi32>], vector<16xi32>, vector<16xi1>
        %scan3A_94 = arith.constant 0 : i32
        scf.yield %scan3A_94 : i32
      }
      %scan3A_29 = arith.constant 16 : i32
      %scan3A_30 = arith.constant 0 : i32
      scf.yield %scan3A_30 : i32
    }
    %scan3A_7 = arith.constant 8 : i32
    "tpu.region"() ({
      %run_scoped3A = tpu.sem_alloc : memref<!tpu.dma_semaphore, #tpu.memory_space<semaphore_mem>>
      %dma_start3A_19 = arith.constant 0 : i32
      %dma_start3A_20 = tpu.memref_slice %arg11[%add3A, %dma_start3A_19] : memref<32x8192xf32, #tpu.memory_space<hbm>> -> memref<1x8192xf32, #tpu.memory_space<hbm>>
      %dma_start3A_21 = tpu.memref_squeeze %dma_start3A_20 : memref<1x8192xf32, #tpu.memory_space<hbm>> -> memref<8192xf32, #tpu.memory_space<hbm>>
      %dma_start3A_22 = arith.constant 0 : i32
      %dma_start3A_23 = tpu.memref_slice %arg11[%add3A, %dma_start3A_22] : memref<32x8192xf32, #tpu.memory_space<hbm>> -> memref<1x8192xf32, #tpu.memory_space<hbm>>
      %dma_start3A_24 = tpu.memref_squeeze %dma_start3A_23 : memref<1x8192xf32, #tpu.memory_space<hbm>> -> memref<8192xf32, #tpu.memory_space<hbm>>
      tpu.enqueue_dma source(%arg22 : memref<8192xf32, #tpu.memory_space<vmem>>) target(%dma_start3A_24 : memref<8192xf32, #tpu.memory_space<hbm>>) target_semaphore(%run_scoped3A : memref<!tpu.dma_semaphore, #tpu.memory_space<semaphore_mem>>)
      %dma_wait3A = arith.constant 0 : i32
      %dma_wait3A_25 = tpu.memref_slice %arg11[%add3A, %dma_wait3A] : memref<32x8192xf32, #tpu.memory_space<hbm>> -> memref<1x8192xf32, #tpu.memory_space<hbm>>
      %dma_wait3A_26 = tpu.memref_squeeze %dma_wait3A_25 : memref<1x8192xf32, #tpu.memory_space<hbm>> -> memref<8192xf32, #tpu.memory_space<hbm>>
      %dma_wait3A_27 = arith.constant 0 : i32
      %dma_wait3A_28 = tpu.memref_slice %arg11[%add3A, %dma_wait3A_27] : memref<32x8192xf32, #tpu.memory_space<hbm>> -> memref<1x8192xf32, #tpu.memory_space<hbm>>
      %dma_wait3A_29 = tpu.memref_squeeze %dma_wait3A_28 : memref<1x8192xf32, #tpu.memory_space<hbm>> -> memref<8192xf32, #tpu.memory_space<hbm>>
      tpu.wait_dma2 semaphore(%run_scoped3A : memref<!tpu.dma_semaphore, #tpu.memory_space<semaphore_mem>>) src(%arg22 : memref<8192xf32, #tpu.memory_space<vmem>>) dst(%dma_wait3A_29 : memref<8192xf32, #tpu.memory_space<hbm>>)
      tpu.yield
    }) : () -> ()
    "tpu.region"() ({
      %run_scoped3A = tpu.sem_alloc : memref<!tpu.dma_semaphore, #tpu.memory_space<semaphore_mem>>
      %dma_start3A_19 = arith.constant 0 : i32
      %dma_start3A_20 = tpu.memref_slice %arg12[%add3A, %dma_start3A_19] : memref<32x8192xf32, #tpu.memory_space<hbm>> -> memref<1x8192xf32, #tpu.memory_space<hbm>>
      %dma_start3A_21 = tpu.memref_squeeze %dma_start3A_20 : memref<1x8192xf32, #tpu.memory_space<hbm>> -> memref<8192xf32, #tpu.memory_space<hbm>>
      %dma_start3A_22 = arith.constant 0 : i32
      %dma_start3A_23 = tpu.memref_slice %arg12[%add3A, %dma_start3A_22] : memref<32x8192xf32, #tpu.memory_space<hbm>> -> memref<1x8192xf32, #tpu.memory_space<hbm>>
      %dma_start3A_24 = tpu.memref_squeeze %dma_start3A_23 : memref<1x8192xf32, #tpu.memory_space<hbm>> -> memref<8192xf32, #tpu.memory_space<hbm>>
      tpu.enqueue_dma source(%arg23 : memref<8192xf32, #tpu.memory_space<vmem>>) target(%dma_start3A_24 : memref<8192xf32, #tpu.memory_space<hbm>>) target_semaphore(%run_scoped3A : memref<!tpu.dma_semaphore, #tpu.memory_space<semaphore_mem>>)
      %dma_wait3A = arith.constant 0 : i32
      %dma_wait3A_25 = tpu.memref_slice %arg12[%add3A, %dma_wait3A] : memref<32x8192xf32, #tpu.memory_space<hbm>> -> memref<1x8192xf32, #tpu.memory_space<hbm>>
      %dma_wait3A_26 = tpu.memref_squeeze %dma_wait3A_25 : memref<1x8192xf32, #tpu.memory_space<hbm>> -> memref<8192xf32, #tpu.memory_space<hbm>>
      %dma_wait3A_27 = arith.constant 0 : i32
      %dma_wait3A_28 = tpu.memref_slice %arg12[%add3A, %dma_wait3A_27] : memref<32x8192xf32, #tpu.memory_space<hbm>> -> memref<1x8192xf32, #tpu.memory_space<hbm>>
      %dma_wait3A_29 = tpu.memref_squeeze %dma_wait3A_28 : memref<1x8192xf32, #tpu.memory_space<hbm>> -> memref<8192xf32, #tpu.memory_space<hbm>>
      tpu.wait_dma2 semaphore(%run_scoped3A : memref<!tpu.dma_semaphore, #tpu.memory_space<semaphore_mem>>) src(%arg23 : memref<8192xf32, #tpu.memory_space<vmem>>) dst(%dma_wait3A_29 : memref<8192xf32, #tpu.memory_space<hbm>>)
      tpu.yield
    }) : () -> ()
    "tpu.region"() ({
      %run_scoped3A = tpu.sem_alloc : memref<!tpu.dma_semaphore, #tpu.memory_space<semaphore_mem>>
      %dma_start3A_19 = arith.constant 0 : i32
      %dma_start3A_20 = tpu.memref_slice %arg13[%add3A, %dma_start3A_19] : memref<32x8192xf32, #tpu.memory_space<hbm>> -> memref<1x8192xf32, #tpu.memory_space<hbm>>
      %dma_start3A_21 = tpu.memref_squeeze %dma_start3A_20 : memref<1x8192xf32, #tpu.memory_space<hbm>> -> memref<8192xf32, #tpu.memory_space<hbm>>
      %dma_start3A_22 = arith.constant 0 : i32
      %dma_start3A_23 = tpu.memref_slice %arg13[%add3A, %dma_start3A_22] : memref<32x8192xf32, #tpu.memory_space<hbm>> -> memref<1x8192xf32, #tpu.memory_space<hbm>>
      %dma_start3A_24 = tpu.memref_squeeze %dma_start3A_23 : memref<1x8192xf32, #tpu.memory_space<hbm>> -> memref<8192xf32, #tpu.memory_space<hbm>>
      tpu.enqueue_dma source(%arg24 : memref<8192xf32, #tpu.memory_space<vmem>>) target(%dma_start3A_24 : memref<8192xf32, #tpu.memory_space<hbm>>) target_semaphore(%run_scoped3A : memref<!tpu.dma_semaphore, #tpu.memory_space<semaphore_mem>>)
      %dma_wait3A = arith.constant 0 : i32
      %dma_wait3A_25 = tpu.memref_slice %arg13[%add3A, %dma_wait3A] : memref<32x8192xf32, #tpu.memory_space<hbm>> -> memref<1x8192xf32, #tpu.memory_space<hbm>>
      %dma_wait3A_26 = tpu.memref_squeeze %dma_wait3A_25 : memref<1x8192xf32, #tpu.memory_space<hbm>> -> memref<8192xf32, #tpu.memory_space<hbm>>
      %dma_wait3A_27 = arith.constant 0 : i32
      %dma_wait3A_28 = tpu.memref_slice %arg13[%add3A, %dma_wait3A_27] : memref<32x8192xf32, #tpu.memory_space<hbm>> -> memref<1x8192xf32, #tpu.memory_space<hbm>>
      %dma_wait3A_29 = tpu.memref_squeeze %dma_wait3A_28 : memref<1x8192xf32, #tpu.memory_space<hbm>> -> memref<8192xf32, #tpu.memory_space<hbm>>
      tpu.wait_dma2 semaphore(%run_scoped3A : memref<!tpu.dma_semaphore, #tpu.memory_space<semaphore_mem>>) src(%arg24 : memref<8192xf32, #tpu.memory_space<vmem>>) dst(%dma_wait3A_29 : memref<8192xf32, #tpu.memory_space<hbm>>)
      tpu.yield
    }) : () -> ()
    %dma_start3A = arith.constant 0 : i32
    %dma_start3A_8 = tpu.memref_slice %arg25[%dma_start3A] : memref<8192xi32, #tpu.memory_space<vmem>> -> memref<128xi32, #tpu.memory_space<vmem>>
    %dma_start3A_9 = arith.constant 0 : i32
    %dma_start3A_10 = arith.constant 0 : i32
    %dma_start3A_11 = tpu.memref_slice %arg9[%dma_start3A_9, %dma_start3A_10] : memref<16384x128xf32, #tpu.memory_space<hbm>> -> memref<16384x128xf32, #tpu.memory_space<hbm>>
    tpu.enqueue_indirect_dma source(%dma_start3A_11 : memref<16384x128xf32, #tpu.memory_space<hbm>>) target(%arg26 : memref<128x128xf32, #tpu.memory_space<vmem>>) offsets(%dma_start3A_8 : memref<128xi32, #tpu.memory_space<vmem>>) semaphore(%arg28 : memref<!tpu.dma_semaphore, #tpu.memory_space<semaphore_mem>>)
    %scan3A_12 = arith.constant 0 : i32
    %scan3A_13 = arith.constant 0 : i32
    %scan3A_14 = arith.constant 64 : i32
    %scan3A_15 = arith.addi %scan3A_13, %scan3A_14 : i32
    %scan3A_16 = arith.constant 1 : i32
    %scan3A_17 = scf.for %scan3A_19 = %scan3A_13 to %scan3A_15 step %scan3A_16 iter_args(%scan3A_20 = %scan3A_12) -> (i32)  : i32 {
      %jit3A = arith.constant 2 : i32
      %eq3A = arith.constant 0 : i32
      %eq3A_21 = arith.cmpi eq, %jit3A, %eq3A : i32
      %jit3A_22 = arith.constant 1 : i32
      %select_n3A = arith.select %eq3A_21, %jit3A_22, %jit3A : i32
      %rem3A = arith.remsi %scan3A_19, %select_n3A : i32
      %ne3A = arith.constant 0 : i32
      %ne3A_23 = arith.cmpi ne, %rem3A, %ne3A : i32
      %lt3A = arith.constant 0 : i32
      %lt3A_24 = arith.cmpi slt, %rem3A, %lt3A : i32
      %lt3A_25 = arith.constant 0 : i32
      %lt3A_26 = arith.cmpi slt, %select_n3A, %lt3A_25 : i32
      %ne3A_27 = arith.xori %lt3A_24, %lt3A_26 : i1
      %and3A = arith.andi %ne3A_27, %ne3A_23 : i1
      %add3A_28 = arith.addi %rem3A, %select_n3A : i32
      %select_n3A_29 = arith.select %and3A, %add3A_28, %rem3A : i32
      %eq3A_30 = arith.constant 0 : i32
      %eq3A_31 = arith.cmpi eq, %select_n3A_29, %eq3A_30 : i32
      %add3A_32 = arith.constant 1 : i32
      %add3A_33 = arith.addi %scan3A_19, %add3A_32 : i32
      %lt3A_34 = arith.constant 64 : i32
      %lt3A_35 = arith.cmpi slt, %add3A_33, %lt3A_34 : i32
      %and3A_36 = arith.andi %lt3A_35, %eq3A_31 : i1
      %convert_element_type3A = arith.extui %and3A_36 : i1 to i32
      %cond3A = arith.constant 0 : i32
      %cond3A_37 = arith.cmpi ne, %convert_element_type3A, %cond3A : i32
      scf.if %cond3A_37 {
        %mul3A_54 = arith.constant 2 : i32
        %mul3A_55 = arith.muli %add3A_33, %mul3A_54 : i32
        %mul3A_56 = arith.constant 64 : i32
        %mul3A_57 = arith.muli %mul3A_55, %mul3A_56 : i32
        %dma_start3A_58 = tpu.memref_slice %arg25[%mul3A_57] : memref<8192xi32, #tpu.memory_space<vmem>> -> memref<128xi32, #tpu.memory_space<vmem>>
        %dma_start3A_59 = arith.constant 0 : i32
        %dma_start3A_60 = arith.constant 0 : i32
        %dma_start3A_61 = tpu.memref_slice %arg9[%dma_start3A_59, %dma_start3A_60] : memref<16384x128xf32, #tpu.memory_space<hbm>> -> memref<16384x128xf32, #tpu.memory_space<hbm>>
        tpu.enqueue_indirect_dma source(%dma_start3A_61 : memref<16384x128xf32, #tpu.memory_space<hbm>>) target(%arg27 : memref<128x128xf32, #tpu.memory_space<vmem>>) offsets(%dma_start3A_58 : memref<128xi32, #tpu.memory_space<vmem>>) semaphore(%arg29 : memref<!tpu.dma_semaphore, #tpu.memory_space<semaphore_mem>>)
      } else {
      }
      %lt3A_38 = arith.constant 64 : i32
      %lt3A_39 = arith.cmpi slt, %add3A_33, %lt3A_38 : i32
      %not3A = arith.constant true
      %not3A_40 = arith.xori %eq3A_31, %not3A : i1
      %and3A_41 = arith.andi %lt3A_39, %not3A_40 : i1
      %convert_element_type3A_42 = arith.extui %and3A_41 : i1 to i32
      %cond3A_43 = arith.constant 0 : i32
      %cond3A_44 = arith.cmpi ne, %convert_element_type3A_42, %cond3A_43 : i32
      scf.if %cond3A_44 {
        %mul3A_54 = arith.constant 2 : i32
        %mul3A_55 = arith.muli %add3A_33, %mul3A_54 : i32
        %mul3A_56 = arith.constant 64 : i32
        %mul3A_57 = arith.muli %mul3A_55, %mul3A_56 : i32
        %dma_start3A_58 = tpu.memref_slice %arg25[%mul3A_57] : memref<8192xi32, #tpu.memory_space<vmem>> -> memref<128xi32, #tpu.memory_space<vmem>>
        %dma_start3A_59 = arith.constant 0 : i32
        %dma_start3A_60 = arith.constant 0 : i32
        %dma_start3A_61 = tpu.memref_slice %arg9[%dma_start3A_59, %dma_start3A_60] : memref<16384x128xf32, #tpu.memory_space<hbm>> -> memref<16384x128xf32, #tpu.memory_space<hbm>>
        tpu.enqueue_indirect_dma source(%dma_start3A_61 : memref<16384x128xf32, #tpu.memory_space<hbm>>) target(%arg26 : memref<128x128xf32, #tpu.memory_space<vmem>>) offsets(%dma_start3A_58 : memref<128xi32, #tpu.memory_space<vmem>>) semaphore(%arg28 : memref<!tpu.dma_semaphore, #tpu.memory_space<semaphore_mem>>)
      } else {
      }
      %convert_element_type3A_45 = arith.extui %eq3A_31 : i1 to i32
      %cond3A_46 = arith.constant 0 : i32
      %cond3A_47 = arith.cmpi ne, %convert_element_type3A_45, %cond3A_46 : i32
      scf.if %cond3A_47 {
        %dma_wait3A = arith.constant 0 : i32
        %dma_wait3A_54 = arith.constant 0 : i32
        %dma_wait3A_55 = tpu.memref_slice %arg9[%dma_wait3A, %dma_wait3A_54] : memref<16384x128xf32, #tpu.memory_space<hbm>> -> memref<128x128xf32, #tpu.memory_space<hbm>>
        %dma_wait3A_56 = arith.constant 0 : i32
        %dma_wait3A_57 = arith.constant 0 : i32
        %dma_wait3A_58 = tpu.memref_slice %arg9[%dma_wait3A_56, %dma_wait3A_57] : memref<16384x128xf32, #tpu.memory_space<hbm>> -> memref<128x128xf32, #tpu.memory_space<hbm>>
        tpu.wait_dma2 semaphore(%arg28 : memref<!tpu.dma_semaphore, #tpu.memory_space<semaphore_mem>>) src(%dma_wait3A_58 : memref<128x128xf32, #tpu.memory_space<hbm>>) dst(%arg26 : memref<128x128xf32, #tpu.memory_space<vmem>>)
        %mul3A_59 = arith.constant 128 : i32
        %mul3A_60 = arith.muli %add3A, %mul3A_59 : i32
        %mul3A_61 = arith.constant 2 : i32
        %mul3A_62 = arith.muli %scan3A_19, %mul3A_61 : i32
        %add3A_63 = arith.addi %mul3A_60, %mul3A_62 : i32
        %mul3A_64 = arith.constant 64 : i32
        %mul3A_65 = arith.muli %add3A_63, %mul3A_64 : i32
        "tpu.region"() ({
          %run_scoped3A = tpu.sem_alloc : memref<!tpu.dma_semaphore, #tpu.memory_space<semaphore_mem>>
          %dma_start3A_66 = arith.constant 0 : i32
          %dma_start3A_67 = tpu.memref_slice %arg14[%mul3A_65, %dma_start3A_66] : memref<262144x128xf32, #tpu.memory_space<hbm>> -> memref<128x128xf32, #tpu.memory_space<hbm>>
          %dma_start3A_68 = arith.constant 0 : i32
          %dma_start3A_69 = tpu.memref_slice %arg14[%mul3A_65, %dma_start3A_68] : memref<262144x128xf32, #tpu.memory_space<hbm>> -> memref<128x128xf32, #tpu.memory_space<hbm>>
          tpu.enqueue_dma source(%arg26 : memref<128x128xf32, #tpu.memory_space<vmem>>) target(%dma_start3A_69 : memref<128x128xf32, #tpu.memory_space<hbm>>) target_semaphore(%run_scoped3A : memref<!tpu.dma_semaphore, #tpu.memory_space<semaphore_mem>>)
          %dma_wait3A_70 = arith.constant 0 : i32
          %dma_wait3A_71 = tpu.memref_slice %arg14[%mul3A_65, %dma_wait3A_70] : memref<262144x128xf32, #tpu.memory_space<hbm>> -> memref<128x128xf32, #tpu.memory_space<hbm>>
          %dma_wait3A_72 = arith.constant 0 : i32
          %dma_wait3A_73 = tpu.memref_slice %arg14[%mul3A_65, %dma_wait3A_72] : memref<262144x128xf32, #tpu.memory_space<hbm>> -> memref<128x128xf32, #tpu.memory_space<hbm>>
          tpu.wait_dma2 semaphore(%run_scoped3A : memref<!tpu.dma_semaphore, #tpu.memory_space<semaphore_mem>>) src(%arg26 : memref<128x128xf32, #tpu.memory_space<vmem>>) dst(%dma_wait3A_73 : memref<128x128xf32, #tpu.memory_space<hbm>>)
          tpu.yield
        }) : () -> ()
      } else {
      }
      %not3A_48 = arith.constant true
      %not3A_49 = arith.xori %eq3A_31, %not3A_48 : i1
      %convert_element_type3A_50 = arith.extui %not3A_49 : i1 to i32
      %cond3A_51 = arith.constant 0 : i32
      %cond3A_52 = arith.cmpi ne, %convert_element_type3A_50, %cond3A_51 : i32
      scf.if %cond3A_52 {
        %dma_wait3A = arith.constant 0 : i32
        %dma_wait3A_54 = arith.constant 0 : i32
        %dma_wait3A_55 = tpu.memref_slice %arg9[%dma_wait3A, %dma_wait3A_54] : memref<16384x128xf32, #tpu.memory_space<hbm>> -> memref<128x128xf32, #tpu.memory_space<hbm>>
        %dma_wait3A_56 = arith.constant 0 : i32
        %dma_wait3A_57 = arith.constant 0 : i32
        %dma_wait3A_58 = tpu.memref_slice %arg9[%dma_wait3A_56, %dma_wait3A_57] : memref<16384x128xf32, #tpu.memory_space<hbm>> -> memref<128x128xf32, #tpu.memory_space<hbm>>
        tpu.wait_dma2 semaphore(%arg29 : memref<!tpu.dma_semaphore, #tpu.memory_space<semaphore_mem>>) src(%dma_wait3A_58 : memref<128x128xf32, #tpu.memory_space<hbm>>) dst(%arg27 : memref<128x128xf32, #tpu.memory_space<vmem>>)
        %mul3A_59 = arith.constant 128 : i32
        %mul3A_60 = arith.muli %add3A, %mul3A_59 : i32
        %mul3A_61 = arith.constant 2 : i32
        %mul3A_62 = arith.muli %scan3A_19, %mul3A_61 : i32
        %add3A_63 = arith.addi %mul3A_60, %mul3A_62 : i32
        %mul3A_64 = arith.constant 64 : i32
        %mul3A_65 = arith.muli %add3A_63, %mul3A_64 : i32
        "tpu.region"() ({
          %run_scoped3A = tpu.sem_alloc : memref<!tpu.dma_semaphore, #tpu.memory_space<semaphore_mem>>
          %dma_start3A_66 = arith.constant 0 : i32
          %dma_start3A_67 = tpu.memref_slice %arg14[%mul3A_65, %dma_start3A_66] : memref<262144x128xf32, #tpu.memory_space<hbm>> -> memref<128x128xf32, #tpu.memory_space<hbm>>
          %dma_start3A_68 = arith.constant 0 : i32
          %dma_start3A_69 = tpu.memref_slice %arg14[%mul3A_65, %dma_start3A_68] : memref<262144x128xf32, #tpu.memory_space<hbm>> -> memref<128x128xf32, #tpu.memory_space<hbm>>
          tpu.enqueue_dma source(%arg27 : memref<128x128xf32, #tpu.memory_space<vmem>>) target(%dma_start3A_69 : memref<128x128xf32, #tpu.memory_space<hbm>>) target_semaphore(%run_scoped3A : memref<!tpu.dma_semaphore, #tpu.memory_space<semaphore_mem>>)
          %dma_wait3A_70 = arith.constant 0 : i32
          %dma_wait3A_71 = tpu.memref_slice %arg14[%mul3A_65, %dma_wait3A_70] : memref<262144x128xf32, #tpu.memory_space<hbm>> -> memref<128x128xf32, #tpu.memory_space<hbm>>
          %dma_wait3A_72 = arith.constant 0 : i32
          %dma_wait3A_73 = tpu.memref_slice %arg14[%mul3A_65, %dma_wait3A_72] : memref<262144x128xf32, #tpu.memory_space<hbm>> -> memref<128x128xf32, #tpu.memory_space<hbm>>
          tpu.wait_dma2 semaphore(%run_scoped3A : memref<!tpu.dma_semaphore, #tpu.memory_space<semaphore_mem>>) src(%arg27 : memref<128x128xf32, #tpu.memory_space<vmem>>) dst(%dma_wait3A_73 : memref<128x128xf32, #tpu.memory_space<hbm>>)
          tpu.yield
        }) : () -> ()
      } else {
      }
      %scan3A_53 = arith.constant 0 : i32
      scf.yield %scan3A_53 : i32
    }
    %scan3A_18 = arith.constant 64 : i32
    return
  }
}

module attributes {stable_mosaic.version = 14 : i64} {
  func.func @ka(%arg0: i32, %arg1: memref<8x4096xf32, #tpu.memory_space<vmem>>, %arg2: memref<8x64xf32, #tpu.memory_space<vmem>>, %arg3: memref<64x1xf32, #tpu.memory_space<vmem>>, %arg4: memref<128x4096xf32, #tpu.memory_space<vmem>>) attributes {dimension_semantics = [#tpu.dimension_semantics<arbitrary>], iteration_bounds = array<i64: 128>, scalar_prefetch = 0 : i64, scratch_operands = 0 : i64, tpu.core_type = #tpu.core_type<tc>, window_params = [{transform_indices = @transform_0, window_bounds = array<i64: 8, 4096>}, {pipeline_mode = #tpu.pipeline_mode<synchronous>, transform_indices = @transform_1, window_bounds = array<i64: 8, 64>}, {pipeline_mode = #tpu.pipeline_mode<synchronous>, transform_indices = @transform_2, window_bounds = array<i64: 64, 1>}, {pipeline_mode = #tpu.pipeline_mode<synchronous>, transform_indices = @transform_3, window_bounds = array<i64: 128, 4096>}]} {
    %get3A = arith.constant 0 : index
    %get3A_0 = arith.constant 0 : index
    %get3A_1 = vector.load %arg2[%get3A, %get3A_0] : memref<8x64xf32, #tpu.memory_space<vmem>>, vector<8x64xf32>
    %get3A_2 = arith.constant 0 : index
    %get3A_3 = arith.constant 0 : index
    %get3A_4 = vector.load %arg1[%get3A_2, %get3A_3] : memref<8x4096xf32, #tpu.memory_space<vmem>>, vector<8x4096xf32>
    %dot_general3A = arith.constant dense<0.000000e+00> : vector<64x4096xf32>
    %dot_general3A_5 = tpu.matmul %get3A_1, %get3A_4, %dot_general3A {dimension_numbers = #tpu.dot_dimension_numbers<[0], [0], [1], [1], [0, 1, 1, 1], [], []>, transpose_lhs_hint = false} : vector<8x64xf32>, vector<8x4096xf32>, vector<64x4096xf32> -> vector<64x4096xf32>
    %get3A_6 = arith.constant 0 : index
    %get3A_7 = arith.constant 0 : index
    %get3A_8 = vector.load %arg3[%get3A_6, %get3A_7] : memref<64x1xf32, #tpu.memory_space<vmem>>, vector<64x1xf32>
    %add3A = vector.broadcast %get3A_8 : vector<64x1xf32> to vector<64x4096xf32>
    %add3A_9 = arith.addf %dot_general3A_5, %add3A : vector<64x4096xf32>
    %eq3A = arith.constant 0 : i32
    %eq3A_10 = arith.cmpi eq, %arg0, %eq3A : i32
    %convert_element_type3A = arith.extui %eq3A_10 : i1 to i32
    %cond3A = arith.constant 0 : i32
    %cond3A_11 = arith.cmpi ne, %convert_element_type3A, %cond3A : i32
    scf.if %cond3A_11 {
      %broadcast_in_dim3A = arith.constant 0.000000e+00 : f32
      %broadcast_in_dim3A_25 = vector.broadcast %broadcast_in_dim3A : f32 to vector<128x4096xf32>
      %swap3A_26 = arith.constant 0 : index
      %swap3A_27 = arith.constant 0 : index
      %swap3A_28 = vector.load %arg4[%swap3A_26, %swap3A_27] : memref<128x4096xf32, #tpu.memory_space<vmem>>, vector<128x4096xf32>
      tpu.vector_store %arg4[%swap3A_26, %swap3A_27], %broadcast_in_dim3A_25 {strides = array<i32>} : memref<128x4096xf32, #tpu.memory_space<vmem>>, vector<128x4096xf32>,
    } else {
    }
    %get3A_12 = arith.constant 0 : index
    %get3A_13 = arith.constant 0 : index
    %get3A_14 = vector.load %arg4[%get3A_12, %get3A_13] : memref<128x4096xf32, #tpu.memory_space<vmem>>, vector<64x4096xf32>
    %add3A_15 = arith.addf %get3A_14, %add3A_9 : vector<64x4096xf32>
    %swap3A = arith.constant 0 : index
    %swap3A_16 = arith.constant 0 : index
    %swap3A_17 = vector.load %arg4[%swap3A, %swap3A_16] : memref<128x4096xf32, #tpu.memory_space<vmem>>, vector<64x4096xf32>
    tpu.vector_store %arg4[%swap3A, %swap3A_16], %add3A_15 {strides = array<i32>} : memref<128x4096xf32, #tpu.memory_space<vmem>>, vector<64x4096xf32>,
    %get3A_18 = arith.constant 64 : index
    %get3A_19 = arith.constant 0 : index
    %get3A_20 = vector.load %arg4[%get3A_18, %get3A_19] : memref<128x4096xf32, #tpu.memory_space<vmem>>, vector<64x4096xf32>
    %mul3A = arith.mulf %add3A_9, %add3A_9 : vector<64x4096xf32>
    %add3A_21 = arith.addf %get3A_20, %mul3A : vector<64x4096xf32>
    %swap3A_22 = arith.constant 64 : index
    %swap3A_23 = arith.constant 0 : index
    %swap3A_24 = vector.load %arg4[%swap3A_22, %swap3A_23] : memref<128x4096xf32, #tpu.memory_space<vmem>>, vector<64x4096xf32>
    tpu.vector_store %arg4[%swap3A_22, %swap3A_23], %add3A_21 {strides = array<i32>} : memref<128x4096xf32, #tpu.memory_space<vmem>>, vector<64x4096xf32>,
    return
  }
  func.func @transform_0(%arg0: i32) -> (i32, i32) {
    %c0_i32 = arith.constant 0 : i32
    %c0_i32_0 = arith.constant 0 : i32
    return %c0_i32, %arg0 : i32, i32
  }
  func.func @transform_1(%arg0: i32) -> (i32, i32) {
    %c0_i32 = arith.constant 0 : i32
    %c0_i32_0 = arith.constant 0 : i32
    %c0_i32_1 = arith.constant 0 : i32
    return %c0_i32, %c0_i32_0 : i32, i32
  }
  func.func @transform_2(%arg0: i32) -> (i32, i32) {
    %c0_i32 = arith.constant 0 : i32
    %c0_i32_0 = arith.constant 0 : i32
    %c0_i32_1 = arith.constant 0 : i32
    return %c0_i32, %c0_i32_0 : i32, i32
  }
  func.func @transform_3(%arg0: i32) -> (i32, i32) {
    %c0_i32 = arith.constant 0 : i32
    %c0_i32_0 = arith.constant 0 : i32
    %c0_i32_1 = arith.constant 0 : i32
    return %c0_i32, %c0_i32_0 : i32, i32
  }
}

module attributes {stable_mosaic.version = 14 : i64} {
  func.func @kb(%arg0: i32, %arg1: memref<8x4096xf32, #tpu.memory_space<vmem>>, %arg2: memref<8x64xf32, #tpu.memory_space<vmem>>, %arg3: memref<64x1xf32, #tpu.memory_space<vmem>>, %arg4: memref<64x1xf32, #tpu.memory_space<vmem>>, %arg5: memref<64x1xf32, #tpu.memory_space<vmem>>, %arg6: memref<64x128xf32, #tpu.memory_space<vmem>>, %arg7: memref<128x1xf32, #tpu.memory_space<vmem>>, %arg8: memref<256x4096xf32, #tpu.memory_space<vmem>>) attributes {dimension_semantics = [#tpu.dimension_semantics<arbitrary>], iteration_bounds = array<i64: 128>, scalar_prefetch = 0 : i64, scratch_operands = 0 : i64, tpu.core_type = #tpu.core_type<tc>, window_params = [{transform_indices = @transform_0, window_bounds = array<i64: 8, 4096>}, {pipeline_mode = #tpu.pipeline_mode<synchronous>, transform_indices = @transform_1, window_bounds = array<i64: 8, 64>}, {pipeline_mode = #tpu.pipeline_mode<synchronous>, transform_indices = @transform_2, window_bounds = array<i64: 64, 1>}, {pipeline_mode = #tpu.pipeline_mode<synchronous>, transform_indices = @transform_3, window_bounds = array<i64: 64, 1>}, {pipeline_mode = #tpu.pipeline_mode<synchronous>, transform_indices = @transform_4, window_bounds = array<i64: 64, 1>}, {pipeline_mode = #tpu.pipeline_mode<synchronous>, transform_indices = @transform_5, window_bounds = array<i64: 64, 128>}, {pipeline_mode = #tpu.pipeline_mode<synchronous>, transform_indices = @transform_6, window_bounds = array<i64: 128, 1>}, {pipeline_mode = #tpu.pipeline_mode<synchronous>, transform_indices = @transform_7, window_bounds = array<i64: 256, 4096>}]} {
    %get3A = arith.constant 0 : index
    %get3A_0 = arith.constant 0 : index
    %get3A_1 = vector.load %arg2[%get3A, %get3A_0] : memref<8x64xf32, #tpu.memory_space<vmem>>, vector<8x64xf32>
    %get3A_2 = arith.constant 0 : index
    %get3A_3 = arith.constant 0 : index
    %get3A_4 = vector.load %arg1[%get3A_2, %get3A_3] : memref<8x4096xf32, #tpu.memory_space<vmem>>, vector<8x4096xf32>
    %dot_general3A = arith.constant dense<0.000000e+00> : vector<64x4096xf32>
    %dot_general3A_5 = tpu.matmul %get3A_1, %get3A_4, %dot_general3A {dimension_numbers = #tpu.dot_dimension_numbers<[0], [0], [1], [1], [0, 1, 1, 1], [], []>, transpose_lhs_hint = false} : vector<8x64xf32>, vector<8x4096xf32>, vector<64x4096xf32> -> vector<64x4096xf32>
    %get3A_6 = arith.constant 0 : index
    %get3A_7 = arith.constant 0 : index
    %get3A_8 = vector.load %arg3[%get3A_6, %get3A_7] : memref<64x1xf32, #tpu.memory_space<vmem>>, vector<64x1xf32>
    %add3A = vector.broadcast %get3A_8 : vector<64x1xf32> to vector<64x4096xf32>
    %add3A_9 = arith.addf %dot_general3A_5, %add3A : vector<64x4096xf32>
    %get3A_10 = arith.constant 0 : index
    %get3A_11 = arith.constant 0 : index
    %get3A_12 = vector.load %arg4[%get3A_10, %get3A_11] : memref<64x1xf32, #tpu.memory_space<vmem>>, vector<64x1xf32>
    %mul3A = vector.broadcast %get3A_12 : vector<64x1xf32> to vector<64x4096xf32>
    %mul3A_13 = arith.mulf %add3A_9, %mul3A : vector<64x4096xf32>
    %get3A_14 = arith.constant 0 : index
    %get3A_15 = arith.constant 0 : index
    %get3A_16 = vector.load %arg5[%get3A_14, %get3A_15] : memref<64x1xf32, #tpu.memory_space<vmem>>, vector<64x1xf32>
    %add3A_17 = vector.broadcast %get3A_16 : vector<64x1xf32> to vector<64x4096xf32>
    %add3A_18 = arith.addf %mul3A_13, %add3A_17 : vector<64x4096xf32>
    %max3A = arith.constant 0.000000e+00 : f32
    %max3A_19 = vector.broadcast %max3A : f32 to vector<64x4096xf32>
    %max3A_20 = arith.maximumf %add3A_18, %max3A_19 : vector<64x4096xf32>
    %get3A_21 = arith.constant 0 : index
    %get3A_22 = arith.constant 0 : index
    %get3A_23 = vector.load %arg6[%get3A_21, %get3A_22] : memref<64x128xf32, #tpu.memory_space<vmem>>, vector<64x128xf32>
    %dot_general3A_24 = arith.constant dense<0.000000e+00> : vector<128x4096xf32>
    %dot_general3A_25 = tpu.matmul %get3A_23, %max3A_20, %dot_general3A_24 {dimension_numbers = #tpu.dot_dimension_numbers<[0], [0], [1], [1], [0, 1, 1, 1], [], []>, transpose_lhs_hint = false} : vector<64x128xf32>, vector<64x4096xf32>, vector<128x4096xf32> -> vector<128x4096xf32>
    %get3A_26 = arith.constant 0 : index
    %get3A_27 = arith.constant 0 : index
    %get3A_28 = vector.load %arg7[%get3A_26, %get3A_27] : memref<128x1xf32, #tpu.memory_space<vmem>>, vector<128x1xf32>
    %add3A_29 = vector.broadcast %get3A_28 : vector<128x1xf32> to vector<128x4096xf32>
    %add3A_30 = arith.addf %dot_general3A_25, %add3A_29 : vector<128x4096xf32>
    %eq3A = arith.constant 0 : i32
    %eq3A_31 = arith.cmpi eq, %arg0, %eq3A : i32
    %convert_element_type3A = arith.extui %eq3A_31 : i1 to i32
    %cond3A = arith.constant 0 : i32
    %cond3A_32 = arith.cmpi ne, %convert_element_type3A, %cond3A : i32
    scf.if %cond3A_32 {
      %broadcast_in_dim3A = arith.constant 0.000000e+00 : f32
      %broadcast_in_dim3A_47 = vector.broadcast %broadcast_in_dim3A : f32 to vector<256x4096xf32>
      %swap3A_48 = arith.constant 0 : index
      %swap3A_49 = arith.constant 0 : index
      %swap3A_50 = vector.load %arg8[%swap3A_48, %swap3A_49] : memref<256x4096xf32, #tpu.memory_space<vmem>>, vector<256x4096xf32>
      tpu.vector_store %arg8[%swap3A_48, %swap3A_49], %broadcast_in_dim3A_47 {strides = array<i32>} : memref<256x4096xf32, #tpu.memory_space<vmem>>, vector<256x4096xf32>,
    } else {
    }
    %get3A_33 = arith.constant 0 : index
    %get3A_34 = arith.constant 0 : index
    %get3A_35 = vector.load %arg8[%get3A_33, %get3A_34] : memref<256x4096xf32, #tpu.memory_space<vmem>>, vector<128x4096xf32>
    %add3A_36 = arith.addf %get3A_35, %add3A_30 : vector<128x4096xf32>
    %swap3A = arith.constant 0 : index
    %swap3A_37 = arith.constant 0 : index
    %swap3A_38 = vector.load %arg8[%swap3A, %swap3A_37] : memref<256x4096xf32, #tpu.memory_space<vmem>>, vector<128x4096xf32>
    tpu.vector_store %arg8[%swap3A, %swap3A_37], %add3A_36 {strides = array<i32>} : memref<256x4096xf32, #tpu.memory_space<vmem>>, vector<128x4096xf32>,
    %get3A_39 = arith.constant 128 : index
    %get3A_40 = arith.constant 0 : index
    %get3A_41 = vector.load %arg8[%get3A_39, %get3A_40] : memref<256x4096xf32, #tpu.memory_space<vmem>>, vector<128x4096xf32>
    %mul3A_42 = arith.mulf %add3A_30, %add3A_30 : vector<128x4096xf32>
    %add3A_43 = arith.addf %get3A_41, %mul3A_42 : vector<128x4096xf32>
    %swap3A_44 = arith.constant 128 : index
    %swap3A_45 = arith.constant 0 : index
    %swap3A_46 = vector.load %arg8[%swap3A_44, %swap3A_45] : memref<256x4096xf32, #tpu.memory_space<vmem>>, vector<128x4096xf32>
    tpu.vector_store %arg8[%swap3A_44, %swap3A_45], %add3A_43 {strides = array<i32>} : memref<256x4096xf32, #tpu.memory_space<vmem>>, vector<128x4096xf32>,
    return
  }
  func.func @transform_0(%arg0: i32) -> (i32, i32) {
    %c0_i32 = arith.constant 0 : i32
    %c0_i32_0 = arith.constant 0 : i32
    return %c0_i32, %arg0 : i32, i32
  }
  func.func @transform_1(%arg0: i32) -> (i32, i32) {
    %c0_i32 = arith.constant 0 : i32
    %c0_i32_0 = arith.constant 0 : i32
    %c0_i32_1 = arith.constant 0 : i32
    return %c0_i32, %c0_i32_0 : i32, i32
  }
  func.func @transform_2(%arg0: i32) -> (i32, i32) {
    %c0_i32 = arith.constant 0 : i32
    %c0_i32_0 = arith.constant 0 : i32
    %c0_i32_1 = arith.constant 0 : i32
    return %c0_i32, %c0_i32_0 : i32, i32
  }
  func.func @transform_3(%arg0: i32) -> (i32, i32) {
    %c0_i32 = arith.constant 0 : i32
    %c0_i32_0 = arith.constant 0 : i32
    %c0_i32_1 = arith.constant 0 : i32
    return %c0_i32, %c0_i32_0 : i32, i32
  }
  func.func @transform_4(%arg0: i32) -> (i32, i32) {
    %c0_i32 = arith.constant 0 : i32
    %c0_i32_0 = arith.constant 0 : i32
    %c0_i32_1 = arith.constant 0 : i32
    return %c0_i32, %c0_i32_0 : i32, i32
  }
  func.func @transform_5(%arg0: i32) -> (i32, i32) {
    %c0_i32 = arith.constant 0 : i32
    %c0_i32_0 = arith.constant 0 : i32
    %c0_i32_1 = arith.constant 0 : i32
    return %c0_i32, %c0_i32_0 : i32, i32
  }
  func.func @transform_6(%arg0: i32) -> (i32, i32) {
    %c0_i32 = arith.constant 0 : i32
    %c0_i32_0 = arith.constant 0 : i32
    %c0_i32_1 = arith.constant 0 : i32
    return %c0_i32, %c0_i32_0 : i32, i32
  }
  func.func @transform_7(%arg0: i32) -> (i32, i32) {
    %c0_i32 = arith.constant 0 : i32
    %c0_i32_0 = arith.constant 0 : i32
    %c0_i32_1 = arith.constant 0 : i32
    return %c0_i32, %c0_i32_0 : i32, i32
  }
}

module attributes {stable_mosaic.version = 14 : i64} {
  func.func @kc(%arg0: i32, %arg1: memref<8x4096xf32, #tpu.memory_space<vmem>>, %arg2: memref<8x64xf32, #tpu.memory_space<vmem>>, %arg3: memref<64x1xf32, #tpu.memory_space<vmem>>, %arg4: memref<64x1xf32, #tpu.memory_space<vmem>>, %arg5: memref<64x1xf32, #tpu.memory_space<vmem>>, %arg6: memref<64x128xf32, #tpu.memory_space<vmem>>, %arg7: memref<128x1xf32, #tpu.memory_space<vmem>>, %arg8: memref<128x1xf32, #tpu.memory_space<vmem>>, %arg9: memref<128x1xf32, #tpu.memory_space<vmem>>, %arg10: memref<1x128x128xf32, #tpu.memory_space<vmem>>) attributes {dimension_semantics = [#tpu.dimension_semantics<arbitrary>], iteration_bounds = array<i64: 128>, scalar_prefetch = 0 : i64, scratch_operands = 0 : i64, tpu.core_type = #tpu.core_type<tc>, window_params = [{transform_indices = @transform_0, window_bounds = array<i64: 8, 4096>}, {pipeline_mode = #tpu.pipeline_mode<synchronous>, transform_indices = @transform_1, window_bounds = array<i64: 8, 64>}, {pipeline_mode = #tpu.pipeline_mode<synchronous>, transform_indices = @transform_2, window_bounds = array<i64: 64, 1>}, {pipeline_mode = #tpu.pipeline_mode<synchronous>, transform_indices = @transform_3, window_bounds = array<i64: 64, 1>}, {pipeline_mode = #tpu.pipeline_mode<synchronous>, transform_indices = @transform_4, window_bounds = array<i64: 64, 1>}, {pipeline_mode = #tpu.pipeline_mode<synchronous>, transform_indices = @transform_5, window_bounds = array<i64: 64, 128>}, {pipeline_mode = #tpu.pipeline_mode<synchronous>, transform_indices = @transform_6, window_bounds = array<i64: 128, 1>}, {pipeline_mode = #tpu.pipeline_mode<synchronous>, transform_indices = @transform_7, window_bounds = array<i64: 128, 1>}, {pipeline_mode = #tpu.pipeline_mode<synchronous>, transform_indices = @transform_8, window_bounds = array<i64: 128, 1>}, {transform_indices = @transform_9, window_bounds = array<i64: 1, 128, 128>}]} {
    %get3A = arith.constant 0 : index
    %get3A_0 = arith.constant 0 : index
    %get3A_1 = vector.load %arg2[%get3A, %get3A_0] : memref<8x64xf32, #tpu.memory_space<vmem>>, vector<8x64xf32>
    %get3A_2 = arith.constant 0 : index
    %get3A_3 = arith.constant 0 : index
    %get3A_4 = vector.load %arg1[%get3A_2, %get3A_3] : memref<8x4096xf32, #tpu.memory_space<vmem>>, vector<8x4096xf32>
    %dot_general3A = arith.constant dense<0.000000e+00> : vector<64x4096xf32>
    %dot_general3A_5 = tpu.matmul %get3A_1, %get3A_4, %dot_general3A {dimension_numbers = #tpu.dot_dimension_numbers<[0], [0], [1], [1], [0, 1, 1, 1], [], []>, transpose_lhs_hint = false} : vector<8x64xf32>, vector<8x4096xf32>, vector<64x4096xf32> -> vector<64x4096xf32>
    %get3A_6 = arith.constant 0 : index
    %get3A_7 = arith.constant 0 : index
    %get3A_8 = vector.load %arg3[%get3A_6, %get3A_7] : memref<64x1xf32, #tpu.memory_space<vmem>>, vector<64x1xf32>
    %add3A = vector.broadcast %get3A_8 : vector<64x1xf32> to vector<64x4096xf32>
    %add3A_9 = arith.addf %dot_general3A_5, %add3A : vector<64x4096xf32>
    %get3A_10 = arith.constant 0 : index
    %get3A_11 = arith.constant 0 : index
    %get3A_12 = vector.load %arg4[%get3A_10, %get3A_11] : memref<64x1xf32, #tpu.memory_space<vmem>>, vector<64x1xf32>
    %mul3A = vector.broadcast %get3A_12 : vector<64x1xf32> to vector<64x4096xf32>
    %mul3A_13 = arith.mulf %add3A_9, %mul3A : vector<64x4096xf32>
    %get3A_14 = arith.constant 0 : index
    %get3A_15 = arith.constant 0 : index
    %get3A_16 = vector.load %arg5[%get3A_14, %get3A_15] : memref<64x1xf32, #tpu.memory_space<vmem>>, vector<64x1xf32>
    %add3A_17 = vector.broadcast %get3A_16 : vector<64x1xf32> to vector<64x4096xf32>
    %add3A_18 = arith.addf %mul3A_13, %add3A_17 : vector<64x4096xf32>
    %max3A = arith.constant 0.000000e+00 : f32
    %max3A_19 = vector.broadcast %max3A : f32 to vector<64x4096xf32>
    %max3A_20 = arith.maximumf %add3A_18, %max3A_19 : vector<64x4096xf32>
    %get3A_21 = arith.constant 0 : index
    %get3A_22 = arith.constant 0 : index
    %get3A_23 = vector.load %arg6[%get3A_21, %get3A_22] : memref<64x128xf32, #tpu.memory_space<vmem>>, vector<64x128xf32>
    %dot_general3A_24 = arith.constant dense<0.000000e+00> : vector<128x4096xf32>
    %dot_general3A_25 = tpu.matmul %get3A_23, %max3A_20, %dot_general3A_24 {dimension_numbers = #tpu.dot_dimension_numbers<[0], [0], [1], [1], [0, 1, 1, 1], [], []>, transpose_lhs_hint = false} : vector<64x128xf32>, vector<64x4096xf32>, vector<128x4096xf32> -> vector<128x4096xf32>
    %get3A_26 = arith.constant 0 : index
    %get3A_27 = arith.constant 0 : index
    %get3A_28 = vector.load %arg7[%get3A_26, %get3A_27] : memref<128x1xf32, #tpu.memory_space<vmem>>, vector<128x1xf32>
    %add3A_29 = vector.broadcast %get3A_28 : vector<128x1xf32> to vector<128x4096xf32>
    %add3A_30 = arith.addf %dot_general3A_25, %add3A_29 : vector<128x4096xf32>
    %get3A_31 = arith.constant 0 : index
    %get3A_32 = arith.constant 0 : index
    %get3A_33 = vector.load %arg8[%get3A_31, %get3A_32] : memref<128x1xf32, #tpu.memory_space<vmem>>, vector<128x1xf32>
    %mul3A_34 = vector.broadcast %get3A_33 : vector<128x1xf32> to vector<128x4096xf32>
    %mul3A_35 = arith.mulf %add3A_30, %mul3A_34 : vector<128x4096xf32>
    %get3A_36 = arith.constant 0 : index
    %get3A_37 = arith.constant 0 : index
    %get3A_38 = vector.load %arg9[%get3A_36, %get3A_37] : memref<128x1xf32, #tpu.memory_space<vmem>>, vector<128x1xf32>
    %add3A_39 = vector.broadcast %get3A_38 : vector<128x1xf32> to vector<128x4096xf32>
    %add3A_40 = arith.addf %mul3A_35, %add3A_39 : vector<128x4096xf32>
    %max3A_41 = arith.constant 0.000000e+00 : f32
    %max3A_42 = vector.broadcast %max3A_41 : f32 to vector<128x4096xf32>
    %max3A_43 = arith.maximumf %add3A_40, %max3A_42 : vector<128x4096xf32>
    %slice3A = vector.extract_strided_slice %max3A_43 {offsets = [0, 0], sizes = [128, 32], strides = [1, 1]} : vector<128x4096xf32> to vector<128x32xf32>
    %reduce_max3A = arith.constant dense<0xFF800000> : vector<128xf32>
    %reduce_max3A_44 = vector.multi_reduction <maximumf>, %slice3A, %reduce_max3A [1] : vector<128x32xf32> to vector<128xf32>
    %broadcast_in_dim3A = vector.shape_cast %reduce_max3A_44 : vector<128xf32> to vector<128x1xf32>
    %slice3A_45 = vector.extract_strided_slice %max3A_43 {offsets = [0, 32], sizes = [128, 32], strides = [1, 1]} : vector<128x4096xf32> to vector<128x32xf32>
    %reduce_max3A_46 = arith.constant dense<0xFF800000> : vector<128xf32>
    %reduce_max3A_47 = vector.multi_reduction <maximumf>, %slice3A_45, %reduce_max3A_46 [1] : vector<128x32xf32> to vector<128xf32>
    %broadcast_in_dim3A_48 = vector.shape_cast %reduce_max3A_47 : vector<128xf32> to vector<128x1xf32>
    %slice3A_49 = vector.extract_strided_slice %max3A_43 {offsets = [0, 64], sizes = [128, 32], strides = [1, 1]} : vector<128x4096xf32> to vector<128x32xf32>
    %reduce_max3A_50 = arith.constant dense<0xFF800000> : vector<128xf32>
    %reduce_max3A_51 = vector.multi_reduction <maximumf>, %slice3A_49, %reduce_max3A_50 [1] : vector<128x32xf32> to vector<128xf32>
    %broadcast_in_dim3A_52 = vector.shape_cast %reduce_max3A_51 : vector<128xf32> to vector<128x1xf32>
    %slice3A_53 = vector.extract_strided_slice %max3A_43 {offsets = [0, 96], sizes = [128, 32], strides = [1, 1]} : vector<128x4096xf32> to vector<128x32xf32>
    %reduce_max3A_54 = arith.constant dense<0xFF800000> : vector<128xf32>
    %reduce_max3A_55 = vector.multi_reduction <maximumf>, %slice3A_53, %reduce_max3A_54 [1] : vector<128x32xf32> to vector<128xf32>
    %broadcast_in_dim3A_56 = vector.shape_cast %reduce_max3A_55 : vector<128xf32> to vector<128x1xf32>
    %slice3A_57 = vector.extract_strided_slice %max3A_43 {offsets = [0, 128], sizes = [128, 32], strides = [1, 1]} : vector<128x4096xf32> to vector<128x32xf32>
    %reduce_max3A_58 = arith.constant dense<0xFF800000> : vector<128xf32>
    %reduce_max3A_59 = vector.multi_reduction <maximumf>, %slice3A_57, %reduce_max3A_58 [1] : vector<128x32xf32> to vector<128xf32>
    %broadcast_in_dim3A_60 = vector.shape_cast %reduce_max3A_59 : vector<128xf32> to vector<128x1xf32>
    %slice3A_61 = vector.extract_strided_slice %max3A_43 {offsets = [0, 160], sizes = [128, 32], strides = [1, 1]} : vector<128x4096xf32> to vector<128x32xf32>
    %reduce_max3A_62 = arith.constant dense<0xFF800000> : vector<128xf32>
    %reduce_max3A_63 = vector.multi_reduction <maximumf>, %slice3A_61, %reduce_max3A_62 [1] : vector<128x32xf32> to vector<128xf32>
    %broadcast_in_dim3A_64 = vector.shape_cast %reduce_max3A_63 : vector<128xf32> to vector<128x1xf32>
    %slice3A_65 = vector.extract_strided_slice %max3A_43 {offsets = [0, 192], sizes = [128, 32], strides = [1, 1]} : vector<128x4096xf32> to vector<128x32xf32>
    %reduce_max3A_66 = arith.constant dense<0xFF800000> : vector<128xf32>
    %reduce_max3A_67 = vector.multi_reduction <maximumf>, %slice3A_65, %reduce_max3A_66 [1] : vector<128x32xf32> to vector<128xf32>
    %broadcast_in_dim3A_68 = vector.shape_cast %reduce_max3A_67 : vector<128xf32> to vector<128x1xf32>
    %slice3A_69 = vector.extract_strided_slice %max3A_43 {offsets = [0, 224], sizes = [128, 32], strides = [1, 1]} : vector<128x4096xf32> to vector<128x32xf32>
    %reduce_max3A_70 = arith.constant dense<0xFF800000> : vector<128xf32>
    %reduce_max3A_71 = vector.multi_reduction <maximumf>, %slice3A_69, %reduce_max3A_70 [1] : vector<128x32xf32> to vector<128xf32>
    %broadcast_in_dim3A_72 = vector.shape_cast %reduce_max3A_71 : vector<128xf32> to vector<128x1xf32>
    %slice3A_73 = vector.extract_strided_slice %max3A_43 {offsets = [0, 256], sizes = [128, 32], strides = [1, 1]} : vector<128x4096xf32> to vector<128x32xf32>
    %reduce_max3A_74 = arith.constant dense<0xFF800000> : vector<128xf32>
    %reduce_max3A_75 = vector.multi_reduction <maximumf>, %slice3A_73, %reduce_max3A_74 [1] : vector<128x32xf32> to vector<128xf32>
    %broadcast_in_dim3A_76 = vector.shape_cast %reduce_max3A_75 : vector<128xf32> to vector<128x1xf32>
    %slice3A_77 = vector.extract_strided_slice %max3A_43 {offsets = [0, 288], sizes = [128, 32], strides = [1, 1]} : vector<128x4096xf32> to vector<128x32xf32>
    %reduce_max3A_78 = arith.constant dense<0xFF800000> : vector<128xf32>
    %reduce_max3A_79 = vector.multi_reduction <maximumf>, %slice3A_77, %reduce_max3A_78 [1] : vector<128x32xf32> to vector<128xf32>
    %broadcast_in_dim3A_80 = vector.shape_cast %reduce_max3A_79 : vector<128xf32> to vector<128x1xf32>
    %slice3A_81 = vector.extract_strided_slice %max3A_43 {offsets = [0, 320], sizes = [128, 32], strides = [1, 1]} : vector<128x4096xf32> to vector<128x32xf32>
    %reduce_max3A_82 = arith.constant dense<0xFF800000> : vector<128xf32>
    %reduce_max3A_83 = vector.multi_reduction <maximumf>, %slice3A_81, %reduce_max3A_82 [1] : vector<128x32xf32> to vector<128xf32>
    %broadcast_in_dim3A_84 = vector.shape_cast %reduce_max3A_83 : vector<128xf32> to vector<128x1xf32>
    %slice3A_85 = vector.extract_strided_slice %max3A_43 {offsets = [0, 352], sizes = [128, 32], strides = [1, 1]} : vector<128x4096xf32> to vector<128x32xf32>
    %reduce_max3A_86 = arith.constant dense<0xFF800000> : vector<128xf32>
    %reduce_max3A_87 = vector.multi_reduction <maximumf>, %slice3A_85, %reduce_max3A_86 [1] : vector<128x32xf32> to vector<128xf32>
    %broadcast_in_dim3A_88 = vector.shape_cast %reduce_max3A_87 : vector<128xf32> to vector<128x1xf32>
    %slice3A_89 = vector.extract_strided_slice %max3A_43 {offsets = [0, 384], sizes = [128, 32], strides = [1, 1]} : vector<128x4096xf32> to vector<128x32xf32>
    %reduce_max3A_90 = arith.constant dense<0xFF800000> : vector<128xf32>
    %reduce_max3A_91 = vector.multi_reduction <maximumf>, %slice3A_89, %reduce_max3A_90 [1] : vector<128x32xf32> to vector<128xf32>
    %broadcast_in_dim3A_92 = vector.shape_cast %reduce_max3A_91 : vector<128xf32> to vector<128x1xf32>
    %slice3A_93 = vector.extract_strided_slice %max3A_43 {offsets = [0, 416], sizes = [128, 32], strides = [1, 1]} : vector<128x4096xf32> to vector<128x32xf32>
    %reduce_max3A_94 = arith.constant dense<0xFF800000> : vector<128xf32>
    %reduce_max3A_95 = vector.multi_reduction <maximumf>, %slice3A_93, %reduce_max3A_94 [1] : vector<128x32xf32> to vector<128xf32>
    %broadcast_in_dim3A_96 = vector.shape_cast %reduce_max3A_95 : vector<128xf32> to vector<128x1xf32>
    %slice3A_97 = vector.extract_strided_slice %max3A_43 {offsets = [0, 448], sizes = [128, 32], strides = [1, 1]} : vector<128x4096xf32> to vector<128x32xf32>
    %reduce_max3A_98 = arith.constant dense<0xFF800000> : vector<128xf32>
    %reduce_max3A_99 = vector.multi_reduction <maximumf>, %slice3A_97, %reduce_max3A_98 [1] : vector<128x32xf32> to vector<128xf32>
    %broadcast_in_dim3A_100 = vector.shape_cast %reduce_max3A_99 : vector<128xf32> to vector<128x1xf32>
    %slice3A_101 = vector.extract_strided_slice %max3A_43 {offsets = [0, 480], sizes = [128, 32], strides = [1, 1]} : vector<128x4096xf32> to vector<128x32xf32>
    %reduce_max3A_102 = arith.constant dense<0xFF800000> : vector<128xf32>
    %reduce_max3A_103 = vector.multi_reduction <maximumf>, %slice3A_101, %reduce_max3A_102 [1] : vector<128x32xf32> to vector<128xf32>
    %broadcast_in_dim3A_104 = vector.shape_cast %reduce_max3A_103 : vector<128xf32> to vector<128x1xf32>
    %slice3A_105 = vector.extract_strided_slice %max3A_43 {offsets = [0, 512], sizes = [128, 32], strides = [1, 1]} : vector<128x4096xf32> to vector<128x32xf32>
    %reduce_max3A_106 = arith.constant dense<0xFF800000> : vector<128xf32>
    %reduce_max3A_107 = vector.multi_reduction <maximumf>, %slice3A_105, %reduce_max3A_106 [1] : vector<128x32xf32> to vector<128xf32>
    %broadcast_in_dim3A_108 = vector.shape_cast %reduce_max3A_107 : vector<128xf32> to vector<128x1xf32>
    %slice3A_109 = vector.extract_strided_slice %max3A_43 {offsets = [0, 544], sizes = [128, 32], strides = [1, 1]} : vector<128x4096xf32> to vector<128x32xf32>
    %reduce_max3A_110 = arith.constant dense<0xFF800000> : vector<128xf32>
    %reduce_max3A_111 = vector.multi_reduction <maximumf>, %slice3A_109, %reduce_max3A_110 [1] : vector<128x32xf32> to vector<128xf32>
    %broadcast_in_dim3A_112 = vector.shape_cast %reduce_max3A_111 : vector<128xf32> to vector<128x1xf32>
    %slice3A_113 = vector.extract_strided_slice %max3A_43 {offsets = [0, 576], sizes = [128, 32], strides = [1, 1]} : vector<128x4096xf32> to vector<128x32xf32>
    %reduce_max3A_114 = arith.constant dense<0xFF800000> : vector<128xf32>
    %reduce_max3A_115 = vector.multi_reduction <maximumf>, %slice3A_113, %reduce_max3A_114 [1] : vector<128x32xf32> to vector<128xf32>
    %broadcast_in_dim3A_116 = vector.shape_cast %reduce_max3A_115 : vector<128xf32> to vector<128x1xf32>
    %slice3A_117 = vector.extract_strided_slice %max3A_43 {offsets = [0, 608], sizes = [128, 32], strides = [1, 1]} : vector<128x4096xf32> to vector<128x32xf32>
    %reduce_max3A_118 = arith.constant dense<0xFF800000> : vector<128xf32>
    %reduce_max3A_119 = vector.multi_reduction <maximumf>, %slice3A_117, %reduce_max3A_118 [1] : vector<128x32xf32> to vector<128xf32>
    %broadcast_in_dim3A_120 = vector.shape_cast %reduce_max3A_119 : vector<128xf32> to vector<128x1xf32>
    %slice3A_121 = vector.extract_strided_slice %max3A_43 {offsets = [0, 640], sizes = [128, 32], strides = [1, 1]} : vector<128x4096xf32> to vector<128x32xf32>
    %reduce_max3A_122 = arith.constant dense<0xFF800000> : vector<128xf32>
    %reduce_max3A_123 = vector.multi_reduction <maximumf>, %slice3A_121, %reduce_max3A_122 [1] : vector<128x32xf32> to vector<128xf32>
    %broadcast_in_dim3A_124 = vector.shape_cast %reduce_max3A_123 : vector<128xf32> to vector<128x1xf32>
    %slice3A_125 = vector.extract_strided_slice %max3A_43 {offsets = [0, 672], sizes = [128, 32], strides = [1, 1]} : vector<128x4096xf32> to vector<128x32xf32>
    %reduce_max3A_126 = arith.constant dense<0xFF800000> : vector<128xf32>
    %reduce_max3A_127 = vector.multi_reduction <maximumf>, %slice3A_125, %reduce_max3A_126 [1] : vector<128x32xf32> to vector<128xf32>
    %broadcast_in_dim3A_128 = vector.shape_cast %reduce_max3A_127 : vector<128xf32> to vector<128x1xf32>
    %slice3A_129 = vector.extract_strided_slice %max3A_43 {offsets = [0, 704], sizes = [128, 32], strides = [1, 1]} : vector<128x4096xf32> to vector<128x32xf32>
    %reduce_max3A_130 = arith.constant dense<0xFF800000> : vector<128xf32>
    %reduce_max3A_131 = vector.multi_reduction <maximumf>, %slice3A_129, %reduce_max3A_130 [1] : vector<128x32xf32> to vector<128xf32>
    %broadcast_in_dim3A_132 = vector.shape_cast %reduce_max3A_131 : vector<128xf32> to vector<128x1xf32>
    %slice3A_133 = vector.extract_strided_slice %max3A_43 {offsets = [0, 736], sizes = [128, 32], strides = [1, 1]} : vector<128x4096xf32> to vector<128x32xf32>
    %reduce_max3A_134 = arith.constant dense<0xFF800000> : vector<128xf32>
    %reduce_max3A_135 = vector.multi_reduction <maximumf>, %slice3A_133, %reduce_max3A_134 [1] : vector<128x32xf32> to vector<128xf32>
    %broadcast_in_dim3A_136 = vector.shape_cast %reduce_max3A_135 : vector<128xf32> to vector<128x1xf32>
    %slice3A_137 = vector.extract_strided_slice %max3A_43 {offsets = [0, 768], sizes = [128, 32], strides = [1, 1]} : vector<128x4096xf32> to vector<128x32xf32>
    %reduce_max3A_138 = arith.constant dense<0xFF800000> : vector<128xf32>
    %reduce_max3A_139 = vector.multi_reduction <maximumf>, %slice3A_137, %reduce_max3A_138 [1] : vector<128x32xf32> to vector<128xf32>
    %broadcast_in_dim3A_140 = vector.shape_cast %reduce_max3A_139 : vector<128xf32> to vector<128x1xf32>
    %slice3A_141 = vector.extract_strided_slice %max3A_43 {offsets = [0, 800], sizes = [128, 32], strides = [1, 1]} : vector<128x4096xf32> to vector<128x32xf32>
    %reduce_max3A_142 = arith.constant dense<0xFF800000> : vector<128xf32>
    %reduce_max3A_143 = vector.multi_reduction <maximumf>, %slice3A_141, %reduce_max3A_142 [1] : vector<128x32xf32> to vector<128xf32>
    %broadcast_in_dim3A_144 = vector.shape_cast %reduce_max3A_143 : vector<128xf32> to vector<128x1xf32>
    %slice3A_145 = vector.extract_strided_slice %max3A_43 {offsets = [0, 832], sizes = [128, 32], strides = [1, 1]} : vector<128x4096xf32> to vector<128x32xf32>
    %reduce_max3A_146 = arith.constant dense<0xFF800000> : vector<128xf32>
    %reduce_max3A_147 = vector.multi_reduction <maximumf>, %slice3A_145, %reduce_max3A_146 [1] : vector<128x32xf32> to vector<128xf32>
    %broadcast_in_dim3A_148 = vector.shape_cast %reduce_max3A_147 : vector<128xf32> to vector<128x1xf32>
    %slice3A_149 = vector.extract_strided_slice %max3A_43 {offsets = [0, 864], sizes = [128, 32], strides = [1, 1]} : vector<128x4096xf32> to vector<128x32xf32>
    %reduce_max3A_150 = arith.constant dense<0xFF800000> : vector<128xf32>
    %reduce_max3A_151 = vector.multi_reduction <maximumf>, %slice3A_149, %reduce_max3A_150 [1] : vector<128x32xf32> to vector<128xf32>
    %broadcast_in_dim3A_152 = vector.shape_cast %reduce_max3A_151 : vector<128xf32> to vector<128x1xf32>
    %slice3A_153 = vector.extract_strided_slice %max3A_43 {offsets = [0, 896], sizes = [128, 32], strides = [1, 1]} : vector<128x4096xf32> to vector<128x32xf32>
    %reduce_max3A_154 = arith.constant dense<0xFF800000> : vector<128xf32>
    %reduce_max3A_155 = vector.multi_reduction <maximumf>, %slice3A_153, %reduce_max3A_154 [1] : vector<128x32xf32> to vector<128xf32>
    %broadcast_in_dim3A_156 = vector.shape_cast %reduce_max3A_155 : vector<128xf32> to vector<128x1xf32>
    %slice3A_157 = vector.extract_strided_slice %max3A_43 {offsets = [0, 928], sizes = [128, 32], strides = [1, 1]} : vector<128x4096xf32> to vector<128x32xf32>
    %reduce_max3A_158 = arith.constant dense<0xFF800000> : vector<128xf32>
    %reduce_max3A_159 = vector.multi_reduction <maximumf>, %slice3A_157, %reduce_max3A_158 [1] : vector<128x32xf32> to vector<128xf32>
    %broadcast_in_dim3A_160 = vector.shape_cast %reduce_max3A_159 : vector<128xf32> to vector<128x1xf32>
    %slice3A_161 = vector.extract_strided_slice %max3A_43 {offsets = [0, 960], sizes = [128, 32], strides = [1, 1]} : vector<128x4096xf32> to vector<128x32xf32>
    %reduce_max3A_162 = arith.constant dense<0xFF800000> : vector<128xf32>
    %reduce_max3A_163 = vector.multi_reduction <maximumf>, %slice3A_161, %reduce_max3A_162 [1] : vector<128x32xf32> to vector<128xf32>
    %broadcast_in_dim3A_164 = vector.shape_cast %reduce_max3A_163 : vector<128xf32> to vector<128x1xf32>
    %slice3A_165 = vector.extract_strided_slice %max3A_43 {offsets = [0, 992], sizes = [128, 32], strides = [1, 1]} : vector<128x4096xf32> to vector<128x32xf32>
    %reduce_max3A_166 = arith.constant dense<0xFF800000> : vector<128xf32>
    %reduce_max3A_167 = vector.multi_reduction <maximumf>, %slice3A_165, %reduce_max3A_166 [1] : vector<128x32xf32> to vector<128xf32>
    %broadcast_in_dim3A_168 = vector.shape_cast %reduce_max3A_167 : vector<128xf32> to vector<128x1xf32>
    %slice3A_169 = vector.extract_strided_slice %max3A_43 {offsets = [0, 1024], sizes = [128, 32], strides = [1, 1]} : vector<128x4096xf32> to vector<128x32xf32>
    %reduce_max3A_170 = arith.constant dense<0xFF800000> : vector<128xf32>
    %reduce_max3A_171 = vector.multi_reduction <maximumf>, %slice3A_169, %reduce_max3A_170 [1] : vector<128x32xf32> to vector<128xf32>
    %broadcast_in_dim3A_172 = vector.shape_cast %reduce_max3A_171 : vector<128xf32> to vector<128x1xf32>
    %slice3A_173 = vector.extract_strided_slice %max3A_43 {offsets = [0, 1056], sizes = [128, 32], strides = [1, 1]} : vector<128x4096xf32> to vector<128x32xf32>
    %reduce_max3A_174 = arith.constant dense<0xFF800000> : vector<128xf32>
    %reduce_max3A_175 = vector.multi_reduction <maximumf>, %slice3A_173, %reduce_max3A_174 [1] : vector<128x32xf32> to vector<128xf32>
    %broadcast_in_dim3A_176 = vector.shape_cast %reduce_max3A_175 : vector<128xf32> to vector<128x1xf32>
    %slice3A_177 = vector.extract_strided_slice %max3A_43 {offsets = [0, 1088], sizes = [128, 32], strides = [1, 1]} : vector<128x4096xf32> to vector<128x32xf32>
    %reduce_max3A_178 = arith.constant dense<0xFF800000> : vector<128xf32>
    %reduce_max3A_179 = vector.multi_reduction <maximumf>, %slice3A_177, %reduce_max3A_178 [1] : vector<128x32xf32> to vector<128xf32>
    %broadcast_in_dim3A_180 = vector.shape_cast %reduce_max3A_179 : vector<128xf32> to vector<128x1xf32>
    %slice3A_181 = vector.extract_strided_slice %max3A_43 {offsets = [0, 1120], sizes = [128, 32], strides = [1, 1]} : vector<128x4096xf32> to vector<128x32xf32>
    %reduce_max3A_182 = arith.constant dense<0xFF800000> : vector<128xf32>
    %reduce_max3A_183 = vector.multi_reduction <maximumf>, %slice3A_181, %reduce_max3A_182 [1] : vector<128x32xf32> to vector<128xf32>
    %broadcast_in_dim3A_184 = vector.shape_cast %reduce_max3A_183 : vector<128xf32> to vector<128x1xf32>
    %slice3A_185 = vector.extract_strided_slice %max3A_43 {offsets = [0, 1152], sizes = [128, 32], strides = [1, 1]} : vector<128x4096xf32> to vector<128x32xf32>
    %reduce_max3A_186 = arith.constant dense<0xFF800000> : vector<128xf32>
    %reduce_max3A_187 = vector.multi_reduction <maximumf>, %slice3A_185, %reduce_max3A_186 [1] : vector<128x32xf32> to vector<128xf32>
    %broadcast_in_dim3A_188 = vector.shape_cast %reduce_max3A_187 : vector<128xf32> to vector<128x1xf32>
    %slice3A_189 = vector.extract_strided_slice %max3A_43 {offsets = [0, 1184], sizes = [128, 32], strides = [1, 1]} : vector<128x4096xf32> to vector<128x32xf32>
    %reduce_max3A_190 = arith.constant dense<0xFF800000> : vector<128xf32>
    %reduce_max3A_191 = vector.multi_reduction <maximumf>, %slice3A_189, %reduce_max3A_190 [1] : vector<128x32xf32> to vector<128xf32>
    %broadcast_in_dim3A_192 = vector.shape_cast %reduce_max3A_191 : vector<128xf32> to vector<128x1xf32>
    %slice3A_193 = vector.extract_strided_slice %max3A_43 {offsets = [0, 1216], sizes = [128, 32], strides = [1, 1]} : vector<128x4096xf32> to vector<128x32xf32>
    %reduce_max3A_194 = arith.constant dense<0xFF800000> : vector<128xf32>
    %reduce_max3A_195 = vector.multi_reduction <maximumf>, %slice3A_193, %reduce_max3A_194 [1] : vector<128x32xf32> to vector<128xf32>
    %broadcast_in_dim3A_196 = vector.shape_cast %reduce_max3A_195 : vector<128xf32> to vector<128x1xf32>
    %slice3A_197 = vector.extract_strided_slice %max3A_43 {offsets = [0, 1248], sizes = [128, 32], strides = [1, 1]} : vector<128x4096xf32> to vector<128x32xf32>
    %reduce_max3A_198 = arith.constant dense<0xFF800000> : vector<128xf32>
    %reduce_max3A_199 = vector.multi_reduction <maximumf>, %slice3A_197, %reduce_max3A_198 [1] : vector<128x32xf32> to vector<128xf32>
    %broadcast_in_dim3A_200 = vector.shape_cast %reduce_max3A_199 : vector<128xf32> to vector<128x1xf32>
    %slice3A_201 = vector.extract_strided_slice %max3A_43 {offsets = [0, 1280], sizes = [128, 32], strides = [1, 1]} : vector<128x4096xf32> to vector<128x32xf32>
    %reduce_max3A_202 = arith.constant dense<0xFF800000> : vector<128xf32>
    %reduce_max3A_203 = vector.multi_reduction <maximumf>, %slice3A_201, %reduce_max3A_202 [1] : vector<128x32xf32> to vector<128xf32>
    %broadcast_in_dim3A_204 = vector.shape_cast %reduce_max3A_203 : vector<128xf32> to vector<128x1xf32>
    %slice3A_205 = vector.extract_strided_slice %max3A_43 {offsets = [0, 1312], sizes = [128, 32], strides = [1, 1]} : vector<128x4096xf32> to vector<128x32xf32>
    %reduce_max3A_206 = arith.constant dense<0xFF800000> : vector<128xf32>
    %reduce_max3A_207 = vector.multi_reduction <maximumf>, %slice3A_205, %reduce_max3A_206 [1] : vector<128x32xf32> to vector<128xf32>
    %broadcast_in_dim3A_208 = vector.shape_cast %reduce_max3A_207 : vector<128xf32> to vector<128x1xf32>
    %slice3A_209 = vector.extract_strided_slice %max3A_43 {offsets = [0, 1344], sizes = [128, 32], strides = [1, 1]} : vector<128x4096xf32> to vector<128x32xf32>
    %reduce_max3A_210 = arith.constant dense<0xFF800000> : vector<128xf32>
    %reduce_max3A_211 = vector.multi_reduction <maximumf>, %slice3A_209, %reduce_max3A_210 [1] : vector<128x32xf32> to vector<128xf32>
    %broadcast_in_dim3A_212 = vector.shape_cast %reduce_max3A_211 : vector<128xf32> to vector<128x1xf32>
    %slice3A_213 = vector.extract_strided_slice %max3A_43 {offsets = [0, 1376], sizes = [128, 32], strides = [1, 1]} : vector<128x4096xf32> to vector<128x32xf32>
    %reduce_max3A_214 = arith.constant dense<0xFF800000> : vector<128xf32>
    %reduce_max3A_215 = vector.multi_reduction <maximumf>, %slice3A_213, %reduce_max3A_214 [1] : vector<128x32xf32> to vector<128xf32>
    %broadcast_in_dim3A_216 = vector.shape_cast %reduce_max3A_215 : vector<128xf32> to vector<128x1xf32>
    %slice3A_217 = vector.extract_strided_slice %max3A_43 {offsets = [0, 1408], sizes = [128, 32], strides = [1, 1]} : vector<128x4096xf32> to vector<128x32xf32>
    %reduce_max3A_218 = arith.constant dense<0xFF800000> : vector<128xf32>
    %reduce_max3A_219 = vector.multi_reduction <maximumf>, %slice3A_217, %reduce_max3A_218 [1] : vector<128x32xf32> to vector<128xf32>
    %broadcast_in_dim3A_220 = vector.shape_cast %reduce_max3A_219 : vector<128xf32> to vector<128x1xf32>
    %slice3A_221 = vector.extract_strided_slice %max3A_43 {offsets = [0, 1440], sizes = [128, 32], strides = [1, 1]} : vector<128x4096xf32> to vector<128x32xf32>
    %reduce_max3A_222 = arith.constant dense<0xFF800000> : vector<128xf32>
    %reduce_max3A_223 = vector.multi_reduction <maximumf>, %slice3A_221, %reduce_max3A_222 [1] : vector<128x32xf32> to vector<128xf32>
    %broadcast_in_dim3A_224 = vector.shape_cast %reduce_max3A_223 : vector<128xf32> to vector<128x1xf32>
    %slice3A_225 = vector.extract_strided_slice %max3A_43 {offsets = [0, 1472], sizes = [128, 32], strides = [1, 1]} : vector<128x4096xf32> to vector<128x32xf32>
    %reduce_max3A_226 = arith.constant dense<0xFF800000> : vector<128xf32>
    %reduce_max3A_227 = vector.multi_reduction <maximumf>, %slice3A_225, %reduce_max3A_226 [1] : vector<128x32xf32> to vector<128xf32>
    %broadcast_in_dim3A_228 = vector.shape_cast %reduce_max3A_227 : vector<128xf32> to vector<128x1xf32>
    %slice3A_229 = vector.extract_strided_slice %max3A_43 {offsets = [0, 1504], sizes = [128, 32], strides = [1, 1]} : vector<128x4096xf32> to vector<128x32xf32>
    %reduce_max3A_230 = arith.constant dense<0xFF800000> : vector<128xf32>
    %reduce_max3A_231 = vector.multi_reduction <maximumf>, %slice3A_229, %reduce_max3A_230 [1] : vector<128x32xf32> to vector<128xf32>
    %broadcast_in_dim3A_232 = vector.shape_cast %reduce_max3A_231 : vector<128xf32> to vector<128x1xf32>
    %slice3A_233 = vector.extract_strided_slice %max3A_43 {offsets = [0, 1536], sizes = [128, 32], strides = [1, 1]} : vector<128x4096xf32> to vector<128x32xf32>
    %reduce_max3A_234 = arith.constant dense<0xFF800000> : vector<128xf32>
    %reduce_max3A_235 = vector.multi_reduction <maximumf>, %slice3A_233, %reduce_max3A_234 [1] : vector<128x32xf32> to vector<128xf32>
    %broadcast_in_dim3A_236 = vector.shape_cast %reduce_max3A_235 : vector<128xf32> to vector<128x1xf32>
    %slice3A_237 = vector.extract_strided_slice %max3A_43 {offsets = [0, 1568], sizes = [128, 32], strides = [1, 1]} : vector<128x4096xf32> to vector<128x32xf32>
    %reduce_max3A_238 = arith.constant dense<0xFF800000> : vector<128xf32>
    %reduce_max3A_239 = vector.multi_reduction <maximumf>, %slice3A_237, %reduce_max3A_238 [1] : vector<128x32xf32> to vector<128xf32>
    %broadcast_in_dim3A_240 = vector.shape_cast %reduce_max3A_239 : vector<128xf32> to vector<128x1xf32>
    %slice3A_241 = vector.extract_strided_slice %max3A_43 {offsets = [0, 1600], sizes = [128, 32], strides = [1, 1]} : vector<128x4096xf32> to vector<128x32xf32>
    %reduce_max3A_242 = arith.constant dense<0xFF800000> : vector<128xf32>
    %reduce_max3A_243 = vector.multi_reduction <maximumf>, %slice3A_241, %reduce_max3A_242 [1] : vector<128x32xf32> to vector<128xf32>
    %broadcast_in_dim3A_244 = vector.shape_cast %reduce_max3A_243 : vector<128xf32> to vector<128x1xf32>
    %slice3A_245 = vector.extract_strided_slice %max3A_43 {offsets = [0, 1632], sizes = [128, 32], strides = [1, 1]} : vector<128x4096xf32> to vector<128x32xf32>
    %reduce_max3A_246 = arith.constant dense<0xFF800000> : vector<128xf32>
    %reduce_max3A_247 = vector.multi_reduction <maximumf>, %slice3A_245, %reduce_max3A_246 [1] : vector<128x32xf32> to vector<128xf32>
    %broadcast_in_dim3A_248 = vector.shape_cast %reduce_max3A_247 : vector<128xf32> to vector<128x1xf32>
    %slice3A_249 = vector.extract_strided_slice %max3A_43 {offsets = [0, 1664], sizes = [128, 32], strides = [1, 1]} : vector<128x4096xf32> to vector<128x32xf32>
    %reduce_max3A_250 = arith.constant dense<0xFF800000> : vector<128xf32>
    %reduce_max3A_251 = vector.multi_reduction <maximumf>, %slice3A_249, %reduce_max3A_250 [1] : vector<128x32xf32> to vector<128xf32>
    %broadcast_in_dim3A_252 = vector.shape_cast %reduce_max3A_251 : vector<128xf32> to vector<128x1xf32>
    %slice3A_253 = vector.extract_strided_slice %max3A_43 {offsets = [0, 1696], sizes = [128, 32], strides = [1, 1]} : vector<128x4096xf32> to vector<128x32xf32>
    %reduce_max3A_254 = arith.constant dense<0xFF800000> : vector<128xf32>
    %reduce_max3A_255 = vector.multi_reduction <maximumf>, %slice3A_253, %reduce_max3A_254 [1] : vector<128x32xf32> to vector<128xf32>
    %broadcast_in_dim3A_256 = vector.shape_cast %reduce_max3A_255 : vector<128xf32> to vector<128x1xf32>
    %slice3A_257 = vector.extract_strided_slice %max3A_43 {offsets = [0, 1728], sizes = [128, 32], strides = [1, 1]} : vector<128x4096xf32> to vector<128x32xf32>
    %reduce_max3A_258 = arith.constant dense<0xFF800000> : vector<128xf32>
    %reduce_max3A_259 = vector.multi_reduction <maximumf>, %slice3A_257, %reduce_max3A_258 [1] : vector<128x32xf32> to vector<128xf32>
    %broadcast_in_dim3A_260 = vector.shape_cast %reduce_max3A_259 : vector<128xf32> to vector<128x1xf32>
    %slice3A_261 = vector.extract_strided_slice %max3A_43 {offsets = [0, 1760], sizes = [128, 32], strides = [1, 1]} : vector<128x4096xf32> to vector<128x32xf32>
    %reduce_max3A_262 = arith.constant dense<0xFF800000> : vector<128xf32>
    %reduce_max3A_263 = vector.multi_reduction <maximumf>, %slice3A_261, %reduce_max3A_262 [1] : vector<128x32xf32> to vector<128xf32>
    %broadcast_in_dim3A_264 = vector.shape_cast %reduce_max3A_263 : vector<128xf32> to vector<128x1xf32>
    %slice3A_265 = vector.extract_strided_slice %max3A_43 {offsets = [0, 1792], sizes = [128, 32], strides = [1, 1]} : vector<128x4096xf32> to vector<128x32xf32>
    %reduce_max3A_266 = arith.constant dense<0xFF800000> : vector<128xf32>
    %reduce_max3A_267 = vector.multi_reduction <maximumf>, %slice3A_265, %reduce_max3A_266 [1] : vector<128x32xf32> to vector<128xf32>
    %broadcast_in_dim3A_268 = vector.shape_cast %reduce_max3A_267 : vector<128xf32> to vector<128x1xf32>
    %slice3A_269 = vector.extract_strided_slice %max3A_43 {offsets = [0, 1824], sizes = [128, 32], strides = [1, 1]} : vector<128x4096xf32> to vector<128x32xf32>
    %reduce_max3A_270 = arith.constant dense<0xFF800000> : vector<128xf32>
    %reduce_max3A_271 = vector.multi_reduction <maximumf>, %slice3A_269, %reduce_max3A_270 [1] : vector<128x32xf32> to vector<128xf32>
    %broadcast_in_dim3A_272 = vector.shape_cast %reduce_max3A_271 : vector<128xf32> to vector<128x1xf32>
    %slice3A_273 = vector.extract_strided_slice %max3A_43 {offsets = [0, 1856], sizes = [128, 32], strides = [1, 1]} : vector<128x4096xf32> to vector<128x32xf32>
    %reduce_max3A_274 = arith.constant dense<0xFF800000> : vector<128xf32>
    %reduce_max3A_275 = vector.multi_reduction <maximumf>, %slice3A_273, %reduce_max3A_274 [1] : vector<128x32xf32> to vector<128xf32>
    %broadcast_in_dim3A_276 = vector.shape_cast %reduce_max3A_275 : vector<128xf32> to vector<128x1xf32>
    %slice3A_277 = vector.extract_strided_slice %max3A_43 {offsets = [0, 1888], sizes = [128, 32], strides = [1, 1]} : vector<128x4096xf32> to vector<128x32xf32>
    %reduce_max3A_278 = arith.constant dense<0xFF800000> : vector<128xf32>
    %reduce_max3A_279 = vector.multi_reduction <maximumf>, %slice3A_277, %reduce_max3A_278 [1] : vector<128x32xf32> to vector<128xf32>
    %broadcast_in_dim3A_280 = vector.shape_cast %reduce_max3A_279 : vector<128xf32> to vector<128x1xf32>
    %slice3A_281 = vector.extract_strided_slice %max3A_43 {offsets = [0, 1920], sizes = [128, 32], strides = [1, 1]} : vector<128x4096xf32> to vector<128x32xf32>
    %reduce_max3A_282 = arith.constant dense<0xFF800000> : vector<128xf32>
    %reduce_max3A_283 = vector.multi_reduction <maximumf>, %slice3A_281, %reduce_max3A_282 [1] : vector<128x32xf32> to vector<128xf32>
    %broadcast_in_dim3A_284 = vector.shape_cast %reduce_max3A_283 : vector<128xf32> to vector<128x1xf32>
    %slice3A_285 = vector.extract_strided_slice %max3A_43 {offsets = [0, 1952], sizes = [128, 32], strides = [1, 1]} : vector<128x4096xf32> to vector<128x32xf32>
    %reduce_max3A_286 = arith.constant dense<0xFF800000> : vector<128xf32>
    %reduce_max3A_287 = vector.multi_reduction <maximumf>, %slice3A_285, %reduce_max3A_286 [1] : vector<128x32xf32> to vector<128xf32>
    %broadcast_in_dim3A_288 = vector.shape_cast %reduce_max3A_287 : vector<128xf32> to vector<128x1xf32>
    %slice3A_289 = vector.extract_strided_slice %max3A_43 {offsets = [0, 1984], sizes = [128, 32], strides = [1, 1]} : vector<128x4096xf32> to vector<128x32xf32>
    %reduce_max3A_290 = arith.constant dense<0xFF800000> : vector<128xf32>
    %reduce_max3A_291 = vector.multi_reduction <maximumf>, %slice3A_289, %reduce_max3A_290 [1] : vector<128x32xf32> to vector<128xf32>
    %broadcast_in_dim3A_292 = vector.shape_cast %reduce_max3A_291 : vector<128xf32> to vector<128x1xf32>
    %slice3A_293 = vector.extract_strided_slice %max3A_43 {offsets = [0, 2016], sizes = [128, 32], strides = [1, 1]} : vector<128x4096xf32> to vector<128x32xf32>
    %reduce_max3A_294 = arith.constant dense<0xFF800000> : vector<128xf32>
    %reduce_max3A_295 = vector.multi_reduction <maximumf>, %slice3A_293, %reduce_max3A_294 [1] : vector<128x32xf32> to vector<128xf32>
    %broadcast_in_dim3A_296 = vector.shape_cast %reduce_max3A_295 : vector<128xf32> to vector<128x1xf32>
    %slice3A_297 = vector.extract_strided_slice %max3A_43 {offsets = [0, 2048], sizes = [128, 32], strides = [1, 1]} : vector<128x4096xf32> to vector<128x32xf32>
    %reduce_max3A_298 = arith.constant dense<0xFF800000> : vector<128xf32>
    %reduce_max3A_299 = vector.multi_reduction <maximumf>, %slice3A_297, %reduce_max3A_298 [1] : vector<128x32xf32> to vector<128xf32>
    %broadcast_in_dim3A_300 = vector.shape_cast %reduce_max3A_299 : vector<128xf32> to vector<128x1xf32>
    %slice3A_301 = vector.extract_strided_slice %max3A_43 {offsets = [0, 2080], sizes = [128, 32], strides = [1, 1]} : vector<128x4096xf32> to vector<128x32xf32>
    %reduce_max3A_302 = arith.constant dense<0xFF800000> : vector<128xf32>
    %reduce_max3A_303 = vector.multi_reduction <maximumf>, %slice3A_301, %reduce_max3A_302 [1] : vector<128x32xf32> to vector<128xf32>
    %broadcast_in_dim3A_304 = vector.shape_cast %reduce_max3A_303 : vector<128xf32> to vector<128x1xf32>
    %slice3A_305 = vector.extract_strided_slice %max3A_43 {offsets = [0, 2112], sizes = [128, 32], strides = [1, 1]} : vector<128x4096xf32> to vector<128x32xf32>
    %reduce_max3A_306 = arith.constant dense<0xFF800000> : vector<128xf32>
    %reduce_max3A_307 = vector.multi_reduction <maximumf>, %slice3A_305, %reduce_max3A_306 [1] : vector<128x32xf32> to vector<128xf32>
    %broadcast_in_dim3A_308 = vector.shape_cast %reduce_max3A_307 : vector<128xf32> to vector<128x1xf32>
    %slice3A_309 = vector.extract_strided_slice %max3A_43 {offsets = [0, 2144], sizes = [128, 32], strides = [1, 1]} : vector<128x4096xf32> to vector<128x32xf32>
    %reduce_max3A_310 = arith.constant dense<0xFF800000> : vector<128xf32>
    %reduce_max3A_311 = vector.multi_reduction <maximumf>, %slice3A_309, %reduce_max3A_310 [1] : vector<128x32xf32> to vector<128xf32>
    %broadcast_in_dim3A_312 = vector.shape_cast %reduce_max3A_311 : vector<128xf32> to vector<128x1xf32>
    %slice3A_313 = vector.extract_strided_slice %max3A_43 {offsets = [0, 2176], sizes = [128, 32], strides = [1, 1]} : vector<128x4096xf32> to vector<128x32xf32>
    %reduce_max3A_314 = arith.constant dense<0xFF800000> : vector<128xf32>
    %reduce_max3A_315 = vector.multi_reduction <maximumf>, %slice3A_313, %reduce_max3A_314 [1] : vector<128x32xf32> to vector<128xf32>
    %broadcast_in_dim3A_316 = vector.shape_cast %reduce_max3A_315 : vector<128xf32> to vector<128x1xf32>
    %slice3A_317 = vector.extract_strided_slice %max3A_43 {offsets = [0, 2208], sizes = [128, 32], strides = [1, 1]} : vector<128x4096xf32> to vector<128x32xf32>
    %reduce_max3A_318 = arith.constant dense<0xFF800000> : vector<128xf32>
    %reduce_max3A_319 = vector.multi_reduction <maximumf>, %slice3A_317, %reduce_max3A_318 [1] : vector<128x32xf32> to vector<128xf32>
    %broadcast_in_dim3A_320 = vector.shape_cast %reduce_max3A_319 : vector<128xf32> to vector<128x1xf32>
    %slice3A_321 = vector.extract_strided_slice %max3A_43 {offsets = [0, 2240], sizes = [128, 32], strides = [1, 1]} : vector<128x4096xf32> to vector<128x32xf32>
    %reduce_max3A_322 = arith.constant dense<0xFF800000> : vector<128xf32>
    %reduce_max3A_323 = vector.multi_reduction <maximumf>, %slice3A_321, %reduce_max3A_322 [1] : vector<128x32xf32> to vector<128xf32>
    %broadcast_in_dim3A_324 = vector.shape_cast %reduce_max3A_323 : vector<128xf32> to vector<128x1xf32>
    %slice3A_325 = vector.extract_strided_slice %max3A_43 {offsets = [0, 2272], sizes = [128, 32], strides = [1, 1]} : vector<128x4096xf32> to vector<128x32xf32>
    %reduce_max3A_326 = arith.constant dense<0xFF800000> : vector<128xf32>
    %reduce_max3A_327 = vector.multi_reduction <maximumf>, %slice3A_325, %reduce_max3A_326 [1] : vector<128x32xf32> to vector<128xf32>
    %broadcast_in_dim3A_328 = vector.shape_cast %reduce_max3A_327 : vector<128xf32> to vector<128x1xf32>
    %slice3A_329 = vector.extract_strided_slice %max3A_43 {offsets = [0, 2304], sizes = [128, 32], strides = [1, 1]} : vector<128x4096xf32> to vector<128x32xf32>
    %reduce_max3A_330 = arith.constant dense<0xFF800000> : vector<128xf32>
    %reduce_max3A_331 = vector.multi_reduction <maximumf>, %slice3A_329, %reduce_max3A_330 [1] : vector<128x32xf32> to vector<128xf32>
    %broadcast_in_dim3A_332 = vector.shape_cast %reduce_max3A_331 : vector<128xf32> to vector<128x1xf32>
    %slice3A_333 = vector.extract_strided_slice %max3A_43 {offsets = [0, 2336], sizes = [128, 32], strides = [1, 1]} : vector<128x4096xf32> to vector<128x32xf32>
    %reduce_max3A_334 = arith.constant dense<0xFF800000> : vector<128xf32>
    %reduce_max3A_335 = vector.multi_reduction <maximumf>, %slice3A_333, %reduce_max3A_334 [1] : vector<128x32xf32> to vector<128xf32>
    %broadcast_in_dim3A_336 = vector.shape_cast %reduce_max3A_335 : vector<128xf32> to vector<128x1xf32>
    %slice3A_337 = vector.extract_strided_slice %max3A_43 {offsets = [0, 2368], sizes = [128, 32], strides = [1, 1]} : vector<128x4096xf32> to vector<128x32xf32>
    %reduce_max3A_338 = arith.constant dense<0xFF800000> : vector<128xf32>
    %reduce_max3A_339 = vector.multi_reduction <maximumf>, %slice3A_337, %reduce_max3A_338 [1] : vector<128x32xf32> to vector<128xf32>
    %broadcast_in_dim3A_340 = vector.shape_cast %reduce_max3A_339 : vector<128xf32> to vector<128x1xf32>
    %slice3A_341 = vector.extract_strided_slice %max3A_43 {offsets = [0, 2400], sizes = [128, 32], strides = [1, 1]} : vector<128x4096xf32> to vector<128x32xf32>
    %reduce_max3A_342 = arith.constant dense<0xFF800000> : vector<128xf32>
    %reduce_max3A_343 = vector.multi_reduction <maximumf>, %slice3A_341, %reduce_max3A_342 [1] : vector<128x32xf32> to vector<128xf32>
    %broadcast_in_dim3A_344 = vector.shape_cast %reduce_max3A_343 : vector<128xf32> to vector<128x1xf32>
    %slice3A_345 = vector.extract_strided_slice %max3A_43 {offsets = [0, 2432], sizes = [128, 32], strides = [1, 1]} : vector<128x4096xf32> to vector<128x32xf32>
    %reduce_max3A_346 = arith.constant dense<0xFF800000> : vector<128xf32>
    %reduce_max3A_347 = vector.multi_reduction <maximumf>, %slice3A_345, %reduce_max3A_346 [1] : vector<128x32xf32> to vector<128xf32>
    %broadcast_in_dim3A_348 = vector.shape_cast %reduce_max3A_347 : vector<128xf32> to vector<128x1xf32>
    %slice3A_349 = vector.extract_strided_slice %max3A_43 {offsets = [0, 2464], sizes = [128, 32], strides = [1, 1]} : vector<128x4096xf32> to vector<128x32xf32>
    %reduce_max3A_350 = arith.constant dense<0xFF800000> : vector<128xf32>
    %reduce_max3A_351 = vector.multi_reduction <maximumf>, %slice3A_349, %reduce_max3A_350 [1] : vector<128x32xf32> to vector<128xf32>
    %broadcast_in_dim3A_352 = vector.shape_cast %reduce_max3A_351 : vector<128xf32> to vector<128x1xf32>
    %slice3A_353 = vector.extract_strided_slice %max3A_43 {offsets = [0, 2496], sizes = [128, 32], strides = [1, 1]} : vector<128x4096xf32> to vector<128x32xf32>
    %reduce_max3A_354 = arith.constant dense<0xFF800000> : vector<128xf32>
    %reduce_max3A_355 = vector.multi_reduction <maximumf>, %slice3A_353, %reduce_max3A_354 [1] : vector<128x32xf32> to vector<128xf32>
    %broadcast_in_dim3A_356 = vector.shape_cast %reduce_max3A_355 : vector<128xf32> to vector<128x1xf32>
    %slice3A_357 = vector.extract_strided_slice %max3A_43 {offsets = [0, 2528], sizes = [128, 32], strides = [1, 1]} : vector<128x4096xf32> to vector<128x32xf32>
    %reduce_max3A_358 = arith.constant dense<0xFF800000> : vector<128xf32>
    %reduce_max3A_359 = vector.multi_reduction <maximumf>, %slice3A_357, %reduce_max3A_358 [1] : vector<128x32xf32> to vector<128xf32>
    %broadcast_in_dim3A_360 = vector.shape_cast %reduce_max3A_359 : vector<128xf32> to vector<128x1xf32>
    %slice3A_361 = vector.extract_strided_slice %max3A_43 {offsets = [0, 2560], sizes = [128, 32], strides = [1, 1]} : vector<128x4096xf32> to vector<128x32xf32>
    %reduce_max3A_362 = arith.constant dense<0xFF800000> : vector<128xf32>
    %reduce_max3A_363 = vector.multi_reduction <maximumf>, %slice3A_361, %reduce_max3A_362 [1] : vector<128x32xf32> to vector<128xf32>
    %broadcast_in_dim3A_364 = vector.shape_cast %reduce_max3A_363 : vector<128xf32> to vector<128x1xf32>
    %slice3A_365 = vector.extract_strided_slice %max3A_43 {offsets = [0, 2592], sizes = [128, 32], strides = [1, 1]} : vector<128x4096xf32> to vector<128x32xf32>
    %reduce_max3A_366 = arith.constant dense<0xFF800000> : vector<128xf32>
    %reduce_max3A_367 = vector.multi_reduction <maximumf>, %slice3A_365, %reduce_max3A_366 [1] : vector<128x32xf32> to vector<128xf32>
    %broadcast_in_dim3A_368 = vector.shape_cast %reduce_max3A_367 : vector<128xf32> to vector<128x1xf32>
    %slice3A_369 = vector.extract_strided_slice %max3A_43 {offsets = [0, 2624], sizes = [128, 32], strides = [1, 1]} : vector<128x4096xf32> to vector<128x32xf32>
    %reduce_max3A_370 = arith.constant dense<0xFF800000> : vector<128xf32>
    %reduce_max3A_371 = vector.multi_reduction <maximumf>, %slice3A_369, %reduce_max3A_370 [1] : vector<128x32xf32> to vector<128xf32>
    %broadcast_in_dim3A_372 = vector.shape_cast %reduce_max3A_371 : vector<128xf32> to vector<128x1xf32>
    %slice3A_373 = vector.extract_strided_slice %max3A_43 {offsets = [0, 2656], sizes = [128, 32], strides = [1, 1]} : vector<128x4096xf32> to vector<128x32xf32>
    %reduce_max3A_374 = arith.constant dense<0xFF800000> : vector<128xf32>
    %reduce_max3A_375 = vector.multi_reduction <maximumf>, %slice3A_373, %reduce_max3A_374 [1] : vector<128x32xf32> to vector<128xf32>
    %broadcast_in_dim3A_376 = vector.shape_cast %reduce_max3A_375 : vector<128xf32> to vector<128x1xf32>
    %slice3A_377 = vector.extract_strided_slice %max3A_43 {offsets = [0, 2688], sizes = [128, 32], strides = [1, 1]} : vector<128x4096xf32> to vector<128x32xf32>
    %reduce_max3A_378 = arith.constant dense<0xFF800000> : vector<128xf32>
    %reduce_max3A_379 = vector.multi_reduction <maximumf>, %slice3A_377, %reduce_max3A_378 [1] : vector<128x32xf32> to vector<128xf32>
    %broadcast_in_dim3A_380 = vector.shape_cast %reduce_max3A_379 : vector<128xf32> to vector<128x1xf32>
    %slice3A_381 = vector.extract_strided_slice %max3A_43 {offsets = [0, 2720], sizes = [128, 32], strides = [1, 1]} : vector<128x4096xf32> to vector<128x32xf32>
    %reduce_max3A_382 = arith.constant dense<0xFF800000> : vector<128xf32>
    %reduce_max3A_383 = vector.multi_reduction <maximumf>, %slice3A_381, %reduce_max3A_382 [1] : vector<128x32xf32> to vector<128xf32>
    %broadcast_in_dim3A_384 = vector.shape_cast %reduce_max3A_383 : vector<128xf32> to vector<128x1xf32>
    %slice3A_385 = vector.extract_strided_slice %max3A_43 {offsets = [0, 2752], sizes = [128, 32], strides = [1, 1]} : vector<128x4096xf32> to vector<128x32xf32>
    %reduce_max3A_386 = arith.constant dense<0xFF800000> : vector<128xf32>
    %reduce_max3A_387 = vector.multi_reduction <maximumf>, %slice3A_385, %reduce_max3A_386 [1] : vector<128x32xf32> to vector<128xf32>
    %broadcast_in_dim3A_388 = vector.shape_cast %reduce_max3A_387 : vector<128xf32> to vector<128x1xf32>
    %slice3A_389 = vector.extract_strided_slice %max3A_43 {offsets = [0, 2784], sizes = [128, 32], strides = [1, 1]} : vector<128x4096xf32> to vector<128x32xf32>
    %reduce_max3A_390 = arith.constant dense<0xFF800000> : vector<128xf32>
    %reduce_max3A_391 = vector.multi_reduction <maximumf>, %slice3A_389, %reduce_max3A_390 [1] : vector<128x32xf32> to vector<128xf32>
    %broadcast_in_dim3A_392 = vector.shape_cast %reduce_max3A_391 : vector<128xf32> to vector<128x1xf32>
    %slice3A_393 = vector.extract_strided_slice %max3A_43 {offsets = [0, 2816], sizes = [128, 32], strides = [1, 1]} : vector<128x4096xf32> to vector<128x32xf32>
    %reduce_max3A_394 = arith.constant dense<0xFF800000> : vector<128xf32>
    %reduce_max3A_395 = vector.multi_reduction <maximumf>, %slice3A_393, %reduce_max3A_394 [1] : vector<128x32xf32> to vector<128xf32>
    %broadcast_in_dim3A_396 = vector.shape_cast %reduce_max3A_395 : vector<128xf32> to vector<128x1xf32>
    %slice3A_397 = vector.extract_strided_slice %max3A_43 {offsets = [0, 2848], sizes = [128, 32], strides = [1, 1]} : vector<128x4096xf32> to vector<128x32xf32>
    %reduce_max3A_398 = arith.constant dense<0xFF800000> : vector<128xf32>
    %reduce_max3A_399 = vector.multi_reduction <maximumf>, %slice3A_397, %reduce_max3A_398 [1] : vector<128x32xf32> to vector<128xf32>
    %broadcast_in_dim3A_400 = vector.shape_cast %reduce_max3A_399 : vector<128xf32> to vector<128x1xf32>
    %slice3A_401 = vector.extract_strided_slice %max3A_43 {offsets = [0, 2880], sizes = [128, 32], strides = [1, 1]} : vector<128x4096xf32> to vector<128x32xf32>
    %reduce_max3A_402 = arith.constant dense<0xFF800000> : vector<128xf32>
    %reduce_max3A_403 = vector.multi_reduction <maximumf>, %slice3A_401, %reduce_max3A_402 [1] : vector<128x32xf32> to vector<128xf32>
    %broadcast_in_dim3A_404 = vector.shape_cast %reduce_max3A_403 : vector<128xf32> to vector<128x1xf32>
    %slice3A_405 = vector.extract_strided_slice %max3A_43 {offsets = [0, 2912], sizes = [128, 32], strides = [1, 1]} : vector<128x4096xf32> to vector<128x32xf32>
    %reduce_max3A_406 = arith.constant dense<0xFF800000> : vector<128xf32>
    %reduce_max3A_407 = vector.multi_reduction <maximumf>, %slice3A_405, %reduce_max3A_406 [1] : vector<128x32xf32> to vector<128xf32>
    %broadcast_in_dim3A_408 = vector.shape_cast %reduce_max3A_407 : vector<128xf32> to vector<128x1xf32>
    %slice3A_409 = vector.extract_strided_slice %max3A_43 {offsets = [0, 2944], sizes = [128, 32], strides = [1, 1]} : vector<128x4096xf32> to vector<128x32xf32>
    %reduce_max3A_410 = arith.constant dense<0xFF800000> : vector<128xf32>
    %reduce_max3A_411 = vector.multi_reduction <maximumf>, %slice3A_409, %reduce_max3A_410 [1] : vector<128x32xf32> to vector<128xf32>
    %broadcast_in_dim3A_412 = vector.shape_cast %reduce_max3A_411 : vector<128xf32> to vector<128x1xf32>
    %slice3A_413 = vector.extract_strided_slice %max3A_43 {offsets = [0, 2976], sizes = [128, 32], strides = [1, 1]} : vector<128x4096xf32> to vector<128x32xf32>
    %reduce_max3A_414 = arith.constant dense<0xFF800000> : vector<128xf32>
    %reduce_max3A_415 = vector.multi_reduction <maximumf>, %slice3A_413, %reduce_max3A_414 [1] : vector<128x32xf32> to vector<128xf32>
    %broadcast_in_dim3A_416 = vector.shape_cast %reduce_max3A_415 : vector<128xf32> to vector<128x1xf32>
    %slice3A_417 = vector.extract_strided_slice %max3A_43 {offsets = [0, 3008], sizes = [128, 32], strides = [1, 1]} : vector<128x4096xf32> to vector<128x32xf32>
    %reduce_max3A_418 = arith.constant dense<0xFF800000> : vector<128xf32>
    %reduce_max3A_419 = vector.multi_reduction <maximumf>, %slice3A_417, %reduce_max3A_418 [1] : vector<128x32xf32> to vector<128xf32>
    %broadcast_in_dim3A_420 = vector.shape_cast %reduce_max3A_419 : vector<128xf32> to vector<128x1xf32>
    %slice3A_421 = vector.extract_strided_slice %max3A_43 {offsets = [0, 3040], sizes = [128, 32], strides = [1, 1]} : vector<128x4096xf32> to vector<128x32xf32>
    %reduce_max3A_422 = arith.constant dense<0xFF800000> : vector<128xf32>
    %reduce_max3A_423 = vector.multi_reduction <maximumf>, %slice3A_421, %reduce_max3A_422 [1] : vector<128x32xf32> to vector<128xf32>
    %broadcast_in_dim3A_424 = vector.shape_cast %reduce_max3A_423 : vector<128xf32> to vector<128x1xf32>
    %slice3A_425 = vector.extract_strided_slice %max3A_43 {offsets = [0, 3072], sizes = [128, 32], strides = [1, 1]} : vector<128x4096xf32> to vector<128x32xf32>
    %reduce_max3A_426 = arith.constant dense<0xFF800000> : vector<128xf32>
    %reduce_max3A_427 = vector.multi_reduction <maximumf>, %slice3A_425, %reduce_max3A_426 [1] : vector<128x32xf32> to vector<128xf32>
    %broadcast_in_dim3A_428 = vector.shape_cast %reduce_max3A_427 : vector<128xf32> to vector<128x1xf32>
    %slice3A_429 = vector.extract_strided_slice %max3A_43 {offsets = [0, 3104], sizes = [128, 32], strides = [1, 1]} : vector<128x4096xf32> to vector<128x32xf32>
    %reduce_max3A_430 = arith.constant dense<0xFF800000> : vector<128xf32>
    %reduce_max3A_431 = vector.multi_reduction <maximumf>, %slice3A_429, %reduce_max3A_430 [1] : vector<128x32xf32> to vector<128xf32>
    %broadcast_in_dim3A_432 = vector.shape_cast %reduce_max3A_431 : vector<128xf32> to vector<128x1xf32>
    %slice3A_433 = vector.extract_strided_slice %max3A_43 {offsets = [0, 3136], sizes = [128, 32], strides = [1, 1]} : vector<128x4096xf32> to vector<128x32xf32>
    %reduce_max3A_434 = arith.constant dense<0xFF800000> : vector<128xf32>
    %reduce_max3A_435 = vector.multi_reduction <maximumf>, %slice3A_433, %reduce_max3A_434 [1] : vector<128x32xf32> to vector<128xf32>
    %broadcast_in_dim3A_436 = vector.shape_cast %reduce_max3A_435 : vector<128xf32> to vector<128x1xf32>
    %slice3A_437 = vector.extract_strided_slice %max3A_43 {offsets = [0, 3168], sizes = [128, 32], strides = [1, 1]} : vector<128x4096xf32> to vector<128x32xf32>
    %reduce_max3A_438 = arith.constant dense<0xFF800000> : vector<128xf32>
    %reduce_max3A_439 = vector.multi_reduction <maximumf>, %slice3A_437, %reduce_max3A_438 [1] : vector<128x32xf32> to vector<128xf32>
    %broadcast_in_dim3A_440 = vector.shape_cast %reduce_max3A_439 : vector<128xf32> to vector<128x1xf32>
    %slice3A_441 = vector.extract_strided_slice %max3A_43 {offsets = [0, 3200], sizes = [128, 32], strides = [1, 1]} : vector<128x4096xf32> to vector<128x32xf32>
    %reduce_max3A_442 = arith.constant dense<0xFF800000> : vector<128xf32>
    %reduce_max3A_443 = vector.multi_reduction <maximumf>, %slice3A_441, %reduce_max3A_442 [1] : vector<128x32xf32> to vector<128xf32>
    %broadcast_in_dim3A_444 = vector.shape_cast %reduce_max3A_443 : vector<128xf32> to vector<128x1xf32>
    %slice3A_445 = vector.extract_strided_slice %max3A_43 {offsets = [0, 3232], sizes = [128, 32], strides = [1, 1]} : vector<128x4096xf32> to vector<128x32xf32>
    %reduce_max3A_446 = arith.constant dense<0xFF800000> : vector<128xf32>
    %reduce_max3A_447 = vector.multi_reduction <maximumf>, %slice3A_445, %reduce_max3A_446 [1] : vector<128x32xf32> to vector<128xf32>
    %broadcast_in_dim3A_448 = vector.shape_cast %reduce_max3A_447 : vector<128xf32> to vector<128x1xf32>
    %slice3A_449 = vector.extract_strided_slice %max3A_43 {offsets = [0, 3264], sizes = [128, 32], strides = [1, 1]} : vector<128x4096xf32> to vector<128x32xf32>
    %reduce_max3A_450 = arith.constant dense<0xFF800000> : vector<128xf32>
    %reduce_max3A_451 = vector.multi_reduction <maximumf>, %slice3A_449, %reduce_max3A_450 [1] : vector<128x32xf32> to vector<128xf32>
    %broadcast_in_dim3A_452 = vector.shape_cast %reduce_max3A_451 : vector<128xf32> to vector<128x1xf32>
    %slice3A_453 = vector.extract_strided_slice %max3A_43 {offsets = [0, 3296], sizes = [128, 32], strides = [1, 1]} : vector<128x4096xf32> to vector<128x32xf32>
    %reduce_max3A_454 = arith.constant dense<0xFF800000> : vector<128xf32>
    %reduce_max3A_455 = vector.multi_reduction <maximumf>, %slice3A_453, %reduce_max3A_454 [1] : vector<128x32xf32> to vector<128xf32>
    %broadcast_in_dim3A_456 = vector.shape_cast %reduce_max3A_455 : vector<128xf32> to vector<128x1xf32>
    %slice3A_457 = vector.extract_strided_slice %max3A_43 {offsets = [0, 3328], sizes = [128, 32], strides = [1, 1]} : vector<128x4096xf32> to vector<128x32xf32>
    %reduce_max3A_458 = arith.constant dense<0xFF800000> : vector<128xf32>
    %reduce_max3A_459 = vector.multi_reduction <maximumf>, %slice3A_457, %reduce_max3A_458 [1] : vector<128x32xf32> to vector<128xf32>
    %broadcast_in_dim3A_460 = vector.shape_cast %reduce_max3A_459 : vector<128xf32> to vector<128x1xf32>
    %slice3A_461 = vector.extract_strided_slice %max3A_43 {offsets = [0, 3360], sizes = [128, 32], strides = [1, 1]} : vector<128x4096xf32> to vector<128x32xf32>
    %reduce_max3A_462 = arith.constant dense<0xFF800000> : vector<128xf32>
    %reduce_max3A_463 = vector.multi_reduction <maximumf>, %slice3A_461, %reduce_max3A_462 [1] : vector<128x32xf32> to vector<128xf32>
    %broadcast_in_dim3A_464 = vector.shape_cast %reduce_max3A_463 : vector<128xf32> to vector<128x1xf32>
    %slice3A_465 = vector.extract_strided_slice %max3A_43 {offsets = [0, 3392], sizes = [128, 32], strides = [1, 1]} : vector<128x4096xf32> to vector<128x32xf32>
    %reduce_max3A_466 = arith.constant dense<0xFF800000> : vector<128xf32>
    %reduce_max3A_467 = vector.multi_reduction <maximumf>, %slice3A_465, %reduce_max3A_466 [1] : vector<128x32xf32> to vector<128xf32>
    %broadcast_in_dim3A_468 = vector.shape_cast %reduce_max3A_467 : vector<128xf32> to vector<128x1xf32>
    %slice3A_469 = vector.extract_strided_slice %max3A_43 {offsets = [0, 3424], sizes = [128, 32], strides = [1, 1]} : vector<128x4096xf32> to vector<128x32xf32>
    %reduce_max3A_470 = arith.constant dense<0xFF800000> : vector<128xf32>
    %reduce_max3A_471 = vector.multi_reduction <maximumf>, %slice3A_469, %reduce_max3A_470 [1] : vector<128x32xf32> to vector<128xf32>
    %broadcast_in_dim3A_472 = vector.shape_cast %reduce_max3A_471 : vector<128xf32> to vector<128x1xf32>
    %slice3A_473 = vector.extract_strided_slice %max3A_43 {offsets = [0, 3456], sizes = [128, 32], strides = [1, 1]} : vector<128x4096xf32> to vector<128x32xf32>
    %reduce_max3A_474 = arith.constant dense<0xFF800000> : vector<128xf32>
    %reduce_max3A_475 = vector.multi_reduction <maximumf>, %slice3A_473, %reduce_max3A_474 [1] : vector<128x32xf32> to vector<128xf32>
    %broadcast_in_dim3A_476 = vector.shape_cast %reduce_max3A_475 : vector<128xf32> to vector<128x1xf32>
    %slice3A_477 = vector.extract_strided_slice %max3A_43 {offsets = [0, 3488], sizes = [128, 32], strides = [1, 1]} : vector<128x4096xf32> to vector<128x32xf32>
    %reduce_max3A_478 = arith.constant dense<0xFF800000> : vector<128xf32>
    %reduce_max3A_479 = vector.multi_reduction <maximumf>, %slice3A_477, %reduce_max3A_478 [1] : vector<128x32xf32> to vector<128xf32>
    %broadcast_in_dim3A_480 = vector.shape_cast %reduce_max3A_479 : vector<128xf32> to vector<128x1xf32>
    %slice3A_481 = vector.extract_strided_slice %max3A_43 {offsets = [0, 3520], sizes = [128, 32], strides = [1, 1]} : vector<128x4096xf32> to vector<128x32xf32>
    %reduce_max3A_482 = arith.constant dense<0xFF800000> : vector<128xf32>
    %reduce_max3A_483 = vector.multi_reduction <maximumf>, %slice3A_481, %reduce_max3A_482 [1] : vector<128x32xf32> to vector<128xf32>
    %broadcast_in_dim3A_484 = vector.shape_cast %reduce_max3A_483 : vector<128xf32> to vector<128x1xf32>
    %slice3A_485 = vector.extract_strided_slice %max3A_43 {offsets = [0, 3552], sizes = [128, 32], strides = [1, 1]} : vector<128x4096xf32> to vector<128x32xf32>
    %reduce_max3A_486 = arith.constant dense<0xFF800000> : vector<128xf32>
    %reduce_max3A_487 = vector.multi_reduction <maximumf>, %slice3A_485, %reduce_max3A_486 [1] : vector<128x32xf32> to vector<128xf32>
    %broadcast_in_dim3A_488 = vector.shape_cast %reduce_max3A_487 : vector<128xf32> to vector<128x1xf32>
    %slice3A_489 = vector.extract_strided_slice %max3A_43 {offsets = [0, 3584], sizes = [128, 32], strides = [1, 1]} : vector<128x4096xf32> to vector<128x32xf32>
    %reduce_max3A_490 = arith.constant dense<0xFF800000> : vector<128xf32>
    %reduce_max3A_491 = vector.multi_reduction <maximumf>, %slice3A_489, %reduce_max3A_490 [1] : vector<128x32xf32> to vector<128xf32>
    %broadcast_in_dim3A_492 = vector.shape_cast %reduce_max3A_491 : vector<128xf32> to vector<128x1xf32>
    %slice3A_493 = vector.extract_strided_slice %max3A_43 {offsets = [0, 3616], sizes = [128, 32], strides = [1, 1]} : vector<128x4096xf32> to vector<128x32xf32>
    %reduce_max3A_494 = arith.constant dense<0xFF800000> : vector<128xf32>
    %reduce_max3A_495 = vector.multi_reduction <maximumf>, %slice3A_493, %reduce_max3A_494 [1] : vector<128x32xf32> to vector<128xf32>
    %broadcast_in_dim3A_496 = vector.shape_cast %reduce_max3A_495 : vector<128xf32> to vector<128x1xf32>
    %slice3A_497 = vector.extract_strided_slice %max3A_43 {offsets = [0, 3648], sizes = [128, 32], strides = [1, 1]} : vector<128x4096xf32> to vector<128x32xf32>
    %reduce_max3A_498 = arith.constant dense<0xFF800000> : vector<128xf32>
    %reduce_max3A_499 = vector.multi_reduction <maximumf>, %slice3A_497, %reduce_max3A_498 [1] : vector<128x32xf32> to vector<128xf32>
    %broadcast_in_dim3A_500 = vector.shape_cast %reduce_max3A_499 : vector<128xf32> to vector<128x1xf32>
    %slice3A_501 = vector.extract_strided_slice %max3A_43 {offsets = [0, 3680], sizes = [128, 32], strides = [1, 1]} : vector<128x4096xf32> to vector<128x32xf32>
    %reduce_max3A_502 = arith.constant dense<0xFF800000> : vector<128xf32>
    %reduce_max3A_503 = vector.multi_reduction <maximumf>, %slice3A_501, %reduce_max3A_502 [1] : vector<128x32xf32> to vector<128xf32>
    %broadcast_in_dim3A_504 = vector.shape_cast %reduce_max3A_503 : vector<128xf32> to vector<128x1xf32>
    %slice3A_505 = vector.extract_strided_slice %max3A_43 {offsets = [0, 3712], sizes = [128, 32], strides = [1, 1]} : vector<128x4096xf32> to vector<128x32xf32>
    %reduce_max3A_506 = arith.constant dense<0xFF800000> : vector<128xf32>
    %reduce_max3A_507 = vector.multi_reduction <maximumf>, %slice3A_505, %reduce_max3A_506 [1] : vector<128x32xf32> to vector<128xf32>
    %broadcast_in_dim3A_508 = vector.shape_cast %reduce_max3A_507 : vector<128xf32> to vector<128x1xf32>
    %slice3A_509 = vector.extract_strided_slice %max3A_43 {offsets = [0, 3744], sizes = [128, 32], strides = [1, 1]} : vector<128x4096xf32> to vector<128x32xf32>
    %reduce_max3A_510 = arith.constant dense<0xFF800000> : vector<128xf32>
    %reduce_max3A_511 = vector.multi_reduction <maximumf>, %slice3A_509, %reduce_max3A_510 [1] : vector<128x32xf32> to vector<128xf32>
    %broadcast_in_dim3A_512 = vector.shape_cast %reduce_max3A_511 : vector<128xf32> to vector<128x1xf32>
    %slice3A_513 = vector.extract_strided_slice %max3A_43 {offsets = [0, 3776], sizes = [128, 32], strides = [1, 1]} : vector<128x4096xf32> to vector<128x32xf32>
    %reduce_max3A_514 = arith.constant dense<0xFF800000> : vector<128xf32>
    %reduce_max3A_515 = vector.multi_reduction <maximumf>, %slice3A_513, %reduce_max3A_514 [1] : vector<128x32xf32> to vector<128xf32>
    %broadcast_in_dim3A_516 = vector.shape_cast %reduce_max3A_515 : vector<128xf32> to vector<128x1xf32>
    %slice3A_517 = vector.extract_strided_slice %max3A_43 {offsets = [0, 3808], sizes = [128, 32], strides = [1, 1]} : vector<128x4096xf32> to vector<128x32xf32>
    %reduce_max3A_518 = arith.constant dense<0xFF800000> : vector<128xf32>
    %reduce_max3A_519 = vector.multi_reduction <maximumf>, %slice3A_517, %reduce_max3A_518 [1] : vector<128x32xf32> to vector<128xf32>
    %broadcast_in_dim3A_520 = vector.shape_cast %reduce_max3A_519 : vector<128xf32> to vector<128x1xf32>
    %slice3A_521 = vector.extract_strided_slice %max3A_43 {offsets = [0, 3840], sizes = [128, 32], strides = [1, 1]} : vector<128x4096xf32> to vector<128x32xf32>
    %reduce_max3A_522 = arith.constant dense<0xFF800000> : vector<128xf32>
    %reduce_max3A_523 = vector.multi_reduction <maximumf>, %slice3A_521, %reduce_max3A_522 [1] : vector<128x32xf32> to vector<128xf32>
    %broadcast_in_dim3A_524 = vector.shape_cast %reduce_max3A_523 : vector<128xf32> to vector<128x1xf32>
    %slice3A_525 = vector.extract_strided_slice %max3A_43 {offsets = [0, 3872], sizes = [128, 32], strides = [1, 1]} : vector<128x4096xf32> to vector<128x32xf32>
    %reduce_max3A_526 = arith.constant dense<0xFF800000> : vector<128xf32>
    %reduce_max3A_527 = vector.multi_reduction <maximumf>, %slice3A_525, %reduce_max3A_526 [1] : vector<128x32xf32> to vector<128xf32>
    %broadcast_in_dim3A_528 = vector.shape_cast %reduce_max3A_527 : vector<128xf32> to vector<128x1xf32>
    %slice3A_529 = vector.extract_strided_slice %max3A_43 {offsets = [0, 3904], sizes = [128, 32], strides = [1, 1]} : vector<128x4096xf32> to vector<128x32xf32>
    %reduce_max3A_530 = arith.constant dense<0xFF800000> : vector<128xf32>
    %reduce_max3A_531 = vector.multi_reduction <maximumf>, %slice3A_529, %reduce_max3A_530 [1] : vector<128x32xf32> to vector<128xf32>
    %broadcast_in_dim3A_532 = vector.shape_cast %reduce_max3A_531 : vector<128xf32> to vector<128x1xf32>
    %slice3A_533 = vector.extract_strided_slice %max3A_43 {offsets = [0, 3936], sizes = [128, 32], strides = [1, 1]} : vector<128x4096xf32> to vector<128x32xf32>
    %reduce_max3A_534 = arith.constant dense<0xFF800000> : vector<128xf32>
    %reduce_max3A_535 = vector.multi_reduction <maximumf>, %slice3A_533, %reduce_max3A_534 [1] : vector<128x32xf32> to vector<128xf32>
    %broadcast_in_dim3A_536 = vector.shape_cast %reduce_max3A_535 : vector<128xf32> to vector<128x1xf32>
    %slice3A_537 = vector.extract_strided_slice %max3A_43 {offsets = [0, 3968], sizes = [128, 32], strides = [1, 1]} : vector<128x4096xf32> to vector<128x32xf32>
    %reduce_max3A_538 = arith.constant dense<0xFF800000> : vector<128xf32>
    %reduce_max3A_539 = vector.multi_reduction <maximumf>, %slice3A_537, %reduce_max3A_538 [1] : vector<128x32xf32> to vector<128xf32>
    %broadcast_in_dim3A_540 = vector.shape_cast %reduce_max3A_539 : vector<128xf32> to vector<128x1xf32>
    %slice3A_541 = vector.extract_strided_slice %max3A_43 {offsets = [0, 4000], sizes = [128, 32], strides = [1, 1]} : vector<128x4096xf32> to vector<128x32xf32>
    %reduce_max3A_542 = arith.constant dense<0xFF800000> : vector<128xf32>
    %reduce_max3A_543 = vector.multi_reduction <maximumf>, %slice3A_541, %reduce_max3A_542 [1] : vector<128x32xf32> to vector<128xf32>
    %broadcast_in_dim3A_544 = vector.shape_cast %reduce_max3A_543 : vector<128xf32> to vector<128x1xf32>
    %slice3A_545 = vector.extract_strided_slice %max3A_43 {offsets = [0, 4032], sizes = [128, 32], strides = [1, 1]} : vector<128x4096xf32> to vector<128x32xf32>
    %reduce_max3A_546 = arith.constant dense<0xFF800000> : vector<128xf32>
    %reduce_max3A_547 = vector.multi_reduction <maximumf>, %slice3A_545, %reduce_max3A_546 [1] : vector<128x32xf32> to vector<128xf32>
    %broadcast_in_dim3A_548 = vector.shape_cast %reduce_max3A_547 : vector<128xf32> to vector<128x1xf32>
    %slice3A_549 = vector.extract_strided_slice %max3A_43 {offsets = [0, 4064], sizes = [128, 32], strides = [1, 1]} : vector<128x4096xf32> to vector<128x32xf32>
    %reduce_max3A_550 = arith.constant dense<0xFF800000> : vector<128xf32>
    %reduce_max3A_551 = vector.multi_reduction <maximumf>, %slice3A_549, %reduce_max3A_550 [1] : vector<128x32xf32> to vector<128xf32>
    %broadcast_in_dim3A_552 = vector.shape_cast %reduce_max3A_551 : vector<128xf32> to vector<128x1xf32>
    %concatenate3A = tpu.concatenate %broadcast_in_dim3A, %broadcast_in_dim3A_48, %broadcast_in_dim3A_52, %broadcast_in_dim3A_56, %broadcast_in_dim3A_60, %broadcast_in_dim3A_64, %broadcast_in_dim3A_68, %broadcast_in_dim3A_72, %broadcast_in_dim3A_76, %broadcast_in_dim3A_80, %broadcast_in_dim3A_84, %broadcast_in_dim3A_88, %broadcast_in_dim3A_92, %broadcast_in_dim3A_96, %broadcast_in_dim3A_100, %broadcast_in_dim3A_104, %broadcast_in_dim3A_108, %broadcast_in_dim3A_112, %broadcast_in_dim3A_116, %broadcast_in_dim3A_120, %broadcast_in_dim3A_124, %broadcast_in_dim3A_128, %broadcast_in_dim3A_132, %broadcast_in_dim3A_136, %broadcast_in_dim3A_140, %broadcast_in_dim3A_144, %broadcast_in_dim3A_148, %broadcast_in_dim3A_152, %broadcast_in_dim3A_156, %broadcast_in_dim3A_160, %broadcast_in_dim3A_164, %broadcast_in_dim3A_168, %broadcast_in_dim3A_172, %broadcast_in_dim3A_176, %broadcast_in_dim3A_180, %broadcast_in_dim3A_184, %broadcast_in_dim3A_188, %broadcast_in_dim3A_192, %broadcast_in_dim3A_196, %broadcast_in_dim3A_200, %broadcast_in_dim3A_204, %broadcast_in_dim3A_208, %broadcast_in_dim3A_212, %broadcast_in_dim3A_216, %broadcast_in_dim3A_220, %broadcast_in_dim3A_224, %broadcast_in_dim3A_228, %broadcast_in_dim3A_232, %broadcast_in_dim3A_236, %broadcast_in_dim3A_240, %broadcast_in_dim3A_244, %broadcast_in_dim3A_248, %broadcast_in_dim3A_252, %broadcast_in_dim3A_256, %broadcast_in_dim3A_260, %broadcast_in_dim3A_264, %broadcast_in_dim3A_268, %broadcast_in_dim3A_272, %broadcast_in_dim3A_276, %broadcast_in_dim3A_280, %broadcast_in_dim3A_284, %broadcast_in_dim3A_288, %broadcast_in_dim3A_292, %broadcast_in_dim3A_296, %broadcast_in_dim3A_300, %broadcast_in_dim3A_304, %broadcast_in_dim3A_308, %broadcast_in_dim3A_312, %broadcast_in_dim3A_316, %broadcast_in_dim3A_320, %broadcast_in_dim3A_324, %broadcast_in_dim3A_328, %broadcast_in_dim3A_332, %broadcast_in_dim3A_336, %broadcast_in_dim3A_340, %broadcast_in_dim3A_344, %broadcast_in_dim3A_348, %broadcast_in_dim3A_352, %broadcast_in_dim3A_356, %broadcast_in_dim3A_360, %broadcast_in_dim3A_364, %broadcast_in_dim3A_368, %broadcast_in_dim3A_372, %broadcast_in_dim3A_376, %broadcast_in_dim3A_380, %broadcast_in_dim3A_384, %broadcast_in_dim3A_388, %broadcast_in_dim3A_392, %broadcast_in_dim3A_396, %broadcast_in_dim3A_400, %broadcast_in_dim3A_404, %broadcast_in_dim3A_408, %broadcast_in_dim3A_412, %broadcast_in_dim3A_416, %broadcast_in_dim3A_420, %broadcast_in_dim3A_424, %broadcast_in_dim3A_428, %broadcast_in_dim3A_432, %broadcast_in_dim3A_436, %broadcast_in_dim3A_440, %broadcast_in_dim3A_444, %broadcast_in_dim3A_448, %broadcast_in_dim3A_452, %broadcast_in_dim3A_456, %broadcast_in_dim3A_460, %broadcast_in_dim3A_464, %broadcast_in_dim3A_468, %broadcast_in_dim3A_472, %broadcast_in_dim3A_476, %broadcast_in_dim3A_480, %broadcast_in_dim3A_484, %broadcast_in_dim3A_488, %broadcast_in_dim3A_492, %broadcast_in_dim3A_496, %broadcast_in_dim3A_500, %broadcast_in_dim3A_504, %broadcast_in_dim3A_508, %broadcast_in_dim3A_512, %broadcast_in_dim3A_516, %broadcast_in_dim3A_520, %broadcast_in_dim3A_524, %broadcast_in_dim3A_528, %broadcast_in_dim3A_532, %broadcast_in_dim3A_536, %broadcast_in_dim3A_540, %broadcast_in_dim3A_544, %broadcast_in_dim3A_548, %broadcast_in_dim3A_552 in 1 : vector<128x1xf32>, vector<128x1xf32>, vector<128x1xf32>, vector<128x1xf32>, vector<128x1xf32>, vector<128x1xf32>, vector<128x1xf32>, vector<128x1xf32>, vector<128x1xf32>, vector<128x1xf32>, vector<128x1xf32>, vector<128x1xf32>, vector<128x1xf32>, vector<128x1xf32>, vector<128x1xf32>, vector<128x1xf32>, vector<128x1xf32>, vector<128x1xf32>, vector<128x1xf32>, vector<128x1xf32>, vector<128x1xf32>, vector<128x1xf32>, vector<128x1xf32>, vector<128x1xf32>, vector<128x1xf32>, vector<128x1xf32>, vector<128x1xf32>, vector<128x1xf32>, vector<128x1xf32>, vector<128x1xf32>, vector<128x1xf32>, vector<128x1xf32>, vector<128x1xf32>, vector<128x1xf32>, vector<128x1xf32>, vector<128x1xf32>, vector<128x1xf32>, vector<128x1xf32>, vector<128x1xf32>, vector<128x1xf32>, vector<128x1xf32>, vector<128x1xf32>, vector<128x1xf32>, vector<128x1xf32>, vector<128x1xf32>, vector<128x1xf32>, vector<128x1xf32>, vector<128x1xf32>, vector<128x1xf32>, vector<128x1xf32>, vector<128x1xf32>, vector<128x1xf32>, vector<128x1xf32>, vector<128x1xf32>, vector<128x1xf32>, vector<128x1xf32>, vector<128x1xf32>, vector<128x1xf32>, vector<128x1xf32>, vector<128x1xf32>, vector<128x1xf32>, vector<128x1xf32>, vector<128x1xf32>, vector<128x1xf32>, vector<128x1xf32>, vector<128x1xf32>, vector<128x1xf32>, vector<128x1xf32>, vector<128x1xf32>, vector<128x1xf32>, vector<128x1xf32>, vector<128x1xf32>, vector<128x1xf32>, vector<128x1xf32>, vector<128x1xf32>, vector<128x1xf32>, vector<128x1xf32>, vector<128x1xf32>, vector<128x1xf32>, vector<128x1xf32>, vector<128x1xf32>, vector<128x1xf32>, vector<128x1xf32>, vector<128x1xf32>, vector<128x1xf32>, vector<128x1xf32>, vector<128x1xf32>, vector<128x1xf32>, vector<128x1xf32>, vector<128x1xf32>, vector<128x1xf32>, vector<128x1xf32>, vector<128x1xf32>, vector<128x1xf32>, vector<128x1xf32>, vector<128x1xf32>, vector<128x1xf32>, vector<128x1xf32>, vector<128x1xf32>, vector<128x1xf32>, vector<128x1xf32>, vector<128x1xf32>, vector<128x1xf32>, vector<128x1xf32>, vector<128x1xf32>, vector<128x1xf32>, vector<128x1xf32>, vector<128x1xf32>, vector<128x1xf32>, vector<128x1xf32>, vector<128x1xf32>, vector<128x1xf32>, vector<128x1xf32>, vector<128x1xf32>, vector<128x1xf32>, vector<128x1xf32>, vector<128x1xf32>, vector<128x1xf32>, vector<128x1xf32>, vector<128x1xf32>, vector<128x1xf32>, vector<128x1xf32>, vector<128x1xf32>, vector<128x1xf32>, vector<128x1xf32>, vector<128x1xf32>, vector<128x1xf32>, vector<128x1xf32> -> vector<128x128xf32>
    %broadcast_in_dim3A_553 = vector.shape_cast %concatenate3A : vector<128x128xf32> to vector<1x128x128xf32>
    %swap3A = arith.constant 0 : index
    %swap3A_554 = arith.constant 0 : index
    %swap3A_555 = arith.constant 0 : index
    %swap3A_556 = vector.load %arg10[%swap3A, %swap3A_554, %swap3A_555] : memref<1x128x128xf32, #tpu.memory_space<vmem>>, vector<1x128x128xf32>
    tpu.vector_store %arg10[%swap3A, %swap3A_554, %swap3A_555], %broadcast_in_dim3A_553 {strides = array<i32>} : memref<1x128x128xf32, #tpu.memory_space<vmem>>, vector<1x128x128xf32>,
    return
  }
  func.func @transform_0(%arg0: i32) -> (i32, i32) {
    %c0_i32 = arith.constant 0 : i32
    %c0_i32_0 = arith.constant 0 : i32
    return %c0_i32, %arg0 : i32, i32
  }
  func.func @transform_1(%arg0: i32) -> (i32, i32) {
    %c0_i32 = arith.constant 0 : i32
    %c0_i32_0 = arith.constant 0 : i32
    %c0_i32_1 = arith.constant 0 : i32
    return %c0_i32, %c0_i32_0 : i32, i32
  }
  func.func @transform_2(%arg0: i32) -> (i32, i32) {
    %c0_i32 = arith.constant 0 : i32
    %c0_i32_0 = arith.constant 0 : i32
    %c0_i32_1 = arith.constant 0 : i32
    return %c0_i32, %c0_i32_0 : i32, i32
  }
  func.func @transform_3(%arg0: i32) -> (i32, i32) {
    %c0_i32 = arith.constant 0 : i32
    %c0_i32_0 = arith.constant 0 : i32
    %c0_i32_1 = arith.constant 0 : i32
    return %c0_i32, %c0_i32_0 : i32, i32
  }
  func.func @transform_4(%arg0: i32) -> (i32, i32) {
    %c0_i32 = arith.constant 0 : i32
    %c0_i32_0 = arith.constant 0 : i32
    %c0_i32_1 = arith.constant 0 : i32
    return %c0_i32, %c0_i32_0 : i32, i32
  }
  func.func @transform_5(%arg0: i32) -> (i32, i32) {
    %c0_i32 = arith.constant 0 : i32
    %c0_i32_0 = arith.constant 0 : i32
    %c0_i32_1 = arith.constant 0 : i32
    return %c0_i32, %c0_i32_0 : i32, i32
  }
  func.func @transform_6(%arg0: i32) -> (i32, i32) {
    %c0_i32 = arith.constant 0 : i32
    %c0_i32_0 = arith.constant 0 : i32
    %c0_i32_1 = arith.constant 0 : i32
    return %c0_i32, %c0_i32_0 : i32, i32
  }
  func.func @transform_7(%arg0: i32) -> (i32, i32) {
    %c0_i32 = arith.constant 0 : i32
    %c0_i32_0 = arith.constant 0 : i32
    %c0_i32_1 = arith.constant 0 : i32
    return %c0_i32, %c0_i32_0 : i32, i32
  }
  func.func @transform_8(%arg0: i32) -> (i32, i32) {
    %c0_i32 = arith.constant 0 : i32
    %c0_i32_0 = arith.constant 0 : i32
    %c0_i32_1 = arith.constant 0 : i32
    return %c0_i32, %c0_i32_0 : i32, i32
  }
  func.func @transform_9(%arg0: i32) -> (i32, i32, i32) {
    %c0_i32 = arith.constant 0 : i32
    %c0_i32_0 = arith.constant 0 : i32
    %c0_i32_1 = arith.constant 0 : i32
    return %arg0, %c0_i32, %c0_i32_0 : i32, i32, i32
  }
}

module attributes {stable_mosaic.version = 14 : i64} {
  func.func @ka(%arg0: i32, %arg1: memref<8x4096xf32, #tpu.memory_space<vmem>>, %arg2: memref<4096x128xf32, #tpu.memory_space<vmem>>, %arg3: memref<8x128xf32, #tpu.memory_space<vmem>>, %arg4: memref<128x128xf32, #tpu.memory_space<vmem>>, %arg5: memref<128x1xf32, #tpu.memory_space<vmem>>, %arg6: memref<256x4096xf32, #tpu.memory_space<vmem>>) attributes {dimension_semantics = [#tpu.dimension_semantics<arbitrary>], iteration_bounds = array<i64: 64>, scalar_prefetch = 0 : i64, scratch_operands = 0 : i64, tpu.core_type = #tpu.core_type<tc>, window_params = [{transform_indices = @transform_0, window_bounds = array<i64: 8, 4096>}, {transform_indices = @transform_1, window_bounds = array<i64: 4096, 128>}, {pipeline_mode = #tpu.pipeline_mode<synchronous>, transform_indices = @transform_2, window_bounds = array<i64: 8, 128>}, {pipeline_mode = #tpu.pipeline_mode<synchronous>, transform_indices = @transform_3, window_bounds = array<i64: 128, 128>}, {pipeline_mode = #tpu.pipeline_mode<synchronous>, transform_indices = @transform_4, window_bounds = array<i64: 128, 1>}, {pipeline_mode = #tpu.pipeline_mode<synchronous>, transform_indices = @transform_5, window_bounds = array<i64: 256, 4096>}]} {
    %get3A = arith.constant 0 : index
    %get3A_0 = arith.constant 0 : index
    %get3A_1 = vector.load %arg3[%get3A, %get3A_0] : memref<8x128xf32, #tpu.memory_space<vmem>>, vector<8x128xf32>
    %get3A_2 = arith.constant 0 : index
    %get3A_3 = arith.constant 0 : index
    %get3A_4 = vector.load %arg1[%get3A_2, %get3A_3] : memref<8x4096xf32, #tpu.memory_space<vmem>>, vector<8x4096xf32>
    %dot_general3A = arith.constant dense<0.000000e+00> : vector<128x4096xf32>
    %dot_general3A_5 = tpu.matmul %get3A_1, %get3A_4, %dot_general3A {dimension_numbers = #tpu.dot_dimension_numbers<[0], [0], [1], [1], [0, 1, 1, 1], [], []>, transpose_lhs_hint = false} : vector<8x128xf32>, vector<8x4096xf32>, vector<128x4096xf32> -> vector<128x4096xf32>
    %get3A_6 = arith.constant 0 : index
    %get3A_7 = arith.constant 0 : index
    %get3A_8 = vector.load %arg4[%get3A_6, %get3A_7] : memref<128x128xf32, #tpu.memory_space<vmem>>, vector<128x128xf32>
    %get3A_9 = arith.constant 0 : index
    %get3A_10 = arith.constant 0 : index
    %get3A_11 = vector.load %arg2[%get3A_9, %get3A_10] : memref<4096x128xf32, #tpu.memory_space<vmem>>, vector<4096x128xf32>
    %dot_general3A_12 = arith.constant dense<0.000000e+00> : vector<128x4096xf32>
    %dot_general3A_13 = tpu.matmul %get3A_8, %get3A_11, %dot_general3A_12 {dimension_numbers = #tpu.dot_dimension_numbers<[0], [1], [1], [0], [0, 1, 1, 0], [], []>, transpose_lhs_hint = false} : vector<128x128xf32>, vector<4096x128xf32>, vector<128x4096xf32> -> vector<128x4096xf32>
    %add3A = arith.addf %dot_general3A_5, %dot_general3A_13 : vector<128x4096xf32>
    %get3A_14 = arith.constant 0 : index
    %get3A_15 = arith.constant 0 : index
    %get3A_16 = vector.load %arg5[%get3A_14, %get3A_15] : memref<128x1xf32, #tpu.memory_space<vmem>>, vector<128x1xf32>
    %add3A_17 = vector.broadcast %get3A_16 : vector<128x1xf32> to vector<128x4096xf32>
    %add3A_18 = arith.addf %add3A, %add3A_17 : vector<128x4096xf32>
    %eq3A = arith.constant 0 : i32
    %eq3A_19 = arith.cmpi eq, %arg0, %eq3A : i32
    %convert_element_type3A = arith.extui %eq3A_19 : i1 to i32
    %cond3A = arith.constant 0 : i32
    %cond3A_20 = arith.cmpi ne, %convert_element_type3A, %cond3A : i32
    scf.if %cond3A_20 {
      %broadcast_in_dim3A = arith.constant 0.000000e+00 : f32
      %broadcast_in_dim3A_34 = vector.broadcast %broadcast_in_dim3A : f32 to vector<256x4096xf32>
      %swap3A_35 = arith.constant 0 : index
      %swap3A_36 = arith.constant 0 : index
      %swap3A_37 = vector.load %arg6[%swap3A_35, %swap3A_36] : memref<256x4096xf32, #tpu.memory_space<vmem>>, vector<256x4096xf32>
      tpu.vector_store %arg6[%swap3A_35, %swap3A_36], %broadcast_in_dim3A_34 {strides = array<i32>} : memref<256x4096xf32, #tpu.memory_space<vmem>>, vector<256x4096xf32>,
    } else {
    }
    %get3A_21 = arith.constant 0 : index
    %get3A_22 = arith.constant 0 : index
    %get3A_23 = vector.load %arg6[%get3A_21, %get3A_22] : memref<256x4096xf32, #tpu.memory_space<vmem>>, vector<128x4096xf32>
    %add3A_24 = arith.addf %get3A_23, %add3A_18 : vector<128x4096xf32>
    %swap3A = arith.constant 0 : index
    %swap3A_25 = arith.constant 0 : index
    %swap3A_26 = vector.load %arg6[%swap3A, %swap3A_25] : memref<256x4096xf32, #tpu.memory_space<vmem>>, vector<128x4096xf32>
    tpu.vector_store %arg6[%swap3A, %swap3A_25], %add3A_24 {strides = array<i32>} : memref<256x4096xf32, #tpu.memory_space<vmem>>, vector<128x4096xf32>,
    %get3A_27 = arith.constant 128 : index
    %get3A_28 = arith.constant 0 : index
    %get3A_29 = vector.load %arg6[%get3A_27, %get3A_28] : memref<256x4096xf32, #tpu.memory_space<vmem>>, vector<128x4096xf32>
    %mul3A = arith.mulf %add3A_18, %add3A_18 : vector<128x4096xf32>
    %add3A_30 = arith.addf %get3A_29, %mul3A : vector<128x4096xf32>
    %swap3A_31 = arith.constant 128 : index
    %swap3A_32 = arith.constant 0 : index
    %swap3A_33 = vector.load %arg6[%swap3A_31, %swap3A_32] : memref<256x4096xf32, #tpu.memory_space<vmem>>, vector<128x4096xf32>
    tpu.vector_store %arg6[%swap3A_31, %swap3A_32], %add3A_30 {strides = array<i32>} : memref<256x4096xf32, #tpu.memory_space<vmem>>, vector<128x4096xf32>,
    return
  }
  func.func @transform_0(%arg0: i32) -> (i32, i32) {
    %c0_i32 = arith.constant 0 : i32
    %c0_i32_0 = arith.constant 0 : i32
    return %c0_i32, %arg0 : i32, i32
  }
  func.func @transform_1(%arg0: i32) -> (i32, i32) {
    %c0_i32 = arith.constant 0 : i32
    %c0_i32_0 = arith.constant 0 : i32
    return %arg0, %c0_i32 : i32, i32
  }
  func.func @transform_2(%arg0: i32) -> (i32, i32) {
    %c0_i32 = arith.constant 0 : i32
    %c0_i32_0 = arith.constant 0 : i32
    %c0_i32_1 = arith.constant 0 : i32
    return %c0_i32, %c0_i32_0 : i32, i32
  }
  func.func @transform_3(%arg0: i32) -> (i32, i32) {
    %c0_i32 = arith.constant 0 : i32
    %c0_i32_0 = arith.constant 0 : i32
    %c0_i32_1 = arith.constant 0 : i32
    return %c0_i32, %c0_i32_0 : i32, i32
  }
  func.func @transform_4(%arg0: i32) -> (i32, i32) {
    %c0_i32 = arith.constant 0 : i32
    %c0_i32_0 = arith.constant 0 : i32
    %c0_i32_1 = arith.constant 0 : i32
    return %c0_i32, %c0_i32_0 : i32, i32
  }
  func.func @transform_5(%arg0: i32) -> (i32, i32) {
    %c0_i32 = arith.constant 0 : i32
    %c0_i32_0 = arith.constant 0 : i32
    %c0_i32_1 = arith.constant 0 : i32
    return %c0_i32, %c0_i32_0 : i32, i32
  }
}

module attributes {stable_mosaic.version = 14 : i64} {
  func.func @kb(%arg0: i32, %arg1: memref<8x4096xf32, #tpu.memory_space<vmem>>, %arg2: memref<4096x128xf32, #tpu.memory_space<vmem>>, %arg3: memref<8x128xf32, #tpu.memory_space<vmem>>, %arg4: memref<128x128xf32, #tpu.memory_space<vmem>>, %arg5: memref<128x1xf32, #tpu.memory_space<vmem>>, %arg6: memref<128x1xf32, #tpu.memory_space<vmem>>, %arg7: memref<128x1xf32, #tpu.memory_space<vmem>>, %arg8: memref<128x256xf32, #tpu.memory_space<vmem>>, %arg9: memref<256x1xf32, #tpu.memory_space<vmem>>, %arg10: memref<512x4096xf32, #tpu.memory_space<vmem>>) attributes {dimension_semantics = [#tpu.dimension_semantics<arbitrary>], iteration_bounds = array<i64: 64>, scalar_prefetch = 0 : i64, scratch_operands = 0 : i64, tpu.core_type = #tpu.core_type<tc>, window_params = [{transform_indices = @transform_0, window_bounds = array<i64: 8, 4096>}, {transform_indices = @transform_1, window_bounds = array<i64: 4096, 128>}, {pipeline_mode = #tpu.pipeline_mode<synchronous>, transform_indices = @transform_2, window_bounds = array<i64: 8, 128>}, {pipeline_mode = #tpu.pipeline_mode<synchronous>, transform_indices = @transform_3, window_bounds = array<i64: 128, 128>}, {pipeline_mode = #tpu.pipeline_mode<synchronous>, transform_indices = @transform_4, window_bounds = array<i64: 128, 1>}, {pipeline_mode = #tpu.pipeline_mode<synchronous>, transform_indices = @transform_5, window_bounds = array<i64: 128, 1>}, {pipeline_mode = #tpu.pipeline_mode<synchronous>, transform_indices = @transform_6, window_bounds = array<i64: 128, 1>}, {pipeline_mode = #tpu.pipeline_mode<synchronous>, transform_indices = @transform_7, window_bounds = array<i64: 128, 256>}, {pipeline_mode = #tpu.pipeline_mode<synchronous>, transform_indices = @transform_8, window_bounds = array<i64: 256, 1>}, {pipeline_mode = #tpu.pipeline_mode<synchronous>, transform_indices = @transform_9, window_bounds = array<i64: 512, 4096>}]} {
    %get3A = arith.constant 0 : index
    %get3A_0 = arith.constant 0 : index
    %get3A_1 = vector.load %arg3[%get3A, %get3A_0] : memref<8x128xf32, #tpu.memory_space<vmem>>, vector<8x128xf32>
    %get3A_2 = arith.constant 0 : index
    %get3A_3 = arith.constant 0 : index
    %get3A_4 = vector.load %arg1[%get3A_2, %get3A_3] : memref<8x4096xf32, #tpu.memory_space<vmem>>, vector<8x4096xf32>
    %dot_general3A = arith.constant dense<0.000000e+00> : vector<128x4096xf32>
    %dot_general3A_5 = tpu.matmul %get3A_1, %get3A_4, %dot_general3A {dimension_numbers = #tpu.dot_dimension_numbers<[0], [0], [1], [1], [0, 1, 1, 1], [], []>, transpose_lhs_hint = false} : vector<8x128xf32>, vector<8x4096xf32>, vector<128x4096xf32> -> vector<128x4096xf32>
    %get3A_6 = arith.constant 0 : index
    %get3A_7 = arith.constant 0 : index
    %get3A_8 = vector.load %arg4[%get3A_6, %get3A_7] : memref<128x128xf32, #tpu.memory_space<vmem>>, vector<128x128xf32>
    %get3A_9 = arith.constant 0 : index
    %get3A_10 = arith.constant 0 : index
    %get3A_11 = vector.load %arg2[%get3A_9, %get3A_10] : memref<4096x128xf32, #tpu.memory_space<vmem>>, vector<4096x128xf32>
    %dot_general3A_12 = arith.constant dense<0.000000e+00> : vector<128x4096xf32>
    %dot_general3A_13 = tpu.matmul %get3A_8, %get3A_11, %dot_general3A_12 {dimension_numbers = #tpu.dot_dimension_numbers<[0], [1], [1], [0], [0, 1, 1, 0], [], []>, transpose_lhs_hint = false} : vector<128x128xf32>, vector<4096x128xf32>, vector<128x4096xf32> -> vector<128x4096xf32>
    %add3A = arith.addf %dot_general3A_5, %dot_general3A_13 : vector<128x4096xf32>
    %get3A_14 = arith.constant 0 : index
    %get3A_15 = arith.constant 0 : index
    %get3A_16 = vector.load %arg5[%get3A_14, %get3A_15] : memref<128x1xf32, #tpu.memory_space<vmem>>, vector<128x1xf32>
    %add3A_17 = vector.broadcast %get3A_16 : vector<128x1xf32> to vector<128x4096xf32>
    %add3A_18 = arith.addf %add3A, %add3A_17 : vector<128x4096xf32>
    %get3A_19 = arith.constant 0 : index
    %get3A_20 = arith.constant 0 : index
    %get3A_21 = vector.load %arg6[%get3A_19, %get3A_20] : memref<128x1xf32, #tpu.memory_space<vmem>>, vector<128x1xf32>
    %mul3A = vector.broadcast %get3A_21 : vector<128x1xf32> to vector<128x4096xf32>
    %mul3A_22 = arith.mulf %add3A_18, %mul3A : vector<128x4096xf32>
    %get3A_23 = arith.constant 0 : index
    %get3A_24 = arith.constant 0 : index
    %get3A_25 = vector.load %arg7[%get3A_23, %get3A_24] : memref<128x1xf32, #tpu.memory_space<vmem>>, vector<128x1xf32>
    %add3A_26 = vector.broadcast %get3A_25 : vector<128x1xf32> to vector<128x4096xf32>
    %add3A_27 = arith.addf %mul3A_22, %add3A_26 : vector<128x4096xf32>
    %max3A = arith.constant 0.000000e+00 : f32
    %max3A_28 = vector.broadcast %max3A : f32 to vector<128x4096xf32>
    %max3A_29 = arith.maximumf %add3A_27, %max3A_28 : vector<128x4096xf32>
    %get3A_30 = arith.constant 0 : index
    %get3A_31 = arith.constant 0 : index
    %get3A_32 = vector.load %arg8[%get3A_30, %get3A_31] : memref<128x256xf32, #tpu.memory_space<vmem>>, vector<128x256xf32>
    %dot_general3A_33 = arith.constant dense<0.000000e+00> : vector<256x4096xf32>
    %dot_general3A_34 = tpu.matmul %get3A_32, %max3A_29, %dot_general3A_33 {dimension_numbers = #tpu.dot_dimension_numbers<[0], [0], [1], [1], [0, 1, 1, 1], [], []>, transpose_lhs_hint = false} : vector<128x256xf32>, vector<128x4096xf32>, vector<256x4096xf32> -> vector<256x4096xf32>
    %get3A_35 = arith.constant 0 : index
    %get3A_36 = arith.constant 0 : index
    %get3A_37 = vector.load %arg9[%get3A_35, %get3A_36] : memref<256x1xf32, #tpu.memory_space<vmem>>, vector<256x1xf32>
    %add3A_38 = vector.broadcast %get3A_37 : vector<256x1xf32> to vector<256x4096xf32>
    %add3A_39 = arith.addf %dot_general3A_34, %add3A_38 : vector<256x4096xf32>
    %eq3A = arith.constant 0 : i32
    %eq3A_40 = arith.cmpi eq, %arg0, %eq3A : i32
    %convert_element_type3A = arith.extui %eq3A_40 : i1 to i32
    %cond3A = arith.constant 0 : i32
    %cond3A_41 = arith.cmpi ne, %convert_element_type3A, %cond3A : i32
    scf.if %cond3A_41 {
      %broadcast_in_dim3A = arith.constant 0.000000e+00 : f32
      %broadcast_in_dim3A_56 = vector.broadcast %broadcast_in_dim3A : f32 to vector<512x4096xf32>
      %swap3A_57 = arith.constant 0 : index
      %swap3A_58 = arith.constant 0 : index
      %swap3A_59 = vector.load %arg10[%swap3A_57, %swap3A_58] : memref<512x4096xf32, #tpu.memory_space<vmem>>, vector<512x4096xf32>
      tpu.vector_store %arg10[%swap3A_57, %swap3A_58], %broadcast_in_dim3A_56 {strides = array<i32>} : memref<512x4096xf32, #tpu.memory_space<vmem>>, vector<512x4096xf32>,
    } else {
    }
    %get3A_42 = arith.constant 0 : index
    %get3A_43 = arith.constant 0 : index
    %get3A_44 = vector.load %arg10[%get3A_42, %get3A_43] : memref<512x4096xf32, #tpu.memory_space<vmem>>, vector<256x4096xf32>
    %add3A_45 = arith.addf %get3A_44, %add3A_39 : vector<256x4096xf32>
    %swap3A = arith.constant 0 : index
    %swap3A_46 = arith.constant 0 : index
    %swap3A_47 = vector.load %arg10[%swap3A, %swap3A_46] : memref<512x4096xf32, #tpu.memory_space<vmem>>, vector<256x4096xf32>
    tpu.vector_store %arg10[%swap3A, %swap3A_46], %add3A_45 {strides = array<i32>} : memref<512x4096xf32, #tpu.memory_space<vmem>>, vector<256x4096xf32>,
    %get3A_48 = arith.constant 256 : index
    %get3A_49 = arith.constant 0 : index
    %get3A_50 = vector.load %arg10[%get3A_48, %get3A_49] : memref<512x4096xf32, #tpu.memory_space<vmem>>, vector<256x4096xf32>
    %mul3A_51 = arith.mulf %add3A_39, %add3A_39 : vector<256x4096xf32>
    %add3A_52 = arith.addf %get3A_50, %mul3A_51 : vector<256x4096xf32>
    %swap3A_53 = arith.constant 256 : index
    %swap3A_54 = arith.constant 0 : index
    %swap3A_55 = vector.load %arg10[%swap3A_53, %swap3A_54] : memref<512x4096xf32, #tpu.memory_space<vmem>>, vector<256x4096xf32>
    tpu.vector_store %arg10[%swap3A_53, %swap3A_54], %add3A_52 {strides = array<i32>} : memref<512x4096xf32, #tpu.memory_space<vmem>>, vector<256x4096xf32>,
    return
  }
  func.func @transform_0(%arg0: i32) -> (i32, i32) {
    %c0_i32 = arith.constant 0 : i32
    %c0_i32_0 = arith.constant 0 : i32
    return %c0_i32, %arg0 : i32, i32
  }
  func.func @transform_1(%arg0: i32) -> (i32, i32) {
    %c0_i32 = arith.constant 0 : i32
    %c0_i32_0 = arith.constant 0 : i32
    return %arg0, %c0_i32 : i32, i32
  }
  func.func @transform_2(%arg0: i32) -> (i32, i32) {
    %c0_i32 = arith.constant 0 : i32
    %c0_i32_0 = arith.constant 0 : i32
    %c0_i32_1 = arith.constant 0 : i32
    return %c0_i32, %c0_i32_0 : i32, i32
  }
  func.func @transform_3(%arg0: i32) -> (i32, i32) {
    %c0_i32 = arith.constant 0 : i32
    %c0_i32_0 = arith.constant 0 : i32
    %c0_i32_1 = arith.constant 0 : i32
    return %c0_i32, %c0_i32_0 : i32, i32
  }
  func.func @transform_4(%arg0: i32) -> (i32, i32) {
    %c0_i32 = arith.constant 0 : i32
    %c0_i32_0 = arith.constant 0 : i32
    %c0_i32_1 = arith.constant 0 : i32
    return %c0_i32, %c0_i32_0 : i32, i32
  }
  func.func @transform_5(%arg0: i32) -> (i32, i32) {
    %c0_i32 = arith.constant 0 : i32
    %c0_i32_0 = arith.constant 0 : i32
    %c0_i32_1 = arith.constant 0 : i32
    return %c0_i32, %c0_i32_0 : i32, i32
  }
  func.func @transform_6(%arg0: i32) -> (i32, i32) {
    %c0_i32 = arith.constant 0 : i32
    %c0_i32_0 = arith.constant 0 : i32
    %c0_i32_1 = arith.constant 0 : i32
    return %c0_i32, %c0_i32_0 : i32, i32
  }
  func.func @transform_7(%arg0: i32) -> (i32, i32) {
    %c0_i32 = arith.constant 0 : i32
    %c0_i32_0 = arith.constant 0 : i32
    %c0_i32_1 = arith.constant 0 : i32
    return %c0_i32, %c0_i32_0 : i32, i32
  }
  func.func @transform_8(%arg0: i32) -> (i32, i32) {
    %c0_i32 = arith.constant 0 : i32
    %c0_i32_0 = arith.constant 0 : i32
    %c0_i32_1 = arith.constant 0 : i32
    return %c0_i32, %c0_i32_0 : i32, i32
  }
  func.func @transform_9(%arg0: i32) -> (i32, i32) {
    %c0_i32 = arith.constant 0 : i32
    %c0_i32_0 = arith.constant 0 : i32
    %c0_i32_1 = arith.constant 0 : i32
    return %c0_i32, %c0_i32_0 : i32, i32
  }
}

module attributes {stable_mosaic.version = 14 : i64} {
  func.func @kc(%arg0: i32, %arg1: memref<8x4096xf32, #tpu.memory_space<vmem>>, %arg2: memref<4096x128xf32, #tpu.memory_space<vmem>>, %arg3: memref<8x128xf32, #tpu.memory_space<vmem>>, %arg4: memref<128x128xf32, #tpu.memory_space<vmem>>, %arg5: memref<128x1xf32, #tpu.memory_space<vmem>>, %arg6: memref<128x1xf32, #tpu.memory_space<vmem>>, %arg7: memref<128x1xf32, #tpu.memory_space<vmem>>, %arg8: memref<128x256xf32, #tpu.memory_space<vmem>>, %arg9: memref<256x1xf32, #tpu.memory_space<vmem>>, %arg10: memref<256x1xf32, #tpu.memory_space<vmem>>, %arg11: memref<256x1xf32, #tpu.memory_space<vmem>>, %arg12: memref<1x256x64xf32, #tpu.memory_space<vmem>>) attributes {dimension_semantics = [#tpu.dimension_semantics<arbitrary>], iteration_bounds = array<i64: 64>, scalar_prefetch = 0 : i64, scratch_operands = 0 : i64, tpu.core_type = #tpu.core_type<tc>, window_params = [{transform_indices = @transform_0, window_bounds = array<i64: 8, 4096>}, {transform_indices = @transform_1, window_bounds = array<i64: 4096, 128>}, {pipeline_mode = #tpu.pipeline_mode<synchronous>, transform_indices = @transform_2, window_bounds = array<i64: 8, 128>}, {pipeline_mode = #tpu.pipeline_mode<synchronous>, transform_indices = @transform_3, window_bounds = array<i64: 128, 128>}, {pipeline_mode = #tpu.pipeline_mode<synchronous>, transform_indices = @transform_4, window_bounds = array<i64: 128, 1>}, {pipeline_mode = #tpu.pipeline_mode<synchronous>, transform_indices = @transform_5, window_bounds = array<i64: 128, 1>}, {pipeline_mode = #tpu.pipeline_mode<synchronous>, transform_indices = @transform_6, window_bounds = array<i64: 128, 1>}, {pipeline_mode = #tpu.pipeline_mode<synchronous>, transform_indices = @transform_7, window_bounds = array<i64: 128, 256>}, {pipeline_mode = #tpu.pipeline_mode<synchronous>, transform_indices = @transform_8, window_bounds = array<i64: 256, 1>}, {pipeline_mode = #tpu.pipeline_mode<synchronous>, transform_indices = @transform_9, window_bounds = array<i64: 256, 1>}, {pipeline_mode = #tpu.pipeline_mode<synchronous>, transform_indices = @transform_10, window_bounds = array<i64: 256, 1>}, {transform_indices = @transform_11, window_bounds = array<i64: 1, 256, 64>}]} {
    %get3A = arith.constant 0 : index
    %get3A_0 = arith.constant 0 : index
    %get3A_1 = vector.load %arg3[%get3A, %get3A_0] : memref<8x128xf32, #tpu.memory_space<vmem>>, vector<8x128xf32>
    %get3A_2 = arith.constant 0 : index
    %get3A_3 = arith.constant 0 : index
    %get3A_4 = vector.load %arg1[%get3A_2, %get3A_3] : memref<8x4096xf32, #tpu.memory_space<vmem>>, vector<8x4096xf32>
    %dot_general3A = arith.constant dense<0.000000e+00> : vector<128x4096xf32>
    %dot_general3A_5 = tpu.matmul %get3A_1, %get3A_4, %dot_general3A {dimension_numbers = #tpu.dot_dimension_numbers<[0], [0], [1], [1], [0, 1, 1, 1], [], []>, transpose_lhs_hint = false} : vector<8x128xf32>, vector<8x4096xf32>, vector<128x4096xf32> -> vector<128x4096xf32>
    %get3A_6 = arith.constant 0 : index
    %get3A_7 = arith.constant 0 : index
    %get3A_8 = vector.load %arg4[%get3A_6, %get3A_7] : memref<128x128xf32, #tpu.memory_space<vmem>>, vector<128x128xf32>
    %get3A_9 = arith.constant 0 : index
    %get3A_10 = arith.constant 0 : index
    %get3A_11 = vector.load %arg2[%get3A_9, %get3A_10] : memref<4096x128xf32, #tpu.memory_space<vmem>>, vector<4096x128xf32>
    %dot_general3A_12 = arith.constant dense<0.000000e+00> : vector<128x4096xf32>
    %dot_general3A_13 = tpu.matmul %get3A_8, %get3A_11, %dot_general3A_12 {dimension_numbers = #tpu.dot_dimension_numbers<[0], [1], [1], [0], [0, 1, 1, 0], [], []>, transpose_lhs_hint = false} : vector<128x128xf32>, vector<4096x128xf32>, vector<128x4096xf32> -> vector<128x4096xf32>
    %add3A = arith.addf %dot_general3A_5, %dot_general3A_13 : vector<128x4096xf32>
    %get3A_14 = arith.constant 0 : index
    %get3A_15 = arith.constant 0 : index
    %get3A_16 = vector.load %arg5[%get3A_14, %get3A_15] : memref<128x1xf32, #tpu.memory_space<vmem>>, vector<128x1xf32>
    %add3A_17 = vector.broadcast %get3A_16 : vector<128x1xf32> to vector<128x4096xf32>
    %add3A_18 = arith.addf %add3A, %add3A_17 : vector<128x4096xf32>
    %get3A_19 = arith.constant 0 : index
    %get3A_20 = arith.constant 0 : index
    %get3A_21 = vector.load %arg6[%get3A_19, %get3A_20] : memref<128x1xf32, #tpu.memory_space<vmem>>, vector<128x1xf32>
    %mul3A = vector.broadcast %get3A_21 : vector<128x1xf32> to vector<128x4096xf32>
    %mul3A_22 = arith.mulf %add3A_18, %mul3A : vector<128x4096xf32>
    %get3A_23 = arith.constant 0 : index
    %get3A_24 = arith.constant 0 : index
    %get3A_25 = vector.load %arg7[%get3A_23, %get3A_24] : memref<128x1xf32, #tpu.memory_space<vmem>>, vector<128x1xf32>
    %add3A_26 = vector.broadcast %get3A_25 : vector<128x1xf32> to vector<128x4096xf32>
    %add3A_27 = arith.addf %mul3A_22, %add3A_26 : vector<128x4096xf32>
    %max3A = arith.constant 0.000000e+00 : f32
    %max3A_28 = vector.broadcast %max3A : f32 to vector<128x4096xf32>
    %max3A_29 = arith.maximumf %add3A_27, %max3A_28 : vector<128x4096xf32>
    %get3A_30 = arith.constant 0 : index
    %get3A_31 = arith.constant 0 : index
    %get3A_32 = vector.load %arg8[%get3A_30, %get3A_31] : memref<128x256xf32, #tpu.memory_space<vmem>>, vector<128x256xf32>
    %dot_general3A_33 = arith.constant dense<0.000000e+00> : vector<256x4096xf32>
    %dot_general3A_34 = tpu.matmul %get3A_32, %max3A_29, %dot_general3A_33 {dimension_numbers = #tpu.dot_dimension_numbers<[0], [0], [1], [1], [0, 1, 1, 1], [], []>, transpose_lhs_hint = false} : vector<128x256xf32>, vector<128x4096xf32>, vector<256x4096xf32> -> vector<256x4096xf32>
    %get3A_35 = arith.constant 0 : index
    %get3A_36 = arith.constant 0 : index
    %get3A_37 = vector.load %arg9[%get3A_35, %get3A_36] : memref<256x1xf32, #tpu.memory_space<vmem>>, vector<256x1xf32>
    %add3A_38 = vector.broadcast %get3A_37 : vector<256x1xf32> to vector<256x4096xf32>
    %add3A_39 = arith.addf %dot_general3A_34, %add3A_38 : vector<256x4096xf32>
    %get3A_40 = arith.constant 0 : index
    %get3A_41 = arith.constant 0 : index
    %get3A_42 = vector.load %arg10[%get3A_40, %get3A_41] : memref<256x1xf32, #tpu.memory_space<vmem>>, vector<256x1xf32>
    %mul3A_43 = vector.broadcast %get3A_42 : vector<256x1xf32> to vector<256x4096xf32>
    %mul3A_44 = arith.mulf %add3A_39, %mul3A_43 : vector<256x4096xf32>
    %get3A_45 = arith.constant 0 : index
    %get3A_46 = arith.constant 0 : index
    %get3A_47 = vector.load %arg11[%get3A_45, %get3A_46] : memref<256x1xf32, #tpu.memory_space<vmem>>, vector<256x1xf32>
    %add3A_48 = vector.broadcast %get3A_47 : vector<256x1xf32> to vector<256x4096xf32>
    %add3A_49 = arith.addf %mul3A_44, %add3A_48 : vector<256x4096xf32>
    %max3A_50 = arith.constant 0.000000e+00 : f32
    %max3A_51 = vector.broadcast %max3A_50 : f32 to vector<256x4096xf32>
    %max3A_52 = arith.maximumf %add3A_49, %max3A_51 : vector<256x4096xf32>
    %slice3A = vector.extract_strided_slice %max3A_52 {offsets = [0, 0], sizes = [256, 64], strides = [1, 1]} : vector<256x4096xf32> to vector<256x64xf32>
    %reduce_max3A = arith.constant dense<0xFF800000> : vector<256xf32>
    %reduce_max3A_53 = vector.multi_reduction <maximumf>, %slice3A, %reduce_max3A [1] : vector<256x64xf32> to vector<256xf32>
    %broadcast_in_dim3A = vector.shape_cast %reduce_max3A_53 : vector<256xf32> to vector<256x1xf32>
    %slice3A_54 = vector.extract_strided_slice %max3A_52 {offsets = [0, 64], sizes = [256, 64], strides = [1, 1]} : vector<256x4096xf32> to vector<256x64xf32>
    %reduce_max3A_55 = arith.constant dense<0xFF800000> : vector<256xf32>
    %reduce_max3A_56 = vector.multi_reduction <maximumf>, %slice3A_54, %reduce_max3A_55 [1] : vector<256x64xf32> to vector<256xf32>
    %broadcast_in_dim3A_57 = vector.shape_cast %reduce_max3A_56 : vector<256xf32> to vector<256x1xf32>
    %slice3A_58 = vector.extract_strided_slice %max3A_52 {offsets = [0, 128], sizes = [256, 64], strides = [1, 1]} : vector<256x4096xf32> to vector<256x64xf32>
    %reduce_max3A_59 = arith.constant dense<0xFF800000> : vector<256xf32>
    %reduce_max3A_60 = vector.multi_reduction <maximumf>, %slice3A_58, %reduce_max3A_59 [1] : vector<256x64xf32> to vector<256xf32>
    %broadcast_in_dim3A_61 = vector.shape_cast %reduce_max3A_60 : vector<256xf32> to vector<256x1xf32>
    %slice3A_62 = vector.extract_strided_slice %max3A_52 {offsets = [0, 192], sizes = [256, 64], strides = [1, 1]} : vector<256x4096xf32> to vector<256x64xf32>
    %reduce_max3A_63 = arith.constant dense<0xFF800000> : vector<256xf32>
    %reduce_max3A_64 = vector.multi_reduction <maximumf>, %slice3A_62, %reduce_max3A_63 [1] : vector<256x64xf32> to vector<256xf32>
    %broadcast_in_dim3A_65 = vector.shape_cast %reduce_max3A_64 : vector<256xf32> to vector<256x1xf32>
    %slice3A_66 = vector.extract_strided_slice %max3A_52 {offsets = [0, 256], sizes = [256, 64], strides = [1, 1]} : vector<256x4096xf32> to vector<256x64xf32>
    %reduce_max3A_67 = arith.constant dense<0xFF800000> : vector<256xf32>
    %reduce_max3A_68 = vector.multi_reduction <maximumf>, %slice3A_66, %reduce_max3A_67 [1] : vector<256x64xf32> to vector<256xf32>
    %broadcast_in_dim3A_69 = vector.shape_cast %reduce_max3A_68 : vector<256xf32> to vector<256x1xf32>
    %slice3A_70 = vector.extract_strided_slice %max3A_52 {offsets = [0, 320], sizes = [256, 64], strides = [1, 1]} : vector<256x4096xf32> to vector<256x64xf32>
    %reduce_max3A_71 = arith.constant dense<0xFF800000> : vector<256xf32>
    %reduce_max3A_72 = vector.multi_reduction <maximumf>, %slice3A_70, %reduce_max3A_71 [1] : vector<256x64xf32> to vector<256xf32>
    %broadcast_in_dim3A_73 = vector.shape_cast %reduce_max3A_72 : vector<256xf32> to vector<256x1xf32>
    %slice3A_74 = vector.extract_strided_slice %max3A_52 {offsets = [0, 384], sizes = [256, 64], strides = [1, 1]} : vector<256x4096xf32> to vector<256x64xf32>
    %reduce_max3A_75 = arith.constant dense<0xFF800000> : vector<256xf32>
    %reduce_max3A_76 = vector.multi_reduction <maximumf>, %slice3A_74, %reduce_max3A_75 [1] : vector<256x64xf32> to vector<256xf32>
    %broadcast_in_dim3A_77 = vector.shape_cast %reduce_max3A_76 : vector<256xf32> to vector<256x1xf32>
    %slice3A_78 = vector.extract_strided_slice %max3A_52 {offsets = [0, 448], sizes = [256, 64], strides = [1, 1]} : vector<256x4096xf32> to vector<256x64xf32>
    %reduce_max3A_79 = arith.constant dense<0xFF800000> : vector<256xf32>
    %reduce_max3A_80 = vector.multi_reduction <maximumf>, %slice3A_78, %reduce_max3A_79 [1] : vector<256x64xf32> to vector<256xf32>
    %broadcast_in_dim3A_81 = vector.shape_cast %reduce_max3A_80 : vector<256xf32> to vector<256x1xf32>
    %slice3A_82 = vector.extract_strided_slice %max3A_52 {offsets = [0, 512], sizes = [256, 64], strides = [1, 1]} : vector<256x4096xf32> to vector<256x64xf32>
    %reduce_max3A_83 = arith.constant dense<0xFF800000> : vector<256xf32>
    %reduce_max3A_84 = vector.multi_reduction <maximumf>, %slice3A_82, %reduce_max3A_83 [1] : vector<256x64xf32> to vector<256xf32>
    %broadcast_in_dim3A_85 = vector.shape_cast %reduce_max3A_84 : vector<256xf32> to vector<256x1xf32>
    %slice3A_86 = vector.extract_strided_slice %max3A_52 {offsets = [0, 576], sizes = [256, 64], strides = [1, 1]} : vector<256x4096xf32> to vector<256x64xf32>
    %reduce_max3A_87 = arith.constant dense<0xFF800000> : vector<256xf32>
    %reduce_max3A_88 = vector.multi_reduction <maximumf>, %slice3A_86, %reduce_max3A_87 [1] : vector<256x64xf32> to vector<256xf32>
    %broadcast_in_dim3A_89 = vector.shape_cast %reduce_max3A_88 : vector<256xf32> to vector<256x1xf32>
    %slice3A_90 = vector.extract_strided_slice %max3A_52 {offsets = [0, 640], sizes = [256, 64], strides = [1, 1]} : vector<256x4096xf32> to vector<256x64xf32>
    %reduce_max3A_91 = arith.constant dense<0xFF800000> : vector<256xf32>
    %reduce_max3A_92 = vector.multi_reduction <maximumf>, %slice3A_90, %reduce_max3A_91 [1] : vector<256x64xf32> to vector<256xf32>
    %broadcast_in_dim3A_93 = vector.shape_cast %reduce_max3A_92 : vector<256xf32> to vector<256x1xf32>
    %slice3A_94 = vector.extract_strided_slice %max3A_52 {offsets = [0, 704], sizes = [256, 64], strides = [1, 1]} : vector<256x4096xf32> to vector<256x64xf32>
    %reduce_max3A_95 = arith.constant dense<0xFF800000> : vector<256xf32>
    %reduce_max3A_96 = vector.multi_reduction <maximumf>, %slice3A_94, %reduce_max3A_95 [1] : vector<256x64xf32> to vector<256xf32>
    %broadcast_in_dim3A_97 = vector.shape_cast %reduce_max3A_96 : vector<256xf32> to vector<256x1xf32>
    %slice3A_98 = vector.extract_strided_slice %max3A_52 {offsets = [0, 768], sizes = [256, 64], strides = [1, 1]} : vector<256x4096xf32> to vector<256x64xf32>
    %reduce_max3A_99 = arith.constant dense<0xFF800000> : vector<256xf32>
    %reduce_max3A_100 = vector.multi_reduction <maximumf>, %slice3A_98, %reduce_max3A_99 [1] : vector<256x64xf32> to vector<256xf32>
    %broadcast_in_dim3A_101 = vector.shape_cast %reduce_max3A_100 : vector<256xf32> to vector<256x1xf32>
    %slice3A_102 = vector.extract_strided_slice %max3A_52 {offsets = [0, 832], sizes = [256, 64], strides = [1, 1]} : vector<256x4096xf32> to vector<256x64xf32>
    %reduce_max3A_103 = arith.constant dense<0xFF800000> : vector<256xf32>
    %reduce_max3A_104 = vector.multi_reduction <maximumf>, %slice3A_102, %reduce_max3A_103 [1] : vector<256x64xf32> to vector<256xf32>
    %broadcast_in_dim3A_105 = vector.shape_cast %reduce_max3A_104 : vector<256xf32> to vector<256x1xf32>
    %slice3A_106 = vector.extract_strided_slice %max3A_52 {offsets = [0, 896], sizes = [256, 64], strides = [1, 1]} : vector<256x4096xf32> to vector<256x64xf32>
    %reduce_max3A_107 = arith.constant dense<0xFF800000> : vector<256xf32>
    %reduce_max3A_108 = vector.multi_reduction <maximumf>, %slice3A_106, %reduce_max3A_107 [1] : vector<256x64xf32> to vector<256xf32>
    %broadcast_in_dim3A_109 = vector.shape_cast %reduce_max3A_108 : vector<256xf32> to vector<256x1xf32>
    %slice3A_110 = vector.extract_strided_slice %max3A_52 {offsets = [0, 960], sizes = [256, 64], strides = [1, 1]} : vector<256x4096xf32> to vector<256x64xf32>
    %reduce_max3A_111 = arith.constant dense<0xFF800000> : vector<256xf32>
    %reduce_max3A_112 = vector.multi_reduction <maximumf>, %slice3A_110, %reduce_max3A_111 [1] : vector<256x64xf32> to vector<256xf32>
    %broadcast_in_dim3A_113 = vector.shape_cast %reduce_max3A_112 : vector<256xf32> to vector<256x1xf32>
    %slice3A_114 = vector.extract_strided_slice %max3A_52 {offsets = [0, 1024], sizes = [256, 64], strides = [1, 1]} : vector<256x4096xf32> to vector<256x64xf32>
    %reduce_max3A_115 = arith.constant dense<0xFF800000> : vector<256xf32>
    %reduce_max3A_116 = vector.multi_reduction <maximumf>, %slice3A_114, %reduce_max3A_115 [1] : vector<256x64xf32> to vector<256xf32>
    %broadcast_in_dim3A_117 = vector.shape_cast %reduce_max3A_116 : vector<256xf32> to vector<256x1xf32>
    %slice3A_118 = vector.extract_strided_slice %max3A_52 {offsets = [0, 1088], sizes = [256, 64], strides = [1, 1]} : vector<256x4096xf32> to vector<256x64xf32>
    %reduce_max3A_119 = arith.constant dense<0xFF800000> : vector<256xf32>
    %reduce_max3A_120 = vector.multi_reduction <maximumf>, %slice3A_118, %reduce_max3A_119 [1] : vector<256x64xf32> to vector<256xf32>
    %broadcast_in_dim3A_121 = vector.shape_cast %reduce_max3A_120 : vector<256xf32> to vector<256x1xf32>
    %slice3A_122 = vector.extract_strided_slice %max3A_52 {offsets = [0, 1152], sizes = [256, 64], strides = [1, 1]} : vector<256x4096xf32> to vector<256x64xf32>
    %reduce_max3A_123 = arith.constant dense<0xFF800000> : vector<256xf32>
    %reduce_max3A_124 = vector.multi_reduction <maximumf>, %slice3A_122, %reduce_max3A_123 [1] : vector<256x64xf32> to vector<256xf32>
    %broadcast_in_dim3A_125 = vector.shape_cast %reduce_max3A_124 : vector<256xf32> to vector<256x1xf32>
    %slice3A_126 = vector.extract_strided_slice %max3A_52 {offsets = [0, 1216], sizes = [256, 64], strides = [1, 1]} : vector<256x4096xf32> to vector<256x64xf32>
    %reduce_max3A_127 = arith.constant dense<0xFF800000> : vector<256xf32>
    %reduce_max3A_128 = vector.multi_reduction <maximumf>, %slice3A_126, %reduce_max3A_127 [1] : vector<256x64xf32> to vector<256xf32>
    %broadcast_in_dim3A_129 = vector.shape_cast %reduce_max3A_128 : vector<256xf32> to vector<256x1xf32>
    %slice3A_130 = vector.extract_strided_slice %max3A_52 {offsets = [0, 1280], sizes = [256, 64], strides = [1, 1]} : vector<256x4096xf32> to vector<256x64xf32>
    %reduce_max3A_131 = arith.constant dense<0xFF800000> : vector<256xf32>
    %reduce_max3A_132 = vector.multi_reduction <maximumf>, %slice3A_130, %reduce_max3A_131 [1] : vector<256x64xf32> to vector<256xf32>
    %broadcast_in_dim3A_133 = vector.shape_cast %reduce_max3A_132 : vector<256xf32> to vector<256x1xf32>
    %slice3A_134 = vector.extract_strided_slice %max3A_52 {offsets = [0, 1344], sizes = [256, 64], strides = [1, 1]} : vector<256x4096xf32> to vector<256x64xf32>
    %reduce_max3A_135 = arith.constant dense<0xFF800000> : vector<256xf32>
    %reduce_max3A_136 = vector.multi_reduction <maximumf>, %slice3A_134, %reduce_max3A_135 [1] : vector<256x64xf32> to vector<256xf32>
    %broadcast_in_dim3A_137 = vector.shape_cast %reduce_max3A_136 : vector<256xf32> to vector<256x1xf32>
    %slice3A_138 = vector.extract_strided_slice %max3A_52 {offsets = [0, 1408], sizes = [256, 64], strides = [1, 1]} : vector<256x4096xf32> to vector<256x64xf32>
    %reduce_max3A_139 = arith.constant dense<0xFF800000> : vector<256xf32>
    %reduce_max3A_140 = vector.multi_reduction <maximumf>, %slice3A_138, %reduce_max3A_139 [1] : vector<256x64xf32> to vector<256xf32>
    %broadcast_in_dim3A_141 = vector.shape_cast %reduce_max3A_140 : vector<256xf32> to vector<256x1xf32>
    %slice3A_142 = vector.extract_strided_slice %max3A_52 {offsets = [0, 1472], sizes = [256, 64], strides = [1, 1]} : vector<256x4096xf32> to vector<256x64xf32>
    %reduce_max3A_143 = arith.constant dense<0xFF800000> : vector<256xf32>
    %reduce_max3A_144 = vector.multi_reduction <maximumf>, %slice3A_142, %reduce_max3A_143 [1] : vector<256x64xf32> to vector<256xf32>
    %broadcast_in_dim3A_145 = vector.shape_cast %reduce_max3A_144 : vector<256xf32> to vector<256x1xf32>
    %slice3A_146 = vector.extract_strided_slice %max3A_52 {offsets = [0, 1536], sizes = [256, 64], strides = [1, 1]} : vector<256x4096xf32> to vector<256x64xf32>
    %reduce_max3A_147 = arith.constant dense<0xFF800000> : vector<256xf32>
    %reduce_max3A_148 = vector.multi_reduction <maximumf>, %slice3A_146, %reduce_max3A_147 [1] : vector<256x64xf32> to vector<256xf32>
    %broadcast_in_dim3A_149 = vector.shape_cast %reduce_max3A_148 : vector<256xf32> to vector<256x1xf32>
    %slice3A_150 = vector.extract_strided_slice %max3A_52 {offsets = [0, 1600], sizes = [256, 64], strides = [1, 1]} : vector<256x4096xf32> to vector<256x64xf32>
    %reduce_max3A_151 = arith.constant dense<0xFF800000> : vector<256xf32>
    %reduce_max3A_152 = vector.multi_reduction <maximumf>, %slice3A_150, %reduce_max3A_151 [1] : vector<256x64xf32> to vector<256xf32>
    %broadcast_in_dim3A_153 = vector.shape_cast %reduce_max3A_152 : vector<256xf32> to vector<256x1xf32>
    %slice3A_154 = vector.extract_strided_slice %max3A_52 {offsets = [0, 1664], sizes = [256, 64], strides = [1, 1]} : vector<256x4096xf32> to vector<256x64xf32>
    %reduce_max3A_155 = arith.constant dense<0xFF800000> : vector<256xf32>
    %reduce_max3A_156 = vector.multi_reduction <maximumf>, %slice3A_154, %reduce_max3A_155 [1] : vector<256x64xf32> to vector<256xf32>
    %broadcast_in_dim3A_157 = vector.shape_cast %reduce_max3A_156 : vector<256xf32> to vector<256x1xf32>
    %slice3A_158 = vector.extract_strided_slice %max3A_52 {offsets = [0, 1728], sizes = [256, 64], strides = [1, 1]} : vector<256x4096xf32> to vector<256x64xf32>
    %reduce_max3A_159 = arith.constant dense<0xFF800000> : vector<256xf32>
    %reduce_max3A_160 = vector.multi_reduction <maximumf>, %slice3A_158, %reduce_max3A_159 [1] : vector<256x64xf32> to vector<256xf32>
    %broadcast_in_dim3A_161 = vector.shape_cast %reduce_max3A_160 : vector<256xf32> to vector<256x1xf32>
    %slice3A_162 = vector.extract_strided_slice %max3A_52 {offsets = [0, 1792], sizes = [256, 64], strides = [1, 1]} : vector<256x4096xf32> to vector<256x64xf32>
    %reduce_max3A_163 = arith.constant dense<0xFF800000> : vector<256xf32>
    %reduce_max3A_164 = vector.multi_reduction <maximumf>, %slice3A_162, %reduce_max3A_163 [1] : vector<256x64xf32> to vector<256xf32>
    %broadcast_in_dim3A_165 = vector.shape_cast %reduce_max3A_164 : vector<256xf32> to vector<256x1xf32>
    %slice3A_166 = vector.extract_strided_slice %max3A_52 {offsets = [0, 1856], sizes = [256, 64], strides = [1, 1]} : vector<256x4096xf32> to vector<256x64xf32>
    %reduce_max3A_167 = arith.constant dense<0xFF800000> : vector<256xf32>
    %reduce_max3A_168 = vector.multi_reduction <maximumf>, %slice3A_166, %reduce_max3A_167 [1] : vector<256x64xf32> to vector<256xf32>
    %broadcast_in_dim3A_169 = vector.shape_cast %reduce_max3A_168 : vector<256xf32> to vector<256x1xf32>
    %slice3A_170 = vector.extract_strided_slice %max3A_52 {offsets = [0, 1920], sizes = [256, 64], strides = [1, 1]} : vector<256x4096xf32> to vector<256x64xf32>
    %reduce_max3A_171 = arith.constant dense<0xFF800000> : vector<256xf32>
    %reduce_max3A_172 = vector.multi_reduction <maximumf>, %slice3A_170, %reduce_max3A_171 [1] : vector<256x64xf32> to vector<256xf32>
    %broadcast_in_dim3A_173 = vector.shape_cast %reduce_max3A_172 : vector<256xf32> to vector<256x1xf32>
    %slice3A_174 = vector.extract_strided_slice %max3A_52 {offsets = [0, 1984], sizes = [256, 64], strides = [1, 1]} : vector<256x4096xf32> to vector<256x64xf32>
    %reduce_max3A_175 = arith.constant dense<0xFF800000> : vector<256xf32>
    %reduce_max3A_176 = vector.multi_reduction <maximumf>, %slice3A_174, %reduce_max3A_175 [1] : vector<256x64xf32> to vector<256xf32>
    %broadcast_in_dim3A_177 = vector.shape_cast %reduce_max3A_176 : vector<256xf32> to vector<256x1xf32>
    %slice3A_178 = vector.extract_strided_slice %max3A_52 {offsets = [0, 2048], sizes = [256, 64], strides = [1, 1]} : vector<256x4096xf32> to vector<256x64xf32>
    %reduce_max3A_179 = arith.constant dense<0xFF800000> : vector<256xf32>
    %reduce_max3A_180 = vector.multi_reduction <maximumf>, %slice3A_178, %reduce_max3A_179 [1] : vector<256x64xf32> to vector<256xf32>
    %broadcast_in_dim3A_181 = vector.shape_cast %reduce_max3A_180 : vector<256xf32> to vector<256x1xf32>
    %slice3A_182 = vector.extract_strided_slice %max3A_52 {offsets = [0, 2112], sizes = [256, 64], strides = [1, 1]} : vector<256x4096xf32> to vector<256x64xf32>
    %reduce_max3A_183 = arith.constant dense<0xFF800000> : vector<256xf32>
    %reduce_max3A_184 = vector.multi_reduction <maximumf>, %slice3A_182, %reduce_max3A_183 [1] : vector<256x64xf32> to vector<256xf32>
    %broadcast_in_dim3A_185 = vector.shape_cast %reduce_max3A_184 : vector<256xf32> to vector<256x1xf32>
    %slice3A_186 = vector.extract_strided_slice %max3A_52 {offsets = [0, 2176], sizes = [256, 64], strides = [1, 1]} : vector<256x4096xf32> to vector<256x64xf32>
    %reduce_max3A_187 = arith.constant dense<0xFF800000> : vector<256xf32>
    %reduce_max3A_188 = vector.multi_reduction <maximumf>, %slice3A_186, %reduce_max3A_187 [1] : vector<256x64xf32> to vector<256xf32>
    %broadcast_in_dim3A_189 = vector.shape_cast %reduce_max3A_188 : vector<256xf32> to vector<256x1xf32>
    %slice3A_190 = vector.extract_strided_slice %max3A_52 {offsets = [0, 2240], sizes = [256, 64], strides = [1, 1]} : vector<256x4096xf32> to vector<256x64xf32>
    %reduce_max3A_191 = arith.constant dense<0xFF800000> : vector<256xf32>
    %reduce_max3A_192 = vector.multi_reduction <maximumf>, %slice3A_190, %reduce_max3A_191 [1] : vector<256x64xf32> to vector<256xf32>
    %broadcast_in_dim3A_193 = vector.shape_cast %reduce_max3A_192 : vector<256xf32> to vector<256x1xf32>
    %slice3A_194 = vector.extract_strided_slice %max3A_52 {offsets = [0, 2304], sizes = [256, 64], strides = [1, 1]} : vector<256x4096xf32> to vector<256x64xf32>
    %reduce_max3A_195 = arith.constant dense<0xFF800000> : vector<256xf32>
    %reduce_max3A_196 = vector.multi_reduction <maximumf>, %slice3A_194, %reduce_max3A_195 [1] : vector<256x64xf32> to vector<256xf32>
    %broadcast_in_dim3A_197 = vector.shape_cast %reduce_max3A_196 : vector<256xf32> to vector<256x1xf32>
    %slice3A_198 = vector.extract_strided_slice %max3A_52 {offsets = [0, 2368], sizes = [256, 64], strides = [1, 1]} : vector<256x4096xf32> to vector<256x64xf32>
    %reduce_max3A_199 = arith.constant dense<0xFF800000> : vector<256xf32>
    %reduce_max3A_200 = vector.multi_reduction <maximumf>, %slice3A_198, %reduce_max3A_199 [1] : vector<256x64xf32> to vector<256xf32>
    %broadcast_in_dim3A_201 = vector.shape_cast %reduce_max3A_200 : vector<256xf32> to vector<256x1xf32>
    %slice3A_202 = vector.extract_strided_slice %max3A_52 {offsets = [0, 2432], sizes = [256, 64], strides = [1, 1]} : vector<256x4096xf32> to vector<256x64xf32>
    %reduce_max3A_203 = arith.constant dense<0xFF800000> : vector<256xf32>
    %reduce_max3A_204 = vector.multi_reduction <maximumf>, %slice3A_202, %reduce_max3A_203 [1] : vector<256x64xf32> to vector<256xf32>
    %broadcast_in_dim3A_205 = vector.shape_cast %reduce_max3A_204 : vector<256xf32> to vector<256x1xf32>
    %slice3A_206 = vector.extract_strided_slice %max3A_52 {offsets = [0, 2496], sizes = [256, 64], strides = [1, 1]} : vector<256x4096xf32> to vector<256x64xf32>
    %reduce_max3A_207 = arith.constant dense<0xFF800000> : vector<256xf32>
    %reduce_max3A_208 = vector.multi_reduction <maximumf>, %slice3A_206, %reduce_max3A_207 [1] : vector<256x64xf32> to vector<256xf32>
    %broadcast_in_dim3A_209 = vector.shape_cast %reduce_max3A_208 : vector<256xf32> to vector<256x1xf32>
    %slice3A_210 = vector.extract_strided_slice %max3A_52 {offsets = [0, 2560], sizes = [256, 64], strides = [1, 1]} : vector<256x4096xf32> to vector<256x64xf32>
    %reduce_max3A_211 = arith.constant dense<0xFF800000> : vector<256xf32>
    %reduce_max3A_212 = vector.multi_reduction <maximumf>, %slice3A_210, %reduce_max3A_211 [1] : vector<256x64xf32> to vector<256xf32>
    %broadcast_in_dim3A_213 = vector.shape_cast %reduce_max3A_212 : vector<256xf32> to vector<256x1xf32>
    %slice3A_214 = vector.extract_strided_slice %max3A_52 {offsets = [0, 2624], sizes = [256, 64], strides = [1, 1]} : vector<256x4096xf32> to vector<256x64xf32>
    %reduce_max3A_215 = arith.constant dense<0xFF800000> : vector<256xf32>
    %reduce_max3A_216 = vector.multi_reduction <maximumf>, %slice3A_214, %reduce_max3A_215 [1] : vector<256x64xf32> to vector<256xf32>
    %broadcast_in_dim3A_217 = vector.shape_cast %reduce_max3A_216 : vector<256xf32> to vector<256x1xf32>
    %slice3A_218 = vector.extract_strided_slice %max3A_52 {offsets = [0, 2688], sizes = [256, 64], strides = [1, 1]} : vector<256x4096xf32> to vector<256x64xf32>
    %reduce_max3A_219 = arith.constant dense<0xFF800000> : vector<256xf32>
    %reduce_max3A_220 = vector.multi_reduction <maximumf>, %slice3A_218, %reduce_max3A_219 [1] : vector<256x64xf32> to vector<256xf32>
    %broadcast_in_dim3A_221 = vector.shape_cast %reduce_max3A_220 : vector<256xf32> to vector<256x1xf32>
    %slice3A_222 = vector.extract_strided_slice %max3A_52 {offsets = [0, 2752], sizes = [256, 64], strides = [1, 1]} : vector<256x4096xf32> to vector<256x64xf32>
    %reduce_max3A_223 = arith.constant dense<0xFF800000> : vector<256xf32>
    %reduce_max3A_224 = vector.multi_reduction <maximumf>, %slice3A_222, %reduce_max3A_223 [1] : vector<256x64xf32> to vector<256xf32>
    %broadcast_in_dim3A_225 = vector.shape_cast %reduce_max3A_224 : vector<256xf32> to vector<256x1xf32>
    %slice3A_226 = vector.extract_strided_slice %max3A_52 {offsets = [0, 2816], sizes = [256, 64], strides = [1, 1]} : vector<256x4096xf32> to vector<256x64xf32>
    %reduce_max3A_227 = arith.constant dense<0xFF800000> : vector<256xf32>
    %reduce_max3A_228 = vector.multi_reduction <maximumf>, %slice3A_226, %reduce_max3A_227 [1] : vector<256x64xf32> to vector<256xf32>
    %broadcast_in_dim3A_229 = vector.shape_cast %reduce_max3A_228 : vector<256xf32> to vector<256x1xf32>
    %slice3A_230 = vector.extract_strided_slice %max3A_52 {offsets = [0, 2880], sizes = [256, 64], strides = [1, 1]} : vector<256x4096xf32> to vector<256x64xf32>
    %reduce_max3A_231 = arith.constant dense<0xFF800000> : vector<256xf32>
    %reduce_max3A_232 = vector.multi_reduction <maximumf>, %slice3A_230, %reduce_max3A_231 [1] : vector<256x64xf32> to vector<256xf32>
    %broadcast_in_dim3A_233 = vector.shape_cast %reduce_max3A_232 : vector<256xf32> to vector<256x1xf32>
    %slice3A_234 = vector.extract_strided_slice %max3A_52 {offsets = [0, 2944], sizes = [256, 64], strides = [1, 1]} : vector<256x4096xf32> to vector<256x64xf32>
    %reduce_max3A_235 = arith.constant dense<0xFF800000> : vector<256xf32>
    %reduce_max3A_236 = vector.multi_reduction <maximumf>, %slice3A_234, %reduce_max3A_235 [1] : vector<256x64xf32> to vector<256xf32>
    %broadcast_in_dim3A_237 = vector.shape_cast %reduce_max3A_236 : vector<256xf32> to vector<256x1xf32>
    %slice3A_238 = vector.extract_strided_slice %max3A_52 {offsets = [0, 3008], sizes = [256, 64], strides = [1, 1]} : vector<256x4096xf32> to vector<256x64xf32>
    %reduce_max3A_239 = arith.constant dense<0xFF800000> : vector<256xf32>
    %reduce_max3A_240 = vector.multi_reduction <maximumf>, %slice3A_238, %reduce_max3A_239 [1] : vector<256x64xf32> to vector<256xf32>
    %broadcast_in_dim3A_241 = vector.shape_cast %reduce_max3A_240 : vector<256xf32> to vector<256x1xf32>
    %slice3A_242 = vector.extract_strided_slice %max3A_52 {offsets = [0, 3072], sizes = [256, 64], strides = [1, 1]} : vector<256x4096xf32> to vector<256x64xf32>
    %reduce_max3A_243 = arith.constant dense<0xFF800000> : vector<256xf32>
    %reduce_max3A_244 = vector.multi_reduction <maximumf>, %slice3A_242, %reduce_max3A_243 [1] : vector<256x64xf32> to vector<256xf32>
    %broadcast_in_dim3A_245 = vector.shape_cast %reduce_max3A_244 : vector<256xf32> to vector<256x1xf32>
    %slice3A_246 = vector.extract_strided_slice %max3A_52 {offsets = [0, 3136], sizes = [256, 64], strides = [1, 1]} : vector<256x4096xf32> to vector<256x64xf32>
    %reduce_max3A_247 = arith.constant dense<0xFF800000> : vector<256xf32>
    %reduce_max3A_248 = vector.multi_reduction <maximumf>, %slice3A_246, %reduce_max3A_247 [1] : vector<256x64xf32> to vector<256xf32>
    %broadcast_in_dim3A_249 = vector.shape_cast %reduce_max3A_248 : vector<256xf32> to vector<256x1xf32>
    %slice3A_250 = vector.extract_strided_slice %max3A_52 {offsets = [0, 3200], sizes = [256, 64], strides = [1, 1]} : vector<256x4096xf32> to vector<256x64xf32>
    %reduce_max3A_251 = arith.constant dense<0xFF800000> : vector<256xf32>
    %reduce_max3A_252 = vector.multi_reduction <maximumf>, %slice3A_250, %reduce_max3A_251 [1] : vector<256x64xf32> to vector<256xf32>
    %broadcast_in_dim3A_253 = vector.shape_cast %reduce_max3A_252 : vector<256xf32> to vector<256x1xf32>
    %slice3A_254 = vector.extract_strided_slice %max3A_52 {offsets = [0, 3264], sizes = [256, 64], strides = [1, 1]} : vector<256x4096xf32> to vector<256x64xf32>
    %reduce_max3A_255 = arith.constant dense<0xFF800000> : vector<256xf32>
    %reduce_max3A_256 = vector.multi_reduction <maximumf>, %slice3A_254, %reduce_max3A_255 [1] : vector<256x64xf32> to vector<256xf32>
    %broadcast_in_dim3A_257 = vector.shape_cast %reduce_max3A_256 : vector<256xf32> to vector<256x1xf32>
    %slice3A_258 = vector.extract_strided_slice %max3A_52 {offsets = [0, 3328], sizes = [256, 64], strides = [1, 1]} : vector<256x4096xf32> to vector<256x64xf32>
    %reduce_max3A_259 = arith.constant dense<0xFF800000> : vector<256xf32>
    %reduce_max3A_260 = vector.multi_reduction <maximumf>, %slice3A_258, %reduce_max3A_259 [1] : vector<256x64xf32> to vector<256xf32>
    %broadcast_in_dim3A_261 = vector.shape_cast %reduce_max3A_260 : vector<256xf32> to vector<256x1xf32>
    %slice3A_262 = vector.extract_strided_slice %max3A_52 {offsets = [0, 3392], sizes = [256, 64], strides = [1, 1]} : vector<256x4096xf32> to vector<256x64xf32>
    %reduce_max3A_263 = arith.constant dense<0xFF800000> : vector<256xf32>
    %reduce_max3A_264 = vector.multi_reduction <maximumf>, %slice3A_262, %reduce_max3A_263 [1] : vector<256x64xf32> to vector<256xf32>
    %broadcast_in_dim3A_265 = vector.shape_cast %reduce_max3A_264 : vector<256xf32> to vector<256x1xf32>
    %slice3A_266 = vector.extract_strided_slice %max3A_52 {offsets = [0, 3456], sizes = [256, 64], strides = [1, 1]} : vector<256x4096xf32> to vector<256x64xf32>
    %reduce_max3A_267 = arith.constant dense<0xFF800000> : vector<256xf32>
    %reduce_max3A_268 = vector.multi_reduction <maximumf>, %slice3A_266, %reduce_max3A_267 [1] : vector<256x64xf32> to vector<256xf32>
    %broadcast_in_dim3A_269 = vector.shape_cast %reduce_max3A_268 : vector<256xf32> to vector<256x1xf32>
    %slice3A_270 = vector.extract_strided_slice %max3A_52 {offsets = [0, 3520], sizes = [256, 64], strides = [1, 1]} : vector<256x4096xf32> to vector<256x64xf32>
    %reduce_max3A_271 = arith.constant dense<0xFF800000> : vector<256xf32>
    %reduce_max3A_272 = vector.multi_reduction <maximumf>, %slice3A_270, %reduce_max3A_271 [1] : vector<256x64xf32> to vector<256xf32>
    %broadcast_in_dim3A_273 = vector.shape_cast %reduce_max3A_272 : vector<256xf32> to vector<256x1xf32>
    %slice3A_274 = vector.extract_strided_slice %max3A_52 {offsets = [0, 3584], sizes = [256, 64], strides = [1, 1]} : vector<256x4096xf32> to vector<256x64xf32>
    %reduce_max3A_275 = arith.constant dense<0xFF800000> : vector<256xf32>
    %reduce_max3A_276 = vector.multi_reduction <maximumf>, %slice3A_274, %reduce_max3A_275 [1] : vector<256x64xf32> to vector<256xf32>
    %broadcast_in_dim3A_277 = vector.shape_cast %reduce_max3A_276 : vector<256xf32> to vector<256x1xf32>
    %slice3A_278 = vector.extract_strided_slice %max3A_52 {offsets = [0, 3648], sizes = [256, 64], strides = [1, 1]} : vector<256x4096xf32> to vector<256x64xf32>
    %reduce_max3A_279 = arith.constant dense<0xFF800000> : vector<256xf32>
    %reduce_max3A_280 = vector.multi_reduction <maximumf>, %slice3A_278, %reduce_max3A_279 [1] : vector<256x64xf32> to vector<256xf32>
    %broadcast_in_dim3A_281 = vector.shape_cast %reduce_max3A_280 : vector<256xf32> to vector<256x1xf32>
    %slice3A_282 = vector.extract_strided_slice %max3A_52 {offsets = [0, 3712], sizes = [256, 64], strides = [1, 1]} : vector<256x4096xf32> to vector<256x64xf32>
    %reduce_max3A_283 = arith.constant dense<0xFF800000> : vector<256xf32>
    %reduce_max3A_284 = vector.multi_reduction <maximumf>, %slice3A_282, %reduce_max3A_283 [1] : vector<256x64xf32> to vector<256xf32>
    %broadcast_in_dim3A_285 = vector.shape_cast %reduce_max3A_284 : vector<256xf32> to vector<256x1xf32>
    %slice3A_286 = vector.extract_strided_slice %max3A_52 {offsets = [0, 3776], sizes = [256, 64], strides = [1, 1]} : vector<256x4096xf32> to vector<256x64xf32>
    %reduce_max3A_287 = arith.constant dense<0xFF800000> : vector<256xf32>
    %reduce_max3A_288 = vector.multi_reduction <maximumf>, %slice3A_286, %reduce_max3A_287 [1] : vector<256x64xf32> to vector<256xf32>
    %broadcast_in_dim3A_289 = vector.shape_cast %reduce_max3A_288 : vector<256xf32> to vector<256x1xf32>
    %slice3A_290 = vector.extract_strided_slice %max3A_52 {offsets = [0, 3840], sizes = [256, 64], strides = [1, 1]} : vector<256x4096xf32> to vector<256x64xf32>
    %reduce_max3A_291 = arith.constant dense<0xFF800000> : vector<256xf32>
    %reduce_max3A_292 = vector.multi_reduction <maximumf>, %slice3A_290, %reduce_max3A_291 [1] : vector<256x64xf32> to vector<256xf32>
    %broadcast_in_dim3A_293 = vector.shape_cast %reduce_max3A_292 : vector<256xf32> to vector<256x1xf32>
    %slice3A_294 = vector.extract_strided_slice %max3A_52 {offsets = [0, 3904], sizes = [256, 64], strides = [1, 1]} : vector<256x4096xf32> to vector<256x64xf32>
    %reduce_max3A_295 = arith.constant dense<0xFF800000> : vector<256xf32>
    %reduce_max3A_296 = vector.multi_reduction <maximumf>, %slice3A_294, %reduce_max3A_295 [1] : vector<256x64xf32> to vector<256xf32>
    %broadcast_in_dim3A_297 = vector.shape_cast %reduce_max3A_296 : vector<256xf32> to vector<256x1xf32>
    %slice3A_298 = vector.extract_strided_slice %max3A_52 {offsets = [0, 3968], sizes = [256, 64], strides = [1, 1]} : vector<256x4096xf32> to vector<256x64xf32>
    %reduce_max3A_299 = arith.constant dense<0xFF800000> : vector<256xf32>
    %reduce_max3A_300 = vector.multi_reduction <maximumf>, %slice3A_298, %reduce_max3A_299 [1] : vector<256x64xf32> to vector<256xf32>
    %broadcast_in_dim3A_301 = vector.shape_cast %reduce_max3A_300 : vector<256xf32> to vector<256x1xf32>
    %slice3A_302 = vector.extract_strided_slice %max3A_52 {offsets = [0, 4032], sizes = [256, 64], strides = [1, 1]} : vector<256x4096xf32> to vector<256x64xf32>
    %reduce_max3A_303 = arith.constant dense<0xFF800000> : vector<256xf32>
    %reduce_max3A_304 = vector.multi_reduction <maximumf>, %slice3A_302, %reduce_max3A_303 [1] : vector<256x64xf32> to vector<256xf32>
    %broadcast_in_dim3A_305 = vector.shape_cast %reduce_max3A_304 : vector<256xf32> to vector<256x1xf32>
    %concatenate3A = tpu.concatenate %broadcast_in_dim3A, %broadcast_in_dim3A_57, %broadcast_in_dim3A_61, %broadcast_in_dim3A_65, %broadcast_in_dim3A_69, %broadcast_in_dim3A_73, %broadcast_in_dim3A_77, %broadcast_in_dim3A_81, %broadcast_in_dim3A_85, %broadcast_in_dim3A_89, %broadcast_in_dim3A_93, %broadcast_in_dim3A_97, %broadcast_in_dim3A_101, %broadcast_in_dim3A_105, %broadcast_in_dim3A_109, %broadcast_in_dim3A_113, %broadcast_in_dim3A_117, %broadcast_in_dim3A_121, %broadcast_in_dim3A_125, %broadcast_in_dim3A_129, %broadcast_in_dim3A_133, %broadcast_in_dim3A_137, %broadcast_in_dim3A_141, %broadcast_in_dim3A_145, %broadcast_in_dim3A_149, %broadcast_in_dim3A_153, %broadcast_in_dim3A_157, %broadcast_in_dim3A_161, %broadcast_in_dim3A_165, %broadcast_in_dim3A_169, %broadcast_in_dim3A_173, %broadcast_in_dim3A_177, %broadcast_in_dim3A_181, %broadcast_in_dim3A_185, %broadcast_in_dim3A_189, %broadcast_in_dim3A_193, %broadcast_in_dim3A_197, %broadcast_in_dim3A_201, %broadcast_in_dim3A_205, %broadcast_in_dim3A_209, %broadcast_in_dim3A_213, %broadcast_in_dim3A_217, %broadcast_in_dim3A_221, %broadcast_in_dim3A_225, %broadcast_in_dim3A_229, %broadcast_in_dim3A_233, %broadcast_in_dim3A_237, %broadcast_in_dim3A_241, %broadcast_in_dim3A_245, %broadcast_in_dim3A_249, %broadcast_in_dim3A_253, %broadcast_in_dim3A_257, %broadcast_in_dim3A_261, %broadcast_in_dim3A_265, %broadcast_in_dim3A_269, %broadcast_in_dim3A_273, %broadcast_in_dim3A_277, %broadcast_in_dim3A_281, %broadcast_in_dim3A_285, %broadcast_in_dim3A_289, %broadcast_in_dim3A_293, %broadcast_in_dim3A_297, %broadcast_in_dim3A_301, %broadcast_in_dim3A_305 in 1 : vector<256x1xf32>, vector<256x1xf32>, vector<256x1xf32>, vector<256x1xf32>, vector<256x1xf32>, vector<256x1xf32>, vector<256x1xf32>, vector<256x1xf32>, vector<256x1xf32>, vector<256x1xf32>, vector<256x1xf32>, vector<256x1xf32>, vector<256x1xf32>, vector<256x1xf32>, vector<256x1xf32>, vector<256x1xf32>, vector<256x1xf32>, vector<256x1xf32>, vector<256x1xf32>, vector<256x1xf32>, vector<256x1xf32>, vector<256x1xf32>, vector<256x1xf32>, vector<256x1xf32>, vector<256x1xf32>, vector<256x1xf32>, vector<256x1xf32>, vector<256x1xf32>, vector<256x1xf32>, vector<256x1xf32>, vector<256x1xf32>, vector<256x1xf32>, vector<256x1xf32>, vector<256x1xf32>, vector<256x1xf32>, vector<256x1xf32>, vector<256x1xf32>, vector<256x1xf32>, vector<256x1xf32>, vector<256x1xf32>, vector<256x1xf32>, vector<256x1xf32>, vector<256x1xf32>, vector<256x1xf32>, vector<256x1xf32>, vector<256x1xf32>, vector<256x1xf32>, vector<256x1xf32>, vector<256x1xf32>, vector<256x1xf32>, vector<256x1xf32>, vector<256x1xf32>, vector<256x1xf32>, vector<256x1xf32>, vector<256x1xf32>, vector<256x1xf32>, vector<256x1xf32>, vector<256x1xf32>, vector<256x1xf32>, vector<256x1xf32>, vector<256x1xf32>, vector<256x1xf32>, vector<256x1xf32>, vector<256x1xf32> -> vector<256x64xf32>
    %broadcast_in_dim3A_306 = vector.shape_cast %concatenate3A : vector<256x64xf32> to vector<1x256x64xf32>
    %swap3A = arith.constant 0 : index
    %swap3A_307 = arith.constant 0 : index
    %swap3A_308 = arith.constant 0 : index
    %swap3A_309 = vector.load %arg12[%swap3A, %swap3A_307, %swap3A_308] : memref<1x256x64xf32, #tpu.memory_space<vmem>>, vector<1x256x64xf32>
    tpu.vector_store %arg12[%swap3A, %swap3A_307, %swap3A_308], %broadcast_in_dim3A_306 {strides = array<i32>} : memref<1x256x64xf32, #tpu.memory_space<vmem>>, vector<1x256x64xf32>,
    return
  }
  func.func @transform_0(%arg0: i32) -> (i32, i32) {
    %c0_i32 = arith.constant 0 : i32
    %c0_i32_0 = arith.constant 0 : i32
    return %c0_i32, %arg0 : i32, i32
  }
  func.func @transform_1(%arg0: i32) -> (i32, i32) {
    %c0_i32 = arith.constant 0 : i32
    %c0_i32_0 = arith.constant 0 : i32
    return %arg0, %c0_i32 : i32, i32
  }
  func.func @transform_2(%arg0: i32) -> (i32, i32) {
    %c0_i32 = arith.constant 0 : i32
    %c0_i32_0 = arith.constant 0 : i32
    %c0_i32_1 = arith.constant 0 : i32
    return %c0_i32, %c0_i32_0 : i32, i32
  }
  func.func @transform_3(%arg0: i32) -> (i32, i32) {
    %c0_i32 = arith.constant 0 : i32
    %c0_i32_0 = arith.constant 0 : i32
    %c0_i32_1 = arith.constant 0 : i32
    return %c0_i32, %c0_i32_0 : i32, i32
  }
  func.func @transform_4(%arg0: i32) -> (i32, i32) {
    %c0_i32 = arith.constant 0 : i32
    %c0_i32_0 = arith.constant 0 : i32
    %c0_i32_1 = arith.constant 0 : i32
    return %c0_i32, %c0_i32_0 : i32, i32
  }
  func.func @transform_5(%arg0: i32) -> (i32, i32) {
    %c0_i32 = arith.constant 0 : i32
    %c0_i32_0 = arith.constant 0 : i32
    %c0_i32_1 = arith.constant 0 : i32
    return %c0_i32, %c0_i32_0 : i32, i32
  }
  func.func @transform_6(%arg0: i32) -> (i32, i32) {
    %c0_i32 = arith.constant 0 : i32
    %c0_i32_0 = arith.constant 0 : i32
    %c0_i32_1 = arith.constant 0 : i32
    return %c0_i32, %c0_i32_0 : i32, i32
  }
  func.func @transform_7(%arg0: i32) -> (i32, i32) {
    %c0_i32 = arith.constant 0 : i32
    %c0_i32_0 = arith.constant 0 : i32
    %c0_i32_1 = arith.constant 0 : i32
    return %c0_i32, %c0_i32_0 : i32, i32
  }
  func.func @transform_8(%arg0: i32) -> (i32, i32) {
    %c0_i32 = arith.constant 0 : i32
    %c0_i32_0 = arith.constant 0 : i32
    %c0_i32_1 = arith.constant 0 : i32
    return %c0_i32, %c0_i32_0 : i32, i32
  }
  func.func @transform_9(%arg0: i32) -> (i32, i32) {
    %c0_i32 = arith.constant 0 : i32
    %c0_i32_0 = arith.constant 0 : i32
    %c0_i32_1 = arith.constant 0 : i32
    return %c0_i32, %c0_i32_0 : i32, i32
  }
  func.func @transform_10(%arg0: i32) -> (i32, i32) {
    %c0_i32 = arith.constant 0 : i32
    %c0_i32_0 = arith.constant 0 : i32
    %c0_i32_1 = arith.constant 0 : i32
    return %c0_i32, %c0_i32_0 : i32, i32
  }
  func.func @transform_11(%arg0: i32) -> (i32, i32, i32) {
    %c0_i32 = arith.constant 0 : i32
    %c0_i32_0 = arith.constant 0 : i32
    %c0_i32_1 = arith.constant 0 : i32
    return %arg0, %c0_i32, %c0_i32_0 : i32, i32, i32
  }
}

module attributes {stable_mosaic.version = 14 : i64} {
  func.func @body(%arg0: memref<8x4096xf32, #tpu.memory_space<vmem>>, %arg1: memref<4096x256xf32, #tpu.memory_space<vmem>>, %arg2: memref<8x256xf32, #tpu.memory_space<vmem>>, %arg3: memref<256x256xf32, #tpu.memory_space<vmem>>, %arg4: memref<256x1xf32, #tpu.memory_space<vmem>>, %arg5: memref<256x1xf32, #tpu.memory_space<vmem>>, %arg6: memref<256x1xf32, #tpu.memory_space<vmem>>, %arg7: memref<256x32xf32, #tpu.memory_space<vmem>>) attributes {dimension_semantics = [], scalar_prefetch = 0 : i64, scratch_operands = 0 : i64, tpu.core_type = #tpu.core_type<tc>} {
    %get3A = arith.constant 0 : index
    %get3A_0 = arith.constant 0 : index
    %get3A_1 = vector.load %arg2[%get3A, %get3A_0] : memref<8x256xf32, #tpu.memory_space<vmem>>, vector<8x256xf32>
    %get3A_2 = arith.constant 0 : index
    %get3A_3 = arith.constant 0 : index
    %get3A_4 = vector.load %arg0[%get3A_2, %get3A_3] : memref<8x4096xf32, #tpu.memory_space<vmem>>, vector<8x4096xf32>
    %dot_general3A = arith.constant dense<0.000000e+00> : vector<256x4096xf32>
    %dot_general3A_5 = tpu.matmul %get3A_1, %get3A_4, %dot_general3A {dimension_numbers = #tpu.dot_dimension_numbers<[0], [0], [1], [1], [0, 1, 1, 1], [], []>, transpose_lhs_hint = false} : vector<8x256xf32>, vector<8x4096xf32>, vector<256x4096xf32> -> vector<256x4096xf32>
    %get3A_6 = arith.constant 0 : index
    %get3A_7 = arith.constant 0 : index
    %get3A_8 = vector.load %arg3[%get3A_6, %get3A_7] : memref<256x256xf32, #tpu.memory_space<vmem>>, vector<256x256xf32>
    %get3A_9 = arith.constant 0 : index
    %get3A_10 = arith.constant 0 : index
    %get3A_11 = vector.load %arg1[%get3A_9, %get3A_10] : memref<4096x256xf32, #tpu.memory_space<vmem>>, vector<4096x256xf32>
    %dot_general3A_12 = arith.constant dense<0.000000e+00> : vector<256x4096xf32>
    %dot_general3A_13 = tpu.matmul %get3A_8, %get3A_11, %dot_general3A_12 {dimension_numbers = #tpu.dot_dimension_numbers<[0], [1], [1], [0], [0, 1, 1, 0], [], []>, transpose_lhs_hint = false} : vector<256x256xf32>, vector<4096x256xf32>, vector<256x4096xf32> -> vector<256x4096xf32>
    %add3A = arith.addf %dot_general3A_5, %dot_general3A_13 : vector<256x4096xf32>
    %get3A_14 = arith.constant 0 : index
    %get3A_15 = arith.constant 0 : index
    %get3A_16 = vector.load %arg4[%get3A_14, %get3A_15] : memref<256x1xf32, #tpu.memory_space<vmem>>, vector<256x1xf32>
    %add3A_17 = vector.broadcast %get3A_16 : vector<256x1xf32> to vector<256x4096xf32>
    %add3A_18 = arith.addf %add3A, %add3A_17 : vector<256x4096xf32>
    %reduce_sum3A = arith.constant dense<0.000000e+00> : vector<256xf32>
    %reduce_sum3A_19 = vector.multi_reduction <add>, %add3A_18, %reduce_sum3A [1] : vector<256x4096xf32> to vector<256xf32>
    %broadcast_in_dim3A = vector.shape_cast %reduce_sum3A_19 : vector<256xf32> to vector<256x1xf32>
    %div3A = arith.constant 4.096000e+03 : f32
    %div3A_20 = vector.broadcast %div3A : f32 to vector<256x1xf32>
    %div3A_21 = arith.divf %broadcast_in_dim3A, %div3A_20 : vector<256x1xf32>
    %mul3A = arith.mulf %add3A_18, %add3A_18 : vector<256x4096xf32>
    %reduce_sum3A_22 = arith.constant dense<0.000000e+00> : vector<256xf32>
    %reduce_sum3A_23 = vector.multi_reduction <add>, %mul3A, %reduce_sum3A_22 [1] : vector<256x4096xf32> to vector<256xf32>
    %broadcast_in_dim3A_24 = vector.shape_cast %reduce_sum3A_23 : vector<256xf32> to vector<256x1xf32>
    %div3A_25 = arith.constant 4.096000e+03 : f32
    %div3A_26 = vector.broadcast %div3A_25 : f32 to vector<256x1xf32>
    %div3A_27 = arith.divf %broadcast_in_dim3A_24, %div3A_26 : vector<256x1xf32>
    %mul3A_28 = arith.mulf %div3A_21, %div3A_21 : vector<256x1xf32>
    %sub3A = arith.subf %div3A_27, %mul3A_28 : vector<256x1xf32>
    %get3A_29 = arith.constant 0 : index
    %get3A_30 = arith.constant 0 : index
    %get3A_31 = vector.load %arg5[%get3A_29, %get3A_30] : memref<256x1xf32, #tpu.memory_space<vmem>>, vector<256x1xf32>
    %add3A_32 = arith.constant 9.99999974E-6 : f32
    %add3A_33 = vector.broadcast %add3A_32 : f32 to vector<256x1xf32>
    %add3A_34 = arith.addf %sub3A, %add3A_33 : vector<256x1xf32>
    %sqrt3A = math.sqrt %add3A_34 : vector<256x1xf32>
    %div3A_35 = arith.divf %get3A_31, %sqrt3A : vector<256x1xf32>
    %get3A_36 = arith.constant 0 : index
    %get3A_37 = arith.constant 0 : index
    %get3A_38 = vector.load %arg6[%get3A_36, %get3A_37] : memref<256x1xf32, #tpu.memory_space<vmem>>, vector<256x1xf32>
    %mul3A_39 = arith.mulf %div3A_21, %div3A_35 : vector<256x1xf32>
    %sub3A_40 = arith.subf %get3A_38, %mul3A_39 : vector<256x1xf32>
    %mul3A_41 = vector.broadcast %div3A_35 : vector<256x1xf32> to vector<256x4096xf32>
    %mul3A_42 = arith.mulf %add3A_18, %mul3A_41 : vector<256x4096xf32>
    %add3A_43 = vector.broadcast %sub3A_40 : vector<256x1xf32> to vector<256x4096xf32>
    %add3A_44 = arith.addf %mul3A_42, %add3A_43 : vector<256x4096xf32>
    %max3A = arith.constant 0.000000e+00 : f32
    %max3A_45 = vector.broadcast %max3A : f32 to vector<256x4096xf32>
    %max3A_46 = arith.maximumf %add3A_44, %max3A_45 : vector<256x4096xf32>
    %slice3A = vector.extract_strided_slice %max3A_46 {offsets = [0, 0], sizes = [256, 128], strides = [1, 1]} : vector<256x4096xf32> to vector<256x128xf32>
    %reduce_max3A = arith.constant dense<0xFF800000> : vector<256xf32>
    %reduce_max3A_47 = vector.multi_reduction <maximumf>, %slice3A, %reduce_max3A [1] : vector<256x128xf32> to vector<256xf32>
    %broadcast_in_dim3A_48 = vector.shape_cast %reduce_max3A_47 : vector<256xf32> to vector<256x1xf32>
    %slice3A_49 = vector.extract_strided_slice %max3A_46 {offsets = [0, 128], sizes = [256, 128], strides = [1, 1]} : vector<256x4096xf32> to vector<256x128xf32>
    %reduce_max3A_50 = arith.constant dense<0xFF800000> : vector<256xf32>
    %reduce_max3A_51 = vector.multi_reduction <maximumf>, %slice3A_49, %reduce_max3A_50 [1] : vector<256x128xf32> to vector<256xf32>
    %broadcast_in_dim3A_52 = vector.shape_cast %reduce_max3A_51 : vector<256xf32> to vector<256x1xf32>
    %slice3A_53 = vector.extract_strided_slice %max3A_46 {offsets = [0, 256], sizes = [256, 128], strides = [1, 1]} : vector<256x4096xf32> to vector<256x128xf32>
    %reduce_max3A_54 = arith.constant dense<0xFF800000> : vector<256xf32>
    %reduce_max3A_55 = vector.multi_reduction <maximumf>, %slice3A_53, %reduce_max3A_54 [1] : vector<256x128xf32> to vector<256xf32>
    %broadcast_in_dim3A_56 = vector.shape_cast %reduce_max3A_55 : vector<256xf32> to vector<256x1xf32>
    %slice3A_57 = vector.extract_strided_slice %max3A_46 {offsets = [0, 384], sizes = [256, 128], strides = [1, 1]} : vector<256x4096xf32> to vector<256x128xf32>
    %reduce_max3A_58 = arith.constant dense<0xFF800000> : vector<256xf32>
    %reduce_max3A_59 = vector.multi_reduction <maximumf>, %slice3A_57, %reduce_max3A_58 [1] : vector<256x128xf32> to vector<256xf32>
    %broadcast_in_dim3A_60 = vector.shape_cast %reduce_max3A_59 : vector<256xf32> to vector<256x1xf32>
    %slice3A_61 = vector.extract_strided_slice %max3A_46 {offsets = [0, 512], sizes = [256, 128], strides = [1, 1]} : vector<256x4096xf32> to vector<256x128xf32>
    %reduce_max3A_62 = arith.constant dense<0xFF800000> : vector<256xf32>
    %reduce_max3A_63 = vector.multi_reduction <maximumf>, %slice3A_61, %reduce_max3A_62 [1] : vector<256x128xf32> to vector<256xf32>
    %broadcast_in_dim3A_64 = vector.shape_cast %reduce_max3A_63 : vector<256xf32> to vector<256x1xf32>
    %slice3A_65 = vector.extract_strided_slice %max3A_46 {offsets = [0, 640], sizes = [256, 128], strides = [1, 1]} : vector<256x4096xf32> to vector<256x128xf32>
    %reduce_max3A_66 = arith.constant dense<0xFF800000> : vector<256xf32>
    %reduce_max3A_67 = vector.multi_reduction <maximumf>, %slice3A_65, %reduce_max3A_66 [1] : vector<256x128xf32> to vector<256xf32>
    %broadcast_in_dim3A_68 = vector.shape_cast %reduce_max3A_67 : vector<256xf32> to vector<256x1xf32>
    %slice3A_69 = vector.extract_strided_slice %max3A_46 {offsets = [0, 768], sizes = [256, 128], strides = [1, 1]} : vector<256x4096xf32> to vector<256x128xf32>
    %reduce_max3A_70 = arith.constant dense<0xFF800000> : vector<256xf32>
    %reduce_max3A_71 = vector.multi_reduction <maximumf>, %slice3A_69, %reduce_max3A_70 [1] : vector<256x128xf32> to vector<256xf32>
    %broadcast_in_dim3A_72 = vector.shape_cast %reduce_max3A_71 : vector<256xf32> to vector<256x1xf32>
    %slice3A_73 = vector.extract_strided_slice %max3A_46 {offsets = [0, 896], sizes = [256, 128], strides = [1, 1]} : vector<256x4096xf32> to vector<256x128xf32>
    %reduce_max3A_74 = arith.constant dense<0xFF800000> : vector<256xf32>
    %reduce_max3A_75 = vector.multi_reduction <maximumf>, %slice3A_73, %reduce_max3A_74 [1] : vector<256x128xf32> to vector<256xf32>
    %broadcast_in_dim3A_76 = vector.shape_cast %reduce_max3A_75 : vector<256xf32> to vector<256x1xf32>
    %slice3A_77 = vector.extract_strided_slice %max3A_46 {offsets = [0, 1024], sizes = [256, 128], strides = [1, 1]} : vector<256x4096xf32> to vector<256x128xf32>
    %reduce_max3A_78 = arith.constant dense<0xFF800000> : vector<256xf32>
    %reduce_max3A_79 = vector.multi_reduction <maximumf>, %slice3A_77, %reduce_max3A_78 [1] : vector<256x128xf32> to vector<256xf32>
    %broadcast_in_dim3A_80 = vector.shape_cast %reduce_max3A_79 : vector<256xf32> to vector<256x1xf32>
    %slice3A_81 = vector.extract_strided_slice %max3A_46 {offsets = [0, 1152], sizes = [256, 128], strides = [1, 1]} : vector<256x4096xf32> to vector<256x128xf32>
    %reduce_max3A_82 = arith.constant dense<0xFF800000> : vector<256xf32>
    %reduce_max3A_83 = vector.multi_reduction <maximumf>, %slice3A_81, %reduce_max3A_82 [1] : vector<256x128xf32> to vector<256xf32>
    %broadcast_in_dim3A_84 = vector.shape_cast %reduce_max3A_83 : vector<256xf32> to vector<256x1xf32>
    %slice3A_85 = vector.extract_strided_slice %max3A_46 {offsets = [0, 1280], sizes = [256, 128], strides = [1, 1]} : vector<256x4096xf32> to vector<256x128xf32>
    %reduce_max3A_86 = arith.constant dense<0xFF800000> : vector<256xf32>
    %reduce_max3A_87 = vector.multi_reduction <maximumf>, %slice3A_85, %reduce_max3A_86 [1] : vector<256x128xf32> to vector<256xf32>
    %broadcast_in_dim3A_88 = vector.shape_cast %reduce_max3A_87 : vector<256xf32> to vector<256x1xf32>
    %slice3A_89 = vector.extract_strided_slice %max3A_46 {offsets = [0, 1408], sizes = [256, 128], strides = [1, 1]} : vector<256x4096xf32> to vector<256x128xf32>
    %reduce_max3A_90 = arith.constant dense<0xFF800000> : vector<256xf32>
    %reduce_max3A_91 = vector.multi_reduction <maximumf>, %slice3A_89, %reduce_max3A_90 [1] : vector<256x128xf32> to vector<256xf32>
    %broadcast_in_dim3A_92 = vector.shape_cast %reduce_max3A_91 : vector<256xf32> to vector<256x1xf32>
    %slice3A_93 = vector.extract_strided_slice %max3A_46 {offsets = [0, 1536], sizes = [256, 128], strides = [1, 1]} : vector<256x4096xf32> to vector<256x128xf32>
    %reduce_max3A_94 = arith.constant dense<0xFF800000> : vector<256xf32>
    %reduce_max3A_95 = vector.multi_reduction <maximumf>, %slice3A_93, %reduce_max3A_94 [1] : vector<256x128xf32> to vector<256xf32>
    %broadcast_in_dim3A_96 = vector.shape_cast %reduce_max3A_95 : vector<256xf32> to vector<256x1xf32>
    %slice3A_97 = vector.extract_strided_slice %max3A_46 {offsets = [0, 1664], sizes = [256, 128], strides = [1, 1]} : vector<256x4096xf32> to vector<256x128xf32>
    %reduce_max3A_98 = arith.constant dense<0xFF800000> : vector<256xf32>
    %reduce_max3A_99 = vector.multi_reduction <maximumf>, %slice3A_97, %reduce_max3A_98 [1] : vector<256x128xf32> to vector<256xf32>
    %broadcast_in_dim3A_100 = vector.shape_cast %reduce_max3A_99 : vector<256xf32> to vector<256x1xf32>
    %slice3A_101 = vector.extract_strided_slice %max3A_46 {offsets = [0, 1792], sizes = [256, 128], strides = [1, 1]} : vector<256x4096xf32> to vector<256x128xf32>
    %reduce_max3A_102 = arith.constant dense<0xFF800000> : vector<256xf32>
    %reduce_max3A_103 = vector.multi_reduction <maximumf>, %slice3A_101, %reduce_max3A_102 [1] : vector<256x128xf32> to vector<256xf32>
    %broadcast_in_dim3A_104 = vector.shape_cast %reduce_max3A_103 : vector<256xf32> to vector<256x1xf32>
    %slice3A_105 = vector.extract_strided_slice %max3A_46 {offsets = [0, 1920], sizes = [256, 128], strides = [1, 1]} : vector<256x4096xf32> to vector<256x128xf32>
    %reduce_max3A_106 = arith.constant dense<0xFF800000> : vector<256xf32>
    %reduce_max3A_107 = vector.multi_reduction <maximumf>, %slice3A_105, %reduce_max3A_106 [1] : vector<256x128xf32> to vector<256xf32>
    %broadcast_in_dim3A_108 = vector.shape_cast %reduce_max3A_107 : vector<256xf32> to vector<256x1xf32>
    %slice3A_109 = vector.extract_strided_slice %max3A_46 {offsets = [0, 2048], sizes = [256, 128], strides = [1, 1]} : vector<256x4096xf32> to vector<256x128xf32>
    %reduce_max3A_110 = arith.constant dense<0xFF800000> : vector<256xf32>
    %reduce_max3A_111 = vector.multi_reduction <maximumf>, %slice3A_109, %reduce_max3A_110 [1] : vector<256x128xf32> to vector<256xf32>
    %broadcast_in_dim3A_112 = vector.shape_cast %reduce_max3A_111 : vector<256xf32> to vector<256x1xf32>
    %slice3A_113 = vector.extract_strided_slice %max3A_46 {offsets = [0, 2176], sizes = [256, 128], strides = [1, 1]} : vector<256x4096xf32> to vector<256x128xf32>
    %reduce_max3A_114 = arith.constant dense<0xFF800000> : vector<256xf32>
    %reduce_max3A_115 = vector.multi_reduction <maximumf>, %slice3A_113, %reduce_max3A_114 [1] : vector<256x128xf32> to vector<256xf32>
    %broadcast_in_dim3A_116 = vector.shape_cast %reduce_max3A_115 : vector<256xf32> to vector<256x1xf32>
    %slice3A_117 = vector.extract_strided_slice %max3A_46 {offsets = [0, 2304], sizes = [256, 128], strides = [1, 1]} : vector<256x4096xf32> to vector<256x128xf32>
    %reduce_max3A_118 = arith.constant dense<0xFF800000> : vector<256xf32>
    %reduce_max3A_119 = vector.multi_reduction <maximumf>, %slice3A_117, %reduce_max3A_118 [1] : vector<256x128xf32> to vector<256xf32>
    %broadcast_in_dim3A_120 = vector.shape_cast %reduce_max3A_119 : vector<256xf32> to vector<256x1xf32>
    %slice3A_121 = vector.extract_strided_slice %max3A_46 {offsets = [0, 2432], sizes = [256, 128], strides = [1, 1]} : vector<256x4096xf32> to vector<256x128xf32>
    %reduce_max3A_122 = arith.constant dense<0xFF800000> : vector<256xf32>
    %reduce_max3A_123 = vector.multi_reduction <maximumf>, %slice3A_121, %reduce_max3A_122 [1] : vector<256x128xf32> to vector<256xf32>
    %broadcast_in_dim3A_124 = vector.shape_cast %reduce_max3A_123 : vector<256xf32> to vector<256x1xf32>
    %slice3A_125 = vector.extract_strided_slice %max3A_46 {offsets = [0, 2560], sizes = [256, 128], strides = [1, 1]} : vector<256x4096xf32> to vector<256x128xf32>
    %reduce_max3A_126 = arith.constant dense<0xFF800000> : vector<256xf32>
    %reduce_max3A_127 = vector.multi_reduction <maximumf>, %slice3A_125, %reduce_max3A_126 [1] : vector<256x128xf32> to vector<256xf32>
    %broadcast_in_dim3A_128 = vector.shape_cast %reduce_max3A_127 : vector<256xf32> to vector<256x1xf32>
    %slice3A_129 = vector.extract_strided_slice %max3A_46 {offsets = [0, 2688], sizes = [256, 128], strides = [1, 1]} : vector<256x4096xf32> to vector<256x128xf32>
    %reduce_max3A_130 = arith.constant dense<0xFF800000> : vector<256xf32>
    %reduce_max3A_131 = vector.multi_reduction <maximumf>, %slice3A_129, %reduce_max3A_130 [1] : vector<256x128xf32> to vector<256xf32>
    %broadcast_in_dim3A_132 = vector.shape_cast %reduce_max3A_131 : vector<256xf32> to vector<256x1xf32>
    %slice3A_133 = vector.extract_strided_slice %max3A_46 {offsets = [0, 2816], sizes = [256, 128], strides = [1, 1]} : vector<256x4096xf32> to vector<256x128xf32>
    %reduce_max3A_134 = arith.constant dense<0xFF800000> : vector<256xf32>
    %reduce_max3A_135 = vector.multi_reduction <maximumf>, %slice3A_133, %reduce_max3A_134 [1] : vector<256x128xf32> to vector<256xf32>
    %broadcast_in_dim3A_136 = vector.shape_cast %reduce_max3A_135 : vector<256xf32> to vector<256x1xf32>
    %slice3A_137 = vector.extract_strided_slice %max3A_46 {offsets = [0, 2944], sizes = [256, 128], strides = [1, 1]} : vector<256x4096xf32> to vector<256x128xf32>
    %reduce_max3A_138 = arith.constant dense<0xFF800000> : vector<256xf32>
    %reduce_max3A_139 = vector.multi_reduction <maximumf>, %slice3A_137, %reduce_max3A_138 [1] : vector<256x128xf32> to vector<256xf32>
    %broadcast_in_dim3A_140 = vector.shape_cast %reduce_max3A_139 : vector<256xf32> to vector<256x1xf32>
    %slice3A_141 = vector.extract_strided_slice %max3A_46 {offsets = [0, 3072], sizes = [256, 128], strides = [1, 1]} : vector<256x4096xf32> to vector<256x128xf32>
    %reduce_max3A_142 = arith.constant dense<0xFF800000> : vector<256xf32>
    %reduce_max3A_143 = vector.multi_reduction <maximumf>, %slice3A_141, %reduce_max3A_142 [1] : vector<256x128xf32> to vector<256xf32>
    %broadcast_in_dim3A_144 = vector.shape_cast %reduce_max3A_143 : vector<256xf32> to vector<256x1xf32>
    %slice3A_145 = vector.extract_strided_slice %max3A_46 {offsets = [0, 3200], sizes = [256, 128], strides = [1, 1]} : vector<256x4096xf32> to vector<256x128xf32>
    %reduce_max3A_146 = arith.constant dense<0xFF800000> : vector<256xf32>
    %reduce_max3A_147 = vector.multi_reduction <maximumf>, %slice3A_145, %reduce_max3A_146 [1] : vector<256x128xf32> to vector<256xf32>
    %broadcast_in_dim3A_148 = vector.shape_cast %reduce_max3A_147 : vector<256xf32> to vector<256x1xf32>
    %slice3A_149 = vector.extract_strided_slice %max3A_46 {offsets = [0, 3328], sizes = [256, 128], strides = [1, 1]} : vector<256x4096xf32> to vector<256x128xf32>
    %reduce_max3A_150 = arith.constant dense<0xFF800000> : vector<256xf32>
    %reduce_max3A_151 = vector.multi_reduction <maximumf>, %slice3A_149, %reduce_max3A_150 [1] : vector<256x128xf32> to vector<256xf32>
    %broadcast_in_dim3A_152 = vector.shape_cast %reduce_max3A_151 : vector<256xf32> to vector<256x1xf32>
    %slice3A_153 = vector.extract_strided_slice %max3A_46 {offsets = [0, 3456], sizes = [256, 128], strides = [1, 1]} : vector<256x4096xf32> to vector<256x128xf32>
    %reduce_max3A_154 = arith.constant dense<0xFF800000> : vector<256xf32>
    %reduce_max3A_155 = vector.multi_reduction <maximumf>, %slice3A_153, %reduce_max3A_154 [1] : vector<256x128xf32> to vector<256xf32>
    %broadcast_in_dim3A_156 = vector.shape_cast %reduce_max3A_155 : vector<256xf32> to vector<256x1xf32>
    %slice3A_157 = vector.extract_strided_slice %max3A_46 {offsets = [0, 3584], sizes = [256, 128], strides = [1, 1]} : vector<256x4096xf32> to vector<256x128xf32>
    %reduce_max3A_158 = arith.constant dense<0xFF800000> : vector<256xf32>
    %reduce_max3A_159 = vector.multi_reduction <maximumf>, %slice3A_157, %reduce_max3A_158 [1] : vector<256x128xf32> to vector<256xf32>
    %broadcast_in_dim3A_160 = vector.shape_cast %reduce_max3A_159 : vector<256xf32> to vector<256x1xf32>
    %slice3A_161 = vector.extract_strided_slice %max3A_46 {offsets = [0, 3712], sizes = [256, 128], strides = [1, 1]} : vector<256x4096xf32> to vector<256x128xf32>
    %reduce_max3A_162 = arith.constant dense<0xFF800000> : vector<256xf32>
    %reduce_max3A_163 = vector.multi_reduction <maximumf>, %slice3A_161, %reduce_max3A_162 [1] : vector<256x128xf32> to vector<256xf32>
    %broadcast_in_dim3A_164 = vector.shape_cast %reduce_max3A_163 : vector<256xf32> to vector<256x1xf32>
    %slice3A_165 = vector.extract_strided_slice %max3A_46 {offsets = [0, 3840], sizes = [256, 128], strides = [1, 1]} : vector<256x4096xf32> to vector<256x128xf32>
    %reduce_max3A_166 = arith.constant dense<0xFF800000> : vector<256xf32>
    %reduce_max3A_167 = vector.multi_reduction <maximumf>, %slice3A_165, %reduce_max3A_166 [1] : vector<256x128xf32> to vector<256xf32>
    %broadcast_in_dim3A_168 = vector.shape_cast %reduce_max3A_167 : vector<256xf32> to vector<256x1xf32>
    %slice3A_169 = vector.extract_strided_slice %max3A_46 {offsets = [0, 3968], sizes = [256, 128], strides = [1, 1]} : vector<256x4096xf32> to vector<256x128xf32>
    %reduce_max3A_170 = arith.constant dense<0xFF800000> : vector<256xf32>
    %reduce_max3A_171 = vector.multi_reduction <maximumf>, %slice3A_169, %reduce_max3A_170 [1] : vector<256x128xf32> to vector<256xf32>
    %broadcast_in_dim3A_172 = vector.shape_cast %reduce_max3A_171 : vector<256xf32> to vector<256x1xf32>
    %concatenate3A = tpu.concatenate %broadcast_in_dim3A_48, %broadcast_in_dim3A_52, %broadcast_in_dim3A_56, %broadcast_in_dim3A_60, %broadcast_in_dim3A_64, %broadcast_in_dim3A_68, %broadcast_in_dim3A_72, %broadcast_in_dim3A_76, %broadcast_in_dim3A_80, %broadcast_in_dim3A_84, %broadcast_in_dim3A_88, %broadcast_in_dim3A_92, %broadcast_in_dim3A_96, %broadcast_in_dim3A_100, %broadcast_in_dim3A_104, %broadcast_in_dim3A_108, %broadcast_in_dim3A_112, %broadcast_in_dim3A_116, %broadcast_in_dim3A_120, %broadcast_in_dim3A_124, %broadcast_in_dim3A_128, %broadcast_in_dim3A_132, %broadcast_in_dim3A_136, %broadcast_in_dim3A_140, %broadcast_in_dim3A_144, %broadcast_in_dim3A_148, %broadcast_in_dim3A_152, %broadcast_in_dim3A_156, %broadcast_in_dim3A_160, %broadcast_in_dim3A_164, %broadcast_in_dim3A_168, %broadcast_in_dim3A_172 in 1 : vector<256x1xf32>, vector<256x1xf32>, vector<256x1xf32>, vector<256x1xf32>, vector<256x1xf32>, vector<256x1xf32>, vector<256x1xf32>, vector<256x1xf32>, vector<256x1xf32>, vector<256x1xf32>, vector<256x1xf32>, vector<256x1xf32>, vector<256x1xf32>, vector<256x1xf32>, vector<256x1xf32>, vector<256x1xf32>, vector<256x1xf32>, vector<256x1xf32>, vector<256x1xf32>, vector<256x1xf32>, vector<256x1xf32>, vector<256x1xf32>, vector<256x1xf32>, vector<256x1xf32>, vector<256x1xf32>, vector<256x1xf32>, vector<256x1xf32>, vector<256x1xf32>, vector<256x1xf32>, vector<256x1xf32>, vector<256x1xf32>, vector<256x1xf32> -> vector<256x32xf32>
    %swap3A = arith.constant 0 : index
    %swap3A_173 = arith.constant 0 : index
    %swap3A_174 = vector.load %arg7[%swap3A, %swap3A_173] : memref<256x32xf32, #tpu.memory_space<vmem>>, vector<256x32xf32>
    tpu.vector_store %arg7[%swap3A, %swap3A_173], %concatenate3A {strides = array<i32>} : memref<256x32xf32, #tpu.memory_space<vmem>>, vector<256x32xf32>,
    return
  }
}

</mosaic_0001>

<sc_bundles>
// kernel: kernel.13.cloned.1.call-start
scs
__scs_entry_jumppad:
0x0: {  	(pc) =	sbr.rel $0x88, $3  }
0x1: {  	(tag) =	ssettag $0x0;
	lr =	simm.s32 $0x1  }
0x2: {  	[smem:$0x3F8C] =	sst lr;
	_ =	strace $0xD0000000  }
0x3: {  	_ = 	snop  }
0x4: {  	_ = 	snop  }
0x5: {  	_ = 	snop  }
0x6: {  	_ = 	snop  }
0x7: {  	_ = 	snop  }
__scs_overlays_trampoline_lowered:
0x8: {  	[smem:$0x3F9B] =	sst s0  }
0x9: {  	[smem:$0x3F9C] =	sst s1  }
0xa: {  	[smem:$0x3F9D] =	sst s2  }
0xb: {  	[smem:$0x3F9E] =	sst s3  }
0xc: {  	[smem:$0x3F9F] =	sst s4  }
0xd: {  	[smem:$0x3FA0] =	sst s5  }
0xe: {  	[smem:$0x3FA1] =	sst s6  }
0xf: {  	[smem:$0x3FA2] =	sst s7  }
0x10: {  	[smem:$0x3FA3] =	sst s8  }
0x11: {  	[smem:$0x3FA4] =	sst s9;
	s0 =	simm.s32 @!p0 $0x0  }
0x12: {  	s1 =	sld [smem:$0x3F8A];
	s0 =	simm.s32 @p0 $0x1  }
0x13: {  	[smem:$0x3FA5] =	sst s0;
	s0 =	simm.s32 @!p1 $0x0  }
0x14: {  	s2 =	sld [smem:$0x3F89];
	s0 =	simm.s32 @p1 $0x1  }
0x15: {  	[smem:$0x3FA6] =	sst s0;
	s0 =	simm.s32 @!p2 $0x0  }
0x16: {  	s3 =	sld [smem:$0x3FDB];
	s0 =	simm.s32 @p2 $0x1  }
0x17: {  	s4 =	simm.s32 $0x1BF5;
	[smem:$0x3FA8] =	sst s0  }
0x18: {  	s0 =	sld [smem:$0x3F8B];
	_ =	swait.ge [sflag:s4], $0x0  }
0x19: {  	s7 =	sld [smem:$0x3F8C]  }
0x1a: {  	s8 =	sadd.s32 $0xFFFFE003, lr  }
0x1b: {  	s9 =	sadd.s32 $0xFFFFFEF7, lr;
	s5 =	simm.s32 $0xFFFFFFFF;
	p2 =	slt.u32 s8, $0xFFFFF086  }
0x1c: {  	p1 =	slt.u32 s9, $0xF7A;
	s5 =	simm.s32 @!p2 $0x0  }
0x1d: {  	s5 =	simm.s32 @p1 $0x1;
	p0 =	seq.s32 s7, s2  }
0x1e: {  	s7 =	smul.u32 @!p0 $0xF7A, s2;
	p2 =	seq.s32 @!p0 s5, $0x0  }
0x1f: {  	s9 =	smul.u32 $0xF7A, s1;
	s8 =	simm.s32 @!p0 $0x1BF5;
	p2 =	por !p2, p0  }
0x20: {  	[sflag:s8] =	ssyncset.s32 @!p0 $0xFFFFF086;
	s6 =	sadd.s32 @!p0 s3, s7;
	s7 =	simm.s32 @!p0 $0x108  }
0x21: {  	s3 =	sadd.s32 s3, s9;
	s6 =	sadd.s32 @!p0 $0x88, s6;
	s7 =	simm.s32 @p2 $0x1082  }
0x22: {  	[simem:s7], [sflag:s8] =	dma.local @!p0 [hbm:s6], $0xF7A  }
0x23: {  	s9 =	sor.u32 $0xD0000000, s2;
	s6 =	simm.s32 $0x108;
	_ =	swait.ge @!p0 [sflag:s8], $0x0  }
0x24: {  	s3 =	sadd.s32 $0x88, s3;
	s6 =	simm.s32 @!p1 $0x1082;
	[sflag:s4] =	ssyncset.s32 $0xFFFFF086  }
0x25: {  	[simem:s6], [sflag:s4] =	dma.local [hbm:s3], $0xF7A  }
0x26: {  	[smem:$0x3F8C] =	sst s1;
	(tag) =	ssettag s2;
	_ =	strace s9  }
0x27: {  	s1 =	sld [smem:$0x3F9C]  }
0x28: {  	s2 =	sld [smem:$0x3F9D]  }
0x29: {  	s4 =	sld [smem:$0x3F9F]  }
0x2a: {  	p0 =	seq.s32 s5, $0x0;
	s5 =	sld [smem:$0x3FA0]  }
0x2b: {  	s6 =	sld [smem:$0x3FA1]  }
0x2c: {  	s7 =	sld [smem:$0x3FA2]  }
0x2d: {  	s3 =	simm.s32 $0x108;
	s8 =	sld [smem:$0x3FA3]  }
0x2e: {  	s3 =	simm.s32 @!p0 $0x1082;
	s9 =	sld [smem:$0x3FA4]  }
0x2f: {  	lr =	sadd.s32 s0, s3;
	s0 =	sld [smem:$0x3F9B]  }
0x30: {  	s3 =	sld [smem:$0x3F9E]  }
0x31: {  	[smem:$0x3FA7] =	sst s10  }
0x32: {  	s10 =	sld [smem:$0x3FA5];
	_ =	sdelay $0x3  }
0x33: {  	p0 =	seq.s32 s10, $0x1;
	s10 =	sld [smem:$0x3FA7];
	_ =	sdelay $0x3  }
0x34: {  	[smem:$0x3FA7] =	sst s10  }
0x35: {  	s10 =	sld [smem:$0x3FA6];
	_ =	sdelay $0x3  }
0x36: {  	p1 =	seq.s32 s10, $0x1;
	s10 =	sld [smem:$0x3FA7];
	_ =	sdelay $0x3  }
0x37: {  	[smem:$0x3FA7] =	sst s10  }
0x38: {  	s10 =	sld [smem:$0x3FA8]  }
0x39: {  	_ = 	snop;
	(pc) =	sbr.ind lr, $3  }
0x3a: {  	_ = 	snop  }
0x3b: {  	_ = 	snop  }
0x3c: {  	p2 =	seq.s32 s10, $0x1;
	s10 =	sld [smem:$0x3FA7]  }
0x3d: {  	_ =	shalt  }
0x3e: {  	_ =	shalt  }
0x3f: {  	_ =	shalt  }
0x40: {  	_ =	shalt  }
0x41: {  	_ =	shalt  }
0x42: {  	_ =	shalt  }
0x43: {  	_ =	shalt  }
0x44: {  	_ =	shalt  }
0x45: {  	_ =	shalt  }
0x46: {  	_ =	shalt  }
0x47: {  	_ =	shalt  }
0x48: {  	_ =	shalt  }
0x49: {  	_ =	shalt  }
0x4a: {  	_ =	shalt  }
0x4b: {  	_ =	shalt  }
0x4c: {  	_ =	shalt  }
0x4d: {  	_ =	shalt  }
0x4e: {  	_ =	shalt  }
0x4f: {  	_ =	shalt  }
0x50: {  	_ =	shalt  }
0x51: {  	_ =	shalt  }
0x52: {  	_ =	shalt  }
0x53: {  	_ =	shalt  }
0x54: {  	_ =	shalt  }
0x55: {  	_ =	shalt  }
0x56: {  	_ =	shalt  }
0x57: {  	_ =	shalt  }
0x58: {  	_ =	shalt  }
0x59: {  	_ =	shalt  }
0x5a: {  	_ =	shalt  }
0x5b: {  	_ =	shalt  }
0x5c: {  	_ =	shalt  }
0x5d: {  	_ =	shalt  }
0x5e: {  	_ =	shalt  }
0x5f: {  	_ =	shalt  }
0x60: {  	_ =	shalt  }
0x61: {  	_ =	shalt  }
0x62: {  	_ =	shalt  }
0x63: {  	_ =	shalt  }
0x64: {  	_ =	shalt  }
0x65: {  	_ =	shalt  }
0x66: {  	_ =	shalt  }
0x67: {  	_ =	shalt  }
0x68: {  	_ =	shalt  }
0x69: {  	_ =	shalt  }
0x6a: {  	_ =	shalt  }
0x6b: {  	_ =	shalt  }
0x6c: {  	_ =	shalt  }
0x6d: {  	_ =	shalt  }
0x6e: {  	_ =	shalt  }
0x6f: {  	_ =	shalt  }
0x70: {  	_ =	shalt  }
0x71: {  	_ =	shalt  }
0x72: {  	_ =	shalt  }
0x73: {  	_ =	shalt  }
0x74: {  	_ =	shalt  }
0x75: {  	_ =	shalt  }
0x76: {  	_ =	shalt  }
0x77: {  	_ =	shalt  }
0x78: {  	_ =	shalt  }
0x79: {  	_ =	shalt  }
0x7a: {  	_ =	shalt  }
0x7b: {  	_ =	shalt  }
0x7c: {  	_ =	shalt  }
0x7d: {  	_ =	shalt  }
0x7e: {  	_ =	shalt  }
0x7f: {  	_ =	shalt  }
0x80: {  	_ =	shalt  }
0x81: {  	_ =	shalt  }
0x82: {  	_ =	shalt  }
0x83: {  	_ =	shalt  }
0x84: {  	_ =	shalt  }
0x85: {  	_ =	shalt  }
0x86: {  	_ =	shalt  }
0x87: {  	_ =	shalt  }
.Lfunc_end0:
.L_simem_size_0:
called_computation_lowered:
.L_overlay_start_0:
0x88: {  	s2 =	sld [smem:$0x3FD9]  }
0x89: {  	s3 =	sld [smem:$0x3FFE];
	_ =	sdelay $0x1  }
0x8a: {  	s1 =	srdreg.scid  }
0x8b: {  	s0 =	sand.u32 $0x1, s1  }
0x8c: {  	s16 =	sshll.u32 s0, $0xA;
	s2 =	sadd.s32 s3, s2  }
0x8d: {  	s2 =	sadd.s32 s2, s16  }
0x8e: {  	[smem:$0x3FB3] =	sst s2  }
0x8f: {  	_ = 	snop  }
0x90: {  	(tm) =	ssettm $0x1  }
0x91: {  	s17 =	sld [smem:$0x3FFB];
	_ =	sdelay $0x3  }
0x92: {  	_ =	strace s17  }
0x93: {  	s2 =	sld [smem:$0x3FFC];
	_ =	sdelay $0x3  }
0x94: {  	_ =	strace s2  }
0x95: {  	s2 =	sld [smem:$0x3FFD];
	_ =	sdelay $0x3  }
0x96: {  	_ =	strace s2  }
0x97: {  	_ =	strace $0x8FFFFFFF  }
0x98: {  	s18 =	sld [smem:$0x3FDB];
	_ =	sdelay $0x1  }
0x99: {  	s19 =	simm.s32 $_scs_section_size  }
0x9a: {  	s4 =	simm.s32 $_size__tile_overlayer_lowered;
	s5 =	simm.s32 $_tile_overlayer_lowered  }
0x9b: {  	s22 =	simm.s32 $0x1BFF;
	s21 =	sshll.u32 s5, $0x1;
	s2 =	sadd.s32 s19, s18  }
0x9c: {  	s6 =	simm.s32 $0x0;
	s20 =	sshll.u32 s4, $0x1;
	s4 =	sadd.s32 s21, s2  }
0x9d: {  	[timem:s6], [sflag:s22] =	dma.local [hbm:s4], s20  }
0x9e: {  	_ =	swait.ge [sflag:s22], s20  }
0x9f: {  	s3 =	ssub.s32 $0x0, s20;
	[sflag:s22] =	ssyncset.done $0x0  }
0xa0: {  	[sflag:s22] =	ssyncadd.s32 s3;
	_ =	sdelay $0x1  }
0xa1: {  	s23 =	simm.s32 $0x1B8B  }
0xa2: {  	_ =	swait.ge [sflag:s23], $0x1  }
0xa3: {  	[sflag:s23] =	ssyncset.done $0x0  }
0xa4: {  	s25 =	simm.s32 $0x1B8E;
	s24 =	sld [smem:$0x3FFE];
	[sflag:s23] =	ssyncadd.s32 $0xFFFFFFFF  }
0xa5: {  	s26 =	simm.s32 $execute0_lowered;
	[smem:$0x3FD2] =	sst s25  }
0xa6: {  	s4 =	sshll.u32 s26, $0x1;
	_ =	strace $0x80000046;
	[dreg:$0x1] =	wrdreg $0xFFFFFFFF  }
0xa7: {  	s28 =	simm.s32 $_size_execute0_lowered;
	s2 =	sadd.s32 s2, s4;
	[dreg:$0x0] =	wrdreg $0x0  }
0xa8: {  	s4 =	sshll.u32 s28, $0x1;
	[dreg:$0x2] =	wrdreg s2  }
0xa9: {  	[dreg:$0x3] =	wrdreg s4  }
0xaa: {  	[dreg:$0x4] =	wrdreg $0xC0  }
0xab: {  	_ =	task [dreg:s6], $0x5FFFF  }
0xac: {  	[dreg:$0x1] =	wrdreg $0xFFFFFFFF  }
0xad: {  	[dreg:$0x0] =	wrdreg $0x60  }
0xae: {  	[dreg:$0x2] =	wrdreg s24  }
0xaf: {  	[dreg:$0x3] =	wrdreg $0x9  }
0xb0: {  	_ =	task.clear_ibuf [dreg:s6], $0x4FFFF;
	_ =	strace $0x90000046  }
0xb1: {  	s29 =	simm.s32 $0x9;
	_ =	strace $0x80000048  }
0xb2: {  	_ =	swait.ge [sflag:s29], $0x1  }
0xb3: {  	[sflag:s29] =	ssyncadd.s32 $0xFFFFFFFF  }
0xb4: {  	_ =	strace $0x90000048  }
0xb5: {  	_ =	sfence  }
0xb6: {  	s30 =	sld [smem:$0x0];
	_ =	sdelay $0x2  }
0xb7: {  	s31 =	sshll.u32 s1, $0xD;
	s1 =	sshrl.u32 s1, $0x2  }
0xb8: {  	s3 =	sand.u32 $0x4000, s31;
	s1 =	sadd.s32 s1, s30  }
0xb9: {  	s0 =	sor.u32 s3, s0;
	s1 =	sshll.u32 s1, $0x11  }
0xba: {  	s0 =	sor.u32 s1, s0  }
0xbb: {  	s0 =	sadd.s32 $0x8F2B, s0  }
0xbc: {  	[sflag:s0] =	ssyncadd.remote.s32 $0x1  }
0xbd: {  	_ =	sfence.sel $0xFFFF  }
0xbe: {  	[dreg:$0x0] =	wrdreg $0xFFFFFFFF;
	(pc) =	sbr.abs _section_cstart, $3  }
0xbf: {  	[dreg:$0x1] =	wrdreg $0xFFFFFFFF  }
0xc0: {  	_ =	task.clear_ibuf [dreg:s6], $0x2FFFF;
	_ =	strace $0x9FFFFFFF  }
0xc1: {  	(tm) =	ssettm $0x7FFFFFFF  }
tec
execute0_lowered:
.L_overlay_start_1:
0x0: {  	(tag) =	ssettag $0x1  }
0x1: {  	s3 =	rddreg [dreg:$0x0]  }
0x2: {  	s0 =	rddreg [dreg:$0x1];
	s2 =	simm.s32 $0x0  }
0x3: {  	s4 =	srdreg.scid;
	s1 =	stileid.u32;
	s10 =	simm.s32 $0x80  }
0x4: {  	s11 =	simm.s32 $0x400;
	s12 =	simm.s32 $0x1;
	s13 =	simm.s32 $0x800  }
0x5: {  	s14 =	simm.s32 $0x1000;
	s15 =	simm.s32 $0x1200;
	s16 =	simm.s32 $0x1400  }
0x6: {  	s17 =	simm.s32 $0x0;
	[smem:$0x7FF] =	sst s2;
	s4 =	sand.u32 $0x1, s4  }
0x7: {  	s5 =	sshll.u32 s1, $0x8;
	s6 =	sshrl.u32 s1, $0x2;
	_ =	strace $0x80000047  }
0x8: {  	s7 =	sshll.u32 s4, $0x7;
	s5 =	sand.u32 $0x300, s5;
	s29 =	sshll.u32 s6, $0xD  }
0x9: {  	s6 =	sshll.u32 s6, $0xC;
	s4 =	ssub.s32 $0x2, s4;
	s5 =	sor.u32 s7, s5  }
0xa: {  	s31 =	sshrl.u32 s4, $0x1;
	s7 =	sor.u32 s29, s5;
	s5 =	sor.u32 s6, s5  }
0xb: {  	s9 =	ssub.s32 s4, s31;
	s30 =	sshrl.u32 s7, $0x3;
	s5 =	sshrl.u32 s5, $0x3  }
0xc: {  	s9 =	smax.u32 s9, $0x1;
	s6 =	sadd.s32 s30, s3;
	s8 =	sadd.s32 s5, s3  }
0xd: {  	s3 =	sadd.s32 $0x4C00, s6;
	s4 =	sadd.s32 $0x3C00, s6;
	s5 =	sadd.s32 $0x2C00, s6  }
0xe: {  	v0 =	vimm.f32 $1.000000000e+10;
	v1 =	vlaneseq.u32;
	s6 =	sadd.s32 $0x5C00, s8;
	s7 =	sadd.s32 $0x6400, s8;
	s8 =	sadd.s32 $0x6C00, s8  }
.LBB2_1:
0xf: {  	[tilespmem:s2], [sflag:$0x1] =	stream.strided.gather [hbm4b:s3+s10], $0x400, s11, s10, $0x38;
	[tilespmem:$0x1600] =	vst v63  }
0x10: {  	_ =	swait.ge [sflag:s12], $0x400  }
0x11: {  	[sflag:s12] =	ssyncset.done $0x0  }
0x12: {  	[sflag:s12] =	ssyncadd.s32 $0xFFFFFC00  }
0x13: {  	[tilespmem:s11], [sflag:$0x1] =	stream.strided.gather [hbm4b:s4+s10], $0x400, s11, s10, $0x38;
	[tilespmem:$0x1600] =	vst v63  }
0x14: {  	_ =	swait.ge [sflag:s12], $0x400  }
0x15: {  	[sflag:s12] =	ssyncset.done $0x0  }
0x16: {  	[sflag:s12] =	ssyncadd.s32 $0xFFFFFC00  }
0x17: {  	[tilespmem:s13], [sflag:$0x1] =	stream.strided.gather [hbm4b:s5+s10], $0x400, s11, s10, $0x38;
	[tilespmem:$0x1600] =	vst v63  }
0x18: {  	_ =	swait.ge [sflag:s12], $0x400  }
0x19: {  	[sflag:s12] =	ssyncset.done $0x0  }
0x1a: {  	s18 =	simm.s32 $0x0;
	[sflag:s12] =	ssyncadd.s32 $0xFFFFFC00  }
.LBB2_2:
0x1b: {  	p0 =	sne.s32 s18, $0xFC0  }
.Ltmp0:
0x1c: {  	_ = 	snop;
	(pc) =	sbr.rel @p0 .LBB2_2-.Ltmp0, $3  }
0x1d: {  	_ =	sdelay $0x1  }
0x1e: {  	s19 =	sshra.s32 s18, $0x2  }
0x1f: {  	s18 =	sadd.s32 $0x40, s18;
	[tilespmem:s19+$0xC00] =	vst v0  }
0x20: {  	s18 =	simm.s32 $0x0;
	v4 =	vimm.s32 $0x0  }
.LBB2_4:
0x21: {  	_ =	sdelay $0x3  }
0x22: {  	v2 =	vld.idx.msk [tilespmem:v4+s2+$0x0], $0xffff;
	v5 =	vmov s18  }
0x23: {  	v3 =	vld.idx.msk [tilespmem:v4+s11+$0x0], $0xffff  }
0x24: {  	v4 =	vld.idx.msk [tilespmem:v4+s13+$0x0], $0xffff;
	_ =	sdelay $0x2  }
0x25: {  	[tilespmem:v5+s14+$0x0] =	vst.idx.msk $0x1, v2  }
0x26: {  	[tilespmem:v5+s15+$0x0] =	vst.idx.msk $0x1, v3  }
0x27: {  	s22 =	simm.s32 $0x20;
	[tilespmem:v5+s16+$0x0] =	vst.idx.msk $0x1, v4  }
0x28: {  	s19 =	simm.s32 $0x420;
	v5 =	vld [tilespmem:s22+$0xFFFFFFE0]  }
0x29: {  	v6 =	vld [tilespmem:s19+$0xFFFFFFE0]  }
0x2a: {  	s20 =	simm.s32 $0x820  }
0x2b: {  	v7 =	vld [tilespmem:s20+$0xFFFFFFE0];
	_ =	sdelay $0x2  }
0x2c: {  	v5 =	vsub.f32 v5, v2;
	v6 =	vsub.f32 v6, v3;
	_ =	sdelay $0x1  }
0x2d: {  	s21 =	simm.s32 $0xC20;
	v7 =	vsub.f32 v7, v4;
	v5 =	vmul.f32 v5, v5;
	v6 =	vmul.f32 v6, v6  }
0x2e: {  	v8 =	vld [tilespmem:s21+$0xFFFFFFE0]  }
0x2f: {  	v5 =	vadd.f32 v6, v5;
	v6 =	vmul.f32 v7, v7;
	_ =	sdelay $0x1  }
0x30: {  	v5 =	vadd.f32 v6, v5;
	_ =	sdelay $0x1  }
0x31: {  	v5 =	vmin.f32 v8, v5  }
0x32: {  	[tilespmem:s21+$0xFFFFFFE0] =	vst v5  }
0x33: {  	v6 =	vld [tilespmem:s22+$0xFFFFFFF0]  }
0x34: {  	v7 =	vld [tilespmem:s19+$0xFFFFFFF0];
	_ =	sdelay $0x1  }
0x35: {  	v8 =	vld [tilespmem:s20+$0xFFFFFFF0];
	_ =	sdelay $0x2  }
0x36: {  	v6 =	vsub.f32 v6, v2;
	v7 =	vsub.f32 v7, v3;
	_ =	sdelay $0x1  }
0x37: {  	v8 =	vsub.f32 v8, v4;
	v6 =	vmul.f32 v6, v6;
	v7 =	vmul.f32 v7, v7  }
0x38: {  	v9 =	vld [tilespmem:s21+$0xFFFFFFF0]  }
0x39: {  	v6 =	vadd.f32 v7, v6;
	v7 =	vmul.f32 v8, v8;
	_ =	sdelay $0x1  }
0x3a: {  	v6 =	vadd.f32 v7, v6;
	_ =	sdelay $0x1  }
0x3b: {  	v7 =	vmin.f32 v9, v6  }
0x3c: {  	[tilespmem:s21+$0xFFFFFFF0] =	vst v7  }
0x3d: {  	v6 =	vld [tilespmem:s22+$0x0]  }
0x3e: {  	v8 =	vld [tilespmem:s19+$0x0];
	_ =	sdelay $0x1  }
0x3f: {  	v9 =	vld [tilespmem:s20+$0x0];
	_ =	sdelay $0x2  }
0x40: {  	v6 =	vsub.f32 v6, v2;
	v8 =	vsub.f32 v8, v3;
	_ =	sdelay $0x1  }
0x41: {  	v9 =	vsub.f32 v9, v4;
	v6 =	vmul.f32 v6, v6;
	v8 =	vmul.f32 v8, v8  }
0x42: {  	v10 =	vld [tilespmem:s21+$0x0]  }
0x43: {  	v6 =	vadd.f32 v8, v6;
	v8 =	vmul.f32 v9, v9;
	_ =	sdelay $0x1  }
0x44: {  	v6 =	vadd.f32 v8, v6;
	_ =	sdelay $0x1  }
0x45: {  	v6 =	vmin.f32 v10, v6  }
0x46: {  	v8 =	vimm.f32 $-1.000000000e+00;
	[tilespmem:s21+$0x0] =	vst v6  }
0x47: {  	vm0 =	vgt.f32 v5, v8;
	v10 =	vld [tilespmem:s22+$0x10]  }
0x48: {  	v5 =	vsel vm0, v5, v8;
	v8 =	vld [tilespmem:s19+$0x10]  }
0x49: {  	vm1 =	vgt.f32 v7, v5;
	v9 =	vld [tilespmem:s20+$0x10]  }
0x4a: {  	s23 =	simm.s32 $0x30;
	v7 =	vsel vm1, v7, v5  }
0x4b: {  	s24 =	simm.s32 $0x70;
	s25 =	simm.s32 $0x60;
	s22 =	simm.s32 $0xC20;
	v5 =	vimm.s32 $0x0;
	vm2 =	vgt.f32 v6, v7  }
.LBB2_5:
0x4c: {  	v10 =	vsub.f32 v10, v2;
	s20 =	sadd.s32 $0x40, s20;
	s21 =	sadd.s32 $0x40, s21;
	s19 =	sadd.s32 $0x40, s19  }
0x4d: {  	p0 =	sne.s32 s24, $0x3F0;
	s26 =	smov.u32 s24;
	s24 =	sadd.s32 $0x40, s24;
	v8 =	vsub.f32 v8, v3  }
0x4e: {  	v9 =	vsub.f32 v9, v4;
	v10 =	vmul.f32 v10, v10  }
0x4f: {  	v8 =	vmul.f32 v8, v8;
	v11 =	vld [tilespmem:s22+$0x10]  }
0x50: {  	v9 =	vmul.f32 v9, v9  }
0x51: {  	s28 =	sadd.s32 $0xFFFFFFD0, s23;
	v8 =	vadd.f32 v8, v10  }
0x52: {  	v10 =	vor.u32 s28, v1;
	s28 =	sadd.s32 $0xFFFFFFE0, s23  }
0x53: {  	v5 =	vsel vm0, v10, v5;
	v10 =	vor.u32 s28, v1;
	s28 =	sadd.s32 $0xFFFFFFF0, s23;
	v8 =	vadd.f32 v9, v8  }
0x54: {  	v6 =	vsel vm2, v6, v7;
	v5 =	vsel vm1, v10, v5;
	v9 =	vor.u32 s28, v1  }
0x55: {  	v5 =	vsel vm2, v9, v5;
	v7 =	vmin.f32 v11, v8;
	v8 =	vor.u32 s23, v1;
	s23 =	smov.u32 s26  }
0x56: {  	[tilespmem:s22+$0x10] =	vst v7;
	vm0 =	vgt.f32 v7, v6;
	s22 =	smov.u32 s21  }
0x57: {  	v9 =	vld [tilespmem:s25+$0xFFFFFFE0];
	v6 =	vsel vm0, v7, v6;
	v5 =	vsel vm0, v8, v5  }
0x58: {  	v7 =	vld [tilespmem:s19+$0xFFFFFFE0];
	_ =	sdelay $0x1  }
0x59: {  	v8 =	vld [tilespmem:s20+$0xFFFFFFE0];
	_ =	sdelay $0x1  }
0x5a: {  	v9 =	vsub.f32 v9, v2  }
0x5b: {  	v7 =	vsub.f32 v7, v3;
	_ =	sdelay $0x1  }
0x5c: {  	v9 =	vmul.f32 v9, v9;
	v8 =	vsub.f32 v8, v4;
	v7 =	vmul.f32 v7, v7  }
0x5d: {  	v10 =	vld [tilespmem:s21+$0xFFFFFFE0]  }
0x5e: {  	v7 =	vadd.f32 v7, v9;
	v8 =	vmul.f32 v8, v8;
	_ =	sdelay $0x1  }
0x5f: {  	v7 =	vadd.f32 v8, v7;
	_ =	sdelay $0x1  }
0x60: {  	v7 =	vmin.f32 v10, v7  }
0x61: {  	[tilespmem:s21+$0xFFFFFFE0] =	vst v7;
	vm0 =	vgt.f32 v7, v6  }
0x62: {  	v8 =	vld [tilespmem:s25+$0xFFFFFFF0]  }
0x63: {  	v9 =	vld [tilespmem:s19+$0xFFFFFFF0];
	_ =	sdelay $0x1  }
0x64: {  	v10 =	vld [tilespmem:s20+$0xFFFFFFF0];
	_ =	sdelay $0x1  }
0x65: {  	v8 =	vsub.f32 v8, v2  }
0x66: {  	v9 =	vsub.f32 v9, v3  }
0x67: {  	v8 =	vmul.f32 v8, v8  }
0x68: {  	v10 =	vsub.f32 v10, v4;
	v9 =	vmul.f32 v9, v9  }
0x69: {  	v11 =	vld [tilespmem:s21+$0xFFFFFFF0]  }
0x6a: {  	v8 =	vadd.f32 v9, v8;
	v9 =	vmul.f32 v10, v10;
	_ =	sdelay $0x1  }
0x6b: {  	v8 =	vadd.f32 v9, v8;
	_ =	sdelay $0x1  }
0x6c: {  	v6 =	vsel vm0, v7, v6;
	v7 =	vmin.f32 v11, v8  }
0x6d: {  	[tilespmem:s21+$0xFFFFFFF0] =	vst v7;
	vm1 =	vgt.f32 v7, v6  }
0x6e: {  	v8 =	vld [tilespmem:s25+$0x0]  }
0x6f: {  	v9 =	vld [tilespmem:s19+$0x0];
	_ =	sdelay $0x1  }
0x70: {  	v10 =	vld [tilespmem:s20+$0x0];
	_ =	sdelay $0x1  }
0x71: {  	v8 =	vsub.f32 v8, v2  }
0x72: {  	v9 =	vsub.f32 v9, v3;
	_ =	sdelay $0x1  }
0x73: {  	v8 =	vmul.f32 v8, v8;
	v10 =	vsub.f32 v10, v4;
	v9 =	vmul.f32 v9, v9  }
0x74: {  	v11 =	vld [tilespmem:s21+$0x0]  }
0x75: {  	v8 =	vadd.f32 v9, v8;
	v9 =	vmul.f32 v10, v10;
	_ =	sdelay $0x1  }
0x76: {  	v8 =	vadd.f32 v9, v8;
	_ =	sdelay $0x1  }
0x77: {  	v7 =	vsel vm1, v7, v6;
	v6 =	vmin.f32 v11, v8  }
0x78: {  	[tilespmem:s21+$0x0] =	vst v6;
	vm2 =	vgt.f32 v6, v7  }
.Ltmp1:
0x79: {  	v10 =	vld [tilespmem:s25+$0x10];
	(pc) =	sbr.rel @p0 .LBB2_5-.Ltmp1, $3  }
0x7a: {  	v8 =	vld [tilespmem:s19+$0x10]  }
0x7b: {  	v9 =	vld [tilespmem:s20+$0x10];
	_ =	sdelay $0x1  }
0x7c: {  	s25 =	sadd.s32 $0x40, s25  }
0x7d: {  	_ = 	snop  }
0x7e: {  	v2 =	vsub.f32 v10, v2;
	v3 =	vsub.f32 v8, v3;
	_ =	sdelay $0x1  }
0x7f: {  	v4 =	vsub.f32 v9, v4;
	v2 =	vmul.f32 v2, v2;
	v3 =	vmul.f32 v3, v3  }
0x80: {  	v63 =	vld [tilespmem:s22+$0x10]  }
0x81: {  	v4 =	vmul.f32 v4, v4;
	v2 =	vadd.f32 v3, v2;
	_ =	sdelay $0x1  }
0x82: {  	v2 =	vadd.f32 v4, v2;
	_ =	sdelay $0x1  }
0x83: {  	v3 =	vsel vm2, v6, v7;
	v2 =	vmin.f32 v63, v2  }
0x84: {  	vm3 =	vgt.f32 v2, v3  }
0x85: {  	v3 =	vsel vm3, v2, v3  }
0x86: {  	(xrf0) =	vmax.scan.msk.f32 $0xffff, v3;
	_ =	sdelay $0x2  }
0x87: {  	s19 =	sadd.s32 $0xFFFFFFD0, s23  }
0x88: {  	s29 =	sadd.s32 $0xFFFFFFE0, s23;
	v4 =	vor.u32 s19, v1  }
0x89: {  	s30 =	sadd.s32 $0xFFFFFFF0, s23;
	v4 =	vsel vm0, v4, v5;
	v5 =	vor.u32 s29, v1  }
0x8a: {  	v4 =	vsel vm1, v5, v4;
	v5 =	vor.u32 s30, v1;
	v6, _, _ =	vpop (xrf0)  }
0x8b: {  	v4 =	vsel vm2, v5, v4;
	v5 =	vor.u32 s23, v1;
	v6 =	vbroadcast v6, $0xF  }
0x8c: {  	v4 =	vsel vm3, v5, v4  }
0x8d: {  	vm15 =	veq.f32 v3, v6;
	v3 =	vxor.u32 $0x80000000, v4  }
0x8e: {  	v3 =	vnsel vm15, $0x80000400, v3  }
0x8f: {  	(xrf0) =	vmin.scan.msk.u32 $0xffff, v3;
	_ =	sdelay $0x5  }
0x90: {  	v3, _, _ =	vpop (xrf0)  }
0x91: {  	(v2sf) =	vpush v3, $0xF;
	_ =	sdelay $0xa  }
0x92: {  	s18 =	sadd.s32 $0x1, s18  }
0x93: {  	p0 =	sne.s32 s18, $0x200  }
.Ltmp2:
0x94: {  	_ = 	snop;
	(pc) =	sbr.rel @p0 .LBB2_4-.Ltmp2, $4  }
0x95: {  	_ = 	snop  }
0x96: {  	s31 =	spop (v2sf)  }
0x97: {  	s19 =	sxor.u32 $0x80000000, s31  }
0x98: {  	[tilespmem:s22+$0x10] =	vst v2;
	v4 =	vmov s19  }
0x99: {  	[hbm4b:s6+s10] =	stream.strided.scatter [tilespmem:s14], [sflag:$0x1], $0x200, s11, s10, $0x38;
	[tilespmem:$0x1600] =	vst v63  }
0x9a: {  	_ =	swait.ge [sflag:s12], $0x200  }
0x9b: {  	[sflag:s12] =	ssyncset.done $0x0  }
0x9c: {  	[sflag:s12] =	ssyncadd.s32 $0xFFFFFE00  }
0x9d: {  	[hbm4b:s7+s10] =	stream.strided.scatter [tilespmem:s15], [sflag:$0x1], $0x200, s11, s10, $0x38;
	[tilespmem:$0x1600] =	vst v63  }
0x9e: {  	s17 =	sadd.s32 $0x1, s17;
	_ =	swait.ge [sflag:s12], $0x200  }
0x9f: {  	p0 =	sne.s32 s17, s9;
	[sflag:s12] =	ssyncset.done $0x0  }
.Ltmp3:
0xa0: {  	[sflag:s12] =	ssyncadd.s32 $0xFFFFFE00;
	(pc) =	sbr.rel @p0 .LBB2_1-.Ltmp3, $4  }
0xa1: {  	[hbm4b:s8+s10] =	stream.strided.scatter [tilespmem:s16], [sflag:$0x1], $0x200, s11, s10, $0x38;
	[tilespmem:$0x1600] =	vst v63  }
0xa2: {  	_ =	swait.ge [sflag:s12], $0x200  }
0xa3: {  	[sflag:s12] =	ssyncset.done $0x0  }
0xa4: {  	[sflag:s12] =	ssyncadd.s32 $0xFFFFFE00  }
0xa5: {  	_ =	sfence.sel $0x180000  }
0xa6: {  	[bflag:$0x0] =	sbarrier.arrive $0xFFFF  }
0xa7: {  	p0 =	sne.s32 s1, $0x0;
	_ =	strace $0x90000047  }
0xa8: {  	s0 =	sadd.s32 @!p0 $0x100000, s0;
	[bflag:$0x2] =	sbarrier.arrive $0xFFFF  }
0xa9: {  	[sflag:s0] =	ssyncadd.tile.s32 @!p0 $0x1;
	_ =	shalt  }
.Lfunc_end2:
_tile_overlayer_lowered:
.L_overlay_start_2:
0xaa: {  	(tag) =	ssettag $0x2  }
0xab: {  	s0 =	rddreg [dreg:$0x0];
	s2 =	stileid.u32  }
0xac: {  	s1 =	rddreg [dreg:$0x1];
	p0 =	sne.s32 s2, $0x0  }
0xad: {  	s3 =	rddreg [dreg:$0x2];
	[bflag:$0x3] =	sbarrier.arrive $0xFFFF;
	s2 =	simm.s32 @!p0 $0x1C01  }
0xae: {  	[timem:s3], [sflag:s2] =	dma.local @!p0 [hbm:s0], s1  }
0xaf: {  	s0 =	simm.s32 @!p0 $0x1  }
0xb0: {  	_ =	swait.ge @!p0 [sflag:s0], s1  }
0xb1: {  	s1 =	ssub.s32 @!p0 $0x0, s1;
	[sflag:s0] =	ssyncset.done @!p0 $0x0  }
0xb2: {  	[sflag:s0] =	ssyncadd.s32 @!p0 s1  }
0xb3: {  	[bflag:$0x3] =	sbarrier.arrive $0xFFFF  }
0xb4: {  	_ =	shalt  }

// kernel: kernel.16.cloned.1.call-start
scs
__scs_entry_jumppad:
0x0: {  	(pc) =	sbr.rel $0x88, $3  }
0x1: {  	(tag) =	ssettag $0x0;
	lr =	simm.s32 $0x1  }
0x2: {  	[smem:$0x3F8C] =	sst lr;
	_ =	strace $0xD0000000  }
0x3: {  	_ = 	snop  }
0x4: {  	_ = 	snop  }
0x5: {  	_ = 	snop  }
0x6: {  	_ = 	snop  }
0x7: {  	_ = 	snop  }
__scs_overlays_trampoline_lowered:
0x8: {  	[smem:$0x3F9B] =	sst s0  }
0x9: {  	[smem:$0x3F9C] =	sst s1  }
0xa: {  	[smem:$0x3F9D] =	sst s2  }
0xb: {  	[smem:$0x3F9E] =	sst s3  }
0xc: {  	[smem:$0x3F9F] =	sst s4  }
0xd: {  	[smem:$0x3FA0] =	sst s5  }
0xe: {  	[smem:$0x3FA1] =	sst s6  }
0xf: {  	[smem:$0x3FA2] =	sst s7  }
0x10: {  	[smem:$0x3FA3] =	sst s8  }
0x11: {  	[smem:$0x3FA4] =	sst s9;
	s0 =	simm.s32 @!p0 $0x0  }
0x12: {  	s1 =	sld [smem:$0x3F8A];
	s0 =	simm.s32 @p0 $0x1  }
0x13: {  	[smem:$0x3FA5] =	sst s0;
	s0 =	simm.s32 @!p1 $0x0  }
0x14: {  	s2 =	sld [smem:$0x3F89];
	s0 =	simm.s32 @p1 $0x1  }
0x15: {  	[smem:$0x3FA6] =	sst s0;
	s0 =	simm.s32 @!p2 $0x0  }
0x16: {  	s3 =	sld [smem:$0x3FDB];
	s0 =	simm.s32 @p2 $0x1  }
0x17: {  	s4 =	simm.s32 $0x1BF5;
	[smem:$0x3FA8] =	sst s0  }
0x18: {  	s0 =	sld [smem:$0x3F8B];
	_ =	swait.ge [sflag:s4], $0x0  }
0x19: {  	s7 =	sld [smem:$0x3F8C]  }
0x1a: {  	s8 =	sadd.s32 $0xFFFFE003, lr  }
0x1b: {  	s9 =	sadd.s32 $0xFFFFFEF7, lr;
	s5 =	simm.s32 $0xFFFFFFFF;
	p2 =	slt.u32 s8, $0xFFFFF086  }
0x1c: {  	p1 =	slt.u32 s9, $0xF7A;
	s5 =	simm.s32 @!p2 $0x0  }
0x1d: {  	s5 =	simm.s32 @p1 $0x1;
	p0 =	seq.s32 s7, s2  }
0x1e: {  	s7 =	smul.u32 @!p0 $0xF7A, s2;
	p2 =	seq.s32 @!p0 s5, $0x0  }
0x1f: {  	s9 =	smul.u32 $0xF7A, s1;
	s8 =	simm.s32 @!p0 $0x1BF5;
	p2 =	por !p2, p0  }
0x20: {  	[sflag:s8] =	ssyncset.s32 @!p0 $0xFFFFF086;
	s6 =	sadd.s32 @!p0 s3, s7;
	s7 =	simm.s32 @!p0 $0x108  }
0x21: {  	s3 =	sadd.s32 s3, s9;
	s6 =	sadd.s32 @!p0 $0x88, s6;
	s7 =	simm.s32 @p2 $0x1082  }
0x22: {  	[simem:s7], [sflag:s8] =	dma.local @!p0 [hbm:s6], $0xF7A  }
0x23: {  	s9 =	sor.u32 $0xD0000000, s2;
	s6 =	simm.s32 $0x108;
	_ =	swait.ge @!p0 [sflag:s8], $0x0  }
0x24: {  	s3 =	sadd.s32 $0x88, s3;
	s6 =	simm.s32 @!p1 $0x1082;
	[sflag:s4] =	ssyncset.s32 $0xFFFFF086  }
0x25: {  	[simem:s6], [sflag:s4] =	dma.local [hbm:s3], $0xF7A  }
0x26: {  	[smem:$0x3F8C] =	sst s1;
	(tag) =	ssettag s2;
	_ =	strace s9  }
0x27: {  	s1 =	sld [smem:$0x3F9C]  }
0x28: {  	s2 =	sld [smem:$0x3F9D]  }
0x29: {  	s4 =	sld [smem:$0x3F9F]  }
0x2a: {  	p0 =	seq.s32 s5, $0x0;
	s5 =	sld [smem:$0x3FA0]  }
0x2b: {  	s6 =	sld [smem:$0x3FA1]  }
0x2c: {  	s7 =	sld [smem:$0x3FA2]  }
0x2d: {  	s3 =	simm.s32 $0x108;
	s8 =	sld [smem:$0x3FA3]  }
0x2e: {  	s3 =	simm.s32 @!p0 $0x1082;
	s9 =	sld [smem:$0x3FA4]  }
0x2f: {  	lr =	sadd.s32 s0, s3;
	s0 =	sld [smem:$0x3F9B]  }
0x30: {  	s3 =	sld [smem:$0x3F9E]  }
0x31: {  	[smem:$0x3FA7] =	sst s10  }
0x32: {  	s10 =	sld [smem:$0x3FA5];
	_ =	sdelay $0x3  }
0x33: {  	p0 =	seq.s32 s10, $0x1;
	s10 =	sld [smem:$0x3FA7];
	_ =	sdelay $0x3  }
0x34: {  	[smem:$0x3FA7] =	sst s10  }
0x35: {  	s10 =	sld [smem:$0x3FA6];
	_ =	sdelay $0x3  }
0x36: {  	p1 =	seq.s32 s10, $0x1;
	s10 =	sld [smem:$0x3FA7];
	_ =	sdelay $0x3  }
0x37: {  	[smem:$0x3FA7] =	sst s10  }
0x38: {  	s10 =	sld [smem:$0x3FA8]  }
0x39: {  	_ = 	snop;
	(pc) =	sbr.ind lr, $3  }
0x3a: {  	_ = 	snop  }
0x3b: {  	_ = 	snop  }
0x3c: {  	p2 =	seq.s32 s10, $0x1;
	s10 =	sld [smem:$0x3FA7]  }
0x3d: {  	_ =	shalt  }
0x3e: {  	_ =	shalt  }
0x3f: {  	_ =	shalt  }
0x40: {  	_ =	shalt  }
0x41: {  	_ =	shalt  }
0x42: {  	_ =	shalt  }
0x43: {  	_ =	shalt  }
0x44: {  	_ =	shalt  }
0x45: {  	_ =	shalt  }
0x46: {  	_ =	shalt  }
0x47: {  	_ =	shalt  }
0x48: {  	_ =	shalt  }
0x49: {  	_ =	shalt  }
0x4a: {  	_ =	shalt  }
0x4b: {  	_ =	shalt  }
0x4c: {  	_ =	shalt  }
0x4d: {  	_ =	shalt  }
0x4e: {  	_ =	shalt  }
0x4f: {  	_ =	shalt  }
0x50: {  	_ =	shalt  }
0x51: {  	_ =	shalt  }
0x52: {  	_ =	shalt  }
0x53: {  	_ =	shalt  }
0x54: {  	_ =	shalt  }
0x55: {  	_ =	shalt  }
0x56: {  	_ =	shalt  }
0x57: {  	_ =	shalt  }
0x58: {  	_ =	shalt  }
0x59: {  	_ =	shalt  }
0x5a: {  	_ =	shalt  }
0x5b: {  	_ =	shalt  }
0x5c: {  	_ =	shalt  }
0x5d: {  	_ =	shalt  }
0x5e: {  	_ =	shalt  }
0x5f: {  	_ =	shalt  }
0x60: {  	_ =	shalt  }
0x61: {  	_ =	shalt  }
0x62: {  	_ =	shalt  }
0x63: {  	_ =	shalt  }
0x64: {  	_ =	shalt  }
0x65: {  	_ =	shalt  }
0x66: {  	_ =	shalt  }
0x67: {  	_ =	shalt  }
0x68: {  	_ =	shalt  }
0x69: {  	_ =	shalt  }
0x6a: {  	_ =	shalt  }
0x6b: {  	_ =	shalt  }
0x6c: {  	_ =	shalt  }
0x6d: {  	_ =	shalt  }
0x6e: {  	_ =	shalt  }
0x6f: {  	_ =	shalt  }
0x70: {  	_ =	shalt  }
0x71: {  	_ =	shalt  }
0x72: {  	_ =	shalt  }
0x73: {  	_ =	shalt  }
0x74: {  	_ =	shalt  }
0x75: {  	_ =	shalt  }
0x76: {  	_ =	shalt  }
0x77: {  	_ =	shalt  }
0x78: {  	_ =	shalt  }
0x79: {  	_ =	shalt  }
0x7a: {  	_ =	shalt  }
0x7b: {  	_ =	shalt  }
0x7c: {  	_ =	shalt  }
0x7d: {  	_ =	shalt  }
0x7e: {  	_ =	shalt  }
0x7f: {  	_ =	shalt  }
0x80: {  	_ =	shalt  }
0x81: {  	_ =	shalt  }
0x82: {  	_ =	shalt  }
0x83: {  	_ =	shalt  }
0x84: {  	_ =	shalt  }
0x85: {  	_ =	shalt  }
0x86: {  	_ =	shalt  }
0x87: {  	_ =	shalt  }
.Lfunc_end0:
.L_simem_size_0:
called_computation.1_lowered:
.L_overlay_start_0:
0x88: {  	s2 =	sld [smem:$0x3FD9]  }
0x89: {  	s3 =	sld [smem:$0x3FFE];
	_ =	sdelay $0x1  }
0x8a: {  	s1 =	srdreg.scid  }
0x8b: {  	s0 =	sand.u32 $0x1, s1  }
0x8c: {  	s17 =	sshll.u32 s0, $0xA;
	s2 =	sadd.s32 s3, s2  }
0x8d: {  	s2 =	sadd.s32 s2, s17  }
0x8e: {  	[smem:$0x3FB3] =	sst s2  }
0x8f: {  	_ = 	snop  }
0x90: {  	(tm) =	ssettm $0x1  }
0x91: {  	s18 =	sld [smem:$0x3FFB];
	_ =	sdelay $0x3  }
0x92: {  	_ =	strace s18  }
0x93: {  	s2 =	sld [smem:$0x3FFC];
	_ =	sdelay $0x3  }
0x94: {  	_ =	strace s2  }
0x95: {  	s2 =	sld [smem:$0x3FFD];
	_ =	sdelay $0x3  }
0x96: {  	_ =	strace s2  }
0x97: {  	_ =	strace $0x8FFFFFFF  }
0x98: {  	s19 =	sld [smem:$0x3FDB];
	_ =	sdelay $0x1  }
0x99: {  	s20 =	simm.s32 $_scs_section_size  }
0x9a: {  	s4 =	simm.s32 $_size__tile_overlayer_lowered;
	s5 =	simm.s32 $_tile_overlayer_lowered  }
0x9b: {  	s6 =	simm.s32 $0x1BFF;
	s21 =	sshll.u32 s5, $0x1;
	s3 =	sadd.s32 s20, s19  }
0x9c: {  	s22 =	simm.s32 $0x0;
	s4 =	sshll.u32 s4, $0x1;
	s5 =	sadd.s32 s21, s3  }
0x9d: {  	[timem:s22], [sflag:s6] =	dma.local [hbm:s5], s4  }
0x9e: {  	_ =	swait.ge [sflag:s6], s4  }
0x9f: {  	s4 =	ssub.s32 $0x0, s4;
	[sflag:s6] =	ssyncset.done $0x0  }
0xa0: {  	[sflag:s6] =	ssyncadd.s32 s4;
	_ =	sdelay $0x1  }
0xa1: {  	s23 =	simm.s32 $0x1B8B  }
0xa2: {  	_ =	swait.ge [sflag:s23], $0x1  }
0xa3: {  	[sflag:s23] =	ssyncset.done $0x0  }
0xa4: {  	[sflag:s23] =	ssyncadd.s32 $0xFFFFFFFF  }
0xa5: {  	s4 =	sld [smem:$0x0]  }
0xa6: {  	s5 =	sand.u32 $0xFFFFFFFE, s1  }
0xa7: {  	p0 =	sne.s32 s1, s5  }
0xa8: {  	s5 =	sshll.u32 @p0 s5, $0xE  }
0xa9: {  	s5 =	sadd.s32 @p0 $0x11B8D, s5;
	s6 =	sshll.u32 @p0 s4, $0x11  }
0xaa: {  	s5 =	sor.u32 @p0 s6, s5  }
0xab: {  	[sflag:s5] =	ssyncadd.remote.s32 @p0 $0x1;
	_ =	sdelay $0x1  }
0xac: {  	s5 =	simm.s32 @p0 $0x1B8D  }
0xad: {  	_ =	swait.eq @p0 [sflag:s5], $0x1  }
0xae: {  	[sflag:s5] =	ssyncadd.s32 @p0 $0xFFFFFFFF  }
0xaf: {  	s6 =	sshll.u32 @!p0 s1, $0xE  }
0xb0: {  	s6 =	sor.u32 @!p0 $0x4000, s6;
	s5 =	simm.s32 @!p0 $0x1B8D  }
0xb1: {  	s4 =	sshll.u32 @!p0 s4, $0x11;
	s6 =	sadd.s32 @!p0 $0x11B8D, s6;
	_ =	swait.eq @!p0 [sflag:s5], $0x1  }
0xb2: {  	s4 =	sor.u32 @!p0 s4, s6;
	[sflag:s5] =	ssyncadd.s32 @!p0 $0xFFFFFFFF  }
0xb3: {  	s25 =	simm.s32 $0x1B8E;
	s24 =	sld [smem:$0x3FFE];
	[sflag:s4] =	ssyncadd.remote.s32 @!p0 $0x1  }
0xb4: {  	s26 =	simm.s32 $execute0_lowered;
	[smem:$0x3FD2] =	sst s25  }
0xb5: {  	s5 =	sshll.u32 s26, $0x1;
	_ =	strace $0x8000004C;
	[dreg:$0x1] =	wrdreg $0xFFFFFFFF  }
0xb6: {  	s28 =	simm.s32 $_size_execute0_lowered;
	s3 =	sadd.s32 s3, s5;
	[dreg:$0x0] =	wrdreg $0x0  }
0xb7: {  	s5 =	sshll.u32 s28, $0x1;
	[dreg:$0x2] =	wrdreg s3  }
0xb8: {  	[dreg:$0x3] =	wrdreg s5  }
0xb9: {  	[dreg:$0x4] =	wrdreg $0xC0  }
0xba: {  	_ =	task [dreg:s22], $0x5FFFF  }
0xbb: {  	[dreg:$0x1] =	wrdreg $0xFFFFFFFF  }
0xbc: {  	[dreg:$0x0] =	wrdreg $0x60  }
0xbd: {  	[dreg:$0x2] =	wrdreg s24  }
0xbe: {  	[dreg:$0x3] =	wrdreg $0x9  }
0xbf: {  	_ =	task.clear_ibuf [dreg:s22], $0x4FFFF;
	_ =	strace $0x9000004C  }
0xc0: {  	s29 =	simm.s32 $0x9;
	_ =	strace $0x8000004E  }
0xc1: {  	_ =	swait.ge [sflag:s29], $0x1  }
0xc2: {  	[sflag:s29] =	ssyncadd.s32 $0xFFFFFFFF  }
0xc3: {  	_ =	strace $0x9000004E  }
0xc4: {  	_ =	sfence  }
0xc5: {  	s30 =	sld [smem:$0x0];
	_ =	sdelay $0x2  }
0xc6: {  	s31 =	sshll.u32 s1, $0xD;
	s1 =	sshrl.u32 s1, $0x2  }
0xc7: {  	s4 =	sand.u32 $0x4000, s31;
	s1 =	sadd.s32 s1, s30  }
0xc8: {  	s0 =	sor.u32 s4, s0;
	s1 =	sshll.u32 s1, $0x11  }
0xc9: {  	s0 =	sor.u32 s1, s0  }
0xca: {  	s0 =	sadd.s32 $0x8F2B, s0  }
0xcb: {  	[sflag:s0] =	ssyncadd.remote.s32 $0x1  }
0xcc: {  	_ =	sfence.sel $0xFFFF  }
0xcd: {  	[dreg:$0x0] =	wrdreg $0xFFFFFFFF;
	(pc) =	sbr.abs _section_cstart, $3  }
0xce: {  	[dreg:$0x1] =	wrdreg $0xFFFFFFFF  }
0xcf: {  	_ =	task.clear_ibuf [dreg:s22], $0x2FFFF;
	_ =	strace $0x9FFFFFFF  }
0xd0: {  	(tm) =	ssettm $0x7FFFFFFF  }
0xd1: {  	_ =	shalt  }
tec
execute0_lowered:
.L_overlay_start_1:
0x0: {  	(tag) =	ssettag $0x1  }
0x1: {  	s0 =	srdreg.scid  }
0x2: {  	s2 =	stileid.u32;
	s4 =	rddreg [dreg:$0x0];
	s16 =	simm.s32 $0x1  }
0x3: {  	s17 =	simm.s32 $0x80;
	s18 =	simm.s32 $0x400;
	s19 =	simm.s32 $0x800  }
0x4: {  	s20 =	simm.s32 $0xC00;
	s21 =	simm.s32 $0xE00;
	s22 =	simm.s32 $0x1000  }
0x5: {  	s23 =	simm.s32 $0x1200;
	s24 =	simm.s32 $0x5200;
	s25 =	simm.s32 $0x9200  }
0x6: {  	s26 =	simm.s32 $0xD200;
	s28 =	simm.s32 $0x0;
	s0 =	sand.u32 $0x1, s0  }
0x7: {  	s1 =	sshll.u32 s2, $0x1;
	s3 =	sshrl.u32 s2, $0x2;
	s2 =	simm.s32 $0x0  }
0x8: {  	s30 =	sadd.s32 $0x207600, s4;
	s1 =	sor.u32 s0, s1;
	s6 =	sshll.u32 s3, $0xD  }
0x9: {  	[smem:$0x7FF] =	sst s2;
	s7 =	sshll.u32 s3, $0xC;
	s3 =	sshll.u32 s3, $0x11  }
0xa: {  	s0 =	ssub.s32 $0x2, s0;
	s29 =	sshll.u32 s1, $0x7;
	_ =	strace $0x8000004D  }
0xb: {  	s1 =	sshll.u32 s1, $0x10;
	[dreg:$0x2] =	wrdreg s30;
	s11 =	sshrl.u32 s0, $0x1  }
0xc: {  	s5 =	sand.u32 $0x380, s29;
	s1 =	sadd.s32 s1, s4;
	s0 =	ssub.s32 s0, s11  }
0xd: {  	s6 =	sor.u32 s6, s5;
	s7 =	sor.u32 s7, s5;
	s3 =	sor.u32 s3, s5  }
0xe: {  	s10 =	sadd.s32 $0x7600, s1;
	s14 =	smax.u32 s0, $0x1;
	s6 =	sshrl.u32 s6, $0x3  }
0xf: {  	s7 =	sshrl.u32 s7, $0x3;
	s3 =	sshrl.u32 s3, $0x3;
	s6 =	sadd.s32 s6, s4  }
0x10: {  	s9 =	sadd.s32 s7, s4;
	s3 =	sadd.s32 s3, s4;
	s31 =	sadd.s32 $0x4C00, s6  }
0x11: {  	s5 =	sadd.s32 $0x3C00, s6;
	s6 =	sadd.s32 $0x2C00, s6;
	s7 =	sadd.s32 $0x5C00, s9  }
0x12: {  	v0 =	vlaneseq.u32;
	v1 =	vimm.s32 $0x0;
	v2 =	vimm.s32 $0x3FF;
	s8 =	sadd.s32 $0x6400, s9;
	s9 =	sadd.s32 $0x6C00, s9;
	s11 =	sadd.s32 $0x207800, s3  }
0x13: {  	v3 =	vadd.s32 $0x1, v0;
	v4 =	vadd.s32 $0x11, v0;
	v5 =	vor.u32 $0x10, v0;
	s12 =	sadd.s32 $0x217800, s3;
	s13 =	sadd.s32 $0x227800, s3;
	[dreg:$0x3] =	wrdreg s31  }
.LBB2_1:
0x14: {  	s0 =	rddreg [dreg:$0x2];
	s1 =	simm.s32 $0x11200  }
0x15: {  	[tilespmem:s1], [sflag:$0x1] =	stream.linear.gather [hbm4b:s0+s2], $0x1, $0x38;
	[tilespmem:$0x11280] =	vst v63  }
0x16: {  	_ =	swait.ge [sflag:s16], $0x1  }
0x17: {  	[sflag:s16] =	ssyncset.done $0x0  }
0x18: {  	s31 =	rddreg [dreg:$0x3];
	[sflag:s16] =	ssyncadd.s32 $0xFFFFFFFF  }
0x19: {  	v6 =	vld.msk [tilespmem:$0x11200 ss:$0x0], $0xffff;
	[tilespmem:s2], [sflag:$0x1] =	stream.strided.gather [hbm4b:s31+s17], $0x400, s18, s17, $0x38  }
0x1a: {  	_ =	swait.ge [sflag:s16], $0x400  }
0x1b: {  	[sflag:s16] =	ssyncset.done $0x0  }
0x1c: {  	[sflag:s16] =	ssyncadd.s32 $0xFFFFFC00  }
0x1d: {  	[tilespmem:s18], [sflag:$0x1] =	stream.strided.gather [hbm4b:s5+s17], $0x400, s18, s17, $0x38;
	[tilespmem:$0x11280] =	vst v63  }
0x1e: {  	_ =	swait.ge [sflag:s16], $0x400  }
0x1f: {  	[sflag:s16] =	ssyncset.done $0x0  }
0x20: {  	[sflag:s16] =	ssyncadd.s32 $0xFFFFFC00  }
0x21: {  	[tilespmem:s19], [sflag:$0x1] =	stream.strided.gather [hbm4b:s6+s17], $0x400, s18, s17, $0x38;
	[tilespmem:$0x11280] =	vst v63  }
0x22: {  	_ =	swait.ge [sflag:s16], $0x400  }
0x23: {  	[sflag:s16] =	ssyncset.done $0x0  }
0x24: {  	[sflag:s16] =	ssyncadd.s32 $0xFFFFFC00  }
0x25: {  	[tilespmem:s20], [sflag:$0x1] =	stream.strided.gather [hbm4b:s7+s17], $0x200, s18, s17, $0x38;
	[tilespmem:$0x11280] =	vst v63  }
0x26: {  	_ =	swait.ge [sflag:s16], $0x200  }
0x27: {  	[sflag:s16] =	ssyncset.done $0x0  }
0x28: {  	[sflag:s16] =	ssyncadd.s32 $0xFFFFFE00  }
0x29: {  	[tilespmem:s21], [sflag:$0x1] =	stream.strided.gather [hbm4b:s8+s17], $0x200, s18, s17, $0x38;
	[tilespmem:$0x11280] =	vst v63  }
0x2a: {  	_ =	swait.ge [sflag:s16], $0x200  }
0x2b: {  	[sflag:s16] =	ssyncset.done $0x0  }
0x2c: {  	[sflag:s16] =	ssyncadd.s32 $0xFFFFFE00  }
0x2d: {  	[tilespmem:s22], [sflag:$0x1] =	stream.strided.gather [hbm4b:s9+s17], $0x200, s18, s17, $0x38;
	[tilespmem:$0x11280] =	vst v63  }
0x2e: {  	_ =	swait.ge [sflag:s16], $0x200  }
0x2f: {  	[sflag:s16] =	ssyncset.done $0x0  }
0x30: {  	s29 =	simm.s32 $0x0;
	[sflag:s16] =	ssyncadd.s32 $0xFFFFFE00  }
.LBB2_2:
0x31: {  	s0 =	sshll.u32 s29, $0xB  }
0x32: {  	s30 =	simm.s32 $0x0;
	s0 =	sadd.s32 s0, s10  }
0x33: {  	[tilespmem:s23], [sflag:$0x1] =	stream.linear.gather [hbm4b:s0+s30], $0x4000, $0x38;
	[tilespmem:$0x11280] =	vst v63  }
0x34: {  	_ =	swait.ge [sflag:s16], $0x4000  }
0x35: {  	[sflag:s16] =	ssyncset.done $0x0  }
0x36: {  	s31 =	sshll.u32 s29, $0x4;
	[sflag:s16] =	ssyncadd.s32 $0xFFFFC000  }
.LBB2_3:
0x37: {  	s0 =	sadd.s32 s31, s30  }
0x38: {  	v9 =	vmov s0;
	_ =	sdelay $0x3  }
0x39: {  	v8 =	vmov s30  }
0x3a: {  	v10 =	vshll.u32 v8, $0xA;
	v11 =	vshll.u32 v8, $0x7;
	v7 =	vld.idx.msk [tilespmem:v9+s20+$0x0], $0xffff  }
0x3b: {  	s1 =	simm.s32 $0x820;
	s0 =	sshll.u32 s0, $0x5;
	v12 =	vand.u32 $0x2000, v10;
	v11 =	vand.u32 $0x380, v11;
	v8 =	vld.idx.msk [tilespmem:v9+s21+$0x0], $0xffff  }
0x3c: {  	s15 =	simm.s32 $0x20;
	s3 =	simm.s32 $0x0;
	v10 =	vmov s0;
	s0 =	simm.s32 $0x420;
	v11 =	vor.u32 v11, v12;
	v12 =	vimm.s32 $0x0;
	v9 =	vld.idx.msk [tilespmem:v9+s22+$0x0], $0xffff  }
.LBB2_4:
0x3d: {  	v13 =	vmov s3  }
0x3e: {  	v14 =	vor.u32 s3, v0;
	v13 =	vshll.u32 v13, $0x3  }
0x3f: {  	v14 =	vand.u32 $0x4F, v14;
	v13 =	vand.u32 $0x1C00, v13  }
0x40: {  	v13 =	vor.u32 v13, v14  }
0x41: {  	v13 =	vor.u32 v11, v13;
	_ =	sdelay $0x4  }
0x42: {  	v13 =	vld.idx.msk [tilespmem:v13+s23+$0x0], $0xffff;
	_ =	sdelay $0x4  }
0x43: {  	vm0 =	vle.f32 v13, v6  }
0x44: {  	v13 =	vsel vm0, $0x1, v1  }
0x45: {  	(xrf0) =	vadd.scan.msk.s32 $0xffff, v13;
	_ =	sdelay $0x5  }
0x46: {  	v13, _, _ =	vpop (xrf0)  }
0x47: {  	v13 =	vadd.s32 v13, v12  }
0x48: {  	v13 =	vadd.s32 $0xFFFFFFFF, v13  }
0x49: {  	v14 =	vld [tilespmem:s15+$0xFFFFFFE0];
	vm1 =	vlt.s32 v13, $0x20  }
0x4a: {  	vm1 =	vmand vm0, vm1  }
0x4b: {  	v13 =	vadd.s32 v10, v13;
	_ =	sdelay $0x2  }
0x4c: {  	v14 =	vsub.f32 v14, v7;
	_ =	sdelay $0x1  }
0x4d: {  	[tilespmem:v13+s24+$0x0] =	vst.idx.msk vm1, v14  }
0x4e: {  	v14 =	vld [tilespmem:s0+$0xFFFFFFE0];
	_ =	sdelay $0x4  }
0x4f: {  	v14 =	vsub.f32 v14, v8  }
0x50: {  	s4 =	sadd.s32 $0x10, s3  }
0x51: {  	[tilespmem:v13+s25+$0x0] =	vst.idx.msk vm1, v14;
	v14 =	vmov s4  }
0x52: {  	v16 =	vor.u32 s4, v0;
	v15 =	vld [tilespmem:s1+$0xFFFFFFE0];
	v14 =	vshll.u32 v14, $0x3  }
0x53: {  	v16 =	vand.u32 $0x5F, v16;
	v14 =	vand.u32 $0x1C00, v14  }
0x54: {  	v14 =	vor.u32 v14, v16  }
0x55: {  	v14 =	vor.u32 v11, v14;
	_ =	sdelay $0x1  }
0x56: {  	v15 =	vsub.f32 v15, v9;
	_ =	sdelay $0x1  }
0x57: {  	[tilespmem:v13+s26+$0x0] =	vst.idx.msk vm1, v15  }
0x58: {  	v13 =	vld.idx.msk [tilespmem:v14+s23+$0x0], $0xffff;
	_ =	sdelay $0x4  }
0x59: {  	vm10 =	vle.f32 v13, v6  }
0x5a: {  	v13 =	vsel vm10, $0x1, v1  }
0x5b: {  	(xrf0) =	vadd.scan.msk.s32 $0xffff, v13;
	_ =	sdelay $0x1  }
0x5c: {  	v13 =	vmpcnt.ones.xlane vm0;
	_ =	sdelay $0x3  }
0x5d: {  	v12 =	vadd.s32 v12, v13;
	v13, _, _ =	vpop (xrf0)  }
0x5e: {  	v13 =	vadd.s32 v13, v12  }
0x5f: {  	v13 =	vadd.s32 $0xFFFFFFFF, v13  }
0x60: {  	v14 =	vld [tilespmem:s15+$0xFFFFFFF0];
	vm11 =	vlt.s32 v13, $0x20  }
0x61: {  	vm0 =	vmand vm10, vm11  }
0x62: {  	v13 =	vadd.s32 v10, v13;
	_ =	sdelay $0x2  }
0x63: {  	v14 =	vsub.f32 v14, v7;
	_ =	sdelay $0x1  }
0x64: {  	[tilespmem:v13+s24+$0x0] =	vst.idx.msk vm0, v14  }
0x65: {  	v14 =	vld [tilespmem:s0+$0xFFFFFFF0];
	_ =	sdelay $0x4  }
0x66: {  	v14 =	vsub.f32 v14, v8  }
0x67: {  	s4 =	sadd.s32 $0x20, s3  }
0x68: {  	[tilespmem:v13+s25+$0x0] =	vst.idx.msk vm0, v14;
	v14 =	vmov s4  }
0x69: {  	v62 =	vor.u32 s4, v0;
	v15 =	vld [tilespmem:s1+$0xFFFFFFF0];
	v14 =	vshll.u32 v14, $0x3  }
0x6a: {  	v16 =	vand.u32 $0x6F, v62;
	v14 =	vand.u32 $0x1C00, v14  }
0x6b: {  	v14 =	vor.u32 v14, v16  }
0x6c: {  	v14 =	vor.u32 v11, v14;
	_ =	sdelay $0x1  }
0x6d: {  	v15 =	vsub.f32 v15, v9;
	_ =	sdelay $0x1  }
0x6e: {  	[tilespmem:v13+s26+$0x0] =	vst.idx.msk vm0, v15  }
0x6f: {  	v13 =	vld.idx.msk [tilespmem:v14+s23+$0x0], $0xffff;
	_ =	sdelay $0x4  }
0x70: {  	vm12 =	vle.f32 v13, v6  }
0x71: {  	v13 =	vsel vm12, $0x1, v1  }
0x72: {  	(xrf0) =	vadd.scan.msk.s32 $0xffff, v13;
	_ =	sdelay $0x1  }
0x73: {  	v13 =	vmpcnt.ones.xlane vm10;
	_ =	sdelay $0x3  }
0x74: {  	v12 =	vadd.s32 v12, v13;
	v13, _, _ =	vpop (xrf0)  }
0x75: {  	v13 =	vadd.s32 v13, v12  }
0x76: {  	v13 =	vadd.s32 $0xFFFFFFFF, v13  }
0x77: {  	v14 =	vld [tilespmem:s15+$0x0];
	vm13 =	vlt.s32 v13, $0x20  }
0x78: {  	vm1 =	vmand vm12, vm13  }
0x79: {  	v13 =	vadd.s32 v10, v13;
	_ =	sdelay $0x2  }
0x7a: {  	v14 =	vsub.f32 v14, v7;
	_ =	sdelay $0x1  }
0x7b: {  	[tilespmem:v13+s24+$0x0] =	vst.idx.msk vm1, v14  }
0x7c: {  	v14 =	vld [tilespmem:s0+$0x0];
	_ =	sdelay $0x4  }
0x7d: {  	v14 =	vsub.f32 v14, v8  }
0x7e: {  	s4 =	sadd.s32 $0x30, s3  }
0x7f: {  	[tilespmem:v13+s25+$0x0] =	vst.idx.msk vm1, v14;
	v14 =	vmov s4  }
0x80: {  	v63 =	vor.u32 s4, v0;
	v15 =	vld [tilespmem:s1+$0x0];
	v14 =	vshll.u32 v14, $0x3  }
0x81: {  	v16 =	vand.u32 $0x7F, v63;
	v14 =	vand.u32 $0x1C00, v14  }
0x82: {  	v14 =	vor.u32 v14, v16  }
0x83: {  	v14 =	vor.u32 v11, v14;
	_ =	sdelay $0x1  }
0x84: {  	v15 =	vsub.f32 v15, v9;
	_ =	sdelay $0x1  }
0x85: {  	[tilespmem:v13+s26+$0x0] =	vst.idx.msk vm1, v15  }
0x86: {  	v13 =	vld.idx.msk [tilespmem:v14+s23+$0x0], $0xffff;
	_ =	sdelay $0x4  }
0x87: {  	vm14 =	vle.f32 v13, v6  }
0x88: {  	v13 =	vsel vm14, $0x1, v1  }
0x89: {  	(xrf0) =	vadd.scan.msk.s32 $0xffff, v13;
	_ =	sdelay $0x1  }
0x8a: {  	v13 =	vmpcnt.ones.xlane vm12;
	_ =	sdelay $0x3  }
0x8b: {  	v12 =	vadd.s32 v12, v13;
	v13, _, _ =	vpop (xrf0)  }
0x8c: {  	v13 =	vadd.s32 v13, v12  }
0x8d: {  	v13 =	vadd.s32 $0xFFFFFFFF, v13  }
0x8e: {  	v14 =	vld [tilespmem:s15+$0x10];
	vm15 =	vlt.s32 v13, $0x20  }
0x8f: {  	vm0 =	vmand vm14, vm15  }
0x90: {  	v13 =	vadd.s32 v10, v13;
	_ =	sdelay $0x2  }
0x91: {  	v14 =	vsub.f32 v14, v7;
	_ =	sdelay $0x1  }
0x92: {  	[tilespmem:v13+s24+$0x0] =	vst.idx.msk vm0, v14  }
0x93: {  	v14 =	vld [tilespmem:s0+$0x10];
	_ =	sdelay $0x4  }
0x94: {  	v14 =	vsub.f32 v14, v8;
	_ =	sdelay $0x1  }
0x95: {  	[tilespmem:v13+s25+$0x0] =	vst.idx.msk vm0, v14  }
0x96: {  	v14 =	vld [tilespmem:s1+$0x10];
	_ =	sdelay $0x1  }
0x97: {  	p0 =	sne.s32 s3, $0x3C0  }
.Ltmp0:
0x98: {  	_ = 	snop;
	(pc) =	sbr.rel @p0 .LBB2_4-.Ltmp0, $4  }
0x99: {  	_ = 	snop  }
0x9a: {  	v15 =	vmpcnt.ones.xlane vm14;
	v14 =	vsub.f32 v14, v9  }
0x9b: {  	s3 =	sadd.s32 $0x40, s3  }
0x9c: {  	s15 =	sadd.s32 $0x40, s15;
	v12 =	vadd.s32 v12, v15;
	s0 =	sadd.s32 $0x40, s0;
	s1 =	sadd.s32 $0x40, s1;
	[tilespmem:v13+s26+$0x0] =	vst.idx.msk vm0, v14  }
0x9d: {  	_ =	sdelay $0x3  }
0x9e: {  	v11 =	vld.idx.msk [tilespmem:v2+s2+$0x0], $0xffff  }
0x9f: {  	v13 =	vld.idx.msk [tilespmem:v10+s24+$0x0], $0xffff  }
0xa0: {  	v14 =	vld.idx.msk [tilespmem:v2+s18+$0x0], $0xffff  }
0xa1: {  	v15 =	vld.idx.msk [tilespmem:v2+s19+$0x0], $0xffff;
	vm0 =	vlt.s32 v12, v3  }
0xa2: {  	v16 =	vld.idx.msk [tilespmem:v10+s25+$0x0], $0xffff;
	v17 =	vor.u32 v0, v10  }
0xa3: {  	v18 =	vld.idx.msk [tilespmem:v10+s26+$0x0], $0xffff  }
0xa4: {  	vm1 =	vlt.s32 v12, v4;
	v7 =	vsub.f32 v11, v7  }
0xa5: {  	vm2 =	veq.s32 v12, $0x0;
	v63 =	vor.u32 v5, v10;
	v8 =	vsub.f32 v14, v8  }
0xa6: {  	s30 =	sadd.s32 $0x1, s30;
	v9 =	vsub.f32 v15, v9;
	v7 =	vsel vm2, v7, v13  }
0xa7: {  	p0 =	sne.s32 s30, $0x10;
	v8 =	vsel vm2, v8, v16;
	[tilespmem:v17+s24+$0x0] =	vst.idx.msk vm0, v7  }
.Ltmp1:
0xa8: {  	v9 =	vsel vm2, v9, v18;
	[tilespmem:v17+s25+$0x0] =	vst.idx.msk vm0, v8;
	(pc) =	sbr.rel @p0 .LBB2_3-.Ltmp1, $4  }
0xa9: {  	[tilespmem:v17+s26+$0x0] =	vst.idx.msk vm0, v9  }
0xaa: {  	[tilespmem:v63+s24+$0x0] =	vst.idx.msk vm1, v7  }
0xab: {  	[tilespmem:v63+s25+$0x0] =	vst.idx.msk vm1, v8  }
0xac: {  	[tilespmem:v63+s26+$0x0] =	vst.idx.msk vm1, v9  }
0xad: {  	s29 =	sadd.s32 $0x1, s29  }
0xae: {  	p0 =	sne.s32 s29, $0x20  }
.Ltmp2:
0xaf: {  	_ = 	snop;
	(pc) =	sbr.rel @p0 .LBB2_2-.Ltmp2, $1  }
0xb0: {  	_ =	sdelay $0x3  }
0xb1: {  	[hbm4b:s11+s17] =	stream.strided.scatter [tilespmem:s24], [sflag:$0x1], $0x4000, s18, s17, $0x38;
	[tilespmem:$0x11280] =	vst v63  }
0xb2: {  	_ =	swait.ge [sflag:s16], $0x4000  }
0xb3: {  	[sflag:s16] =	ssyncset.done $0x0  }
0xb4: {  	[sflag:s16] =	ssyncadd.s32 $0xFFFFC000  }
0xb5: {  	[hbm4b:s12+s17] =	stream.strided.scatter [tilespmem:s25], [sflag:$0x1], $0x4000, s18, s17, $0x38;
	[tilespmem:$0x11280] =	vst v63  }
0xb6: {  	s28 =	sadd.s32 $0x1, s28;
	_ =	swait.ge [sflag:s16], $0x4000  }
0xb7: {  	p0 =	sne.s32 s28, s14;
	[sflag:s16] =	ssyncset.done $0x0  }
.Ltmp3:
0xb8: {  	[sflag:s16] =	ssyncadd.s32 $0xFFFFC000;
	(pc) =	sbr.rel @p0 .LBB2_1-.Ltmp3, $4  }
0xb9: {  	[hbm4b:s13+s17] =	stream.strided.scatter [tilespmem:s26], [sflag:$0x1], $0x4000, s18, s17, $0x38;
	[tilespmem:$0x11280] =	vst v63  }
0xba: {  	_ =	swait.ge [sflag:s16], $0x4000  }
0xbb: {  	[sflag:s16] =	ssyncset.done $0x0  }
0xbc: {  	[sflag:s16] =	ssyncadd.s32 $0xFFFFC000  }
0xbd: {  	_ =	sfence.sel $0x180000  }
0xbe: {  	[bflag:$0x0] =	sbarrier.arrive $0xFFFF  }
0xbf: {  	_ =	strace $0x9000004D  }
0xc0: {  	s0 =	stileid.u32;
	[bflag:$0x2] =	sbarrier.arrive $0xFFFF  }
0xc1: {  	p0 =	sne.s32 s0, $0x0;
	s0 =	rddreg [dreg:$0x1]  }
0xc2: {  	s0 =	sadd.s32 @!p0 $0x100000, s0  }
0xc3: {  	[sflag:s0] =	ssyncadd.tile.s32 @!p0 $0x1;
	_ =	shalt  }
.Lfunc_end2:
_tile_overlayer_lowered:
.L_overlay_start_2:
0xc4: {  	(tag) =	ssettag $0x2  }
0xc5: {  	s0 =	rddreg [dreg:$0x0];
	s2 =	stileid.u32  }
0xc6: {  	s1 =	rddreg [dreg:$0x1];
	p0 =	sne.s32 s2, $0x0  }
0xc7: {  	s3 =	rddreg [dreg:$0x2];
	[bflag:$0x3] =	sbarrier.arrive $0xFFFF;
	s2 =	simm.s32 @!p0 $0x1C01  }
0xc8: {  	[timem:s3], [sflag:s2] =	dma.local @!p0 [hbm:s0], s1  }
0xc9: {  	s0 =	simm.s32 @!p0 $0x1  }
0xca: {  	_ =	swait.ge @!p0 [sflag:s0], s1  }
0xcb: {  	s1 =	ssub.s32 @!p0 $0x0, s1;
	[sflag:s0] =	ssyncset.done @!p0 $0x0  }
0xcc: {  	[sflag:s0] =	ssyncadd.s32 @!p0 s1  }
0xcd: {  	[bflag:$0x3] =	sbarrier.arrive $0xFFFF  }
0xce: {  	_ =	shalt  }

// kernel: kernel.19.cloned.1.call-start
scs
__scs_entry_jumppad:
0x0: {  	(pc) =	sbr.rel $0x88, $3  }
0x1: {  	(tag) =	ssettag $0x0;
	lr =	simm.s32 $0x1  }
0x2: {  	[smem:$0x3F8C] =	sst lr;
	_ =	strace $0xD0000000  }
0x3: {  	_ = 	snop  }
0x4: {  	_ = 	snop  }
0x5: {  	_ = 	snop  }
0x6: {  	_ = 	snop  }
0x7: {  	_ = 	snop  }
__scs_overlays_trampoline_lowered:
0x8: {  	[smem:$0x3F9B] =	sst s0  }
0x9: {  	[smem:$0x3F9C] =	sst s1  }
0xa: {  	[smem:$0x3F9D] =	sst s2  }
0xb: {  	[smem:$0x3F9E] =	sst s3  }
0xc: {  	[smem:$0x3F9F] =	sst s4  }
0xd: {  	[smem:$0x3FA0] =	sst s5  }
0xe: {  	[smem:$0x3FA1] =	sst s6  }
0xf: {  	[smem:$0x3FA2] =	sst s7  }
0x10: {  	[smem:$0x3FA3] =	sst s8  }
0x11: {  	[smem:$0x3FA4] =	sst s9;
	s0 =	simm.s32 @!p0 $0x0  }
0x12: {  	s1 =	sld [smem:$0x3F8A];
	s0 =	simm.s32 @p0 $0x1  }
0x13: {  	[smem:$0x3FA5] =	sst s0;
	s0 =	simm.s32 @!p1 $0x0  }
0x14: {  	s2 =	sld [smem:$0x3F89];
	s0 =	simm.s32 @p1 $0x1  }
0x15: {  	[smem:$0x3FA6] =	sst s0;
	s0 =	simm.s32 @!p2 $0x0  }
0x16: {  	s3 =	sld [smem:$0x3FDB];
	s0 =	simm.s32 @p2 $0x1  }
0x17: {  	s4 =	simm.s32 $0x1BF5;
	[smem:$0x3FA8] =	sst s0  }
0x18: {  	s0 =	sld [smem:$0x3F8B];
	_ =	swait.ge [sflag:s4], $0x0  }
0x19: {  	s7 =	sld [smem:$0x3F8C]  }
0x1a: {  	s8 =	sadd.s32 $0xFFFFE003, lr  }
0x1b: {  	s9 =	sadd.s32 $0xFFFFFEF7, lr;
	s5 =	simm.s32 $0xFFFFFFFF;
	p2 =	slt.u32 s8, $0xFFFFF086  }
0x1c: {  	p1 =	slt.u32 s9, $0xF7A;
	s5 =	simm.s32 @!p2 $0x0  }
0x1d: {  	s5 =	simm.s32 @p1 $0x1;
	p0 =	seq.s32 s7, s2  }
0x1e: {  	s7 =	smul.u32 @!p0 $0xF7A, s2;
	p2 =	seq.s32 @!p0 s5, $0x0  }
0x1f: {  	s9 =	smul.u32 $0xF7A, s1;
	s8 =	simm.s32 @!p0 $0x1BF5;
	p2 =	por !p2, p0  }
0x20: {  	[sflag:s8] =	ssyncset.s32 @!p0 $0xFFFFF086;
	s6 =	sadd.s32 @!p0 s3, s7;
	s7 =	simm.s32 @!p0 $0x108  }
0x21: {  	s3 =	sadd.s32 s3, s9;
	s6 =	sadd.s32 @!p0 $0x88, s6;
	s7 =	simm.s32 @p2 $0x1082  }
0x22: {  	[simem:s7], [sflag:s8] =	dma.local @!p0 [hbm:s6], $0xF7A  }
0x23: {  	s9 =	sor.u32 $0xD0000000, s2;
	s6 =	simm.s32 $0x108;
	_ =	swait.ge @!p0 [sflag:s8], $0x0  }
0x24: {  	s3 =	sadd.s32 $0x88, s3;
	s6 =	simm.s32 @!p1 $0x1082;
	[sflag:s4] =	ssyncset.s32 $0xFFFFF086  }
0x25: {  	[simem:s6], [sflag:s4] =	dma.local [hbm:s3], $0xF7A  }
0x26: {  	[smem:$0x3F8C] =	sst s1;
	(tag) =	ssettag s2;
	_ =	strace s9  }
0x27: {  	s1 =	sld [smem:$0x3F9C]  }
0x28: {  	s2 =	sld [smem:$0x3F9D]  }
0x29: {  	s4 =	sld [smem:$0x3F9F]  }
0x2a: {  	p0 =	seq.s32 s5, $0x0;
	s5 =	sld [smem:$0x3FA0]  }
0x2b: {  	s6 =	sld [smem:$0x3FA1]  }
0x2c: {  	s7 =	sld [smem:$0x3FA2]  }
0x2d: {  	s3 =	simm.s32 $0x108;
	s8 =	sld [smem:$0x3FA3]  }
0x2e: {  	s3 =	simm.s32 @!p0 $0x1082;
	s9 =	sld [smem:$0x3FA4]  }
0x2f: {  	lr =	sadd.s32 s0, s3;
	s0 =	sld [smem:$0x3F9B]  }
0x30: {  	s3 =	sld [smem:$0x3F9E]  }
0x31: {  	[smem:$0x3FA7] =	sst s10  }
0x32: {  	s10 =	sld [smem:$0x3FA5];
	_ =	sdelay $0x3  }
0x33: {  	p0 =	seq.s32 s10, $0x1;
	s10 =	sld [smem:$0x3FA7];
	_ =	sdelay $0x3  }
0x34: {  	[smem:$0x3FA7] =	sst s10  }
0x35: {  	s10 =	sld [smem:$0x3FA6];
	_ =	sdelay $0x3  }
0x36: {  	p1 =	seq.s32 s10, $0x1;
	s10 =	sld [smem:$0x3FA7];
	_ =	sdelay $0x3  }
0x37: {  	[smem:$0x3FA7] =	sst s10  }
0x38: {  	s10 =	sld [smem:$0x3FA8]  }
0x39: {  	_ = 	snop;
	(pc) =	sbr.ind lr, $3  }
0x3a: {  	_ = 	snop  }
0x3b: {  	_ = 	snop  }
0x3c: {  	p2 =	seq.s32 s10, $0x1;
	s10 =	sld [smem:$0x3FA7]  }
0x3d: {  	_ =	shalt  }
0x3e: {  	_ =	shalt  }
0x3f: {  	_ =	shalt  }
0x40: {  	_ =	shalt  }
0x41: {  	_ =	shalt  }
0x42: {  	_ =	shalt  }
0x43: {  	_ =	shalt  }
0x44: {  	_ =	shalt  }
0x45: {  	_ =	shalt  }
0x46: {  	_ =	shalt  }
0x47: {  	_ =	shalt  }
0x48: {  	_ =	shalt  }
0x49: {  	_ =	shalt  }
0x4a: {  	_ =	shalt  }
0x4b: {  	_ =	shalt  }
0x4c: {  	_ =	shalt  }
0x4d: {  	_ =	shalt  }
0x4e: {  	_ =	shalt  }
0x4f: {  	_ =	shalt  }
0x50: {  	_ =	shalt  }
0x51: {  	_ =	shalt  }
0x52: {  	_ =	shalt  }
0x53: {  	_ =	shalt  }
0x54: {  	_ =	shalt  }
0x55: {  	_ =	shalt  }
0x56: {  	_ =	shalt  }
0x57: {  	_ =	shalt  }
0x58: {  	_ =	shalt  }
0x59: {  	_ =	shalt  }
0x5a: {  	_ =	shalt  }
0x5b: {  	_ =	shalt  }
0x5c: {  	_ =	shalt  }
0x5d: {  	_ =	shalt  }
0x5e: {  	_ =	shalt  }
0x5f: {  	_ =	shalt  }
0x60: {  	_ =	shalt  }
0x61: {  	_ =	shalt  }
0x62: {  	_ =	shalt  }
0x63: {  	_ =	shalt  }
0x64: {  	_ =	shalt  }
0x65: {  	_ =	shalt  }
0x66: {  	_ =	shalt  }
0x67: {  	_ =	shalt  }
0x68: {  	_ =	shalt  }
0x69: {  	_ =	shalt  }
0x6a: {  	_ =	shalt  }
0x6b: {  	_ =	shalt  }
0x6c: {  	_ =	shalt  }
0x6d: {  	_ =	shalt  }
0x6e: {  	_ =	shalt  }
0x6f: {  	_ =	shalt  }
0x70: {  	_ =	shalt  }
0x71: {  	_ =	shalt  }
0x72: {  	_ =	shalt  }
0x73: {  	_ =	shalt  }
0x74: {  	_ =	shalt  }
0x75: {  	_ =	shalt  }
0x76: {  	_ =	shalt  }
0x77: {  	_ =	shalt  }
0x78: {  	_ =	shalt  }
0x79: {  	_ =	shalt  }
0x7a: {  	_ =	shalt  }
0x7b: {  	_ =	shalt  }
0x7c: {  	_ =	shalt  }
0x7d: {  	_ =	shalt  }
0x7e: {  	_ =	shalt  }
0x7f: {  	_ =	shalt  }
0x80: {  	_ =	shalt  }
0x81: {  	_ =	shalt  }
0x82: {  	_ =	shalt  }
0x83: {  	_ =	shalt  }
0x84: {  	_ =	shalt  }
0x85: {  	_ =	shalt  }
0x86: {  	_ =	shalt  }
0x87: {  	_ =	shalt  }
.Lfunc_end0:
.L_simem_size_0:
called_computation.2_lowered:
.L_overlay_start_0:
0x88: {  	s2 =	sld [smem:$0x3FD9]  }
0x89: {  	s3 =	sld [smem:$0x3FFE];
	_ =	sdelay $0x1  }
0x8a: {  	s1 =	srdreg.scid  }
0x8b: {  	s0 =	sand.u32 $0x1, s1  }
0x8c: {  	s14 =	sshll.u32 s0, $0xA;
	s2 =	sadd.s32 s3, s2  }
0x8d: {  	s2 =	sadd.s32 s2, s14  }
0x8e: {  	[smem:$0x3FB3] =	sst s2  }
0x8f: {  	_ = 	snop  }
0x90: {  	s2 =	sld [smem:$0x3FD0];
	_ =	sdelay $0x2  }
0x91: {  	s15 =	simm.s32 $0xB;
	s4 =	simm.s32 $0x10  }
0x92: {  	[smem:s4], [sflag:s15] =	dma.local [hbm:s2], $0x1  }
0x93: {  	_ =	swait.eq [sflag:s15], $0x1  }
0x94: {  	[sflag:s15] =	ssyncset.done $0x0  }
0x95: {  	s16 =	sld [smem:$0x10];
	[sflag:s15] =	ssyncadd.s32 $0xFFFFFFFF  }
0x96: {  	s17 =	sld [smem:$0x11];
	(tm) =	ssettm $0x1  }
0x97: {  	s18 =	sld [smem:$0x3FFB];
	_ =	sdelay $0x3  }
0x98: {  	_ =	strace s18  }
0x99: {  	s4 =	sld [smem:$0x3FFC];
	_ =	sdelay $0x3  }
0x9a: {  	_ =	strace s4  }
0x9b: {  	s4 =	sld [smem:$0x3FFD];
	_ =	sdelay $0x3  }
0x9c: {  	_ =	strace s4  }
0x9d: {  	_ =	strace $0x8FFFFFFF  }
0x9e: {  	s19 =	sld [smem:$0x3FDB];
	_ =	sdelay $0x1  }
0x9f: {  	s5 =	simm.s32 $_scs_section_size  }
0xa0: {  	s6 =	simm.s32 $_size__tile_overlayer_lowered;
	s7 =	simm.s32 $_tile_overlayer_lowered  }
0xa1: {  	s22 =	simm.s32 $0x1BFF;
	s21 =	sshll.u32 s7, $0x1;
	s4 =	sadd.s32 s5, s19  }
0xa2: {  	s8 =	simm.s32 $0x0;
	s20 =	sshll.u32 s6, $0x1;
	s6 =	sadd.s32 s21, s4  }
0xa3: {  	[timem:s8], [sflag:s22] =	dma.local [hbm:s6], s20  }
0xa4: {  	_ =	swait.ge [sflag:s22], s20  }
0xa5: {  	s5 =	ssub.s32 $0x0, s20;
	[sflag:s22] =	ssyncset.done $0x0  }
0xa6: {  	[sflag:s22] =	ssyncadd.s32 s5;
	_ =	sdelay $0x1  }
0xa7: {  	s23 =	simm.s32 $0x1B8B  }
0xa8: {  	_ =	swait.ge [sflag:s23], $0x1  }
0xa9: {  	[sflag:s23] =	ssyncset.done $0x0  }
0xaa: {  	s25 =	simm.s32 $0x1B8E;
	s24 =	sld [smem:$0x3FFE];
	[sflag:s23] =	ssyncadd.s32 $0xFFFFFFFF  }
0xab: {  	s26 =	simm.s32 $execute0_lowered;
	[smem:$0x3FD2] =	sst s25  }
0xac: {  	s6 =	sshll.u32 s26, $0x1;
	_ =	strace $0x80000049;
	[dreg:$0x1] =	wrdreg $0xFFFFFFFF  }
0xad: {  	s28 =	simm.s32 $_size_execute0_lowered;
	s4 =	sadd.s32 s4, s6;
	[dreg:$0x0] =	wrdreg $0x0  }
0xae: {  	s6 =	sshll.u32 s28, $0x1;
	[dreg:$0x2] =	wrdreg s4  }
0xaf: {  	[dreg:$0x3] =	wrdreg s6  }
0xb0: {  	[dreg:$0x4] =	wrdreg $0xC0  }
0xb1: {  	_ =	task [dreg:s8], $0x5FFFF  }
0xb2: {  	[dreg:$0x1] =	wrdreg $0xFFFFFFFF  }
0xb3: {  	[dreg:$0x0] =	wrdreg $0x60  }
0xb4: {  	[dreg:$0x2] =	wrdreg s24  }
0xb5: {  	[dreg:$0x3] =	wrdreg s17  }
0xb6: {  	[dreg:$0x4] =	wrdreg s16  }
0xb7: {  	[dreg:$0x5] =	wrdreg $0xA  }
0xb8: {  	_ =	task.clear_ibuf [dreg:s8], $0x6FFFF;
	_ =	strace $0x90000049  }
0xb9: {  	s29 =	simm.s32 $0xA;
	_ =	strace $0x8000004B  }
0xba: {  	_ =	swait.ge [sflag:s29], $0x1  }
0xbb: {  	[sflag:s29] =	ssyncadd.s32 $0xFFFFFFFF  }
0xbc: {  	_ =	strace $0x9000004B  }
0xbd: {  	_ =	sfence  }
0xbe: {  	s30 =	sld [smem:$0x0];
	_ =	sdelay $0x2  }
0xbf: {  	s31 =	sshll.u32 s1, $0xD;
	s1 =	sshrl.u32 s1, $0x2  }
0xc0: {  	s3 =	sand.u32 $0x4000, s31;
	s1 =	sadd.s32 s1, s30  }
0xc1: {  	s0 =	sor.u32 s3, s0;
	s1 =	sshll.u32 s1, $0x11  }
0xc2: {  	s0 =	sor.u32 s1, s0  }
0xc3: {  	s0 =	sadd.s32 $0x8F2B, s0  }
0xc4: {  	[sflag:s0] =	ssyncadd.remote.s32 $0x1  }
0xc5: {  	_ =	sfence.sel $0xFFFF  }
0xc6: {  	[dreg:$0x0] =	wrdreg $0xFFFFFFFF;
	(pc) =	sbr.abs _section_cstart, $3  }
0xc7: {  	[dreg:$0x1] =	wrdreg $0xFFFFFFFF  }
0xc8: {  	_ =	task.clear_ibuf [dreg:s8], $0x2FFFF;
	_ =	strace $0x9FFFFFFF  }
0xc9: {  	(tm) =	ssettm $0x7FFFFFFF  }
tec
execute0_lowered:
.L_overlay_start_1:
0x0: {  	(tag) =	ssettag $0x1  }
0x1: {  	s3 =	rddreg [dreg:$0x0]  }
0x2: {  	s6 =	rddreg [dreg:$0x1]  }
0x3: {  	s7 =	rddreg [dreg:$0x2]  }
0x4: {  	s0 =	rddreg [dreg:$0x3];
	s2 =	simm.s32 $0x0  }
0x5: {  	s4 =	srdreg.scid;
	s1 =	stileid.u32;
	s12 =	simm.s32 $0x1  }
0x6: {  	s13 =	simm.s32 $0x200;
	s14 =	simm.s32 $0x800;
	s15 =	simm.s32 $0x880  }
0x7: {  	s16 =	simm.s32 $0x900;
	s17 =	simm.s32 $0x0;
	[smem:$0x7FF] =	sst s2  }
0x8: {  	s4 =	sand.u32 $0x1, s4;
	s5 =	sshll.u32 s1, $0x8;
	s8 =	sshrl.u32 s1, $0x2  }
0x9: {  	_ =	strace $0x8000004A;
	s9 =	sshll.u32 s4, $0x7;
	s5 =	sand.u32 $0x300, s5  }
0xa: {  	s28 =	sshll.u32 s8, $0xC;
	s4 =	ssub.s32 $0x2, s4;
	s5 =	sor.u32 s9, s5  }
0xb: {  	s8 =	sshll.u32 s8, $0xA;
	s31 =	sshrl.u32 s4, $0x1;
	s9 =	sor.u32 s28, s5  }
0xc: {  	s5 =	sor.u32 s8, s5;
	s11 =	ssub.s32 s4, s31;
	s29 =	sshrl.u32 s9, $0x3  }
0xd: {  	s30 =	sshrl.u32 s5, $0x3;
	s9 =	smax.u32 s11, $0x1;
	s11 =	simm.s32 $0x400  }
0xe: {  	s8 =	sadd.s32 s29, s3;
	s10 =	sadd.s32 s30, s3;
	s6 =	sadd.s32 s6, s30  }
0xf: {  	s7 =	sadd.s32 s7, s30;
	s3 =	sadd.s32 $0x5C00, s8;
	s4 =	sadd.s32 $0x6400, s8  }
0x10: {  	v0 =	vimm.f32 $1.000000000e+10;
	v1 =	vlaneseq.u32;
	s5 =	sadd.s32 $0x6C00, s8;
	s8 =	sadd.s32 $0x7400, s10;
	s10 =	simm.s32 $0x80  }
.LBB2_1:
0x11: {  	[tilespmem:s2], [sflag:$0x1] =	stream.strided.gather [hbm4b:s3+s10], $0x200, s11, s10, $0x38;
	[tilespmem:$0x980] =	vst v63  }
0x12: {  	_ =	swait.ge [sflag:s12], $0x200  }
0x13: {  	[sflag:s12] =	ssyncset.done $0x0  }
0x14: {  	[sflag:s12] =	ssyncadd.s32 $0xFFFFFE00  }
0x15: {  	[tilespmem:s13], [sflag:$0x1] =	stream.strided.gather [hbm4b:s4+s10], $0x200, s11, s10, $0x38;
	[tilespmem:$0x980] =	vst v63  }
0x16: {  	_ =	swait.ge [sflag:s12], $0x200  }
0x17: {  	[sflag:s12] =	ssyncset.done $0x0  }
0x18: {  	[sflag:s12] =	ssyncadd.s32 $0xFFFFFE00  }
0x19: {  	[tilespmem:s11], [sflag:$0x1] =	stream.strided.gather [hbm4b:s5+s10], $0x200, s11, s10, $0x38;
	[tilespmem:$0x980] =	vst v63  }
0x1a: {  	_ =	swait.ge [sflag:s12], $0x200  }
0x1b: {  	[sflag:s12] =	ssyncset.done $0x0  }
0x1c: {  	[sflag:s12] =	ssyncadd.s32 $0xFFFFFE00  }
0x1d: {  	[tilespmem:$0x600] =	vst v0  }
0x1e: {  	[tilespmem:$0x610] =	vst v0  }
0x1f: {  	[tilespmem:$0x620] =	vst v0  }
0x20: {  	[tilespmem:$0x630] =	vst v0  }
0x21: {  	[tilespmem:$0x640] =	vst v0  }
0x22: {  	[tilespmem:$0x650] =	vst v0  }
0x23: {  	[tilespmem:$0x660] =	vst v0  }
0x24: {  	[tilespmem:$0x670] =	vst v0  }
0x25: {  	[tilespmem:$0x680] =	vst v0  }
0x26: {  	[tilespmem:$0x690] =	vst v0  }
0x27: {  	[tilespmem:$0x6A0] =	vst v0  }
0x28: {  	[tilespmem:$0x6B0] =	vst v0  }
0x29: {  	[tilespmem:$0x6C0] =	vst v0  }
0x2a: {  	[tilespmem:$0x6D0] =	vst v0  }
0x2b: {  	[tilespmem:$0x6E0] =	vst v0  }
0x2c: {  	[tilespmem:$0x6F0] =	vst v0  }
0x2d: {  	[tilespmem:$0x700] =	vst v0  }
0x2e: {  	[tilespmem:$0x710] =	vst v0  }
0x2f: {  	[tilespmem:$0x720] =	vst v0  }
0x30: {  	[tilespmem:$0x730] =	vst v0  }
0x31: {  	[tilespmem:$0x740] =	vst v0  }
0x32: {  	[tilespmem:$0x750] =	vst v0  }
0x33: {  	[tilespmem:$0x760] =	vst v0  }
0x34: {  	[tilespmem:$0x770] =	vst v0  }
0x35: {  	[tilespmem:$0x780] =	vst v0  }
0x36: {  	[tilespmem:$0x790] =	vst v0  }
0x37: {  	[tilespmem:$0x7A0] =	vst v0  }
0x38: {  	[tilespmem:$0x7B0] =	vst v0  }
0x39: {  	[tilespmem:$0x7C0] =	vst v0  }
0x3a: {  	[tilespmem:$0x7D0] =	vst v0  }
0x3b: {  	[tilespmem:$0x7E0] =	vst v0  }
0x3c: {  	v4 =	vimm.s32 $0x0;
	s18 =	simm.s32 $0x0;
	[tilespmem:$0x7F0] =	vst v0  }
.LBB2_2:
0x3d: {  	_ =	sdelay $0x3  }
0x3e: {  	v2 =	vld.idx.msk [tilespmem:v4+s2+$0x0], $0xffff;
	v5 =	vmov s18  }
0x3f: {  	v3 =	vld.idx.msk [tilespmem:v4+s13+$0x0], $0xffff  }
0x40: {  	v4 =	vld.idx.msk [tilespmem:v4+s11+$0x0], $0xffff;
	_ =	sdelay $0x2  }
0x41: {  	[tilespmem:v5+s14+$0x0] =	vst.idx.msk $0x1, v2  }
0x42: {  	[tilespmem:v5+s15+$0x0] =	vst.idx.msk $0x1, v3  }
0x43: {  	s22 =	simm.s32 $0x20;
	[tilespmem:v5+s16+$0x0] =	vst.idx.msk $0x1, v4  }
0x44: {  	s19 =	simm.s32 $0x220;
	v5 =	vld [tilespmem:s22+$0xFFFFFFE0]  }
0x45: {  	v6 =	vld [tilespmem:s19+$0xFFFFFFE0]  }
0x46: {  	s20 =	simm.s32 $0x420  }
0x47: {  	v7 =	vld [tilespmem:s20+$0xFFFFFFE0];
	_ =	sdelay $0x2  }
0x48: {  	v5 =	vsub.f32 v5, v2;
	v6 =	vsub.f32 v6, v3;
	_ =	sdelay $0x1  }
0x49: {  	s21 =	simm.s32 $0x620;
	v7 =	vsub.f32 v7, v4;
	v5 =	vmul.f32 v5, v5;
	v6 =	vmul.f32 v6, v6  }
0x4a: {  	v8 =	vld [tilespmem:s21+$0xFFFFFFE0]  }
0x4b: {  	v5 =	vadd.f32 v6, v5;
	v6 =	vmul.f32 v7, v7;
	_ =	sdelay $0x1  }
0x4c: {  	v5 =	vadd.f32 v6, v5;
	_ =	sdelay $0x1  }
0x4d: {  	v5 =	vmin.f32 v8, v5  }
0x4e: {  	[tilespmem:s21+$0xFFFFFFE0] =	vst v5  }
0x4f: {  	v6 =	vld [tilespmem:s22+$0xFFFFFFF0]  }
0x50: {  	v7 =	vld [tilespmem:s19+$0xFFFFFFF0];
	_ =	sdelay $0x1  }
0x51: {  	v8 =	vld [tilespmem:s20+$0xFFFFFFF0];
	_ =	sdelay $0x2  }
0x52: {  	v6 =	vsub.f32 v6, v2;
	v7 =	vsub.f32 v7, v3;
	_ =	sdelay $0x1  }
0x53: {  	v8 =	vsub.f32 v8, v4;
	v6 =	vmul.f32 v6, v6;
	v7 =	vmul.f32 v7, v7  }
0x54: {  	v9 =	vld [tilespmem:s21+$0xFFFFFFF0]  }
0x55: {  	v6 =	vadd.f32 v7, v6;
	v7 =	vmul.f32 v8, v8;
	_ =	sdelay $0x1  }
0x56: {  	v6 =	vadd.f32 v7, v6;
	_ =	sdelay $0x1  }
0x57: {  	v7 =	vmin.f32 v9, v6  }
0x58: {  	[tilespmem:s21+$0xFFFFFFF0] =	vst v7  }
0x59: {  	v6 =	vld [tilespmem:s22+$0x0]  }
0x5a: {  	v8 =	vld [tilespmem:s19+$0x0];
	_ =	sdelay $0x1  }
0x5b: {  	v9 =	vld [tilespmem:s20+$0x0];
	_ =	sdelay $0x2  }
0x5c: {  	v6 =	vsub.f32 v6, v2;
	v8 =	vsub.f32 v8, v3;
	_ =	sdelay $0x1  }
0x5d: {  	v9 =	vsub.f32 v9, v4;
	v6 =	vmul.f32 v6, v6;
	v8 =	vmul.f32 v8, v8  }
0x5e: {  	v10 =	vld [tilespmem:s21+$0x0]  }
0x5f: {  	v6 =	vadd.f32 v8, v6;
	v8 =	vmul.f32 v9, v9;
	_ =	sdelay $0x1  }
0x60: {  	v6 =	vadd.f32 v8, v6;
	_ =	sdelay $0x1  }
0x61: {  	v6 =	vmin.f32 v10, v6  }
0x62: {  	v8 =	vimm.f32 $-1.000000000e+00;
	[tilespmem:s21+$0x0] =	vst v6  }
0x63: {  	vm0 =	vgt.f32 v5, v8;
	v10 =	vld [tilespmem:s22+$0x10]  }
0x64: {  	v5 =	vsel vm0, v5, v8;
	v8 =	vld [tilespmem:s19+$0x10]  }
0x65: {  	vm1 =	vgt.f32 v7, v5;
	v9 =	vld [tilespmem:s20+$0x10]  }
0x66: {  	s23 =	simm.s32 $0x30;
	v7 =	vsel vm1, v7, v5  }
0x67: {  	s24 =	simm.s32 $0x70;
	s25 =	simm.s32 $0x60;
	s22 =	simm.s32 $0x620;
	v5 =	vimm.s32 $0x0;
	vm2 =	vgt.f32 v6, v7  }
.LBB2_3:
0x68: {  	v10 =	vsub.f32 v10, v2;
	s20 =	sadd.s32 $0x40, s20;
	s21 =	sadd.s32 $0x40, s21;
	s19 =	sadd.s32 $0x40, s19  }
0x69: {  	p0 =	sne.s32 s24, $0x1F0;
	s26 =	smov.u32 s24;
	s24 =	sadd.s32 $0x40, s24;
	v8 =	vsub.f32 v8, v3  }
0x6a: {  	v9 =	vsub.f32 v9, v4;
	v10 =	vmul.f32 v10, v10  }
0x6b: {  	v8 =	vmul.f32 v8, v8;
	v11 =	vld [tilespmem:s22+$0x10]  }
0x6c: {  	v9 =	vmul.f32 v9, v9  }
0x6d: {  	s28 =	sadd.s32 $0xFFFFFFD0, s23;
	v8 =	vadd.f32 v8, v10  }
0x6e: {  	v10 =	vor.u32 s28, v1;
	s28 =	sadd.s32 $0xFFFFFFE0, s23  }
0x6f: {  	v5 =	vsel vm0, v10, v5;
	v10 =	vor.u32 s28, v1;
	s28 =	sadd.s32 $0xFFFFFFF0, s23;
	v8 =	vadd.f32 v9, v8  }
0x70: {  	v6 =	vsel vm2, v6, v7;
	v5 =	vsel vm1, v10, v5;
	v9 =	vor.u32 s28, v1  }
0x71: {  	v5 =	vsel vm2, v9, v5;
	v7 =	vmin.f32 v11, v8;
	v8 =	vor.u32 s23, v1;
	s23 =	smov.u32 s26  }
0x72: {  	[tilespmem:s22+$0x10] =	vst v7;
	vm0 =	vgt.f32 v7, v6;
	s22 =	smov.u32 s21  }
0x73: {  	v9 =	vld [tilespmem:s25+$0xFFFFFFE0];
	v6 =	vsel vm0, v7, v6;
	v5 =	vsel vm0, v8, v5  }
0x74: {  	v7 =	vld [tilespmem:s19+$0xFFFFFFE0];
	_ =	sdelay $0x1  }
0x75: {  	v8 =	vld [tilespmem:s20+$0xFFFFFFE0];
	_ =	sdelay $0x1  }
0x76: {  	v9 =	vsub.f32 v9, v2  }
0x77: {  	v7 =	vsub.f32 v7, v3;
	_ =	sdelay $0x1  }
0x78: {  	v9 =	vmul.f32 v9, v9;
	v8 =	vsub.f32 v8, v4;
	v7 =	vmul.f32 v7, v7  }
0x79: {  	v10 =	vld [tilespmem:s21+$0xFFFFFFE0]  }
0x7a: {  	v7 =	vadd.f32 v7, v9;
	v8 =	vmul.f32 v8, v8;
	_ =	sdelay $0x1  }
0x7b: {  	v7 =	vadd.f32 v8, v7;
	_ =	sdelay $0x1  }
0x7c: {  	v7 =	vmin.f32 v10, v7  }
0x7d: {  	[tilespmem:s21+$0xFFFFFFE0] =	vst v7;
	vm0 =	vgt.f32 v7, v6  }
0x7e: {  	v8 =	vld [tilespmem:s25+$0xFFFFFFF0]  }
0x7f: {  	v9 =	vld [tilespmem:s19+$0xFFFFFFF0];
	_ =	sdelay $0x1  }
0x80: {  	v10 =	vld [tilespmem:s20+$0xFFFFFFF0];
	_ =	sdelay $0x1  }
0x81: {  	v8 =	vsub.f32 v8, v2  }
0x82: {  	v9 =	vsub.f32 v9, v3  }
0x83: {  	v8 =	vmul.f32 v8, v8  }
0x84: {  	v10 =	vsub.f32 v10, v4;
	v9 =	vmul.f32 v9, v9  }
0x85: {  	v11 =	vld [tilespmem:s21+$0xFFFFFFF0]  }
0x86: {  	v8 =	vadd.f32 v9, v8;
	v9 =	vmul.f32 v10, v10;
	_ =	sdelay $0x1  }
0x87: {  	v8 =	vadd.f32 v9, v8;
	_ =	sdelay $0x1  }
0x88: {  	v6 =	vsel vm0, v7, v6;
	v7 =	vmin.f32 v11, v8  }
0x89: {  	[tilespmem:s21+$0xFFFFFFF0] =	vst v7;
	vm1 =	vgt.f32 v7, v6  }
0x8a: {  	v8 =	vld [tilespmem:s25+$0x0]  }
0x8b: {  	v9 =	vld [tilespmem:s19+$0x0];
	_ =	sdelay $0x1  }
0x8c: {  	v10 =	vld [tilespmem:s20+$0x0];
	_ =	sdelay $0x1  }
0x8d: {  	v8 =	vsub.f32 v8, v2  }
0x8e: {  	v9 =	vsub.f32 v9, v3;
	_ =	sdelay $0x1  }
0x8f: {  	v8 =	vmul.f32 v8, v8;
	v10 =	vsub.f32 v10, v4;
	v9 =	vmul.f32 v9, v9  }
0x90: {  	v11 =	vld [tilespmem:s21+$0x0]  }
0x91: {  	v8 =	vadd.f32 v9, v8;
	v9 =	vmul.f32 v10, v10;
	_ =	sdelay $0x1  }
0x92: {  	v8 =	vadd.f32 v9, v8;
	_ =	sdelay $0x1  }
0x93: {  	v7 =	vsel vm1, v7, v6;
	v6 =	vmin.f32 v11, v8  }
0x94: {  	[tilespmem:s21+$0x0] =	vst v6;
	vm2 =	vgt.f32 v6, v7  }
.Ltmp0:
0x95: {  	v10 =	vld [tilespmem:s25+$0x10];
	(pc) =	sbr.rel @p0 .LBB2_3-.Ltmp0, $3  }
0x96: {  	v8 =	vld [tilespmem:s19+$0x10]  }
0x97: {  	v9 =	vld [tilespmem:s20+$0x10];
	_ =	sdelay $0x1  }
0x98: {  	s25 =	sadd.s32 $0x40, s25  }
0x99: {  	_ = 	snop  }
0x9a: {  	v2 =	vsub.f32 v10, v2;
	v3 =	vsub.f32 v8, v3;
	_ =	sdelay $0x1  }
0x9b: {  	v4 =	vsub.f32 v9, v4;
	v2 =	vmul.f32 v2, v2;
	v3 =	vmul.f32 v3, v3  }
0x9c: {  	v63 =	vld [tilespmem:s22+$0x10]  }
0x9d: {  	v4 =	vmul.f32 v4, v4;
	v2 =	vadd.f32 v3, v2;
	_ =	sdelay $0x1  }
0x9e: {  	v2 =	vadd.f32 v4, v2;
	_ =	sdelay $0x1  }
0x9f: {  	v3 =	vsel vm2, v6, v7;
	v2 =	vmin.f32 v63, v2  }
0xa0: {  	vm3 =	vgt.f32 v2, v3  }
0xa1: {  	v3 =	vsel vm3, v2, v3  }
0xa2: {  	(xrf0) =	vmax.scan.msk.f32 $0xffff, v3;
	_ =	sdelay $0x2  }
0xa3: {  	s19 =	sadd.s32 $0xFFFFFFD0, s23  }
0xa4: {  	s29 =	sadd.s32 $0xFFFFFFE0, s23;
	v4 =	vor.u32 s19, v1  }
0xa5: {  	s30 =	sadd.s32 $0xFFFFFFF0, s23;
	v4 =	vsel vm0, v4, v5;
	v5 =	vor.u32 s29, v1  }
0xa6: {  	v4 =	vsel vm1, v5, v4;
	v5 =	vor.u32 s30, v1;
	v6, _, _ =	vpop (xrf0)  }
0xa7: {  	v4 =	vsel vm2, v5, v4;
	v5 =	vor.u32 s23, v1;
	v6 =	vbroadcast v6, $0xF  }
0xa8: {  	v4 =	vsel vm3, v5, v4  }
0xa9: {  	vm15 =	veq.f32 v3, v6;
	v3 =	vxor.u32 $0x80000000, v4  }
0xaa: {  	v3 =	vnsel vm15, $0x80000200, v3  }
0xab: {  	(xrf0) =	vmin.scan.msk.u32 $0xffff, v3;
	_ =	sdelay $0x5  }
0xac: {  	v3, _, _ =	vpop (xrf0)  }
0xad: {  	(v2sf) =	vpush v3, $0xF;
	_ =	sdelay $0xa  }
0xae: {  	s18 =	sadd.s32 $0x1, s18  }
0xaf: {  	p0 =	sne.s32 s18, $0x80  }
.Ltmp1:
0xb0: {  	_ = 	snop;
	(pc) =	sbr.rel @p0 .LBB2_2-.Ltmp1, $4  }
0xb1: {  	_ = 	snop  }
0xb2: {  	s31 =	spop (v2sf)  }
0xb3: {  	s19 =	sxor.u32 $0x80000000, s31  }
0xb4: {  	[tilespmem:s22+$0x10] =	vst v2;
	v4 =	vmov s19  }
0xb5: {  	[hbm4b:s6+s2] =	stream.linear.scatter [tilespmem:s14], [sflag:$0x1], $0x80, $0x38;
	[tilespmem:$0x980] =	vst v63  }
0xb6: {  	_ =	swait.ge [sflag:s12], $0x80  }
0xb7: {  	[sflag:s12] =	ssyncset.done $0x0  }
0xb8: {  	[sflag:s12] =	ssyncadd.s32 $0xFFFFFF80  }
0xb9: {  	[hbm4b:s7+s2] =	stream.linear.scatter [tilespmem:s15], [sflag:$0x1], $0x80, $0x38;
	[tilespmem:$0x980] =	vst v63  }
0xba: {  	s17 =	sadd.s32 $0x1, s17;
	_ =	swait.ge [sflag:s12], $0x80  }
0xbb: {  	p0 =	sne.s32 s17, s9;
	[sflag:s12] =	ssyncset.done $0x0  }
.Ltmp2:
0xbc: {  	[sflag:s12] =	ssyncadd.s32 $0xFFFFFF80;
	(pc) =	sbr.rel @p0 .LBB2_1-.Ltmp2, $4  }
0xbd: {  	[hbm4b:s8+s2] =	stream.linear.scatter [tilespmem:s16], [sflag:$0x1], $0x80, $0x38;
	[tilespmem:$0x980] =	vst v63  }
0xbe: {  	_ =	swait.ge [sflag:s12], $0x80  }
0xbf: {  	[sflag:s12] =	ssyncset.done $0x0  }
0xc0: {  	[sflag:s12] =	ssyncadd.s32 $0xFFFFFF80  }
0xc1: {  	_ =	sfence.sel $0x180000  }
0xc2: {  	[bflag:$0x0] =	sbarrier.arrive $0xFFFF  }
0xc3: {  	p0 =	sne.s32 s1, $0x0;
	_ =	strace $0x9000004A  }
0xc4: {  	s0 =	sadd.s32 @!p0 $0x100000, s0;
	[bflag:$0x2] =	sbarrier.arrive $0xFFFF  }
0xc5: {  	[sflag:s0] =	ssyncadd.tile.s32 @!p0 $0x1;
	_ =	shalt  }
.Lfunc_end2:
_tile_overlayer_lowered:
.L_overlay_start_2:
0xc6: {  	(tag) =	ssettag $0x2  }
0xc7: {  	s0 =	rddreg [dreg:$0x0];
	s2 =	stileid.u32  }
0xc8: {  	s1 =	rddreg [dreg:$0x1];
	p0 =	sne.s32 s2, $0x0  }
0xc9: {  	s3 =	rddreg [dreg:$0x2];
	[bflag:$0x3] =	sbarrier.arrive $0xFFFF;
	s2 =	simm.s32 @!p0 $0x1C01  }
0xca: {  	[timem:s3], [sflag:s2] =	dma.local @!p0 [hbm:s0], s1  }
0xcb: {  	s0 =	simm.s32 @!p0 $0x1  }
0xcc: {  	_ =	swait.ge @!p0 [sflag:s0], s1  }
0xcd: {  	s1 =	ssub.s32 @!p0 $0x0, s1;
	[sflag:s0] =	ssyncset.done @!p0 $0x0  }
0xce: {  	[sflag:s0] =	ssyncadd.s32 @!p0 s1  }
0xcf: {  	[bflag:$0x3] =	sbarrier.arrive $0xFFFF  }
0xd0: {  	_ =	shalt  }

// kernel: kernel.22.cloned.1.call-start
scs
__scs_entry_jumppad:
0x0: {  	(pc) =	sbr.rel $0x88, $3  }
0x1: {  	(tag) =	ssettag $0x0;
	lr =	simm.s32 $0x1  }
0x2: {  	[smem:$0x3F8C] =	sst lr;
	_ =	strace $0xD0000000  }
0x3: {  	_ = 	snop  }
0x4: {  	_ = 	snop  }
0x5: {  	_ = 	snop  }
0x6: {  	_ = 	snop  }
0x7: {  	_ = 	snop  }
__scs_overlays_trampoline_lowered:
0x8: {  	[smem:$0x3F9B] =	sst s0  }
0x9: {  	[smem:$0x3F9C] =	sst s1  }
0xa: {  	[smem:$0x3F9D] =	sst s2  }
0xb: {  	[smem:$0x3F9E] =	sst s3  }
0xc: {  	[smem:$0x3F9F] =	sst s4  }
0xd: {  	[smem:$0x3FA0] =	sst s5  }
0xe: {  	[smem:$0x3FA1] =	sst s6  }
0xf: {  	[smem:$0x3FA2] =	sst s7  }
0x10: {  	[smem:$0x3FA3] =	sst s8  }
0x11: {  	[smem:$0x3FA4] =	sst s9;
	s0 =	simm.s32 @!p0 $0x0  }
0x12: {  	s1 =	sld [smem:$0x3F8A];
	s0 =	simm.s32 @p0 $0x1  }
0x13: {  	[smem:$0x3FA5] =	sst s0;
	s0 =	simm.s32 @!p1 $0x0  }
0x14: {  	s2 =	sld [smem:$0x3F89];
	s0 =	simm.s32 @p1 $0x1  }
0x15: {  	[smem:$0x3FA6] =	sst s0;
	s0 =	simm.s32 @!p2 $0x0  }
0x16: {  	s3 =	sld [smem:$0x3FDB];
	s0 =	simm.s32 @p2 $0x1  }
0x17: {  	s4 =	simm.s32 $0x1BF5;
	[smem:$0x3FA8] =	sst s0  }
0x18: {  	s0 =	sld [smem:$0x3F8B];
	_ =	swait.ge [sflag:s4], $0x0  }
0x19: {  	s7 =	sld [smem:$0x3F8C]  }
0x1a: {  	s8 =	sadd.s32 $0xFFFFE003, lr  }
0x1b: {  	s9 =	sadd.s32 $0xFFFFFEF7, lr;
	s5 =	simm.s32 $0xFFFFFFFF;
	p2 =	slt.u32 s8, $0xFFFFF086  }
0x1c: {  	p1 =	slt.u32 s9, $0xF7A;
	s5 =	simm.s32 @!p2 $0x0  }
0x1d: {  	s5 =	simm.s32 @p1 $0x1;
	p0 =	seq.s32 s7, s2  }
0x1e: {  	s7 =	smul.u32 @!p0 $0xF7A, s2;
	p2 =	seq.s32 @!p0 s5, $0x0  }
0x1f: {  	s9 =	smul.u32 $0xF7A, s1;
	s8 =	simm.s32 @!p0 $0x1BF5;
	p2 =	por !p2, p0  }
0x20: {  	[sflag:s8] =	ssyncset.s32 @!p0 $0xFFFFF086;
	s6 =	sadd.s32 @!p0 s3, s7;
	s7 =	simm.s32 @!p0 $0x108  }
0x21: {  	s3 =	sadd.s32 s3, s9;
	s6 =	sadd.s32 @!p0 $0x88, s6;
	s7 =	simm.s32 @p2 $0x1082  }
0x22: {  	[simem:s7], [sflag:s8] =	dma.local @!p0 [hbm:s6], $0xF7A  }
0x23: {  	s9 =	sor.u32 $0xD0000000, s2;
	s6 =	simm.s32 $0x108;
	_ =	swait.ge @!p0 [sflag:s8], $0x0  }
0x24: {  	s3 =	sadd.s32 $0x88, s3;
	s6 =	simm.s32 @!p1 $0x1082;
	[sflag:s4] =	ssyncset.s32 $0xFFFFF086  }
0x25: {  	[simem:s6], [sflag:s4] =	dma.local [hbm:s3], $0xF7A  }
0x26: {  	[smem:$0x3F8C] =	sst s1;
	(tag) =	ssettag s2;
	_ =	strace s9  }
0x27: {  	s1 =	sld [smem:$0x3F9C]  }
0x28: {  	s2 =	sld [smem:$0x3F9D]  }
0x29: {  	s4 =	sld [smem:$0x3F9F]  }
0x2a: {  	p0 =	seq.s32 s5, $0x0;
	s5 =	sld [smem:$0x3FA0]  }
0x2b: {  	s6 =	sld [smem:$0x3FA1]  }
0x2c: {  	s7 =	sld [smem:$0x3FA2]  }
0x2d: {  	s3 =	simm.s32 $0x108;
	s8 =	sld [smem:$0x3FA3]  }
0x2e: {  	s3 =	simm.s32 @!p0 $0x1082;
	s9 =	sld [smem:$0x3FA4]  }
0x2f: {  	lr =	sadd.s32 s0, s3;
	s0 =	sld [smem:$0x3F9B]  }
0x30: {  	s3 =	sld [smem:$0x3F9E]  }
0x31: {  	[smem:$0x3FA7] =	sst s10  }
0x32: {  	s10 =	sld [smem:$0x3FA5];
	_ =	sdelay $0x3  }
0x33: {  	p0 =	seq.s32 s10, $0x1;
	s10 =	sld [smem:$0x3FA7];
	_ =	sdelay $0x3  }
0x34: {  	[smem:$0x3FA7] =	sst s10  }
0x35: {  	s10 =	sld [smem:$0x3FA6];
	_ =	sdelay $0x3  }
0x36: {  	p1 =	seq.s32 s10, $0x1;
	s10 =	sld [smem:$0x3FA7];
	_ =	sdelay $0x3  }
0x37: {  	[smem:$0x3FA7] =	sst s10  }
0x38: {  	s10 =	sld [smem:$0x3FA8]  }
0x39: {  	_ = 	snop;
	(pc) =	sbr.ind lr, $3  }
0x3a: {  	_ = 	snop  }
0x3b: {  	_ = 	snop  }
0x3c: {  	p2 =	seq.s32 s10, $0x1;
	s10 =	sld [smem:$0x3FA7]  }
0x3d: {  	_ =	shalt  }
0x3e: {  	_ =	shalt  }
0x3f: {  	_ =	shalt  }
0x40: {  	_ =	shalt  }
0x41: {  	_ =	shalt  }
0x42: {  	_ =	shalt  }
0x43: {  	_ =	shalt  }
0x44: {  	_ =	shalt  }
0x45: {  	_ =	shalt  }
0x46: {  	_ =	shalt  }
0x47: {  	_ =	shalt  }
0x48: {  	_ =	shalt  }
0x49: {  	_ =	shalt  }
0x4a: {  	_ =	shalt  }
0x4b: {  	_ =	shalt  }
0x4c: {  	_ =	shalt  }
0x4d: {  	_ =	shalt  }
0x4e: {  	_ =	shalt  }
0x4f: {  	_ =	shalt  }
0x50: {  	_ =	shalt  }
0x51: {  	_ =	shalt  }
0x52: {  	_ =	shalt  }
0x53: {  	_ =	shalt  }
0x54: {  	_ =	shalt  }
0x55: {  	_ =	shalt  }
0x56: {  	_ =	shalt  }
0x57: {  	_ =	shalt  }
0x58: {  	_ =	shalt  }
0x59: {  	_ =	shalt  }
0x5a: {  	_ =	shalt  }
0x5b: {  	_ =	shalt  }
0x5c: {  	_ =	shalt  }
0x5d: {  	_ =	shalt  }
0x5e: {  	_ =	shalt  }
0x5f: {  	_ =	shalt  }
0x60: {  	_ =	shalt  }
0x61: {  	_ =	shalt  }
0x62: {  	_ =	shalt  }
0x63: {  	_ =	shalt  }
0x64: {  	_ =	shalt  }
0x65: {  	_ =	shalt  }
0x66: {  	_ =	shalt  }
0x67: {  	_ =	shalt  }
0x68: {  	_ =	shalt  }
0x69: {  	_ =	shalt  }
0x6a: {  	_ =	shalt  }
0x6b: {  	_ =	shalt  }
0x6c: {  	_ =	shalt  }
0x6d: {  	_ =	shalt  }
0x6e: {  	_ =	shalt  }
0x6f: {  	_ =	shalt  }
0x70: {  	_ =	shalt  }
0x71: {  	_ =	shalt  }
0x72: {  	_ =	shalt  }
0x73: {  	_ =	shalt  }
0x74: {  	_ =	shalt  }
0x75: {  	_ =	shalt  }
0x76: {  	_ =	shalt  }
0x77: {  	_ =	shalt  }
0x78: {  	_ =	shalt  }
0x79: {  	_ =	shalt  }
0x7a: {  	_ =	shalt  }
0x7b: {  	_ =	shalt  }
0x7c: {  	_ =	shalt  }
0x7d: {  	_ =	shalt  }
0x7e: {  	_ =	shalt  }
0x7f: {  	_ =	shalt  }
0x80: {  	_ =	shalt  }
0x81: {  	_ =	shalt  }
0x82: {  	_ =	shalt  }
0x83: {  	_ =	shalt  }
0x84: {  	_ =	shalt  }
0x85: {  	_ =	shalt  }
0x86: {  	_ =	shalt  }
0x87: {  	_ =	shalt  }
.Lfunc_end0:
.L_simem_size_0:
called_computation.3_lowered:
.L_overlay_start_0:
0x88: {  	s2 =	sld [smem:$0x3FD9]  }
0x89: {  	s3 =	sld [smem:$0x3FFE];
	_ =	sdelay $0x1  }
0x8a: {  	s1 =	srdreg.scid  }
0x8b: {  	s0 =	sand.u32 $0x1, s1  }
0x8c: {  	s14 =	sshll.u32 s0, $0xA;
	s2 =	sadd.s32 s3, s2  }
0x8d: {  	s2 =	sadd.s32 s2, s14  }
0x8e: {  	[smem:$0x3FB3] =	sst s2  }
0x8f: {  	_ = 	snop  }
0x90: {  	s2 =	sld [smem:$0x3FD0];
	_ =	sdelay $0x2  }
0x91: {  	s15 =	simm.s32 $0xB;
	s4 =	simm.s32 $0x10  }
0x92: {  	[smem:s4], [sflag:s15] =	dma.local [hbm:s2], $0x1  }
0x93: {  	_ =	swait.eq [sflag:s15], $0x1  }
0x94: {  	[sflag:s15] =	ssyncset.done $0x0  }
0x95: {  	s16 =	sld [smem:$0x10];
	[sflag:s15] =	ssyncadd.s32 $0xFFFFFFFF  }
0x96: {  	s17 =	sld [smem:$0x11];
	(tm) =	ssettm $0x1  }
0x97: {  	s18 =	sld [smem:$0x3FFB];
	_ =	sdelay $0x3  }
0x98: {  	_ =	strace s18  }
0x99: {  	s4 =	sld [smem:$0x3FFC];
	_ =	sdelay $0x3  }
0x9a: {  	_ =	strace s4  }
0x9b: {  	s4 =	sld [smem:$0x3FFD];
	_ =	sdelay $0x3  }
0x9c: {  	_ =	strace s4  }
0x9d: {  	_ =	strace $0x8FFFFFFF  }
0x9e: {  	s19 =	sld [smem:$0x3FDB];
	_ =	sdelay $0x1  }
0x9f: {  	s5 =	simm.s32 $_scs_section_size  }
0xa0: {  	s6 =	simm.s32 $_size__tile_overlayer_lowered;
	s7 =	simm.s32 $_tile_overlayer_lowered  }
0xa1: {  	s22 =	simm.s32 $0x1BFF;
	s21 =	sshll.u32 s7, $0x1;
	s4 =	sadd.s32 s5, s19  }
0xa2: {  	s8 =	simm.s32 $0x0;
	s20 =	sshll.u32 s6, $0x1;
	s6 =	sadd.s32 s21, s4  }
0xa3: {  	[timem:s8], [sflag:s22] =	dma.local [hbm:s6], s20  }
0xa4: {  	_ =	swait.ge [sflag:s22], s20  }
0xa5: {  	s5 =	ssub.s32 $0x0, s20;
	[sflag:s22] =	ssyncset.done $0x0  }
0xa6: {  	[sflag:s22] =	ssyncadd.s32 s5;
	_ =	sdelay $0x1  }
0xa7: {  	s23 =	simm.s32 $0x1B8B  }
0xa8: {  	_ =	swait.ge [sflag:s23], $0x1  }
0xa9: {  	[sflag:s23] =	ssyncset.done $0x0  }
0xaa: {  	s25 =	simm.s32 $0x1B8E;
	s24 =	sld [smem:$0x3FFE];
	[sflag:s23] =	ssyncadd.s32 $0xFFFFFFFF  }
0xab: {  	s26 =	simm.s32 $execute0_lowered;
	[smem:$0x3FD2] =	sst s25  }
0xac: {  	s6 =	sshll.u32 s26, $0x1;
	_ =	strace $0x8000004F;
	[dreg:$0x1] =	wrdreg $0xFFFFFFFF  }
0xad: {  	s28 =	simm.s32 $_size_execute0_lowered;
	s4 =	sadd.s32 s4, s6;
	[dreg:$0x0] =	wrdreg $0x0  }
0xae: {  	s6 =	sshll.u32 s28, $0x1;
	[dreg:$0x2] =	wrdreg s4  }
0xaf: {  	[dreg:$0x3] =	wrdreg s6  }
0xb0: {  	[dreg:$0x4] =	wrdreg $0xC0  }
0xb1: {  	_ =	task [dreg:s8], $0x5FFFF  }
0xb2: {  	[dreg:$0x1] =	wrdreg $0xFFFFFFFF  }
0xb3: {  	[dreg:$0x0] =	wrdreg $0x60  }
0xb4: {  	[dreg:$0x2] =	wrdreg s24  }
0xb5: {  	[dreg:$0x3] =	wrdreg s17  }
0xb6: {  	[dreg:$0x4] =	wrdreg s16  }
0xb7: {  	[dreg:$0x5] =	wrdreg $0x9  }
0xb8: {  	_ =	task.clear_ibuf [dreg:s8], $0x6FFFF;
	_ =	strace $0x9000004F  }
0xb9: {  	s29 =	simm.s32 $0x9;
	_ =	strace $0x80000051  }
0xba: {  	_ =	swait.ge [sflag:s29], $0x1  }
0xbb: {  	[sflag:s29] =	ssyncadd.s32 $0xFFFFFFFF  }
0xbc: {  	_ =	strace $0x90000051  }
0xbd: {  	_ =	sfence  }
0xbe: {  	s30 =	sld [smem:$0x0];
	_ =	sdelay $0x2  }
0xbf: {  	s31 =	sshll.u32 s1, $0xD;
	s1 =	sshrl.u32 s1, $0x2  }
0xc0: {  	s3 =	sand.u32 $0x4000, s31;
	s1 =	sadd.s32 s1, s30  }
0xc1: {  	s0 =	sor.u32 s3, s0;
	s1 =	sshll.u32 s1, $0x11  }
0xc2: {  	s0 =	sor.u32 s1, s0  }
0xc3: {  	s0 =	sadd.s32 $0x8F2B, s0  }
0xc4: {  	[sflag:s0] =	ssyncadd.remote.s32 $0x1  }
0xc5: {  	_ =	sfence.sel $0xFFFF  }
0xc6: {  	[dreg:$0x0] =	wrdreg $0xFFFFFFFF;
	(pc) =	sbr.abs _section_cstart, $3  }
0xc7: {  	[dreg:$0x1] =	wrdreg $0xFFFFFFFF  }
0xc8: {  	_ =	task.clear_ibuf [dreg:s8], $0x2FFFF;
	_ =	strace $0x9FFFFFFF  }
0xc9: {  	(tm) =	ssettm $0x7FFFFFFF  }
tec
execute0_lowered:
.L_overlay_start_1:
0x0: {  	(tag) =	ssettag $0x1  }
0x1: {  	s0 =	rddreg [dreg:$0x0];
	s1 =	srdreg.scid  }
0x2: {  	s17 =	stileid.u32;
	s4 =	rddreg [dreg:$0x1]  }
0x3: {  	s5 =	rddreg [dreg:$0x2];
	s20 =	simm.s32 $0x3;
	s28 =	simm.s32 $0x780  }
0x4: {  	s29 =	simm.s32 $0x2780;
	s30 =	simm.s32 $0x4780;
	s31 =	simm.s32 $0x6780  }
0x5: {  	s1 =	sand.u32 $0x1, s1;
	s2 =	sshll.u32 s17, $0x1;
	s3 =	sshrl.u32 s17, $0x2  }
0x6: {  	s13 =	sadd.s32 $0x2C00, s0;
	s24 =	sshll.u32 s17, $0xA;
	s6 =	sor.u32 s1, s2  }
0x7: {  	s2 =	simm.s32 $0x0;
	s8 =	sshll.u32 s3, $0xC;
	s9 =	sshll.u32 s3, $0xA  }
0x8: {  	s12 =	sshll.u32 s3, $0x10;
	s3 =	sadd.s32 $0x7600, s0;
	s25 =	ssub.s32 $0x2, s1  }
0x9: {  	s7 =	sshll.u32 s6, $0x7;
	[smem:$0x7FF] =	sst s2;
	s10 =	sshll.u32 s6, $0xD  }
0xa: {  	s26 =	sshrl.u32 s25, $0x1;
	s19 =	sshllo.u32 s6, $0x9;
	s21 =	sshll.u32 s6, $0x11  }
0xb: {  	s7 =	sand.u32 $0x380, s7;
	_ =	strace $0x80000050;
	s10 =	sadd.s32 s10, s0  }
0xc: {  	[dreg:$0x4] =	wrdreg s13;
	v0 =	vmov s19;
	s19 =	simm.s32 $0x2;
	s8 =	sor.u32 s8, s7  }
0xd: {  	s9 =	sor.u32 s9, s7;
	s7 =	sor.u32 s12, s7;
	s12 =	ssub.s32 s25, s26  }
0xe: {  	s25 =	sshll.u32 s1, $0x9;
	s26 =	sshll.u32 s17, $0x12;
	s1 =	sshll.u32 s1, $0x11  }
0xf: {  	s8 =	sshrl.u32 s8, $0x3;
	s9 =	sshrl.u32 s9, $0x3;
	s7 =	sshrl.u32 s7, $0x3  }
0x10: {  	s17 =	sor.u32 s25, s24;
	s24 =	simm.s32 $0x600;
	s25 =	simm.s32 $0x680  }
0x11: {  	s8 =	sadd.s32 s8, s0;
	s11 =	sadd.s32 s9, s0;
	s4 =	sadd.s32 s4, s9  }
0x12: {  	s7 =	sadd.s32 s7, s0;
	s16 =	sadd.s32 s5, s9;
	[dreg:$0x8] =	wrdreg s4  }
0x13: {  	s0 =	sadd.s32 $0x9F600, s0;
	s14 =	sadd.s32 $0x5C00, s8;
	[dreg:$0x9] =	wrdreg s16  }
0x14: {  	s15 =	sadd.s32 $0x6400, s8;
	s8 =	sadd.s32 $0x6C00, s8;
	[dreg:$0x5] =	wrdreg s14  }
0x15: {  	s18 =	sadd.s32 $0x7400, s11;
	s11 =	sadd.s32 $0x47600, s10;
	[dreg:$0x6] =	wrdreg s15  }
0x16: {  	s22 =	sadd.s32 $0x87600, s7;
	s23 =	sadd.s32 $0x8F600, s7;
	[dreg:$0x7] =	wrdreg s8  }
0x17: {  	s5 =	sadd.s32 s0, s21;
	s0 =	sadd.s32 s26, s0;
	[dreg:$0xa] =	wrdreg s18  }
0x18: {  	v1 =	vlaneseq.u32;
	s21 =	simm.s32 $0x80;
	s26 =	simm.s32 $0x700;
	[dreg:$0xb] =	wrdreg s22  }
0x19: {  	v2 =	vimm.s32 $0x0;
	v3 =	vimm.s32 $0x1FF;
	v4 =	vadd.s32 $0x1, v1;
	[dreg:$0xc] =	wrdreg s23;
	s14 =	sadd.s32 $0x97600, s7;
	s15 =	smax.u32 s12, $0x1  }
0x1a: {  	v5 =	vadd.s32 $0x11, v1;
	v6 =	vor.u32 $0x10, v1;
	v7 =	vadd.s32 $0x21, v1;
	s16 =	sadd.s32 $0x1F800, s5;
	s18 =	sadd.s32 s1, s0;
	s22 =	simm.s32 $0x400  }
0x1b: {  	v8 =	vor.u32 $0x20, v1;
	v9 =	vadd.s32 $0x31, v1;
	v10 =	vor.u32 $0x30, v1;
	s23 =	simm.s32 $0x200;
	s1 =	simm.s32 $0x8780;
	s0 =	simm.s32 $0x0  }
.LBB2_1:
0x1c: {  	s4 =	rddreg [dreg:$0x4];
	s5 =	simm.s32 $0x12780  }
0x1d: {  	[tilespmem:s5], [sflag:$0x3] =	stream.linear.gather [hbm4b:s4+s2], $0x1, $0x38;
	[tilespmem:$0x12800] =	vst v63  }
0x1e: {  	_ =	swait.ge [sflag:s20], $0x1  }
0x1f: {  	[sflag:s20] =	ssyncset.done $0x0  }
0x20: {  	s7 =	rddreg [dreg:$0x5];
	[sflag:s20] =	ssyncadd.s32 $0xFFFFFFFF  }
0x21: {  	v11 =	vld.msk [tilespmem:$0x12780 ss:$0x0], $0xffff;
	[tilespmem:s2], [sflag:$0x3] =	stream.strided.gather [hbm4b:s7+s21], $0x200, s22, s21, $0x38  }
0x22: {  	_ =	swait.ge [sflag:s20], $0x200  }
0x23: {  	[sflag:s20] =	ssyncset.done $0x0  }
0x24: {  	s8 =	rddreg [dreg:$0x6];
	[sflag:s20] =	ssyncadd.s32 $0xFFFFFE00  }
0x25: {  	[tilespmem:s23], [sflag:$0x3] =	stream.strided.gather [hbm4b:s8+s21], $0x200, s22, s21, $0x38;
	[tilespmem:$0x12800] =	vst v63  }
0x26: {  	_ =	swait.ge [sflag:s20], $0x200  }
0x27: {  	[sflag:s20] =	ssyncset.done $0x0  }
0x28: {  	s9 =	rddreg [dreg:$0x7];
	[sflag:s20] =	ssyncadd.s32 $0xFFFFFE00  }
0x29: {  	[tilespmem:s22], [sflag:$0x3] =	stream.strided.gather [hbm4b:s9+s21], $0x200, s22, s21, $0x38;
	[tilespmem:$0x12800] =	vst v63  }
0x2a: {  	_ =	swait.ge [sflag:s20], $0x200  }
0x2b: {  	[sflag:s20] =	ssyncset.done $0x0  }
0x2c: {  	s10 =	rddreg [dreg:$0x8];
	[sflag:s20] =	ssyncadd.s32 $0xFFFFFE00  }
0x2d: {  	[tilespmem:s24], [sflag:$0x3] =	stream.linear.gather [hbm4b:s10+s2], $0x80, $0x38;
	[tilespmem:$0x12800] =	vst v63  }
0x2e: {  	_ =	swait.ge [sflag:s20], $0x80  }
0x2f: {  	[sflag:s20] =	ssyncset.done $0x0  }
0x30: {  	s12 =	rddreg [dreg:$0x9];
	[sflag:s20] =	ssyncadd.s32 $0xFFFFFF80  }
0x31: {  	[tilespmem:s25], [sflag:$0x3] =	stream.linear.gather [hbm4b:s12+s2], $0x80, $0x38;
	[tilespmem:$0x12800] =	vst v63  }
0x32: {  	_ =	swait.ge [sflag:s20], $0x80  }
0x33: {  	[sflag:s20] =	ssyncset.done $0x0  }
0x34: {  	s13 =	rddreg [dreg:$0xa];
	[sflag:s20] =	ssyncadd.s32 $0xFFFFFF80  }
0x35: {  	[tilespmem:s26], [sflag:$0x3] =	stream.linear.gather [hbm4b:s13+s2], $0x80, $0x38;
	[tilespmem:$0x12800] =	vst v63  }
0x36: {  	_ =	swait.ge [sflag:s20], $0x80  }
0x37: {  	[sflag:s20] =	ssyncset.done $0x0  }
0x38: {  	s4 =	simm.s32 $0x0;
	[sflag:s20] =	ssyncadd.s32 $0xFFFFFF80  }
.LBB2_2:
0x39: {  	s5 =	sshll.u32 s4, $0xA  }
0x3a: {  	s6 =	sadd.s32 s5, s11;
	s5 =	simm.s32 $0x0  }
0x3b: {  	[tilespmem:s28], [sflag:$0x3] =	stream.linear.gather [hbm4b:s6+s5], $0x2000, $0x38;
	[tilespmem:$0x12800] =	vst v63  }
0x3c: {  	_ =	swait.ge [sflag:s20], $0x2000  }
0x3d: {  	[sflag:s20] =	ssyncset.done $0x0  }
0x3e: {  	s6 =	sshll.u32 s4, $0x4;
	[sflag:s20] =	ssyncadd.s32 $0xFFFFE000  }
.LBB2_3:
0x3f: {  	s7 =	sadd.s32 s6, s5  }
0x40: {  	v12 =	vmov s7;
	_ =	sdelay $0x3  }
0x41: {  	v14 =	vmov s5  }
0x42: {  	v15 =	vshll.u32 v14, $0x9;
	v16 =	vshll.u32 v14, $0x7;
	v13 =	vld.idx.msk [tilespmem:v12+s24+$0x0], $0xffff  }
0x43: {  	s9 =	simm.s32 $0x20;
	s8 =	sshll.u32 s7, $0x6;
	v17 =	vand.u32 $0x1000, v15;
	v16 =	vand.u32 $0x380, v16;
	v14 =	vld.idx.msk [tilespmem:v12+s25+$0x0], $0xffff  }
0x44: {  	s10 =	simm.s32 $0x0;
	s7 =	simm.s32 $0x420;
	v16 =	vor.u32 v16, v17;
	v17 =	vimm.s32 $0x0;
	v15 =	vld.idx.msk [tilespmem:v12+s26+$0x0], $0xffff;
	v12 =	vmov s8;
	s8 =	simm.s32 $0x220  }
.LBB2_4:
0x45: {  	v18 =	vmov s10  }
0x46: {  	v19 =	vor.u32 s10, v1;
	v18 =	vshll.u32 v18, $0x3  }
0x47: {  	v19 =	vand.u32 $0x4F, v19;
	v18 =	vand.u32 $0xC00, v18  }
0x48: {  	v18 =	vor.u32 v18, v19  }
0x49: {  	v18 =	vor.u32 v16, v18;
	_ =	sdelay $0x4  }
0x4a: {  	v18 =	vld.idx.msk [tilespmem:v18+s28+$0x0], $0xffff;
	_ =	sdelay $0x4  }
0x4b: {  	vm1 =	vle.f32 v18, v11  }
0x4c: {  	v18 =	vsel vm1, $0x1, v2  }
0x4d: {  	(xrf0) =	vadd.scan.msk.s32 $0xffff, v18;
	_ =	sdelay $0x5  }
0x4e: {  	v18, _, _ =	vpop (xrf0)  }
0x4f: {  	v18 =	vadd.s32 v18, v17  }
0x50: {  	v18 =	vadd.s32 $0xFFFFFFFF, v18  }
0x51: {  	v19 =	vld [tilespmem:s9+$0xFFFFFFE0];
	vm0 =	vlt.s32 v18, $0x40  }
0x52: {  	vm0 =	vmand vm1, vm0  }
0x53: {  	v18 =	vadd.s32 v12, v18;
	_ =	sdelay $0x2  }
0x54: {  	v19 =	vsub.f32 v19, v13;
	_ =	sdelay $0x1  }
0x55: {  	[tilespmem:v18+s29+$0x0] =	vst.idx.msk vm0, v19  }
0x56: {  	v19 =	vld [tilespmem:s8+$0xFFFFFFE0];
	_ =	sdelay $0x4  }
0x57: {  	v19 =	vsub.f32 v19, v14;
	_ =	sdelay $0x1  }
0x58: {  	s12 =	sadd.s32 $0x10, s10;
	[tilespmem:v18+s30+$0x0] =	vst.idx.msk vm0, v19  }
0x59: {  	v20 =	vmov s12;
	v19 =	vld [tilespmem:s7+$0xFFFFFFE0]  }
0x5a: {  	v21 =	vor.u32 s12, v1;
	v20 =	vshll.u32 v20, $0x3  }
0x5b: {  	v21 =	vand.u32 $0x5F, v21;
	v20 =	vand.u32 $0xC00, v20  }
0x5c: {  	v20 =	vor.u32 v20, v21  }
0x5d: {  	v20 =	vor.u32 v16, v20  }
0x5e: {  	v19 =	vsub.f32 v19, v15  }
0x5f: {  	s12 =	sadd.s32 s10, s17  }
0x60: {  	[tilespmem:v18+s31+$0x0] =	vst.idx.msk vm0, v19;
	v19 =	vor.u32 s12, v1  }
0x61: {  	[tilespmem:v18+s1+$0x0] =	vst.idx.msk vm0, v19  }
0x62: {  	v18 =	vld.idx.msk [tilespmem:v20+s28+$0x0], $0xffff;
	_ =	sdelay $0x4  }
0x63: {  	vm10 =	vle.f32 v18, v11  }
0x64: {  	v18 =	vsel vm10, $0x1, v2  }
0x65: {  	(xrf0) =	vadd.scan.msk.s32 $0xffff, v18;
	_ =	sdelay $0x1  }
0x66: {  	v18 =	vmpcnt.ones.xlane vm1;
	_ =	sdelay $0x3  }
0x67: {  	v17 =	vadd.s32 v17, v18;
	v18, _, _ =	vpop (xrf0)  }
0x68: {  	v18 =	vadd.s32 v18, v17  }
0x69: {  	v18 =	vadd.s32 $0xFFFFFFFF, v18  }
0x6a: {  	v19 =	vld [tilespmem:s9+$0xFFFFFFF0];
	vm11 =	vlt.s32 v18, $0x40  }
0x6b: {  	vm1 =	vmand vm10, vm11  }
0x6c: {  	v18 =	vadd.s32 v12, v18;
	_ =	sdelay $0x2  }
0x6d: {  	v19 =	vsub.f32 v19, v13;
	_ =	sdelay $0x1  }
0x6e: {  	[tilespmem:v18+s29+$0x0] =	vst.idx.msk vm1, v19  }
0x6f: {  	v19 =	vld [tilespmem:s8+$0xFFFFFFF0];
	_ =	sdelay $0x4  }
0x70: {  	v19 =	vsub.f32 v19, v14;
	_ =	sdelay $0x1  }
0x71: {  	s13 =	sadd.s32 $0x20, s10;
	[tilespmem:v18+s30+$0x0] =	vst.idx.msk vm1, v19  }
0x72: {  	v59 =	vmov s13;
	v19 =	vld [tilespmem:s7+$0xFFFFFFF0]  }
0x73: {  	v60 =	vor.u32 s13, v1;
	v20 =	vshll.u32 v59, $0x3  }
0x74: {  	v21 =	vand.u32 $0x6F, v60;
	v20 =	vand.u32 $0xC00, v20  }
0x75: {  	v20 =	vor.u32 v20, v21  }
0x76: {  	v20 =	vor.u32 v16, v20  }
0x77: {  	v19 =	vsub.f32 v19, v15  }
0x78: {  	s13 =	sadd.s32 $0x10, s12  }
0x79: {  	[tilespmem:v18+s31+$0x0] =	vst.idx.msk vm1, v19;
	v19 =	vor.u32 s13, v1  }
0x7a: {  	[tilespmem:v18+s1+$0x0] =	vst.idx.msk vm1, v19  }
0x7b: {  	v18 =	vld.idx.msk [tilespmem:v20+s28+$0x0], $0xffff;
	_ =	sdelay $0x4  }
0x7c: {  	vm12 =	vle.f32 v18, v11  }
0x7d: {  	v18 =	vsel vm12, $0x1, v2  }
0x7e: {  	(xrf0) =	vadd.scan.msk.s32 $0xffff, v18;
	_ =	sdelay $0x1  }
0x7f: {  	v18 =	vmpcnt.ones.xlane vm10;
	_ =	sdelay $0x3  }
0x80: {  	v17 =	vadd.s32 v17, v18;
	v18, _, _ =	vpop (xrf0)  }
0x81: {  	v18 =	vadd.s32 v18, v17  }
0x82: {  	v18 =	vadd.s32 $0xFFFFFFFF, v18  }
0x83: {  	v19 =	vld [tilespmem:s9+$0x0];
	vm13 =	vlt.s32 v18, $0x40  }
0x84: {  	vm0 =	vmand vm12, vm13  }
0x85: {  	v18 =	vadd.s32 v12, v18;
	_ =	sdelay $0x2  }
0x86: {  	v19 =	vsub.f32 v19, v13;
	_ =	sdelay $0x1  }
0x87: {  	[tilespmem:v18+s29+$0x0] =	vst.idx.msk vm0, v19  }
0x88: {  	v19 =	vld [tilespmem:s8+$0x0];
	_ =	sdelay $0x4  }
0x89: {  	v19 =	vsub.f32 v19, v14;
	_ =	sdelay $0x1  }
0x8a: {  	s13 =	sadd.s32 $0x30, s10;
	[tilespmem:v18+s30+$0x0] =	vst.idx.msk vm0, v19  }
0x8b: {  	v61 =	vmov s13;
	v19 =	vld [tilespmem:s7+$0x0]  }
0x8c: {  	v62 =	vor.u32 s13, v1;
	v20 =	vshll.u32 v61, $0x3  }
0x8d: {  	v21 =	vand.u32 $0x7F, v62;
	v20 =	vand.u32 $0xC00, v20  }
0x8e: {  	v20 =	vor.u32 v20, v21  }
0x8f: {  	v20 =	vor.u32 v16, v20  }
0x90: {  	v19 =	vsub.f32 v19, v15  }
0x91: {  	s13 =	sadd.s32 $0x20, s12  }
0x92: {  	[tilespmem:v18+s31+$0x0] =	vst.idx.msk vm0, v19;
	v19 =	vor.u32 s13, v1  }
0x93: {  	[tilespmem:v18+s1+$0x0] =	vst.idx.msk vm0, v19  }
0x94: {  	v18 =	vld.idx.msk [tilespmem:v20+s28+$0x0], $0xffff;
	_ =	sdelay $0x4  }
0x95: {  	vm14 =	vle.f32 v18, v11  }
0x96: {  	v18 =	vsel vm14, $0x1, v2  }
0x97: {  	(xrf0) =	vadd.scan.msk.s32 $0xffff, v18;
	_ =	sdelay $0x1  }
0x98: {  	v18 =	vmpcnt.ones.xlane vm12;
	_ =	sdelay $0x3  }
0x99: {  	v17 =	vadd.s32 v17, v18;
	v18, _, _ =	vpop (xrf0)  }
0x9a: {  	v18 =	vadd.s32 v18, v17  }
0x9b: {  	v18 =	vadd.s32 $0xFFFFFFFF, v18  }
0x9c: {  	v19 =	vld [tilespmem:s9+$0x10];
	vm15 =	vlt.s32 v18, $0x40  }
0x9d: {  	vm1 =	vmand vm14, vm15  }
0x9e: {  	v18 =	vadd.s32 v12, v18;
	_ =	sdelay $0x2  }
0x9f: {  	v19 =	vsub.f32 v19, v13;
	_ =	sdelay $0x1  }
0xa0: {  	[tilespmem:v18+s29+$0x0] =	vst.idx.msk vm1, v19  }
0xa1: {  	v19 =	vld [tilespmem:s8+$0x10];
	_ =	sdelay $0x4  }
0xa2: {  	v19 =	vsub.f32 v19, v14;
	_ =	sdelay $0x1  }
0xa3: {  	[tilespmem:v18+s30+$0x0] =	vst.idx.msk vm1, v19  }
0xa4: {  	v19 =	vld [tilespmem:s7+$0x10];
	_ =	sdelay $0x2  }
0xa5: {  	p0 =	sne.s32 s10, $0x1C0  }
.Ltmp0:
0xa6: {  	_ = 	snop;
	(pc) =	sbr.rel @p0 .LBB2_4-.Ltmp0, $4  }
0xa7: {  	v19 =	vsub.f32 v19, v15  }
0xa8: {  	s12 =	sadd.s32 $0x30, s12;
	v63 =	vmpcnt.ones.xlane vm14  }
0xa9: {  	s10 =	sadd.s32 $0x40, s10;
	[tilespmem:v18+s31+$0x0] =	vst.idx.msk vm1, v19;
	v19 =	vor.u32 s12, v1  }
0xaa: {  	s9 =	sadd.s32 $0x40, s9;
	v17 =	vadd.s32 v17, v63;
	s8 =	sadd.s32 $0x40, s8;
	s7 =	sadd.s32 $0x40, s7;
	[tilespmem:v18+s1+$0x0] =	vst.idx.msk vm1, v19  }
0xab: {  	_ =	sdelay $0x3  }
0xac: {  	v16 =	vld.idx.msk [tilespmem:v3+s2+$0x0], $0xffff  }
0xad: {  	v18 =	vld.idx.msk [tilespmem:v12+s29+$0x0], $0xffff  }
0xae: {  	v19 =	vld.idx.msk [tilespmem:v3+s23+$0x0], $0xffff  }
0xaf: {  	v20 =	vld.idx.msk [tilespmem:v3+s22+$0x0], $0xffff;
	vm0 =	vlt.s32 v17, v4  }
0xb0: {  	v21 =	vld.idx.msk [tilespmem:v12+s30+$0x0], $0xffff;
	v22 =	vor.u32 v1, v12  }
0xb1: {  	v23 =	vld.idx.msk [tilespmem:v12+s31+$0x0], $0xffff  }
0xb2: {  	v60 =	vld.idx.msk [tilespmem:v12+s1+$0x0], $0xffff;
	v13 =	vsub.f32 v16, v13  }
0xb3: {  	vm1 =	veq.s32 v17, $0x0;
	vm2 =	vlt.s32 v17, v5;
	v14 =	vsub.f32 v19, v14  }
0xb4: {  	v61 =	vor.u32 v6, v12;
	v15 =	vsub.f32 v20, v15;
	v13 =	vsel vm1, v13, v18  }
0xb5: {  	v14 =	vsel vm1, v14, v21;
	[tilespmem:v22+s29+$0x0] =	vst.idx.msk vm0, v13  }
0xb6: {  	v15 =	vsel vm1, v15, v23;
	[tilespmem:v22+s30+$0x0] =	vst.idx.msk vm0, v14  }
0xb7: {  	vm14 =	vlt.s32 v17, v7;
	v16 =	vsel vm1, v0, v60;
	[tilespmem:v22+s31+$0x0] =	vst.idx.msk vm0, v15  }
0xb8: {  	v62 =	vor.u32 v8, v12;
	[tilespmem:v22+s1+$0x0] =	vst.idx.msk vm0, v16  }
0xb9: {  	[tilespmem:v61+s29+$0x0] =	vst.idx.msk vm2, v13  }
0xba: {  	[tilespmem:v61+s30+$0x0] =	vst.idx.msk vm2, v14  }
0xbb: {  	vm15 =	vlt.s32 v17, v9;
	[tilespmem:v61+s31+$0x0] =	vst.idx.msk vm2, v15  }
0xbc: {  	v63 =	vor.u32 v10, v12;
	[tilespmem:v61+s1+$0x0] =	vst.idx.msk vm2, v16  }
0xbd: {  	[tilespmem:v62+s29+$0x0] =	vst.idx.msk vm14, v13  }
0xbe: {  	s5 =	sadd.s32 $0x1, s5;
	[tilespmem:v62+s30+$0x0] =	vst.idx.msk vm14, v14  }
0xbf: {  	p0 =	sne.s32 s5, $0x10;
	[tilespmem:v62+s31+$0x0] =	vst.idx.msk vm14, v15  }
.Ltmp1:
0xc0: {  	[tilespmem:v62+s1+$0x0] =	vst.idx.msk vm14, v16;
	(pc) =	sbr.rel @p0 .LBB2_3-.Ltmp1, $4  }
0xc1: {  	[tilespmem:v63+s29+$0x0] =	vst.idx.msk vm15, v13  }
0xc2: {  	[tilespmem:v63+s30+$0x0] =	vst.idx.msk vm15, v14  }
0xc3: {  	[tilespmem:v63+s31+$0x0] =	vst.idx.msk vm15, v15  }
0xc4: {  	[tilespmem:v63+s1+$0x0] =	vst.idx.msk vm15, v16  }
0xc5: {  	s4 =	sadd.s32 $0x1, s4  }
0xc6: {  	p0 =	sne.s32 s4, $0x8  }
.Ltmp2:
0xc7: {  	_ = 	snop;
	(pc) =	sbr.rel @p0 .LBB2_2-.Ltmp2, $1  }
0xc8: {  	_ =	sdelay $0x3  }
0xc9: {  	s4 =	rddreg [dreg:$0xb]  }
0xca: {  	[hbm4b:s4+s21] =	stream.strided.scatter [tilespmem:s29], [sflag:$0x3], $0x2000, s22, s21, $0x38;
	[tilespmem:$0x12800] =	vst v63  }
0xcb: {  	_ =	swait.ge [sflag:s20], $0x2000  }
0xcc: {  	[sflag:s20] =	ssyncset.done $0x0  }
0xcd: {  	s9 =	rddreg [dreg:$0xc];
	[sflag:s20] =	ssyncadd.s32 $0xFFFFE000  }
0xce: {  	[hbm4b:s9+s21] =	stream.strided.scatter [tilespmem:s30], [sflag:$0x3], $0x2000, s22, s21, $0x38;
	[tilespmem:$0x12800] =	vst v63  }
0xcf: {  	_ =	swait.ge [sflag:s20], $0x2000  }
0xd0: {  	[sflag:s20] =	ssyncset.done $0x0  }
0xd1: {  	[sflag:s20] =	ssyncadd.s32 $0xFFFFE000  }
0xd2: {  	[hbm4b:s14+s21] =	stream.strided.scatter [tilespmem:s31], [sflag:$0x3], $0x2000, s22, s21, $0x38;
	[tilespmem:$0x12800] =	vst v63  }
0xd3: {  	s10 =	simm.s32 $0xA780;
	s12 =	simm.s32 $0x0;
	_ =	swait.ge [sflag:s20], $0x2000  }
0xd4: {  	s5 =	simm.s32 $0x8800;
	s4 =	sand.u32 $0x1, s12;
	[sflag:s20] =	ssyncset.done $0x0  }
0xd5: {  	p0 =	seq.s32 s4, $0x1;
	p1 =	seq.s32 s4, $0x0;
	[sflag:s20] =	ssyncadd.s32 $0xFFFFE000  }
0xd6: {  	[tilespmem:s10], [sflag:$0x1] =	stream.indirect.gather [hbm4b:s3+s21], $0x80, s1, s21, $0xb8;
	[tilespmem:$0x12800] =	vst v63  }
0xd7: {  	p2 =	sne.s32 s4, $0x0;
	s6 =	simm.s32 @!p0 $0x80;
	s7 =	simm.s32 @!p0 $0xE780  }
0xd8: {  	[tilespmem:s7], [sflag:$0x2] =	stream.indirect.gather @!p0 [hbm4b:s3+s6], $0x80, s5, s6, $0xb8;
	[tilespmem:$0x12800] =	vst v63  }
0xd9: {  	s4 =	simm.s32 @!p2 $0x1;
	s6 =	simm.s32 @!p1 $0x80;
	s7 =	simm.s32 @!p1 $0xA780  }
0xda: {  	[tilespmem:s7], [sflag:$0x1] =	stream.indirect.gather @!p1 [hbm4b:s3+s6], $0x80, s5, s6, $0xb8;
	[tilespmem:$0x12800] =	vst v63  }
0xdb: {  	_ =	swait.ge @!p2 [sflag:s4], $0x4000  }
0xdc: {  	s5 =	simm.s32 @!p2 $0x0;
	[sflag:s4] =	ssyncset.done @!p2 $0x0  }
0xdd: {  	s6 =	simm.s32 @!p2 $0xA780;
	[sflag:s4] =	ssyncadd.s32 @!p2 $0xFFFFC000;
	s4 =	simm.s32 @!p2 $0x4  }
0xde: {  	[hbm4b:s18+s5] =	stream.linear.scatter @!p2 [tilespmem:s6], [sflag:$0x4], $0x4000, $0x38;
	[tilespmem:$0x12800] =	vst v63  }
0xdf: {  	_ =	swait.ge @!p2 [sflag:s4], $0x4000  }
0xe0: {  	p0 =	por p0, p0;
	[sflag:s4] =	ssyncset.done @!p2 $0x0  }
0xe1: {  	s5 =	simm.s32 @p0 $0x2;
	[sflag:s4] =	ssyncadd.s32 @!p2 $0xFFFFC000  }
0xe2: {  	s13 =	simm.s32 $0x1;
	s8 =	simm.s32 @p0 $0x3;
	_ =	swait.ge @p0 [sflag:s5], $0x4000  }
0xe3: {  	s7 =	simm.s32 @p0 $0xE780;
	s6 =	simm.s32 @p0 $0x0;
	[sflag:s5] =	ssyncset.done @p0 $0x0  }
0xe4: {  	s4 =	sadd.s32 $0x800, s18;
	[sflag:s5] =	ssyncadd.s32 @p0 $0xFFFFC000;
	s5 =	simm.s32 $0x8880  }
0xe5: {  	[hbm4b:s18+s6] =	stream.linear.scatter @p0 [tilespmem:s7], [sflag:$0x3], $0x4000, $0x38;
	[tilespmem:$0x12800] =	vst v63  }
0xe6: {  	s6 =	simm.s32 $0x2;
	s7 =	sand.u32 $0x1, s13;
	_ =	swait.ge @p0 [sflag:s8], $0x4000  }
.LBB2_8:
0xe7: {  	p3 =	seq.s32 s7, $0x1;
	p1 =	seq.s32 s7, $0x0;
	[sflag:s8] =	ssyncset.done @p0 $0x0  }
0xe8: {  	s9 =	simm.s32 @!p3 $0x80;
	s10 =	simm.s32 @!p3 $0xE780;
	[sflag:s8] =	ssyncadd.s32 @p0 $0xFFFFC000  }
0xe9: {  	[tilespmem:s10], [sflag:$0x2] =	stream.indirect.gather @!p3 [hbm4b:s3+s9], $0x80, s5, s9, $0xb8;
	[tilespmem:$0x12800] =	vst v63  }
0xea: {  	p2 =	sne.s32 s7, $0x0;
	s8 =	simm.s32 @!p1 $0x80;
	s9 =	simm.s32 @!p1 $0xA780  }
0xeb: {  	[tilespmem:s9], [sflag:$0x1] =	stream.indirect.gather @!p1 [hbm4b:s3+s8], $0x80, s5, s8, $0xb8;
	[tilespmem:$0x12800] =	vst v63  }
0xec: {  	s7 =	simm.s32 @!p2 $0x1;
	s9 =	smov.u32 s6;
	s6 =	sadd.s32 $0x1, s6  }
0xed: {  	p0 =	por p3, p3;
	p1 =	sne.s32 s6, $0x3F;
	_ =	swait.ge @!p2 [sflag:s7], $0x4000  }
0xee: {  	s10 =	simm.s32 @!p2 $0xA780;
	s8 =	simm.s32 @!p2 $0x0;
	[sflag:s7] =	ssyncset.done @!p2 $0x0  }
0xef: {  	[sflag:s7] =	ssyncadd.s32 @!p2 $0xFFFFC000;
	s7 =	simm.s32 @!p2 $0x4  }
0xf0: {  	[hbm4b:s4+s8] =	stream.linear.scatter @!p2 [tilespmem:s10], [sflag:$0x4], $0x4000, $0x38;
	[tilespmem:$0x12800] =	vst v63  }
0xf1: {  	_ =	swait.ge @!p2 [sflag:s7], $0x4000  }
0xf2: {  	s8 =	simm.s32 @p0 $0x2;
	[sflag:s7] =	ssyncset.done @!p2 $0x0  }
0xf3: {  	[sflag:s7] =	ssyncadd.s32 @!p2 $0xFFFFC000  }
.Ltmp3:
0xf4: {  	_ =	swait.ge @p0 [sflag:s8], $0x4000;
	(pc) =	sbr.rel @p1 .LBB2_8-.Ltmp3, $4  }
0xf5: {  	s10 =	simm.s32 @p0 $0xE780;
	s7 =	simm.s32 @p0 $0x0;
	[sflag:s8] =	ssyncset.done @p0 $0x0  }
0xf6: {  	s5 =	sadd.s32 $0x80, s5;
	[sflag:s8] =	ssyncadd.s32 @p0 $0xFFFFC000;
	s8 =	simm.s32 @p0 $0x3  }
0xf7: {  	[hbm4b:s4+s7] =	stream.linear.scatter @p0 [tilespmem:s10], [sflag:$0x3], $0x4000, $0x38;
	[tilespmem:$0x12800] =	vst v63  }
0xf8: {  	s7 =	sand.u32 $0x1, s9;
	s4 =	sadd.s32 $0x800, s4;
	_ =	swait.ge @p0 [sflag:s8], $0x4000  }
0xf9: {  	p1 =	seq.s32 s7, $0x1;
	p2 =	seq.s32 s7, $0x0;
	[sflag:s8] =	ssyncset.done @p0 $0x0  }
0xfa: {  	s6 =	simm.s32 @!p1 $0x80;
	s9 =	simm.s32 @!p1 $0xE780;
	[sflag:s8] =	ssyncadd.s32 @p0 $0xFFFFC000  }
0xfb: {  	[tilespmem:s9], [sflag:$0x2] =	stream.indirect.gather @!p1 [hbm4b:s3+s6], $0x80, s5, s6, $0xb8;
	[tilespmem:$0x12800] =	vst v63  }
0xfc: {  	s8 =	simm.s32 @!p2 $0xA780;
	p0 =	sne.s32 s7, $0x0;
	s6 =	simm.s32 @!p2 $0x80  }
0xfd: {  	[tilespmem:s8], [sflag:$0x1] =	stream.indirect.gather @!p2 [hbm4b:s3+s6], $0x80, s5, s6, $0xb8;
	[tilespmem:$0x12800] =	vst v63  }
0xfe: {  	s5 =	simm.s32 @!p0 $0x1  }
0xff: {  	_ =	swait.ge @!p0 [sflag:s5], $0x4000  }
0x100: {  	s7 =	simm.s32 @!p0 $0xA780;
	[sflag:s5] =	ssyncset.done @!p0 $0x0  }
0x101: {  	s6 =	simm.s32 @!p0 $0x0;
	[sflag:s5] =	ssyncadd.s32 @!p0 $0xFFFFC000;
	s5 =	simm.s32 @!p0 $0x4  }
0x102: {  	[hbm4b:s4+s6] =	stream.linear.scatter @!p0 [tilespmem:s7], [sflag:$0x4], $0x4000, $0x38;
	[tilespmem:$0x12800] =	vst v63  }
0x103: {  	_ =	swait.ge @!p0 [sflag:s5], $0x4000  }
0x104: {  	p1 =	por p1, p1;
	[sflag:s5] =	ssyncset.done @!p0 $0x0  }
0x105: {  	s6 =	simm.s32 @p1 $0x2;
	[sflag:s5] =	ssyncadd.s32 @!p0 $0xFFFFC000  }
0x106: {  	_ =	swait.ge @p1 [sflag:s6], $0x4000  }
0x107: {  	s7 =	simm.s32 @p1 $0xE780;
	[sflag:s6] =	ssyncset.done @p1 $0x0  }
0x108: {  	s5 =	simm.s32 @p1 $0x0;
	[sflag:s6] =	ssyncadd.s32 @p1 $0xFFFFC000;
	s6 =	simm.s32 @p1 $0x3  }
0x109: {  	[hbm4b:s4+s5] =	stream.linear.scatter @p1 [tilespmem:s7], [sflag:$0x3], $0x4000, $0x38;
	[tilespmem:$0x12800] =	vst v63  }
0x10a: {  	_ =	swait.ge @p1 [sflag:s6], $0x4000  }
0x10b: {  	[sflag:s6] =	ssyncset.done @p1 $0x0  }
0x10c: {  	[sflag:s6] =	ssyncadd.s32 @p1 $0xFFFFC000  }
0x10d: {  	s0 =	sadd.s32 $0x1, s0;
	_ =	swait.ge [sflag:s19], $0x4000  }
0x10e: {  	p0 =	sne.s32 s0, s15;
	[sflag:s19] =	ssyncset.done $0x0  }
.Ltmp4:
0x10f: {  	s13 =	simm.s32 $0xE780;
	[sflag:s19] =	ssyncadd.s32 $0xFFFFC000;
	(pc) =	sbr.rel @p0 .LBB2_1-.Ltmp4, $4  }
0x110: {  	[hbm4b:s16+s2] =	stream.linear.scatter [tilespmem:s13], [sflag:$0x3], $0x4000, $0x38;
	[tilespmem:$0x12800] =	vst v63  }
0x111: {  	_ =	swait.ge [sflag:s20], $0x4000  }
0x112: {  	[sflag:s20] =	ssyncset.done $0x0  }
0x113: {  	[sflag:s20] =	ssyncadd.s32 $0xFFFFC000  }
0x114: {  	_ =	sfence.sel $0x180000  }
0x115: {  	[bflag:$0x0] =	sbarrier.arrive $0xFFFF  }
0x116: {  	_ =	strace $0x90000050  }
0x117: {  	s0 =	stileid.u32;
	[bflag:$0x2] =	sbarrier.arrive $0xFFFF  }
0x118: {  	p0 =	sne.s32 s0, $0x0;
	s0 =	rddreg [dreg:$0x3]  }
0x119: {  	s0 =	sadd.s32 @!p0 $0x100000, s0  }
0x11a: {  	[sflag:s0] =	ssyncadd.tile.s32 @!p0 $0x1;
	_ =	shalt  }
.Lfunc_end2:
_tile_overlayer_lowered:
.L_overlay_start_2:
0x11b: {  	(tag) =	ssettag $0x2  }
0x11c: {  	s0 =	rddreg [dreg:$0x0];
	s2 =	stileid.u32  }
0x11d: {  	s1 =	rddreg [dreg:$0x1];
	p0 =	sne.s32 s2, $0x0  }
0x11e: {  	s3 =	rddreg [dreg:$0x2];
	[bflag:$0x3] =	sbarrier.arrive $0xFFFF;
	s2 =	simm.s32 @!p0 $0x1C03  }
0x11f: {  	[timem:s3], [sflag:s2] =	dma.local @!p0 [hbm:s0], s1  }
0x120: {  	s0 =	simm.s32 @!p0 $0x3  }
0x121: {  	_ =	swait.ge @!p0 [sflag:s0], s1  }
0x122: {  	s1 =	ssub.s32 @!p0 $0x0, s1;
	[sflag:s0] =	ssyncset.done @!p0 $0x0  }
0x123: {  	[sflag:s0] =	ssyncadd.s32 @!p0 s1  }
0x124: {  	[bflag:$0x3] =	sbarrier.arrive $0xFFFF  }
0x125: {  	_ =	shalt  }

</sc_bundles>
